<compile_context>
chip_gen: v7x
topology: tpu7x:2x2x1
jax: 0.10.2.dev20260603
libtpu: 0.0.44.dev20260713+nightly
codegen_flags: <defaults>
</compile_context>

<pallas_src>
import jax
import jax.numpy as jnp
from jax import lax
from jax.experimental import pallas as pl
from jax.experimental.pallas import tpu as pltpu
from jax.experimental.pallas import tpu_sc as plsc

_N = 20000
_CHUNK = 1280
_VREGS = _CHUNK // 16
_LAST = _N - _CHUNK
_CAP = 304
_BUF = 320
_OUT_ROWS = 304
_THRESH = 0.05


def _sc_body(scores_hbm, labels_hbm, boxes_hbm, out_hbm,
             sc_v, cidx_v, cscr_v, cnt_v,
             counts_sh, idx_sh, scr_sh,
             cnts2_v, bases_v, idx_all, scr_all,
             gidxb_v, gidxl_v, brow_v, lrow_v, det_v, semb, seml):
    wid = lax.axis_index("s")
    iota = lax.iota(jnp.int32, 16)
    chunk_start = wid * _CHUNK
    base_ld = jnp.minimum(chunk_start, _LAST)

    pltpu.sync_copy(scores_hbm.at[pl.ds(base_ld, _CHUNK)], sc_v)

    @plsc.parallel_loop(0, _VREGS, unroll=8,
                        carry=jnp.zeros((16,), jnp.int32))
    def count_loop(i, acc):
        s = sc_v[pl.ds(i * 16, 16)]
        gi = base_ld + i * 16 + iota
        m = jnp.logical_and(s >= _THRESH, gi >= chunk_start)
        return acc + plsc.all_reduce_population_count(m)

    cnt = count_loop[0]

    def comp_cond(carry):
        i, off = carry
        return jnp.logical_and(i < _VREGS, off < _CAP)

    def comp_body(carry):
        i, off = carry
        s = sc_v[pl.ds(i * 16, 16)]
        gi = base_ld + i * 16 + iota
        m = jnp.logical_and(s >= _THRESH, gi >= chunk_start)
        cums = plsc.cumsum(jnp.where(m, 1, 0).astype(jnp.int32))
        p = jnp.where(m, jnp.minimum(off + cums - 1, _BUF - 1), _BUF - 1)
        plsc.store_scatter(cidx_v, [p], gi)
        plsc.store_scatter(cscr_v, [p], s)
        return i + 1, off + cums[15]

    lax.while_loop(comp_cond, comp_body, (jnp.int32(0), jnp.int32(0)))

    cnt_v[...] = jnp.full((16,), cnt, jnp.int32)
    pltpu.sync_copy(cnt_v, counts_sh.at[wid])
    pltpu.sync_copy(cidx_v, idx_sh.at[wid])
    pltpu.sync_copy(cscr_v, scr_sh.at[wid])
    plsc.subcore_barrier()

    pltpu.sync_copy(counts_sh, cnts2_v)
    c_vec = plsc.load_gather(cnts2_v, [iota, iota * 0])
    inc = plsc.cumsum(c_vec)
    bases = inc - c_vec
    n_keep = inc[15]
    bases_v[...] = bases

    b_scalars = [bases[k] for k in range(16)]
    e_scalars = [inc[k] for k in range(16)]
    zero_f = jnp.zeros((16,), jnp.float32)

    def do_vreg(t):
        lo = t * 16
        for w in range(16):
            need = jnp.logical_and(b_scalars[w] <= lo + 15,
                                   e_scalars[w] > lo)

            @pl.when(need)
            def _copy():
                pltpu.sync_copy(idx_sh.at[w], idx_all.at[w])
                pltpu.sync_copy(scr_sh.at[w], scr_all.at[w])

        jv = lo + iota
        w = jnp.zeros((16,), jnp.int32)
        for k in range(1, 16):
            w = w + jnp.where(jv >= b_scalars[k], 1, 0)
        basew = plsc.load_gather(bases_v, [w])
        local = jv - basew
        valid = jv < n_keep
        g = plsc.load_gather(idx_all, [w, local])
        s = plsc.load_gather(scr_all, [w, local])
        g0 = jnp.where(valid, g, jnp.zeros((16,), jnp.int32))

        gidxb_v[...] = lax.shift_right_logical(g0, 2)
        gidxl_v[...] = lax.shift_right_logical(g0, 4)
        cb = pltpu.async_copy(boxes_hbm.at[gidxb_v], brow_v, semb)
        cl = pltpu.async_copy(labels_hbm.at[gidxl_v], lrow_v, seml)
        cb.wait()
        cl.wait()

        pos = iota * 6
        qc = jnp.bitwise_and(g0, 3) * 4
        for c in range(4):
            bv = plsc.load_gather(brow_v, [iota, qc + c])
            plsc.store_scatter(det_v, [pos + c], jnp.where(valid, bv, zero_f))
        plsc.store_scatter(det_v, [pos + 4], jnp.where(valid, s, zero_f))
        lb = plsc.load_gather(lrow_v, [iota, jnp.bitwise_and(g0, 15)])
        plsc.store_scatter(det_v, [pos + 5],
                           jnp.where(valid, lb.astype(jnp.float32), zero_f))
        pltpu.sync_copy(det_v, out_hbm.at[pl.ds(t * 96, 96)])

    do_vreg(wid)

    @pl.when(wid < (_OUT_ROWS // 16) - 16)
    def _tail():
        do_vreg(wid + 16)


@jax.jit
def kernel(boxes, scores, labels):
    mesh = plsc.VectorSubcoreMesh(
        core_axis_name="c", subcore_axis_name="s", num_cores=1)
    flat = pl.kernel(
        _sc_body,
        out_type=jax.ShapeDtypeStruct((_OUT_ROWS * 6,), jnp.float32),
        mesh=mesh,
        compiler_params=pltpu.CompilerParams(
            needs_layout_passes=False, use_tc_tiling_on_sc=False),
        scratch_types=[
            pltpu.VMEM((_CHUNK,), jnp.float32),
            pltpu.VMEM((_BUF,), jnp.int32),
            pltpu.VMEM((_BUF,), jnp.float32),
            pltpu.VMEM((16,), jnp.int32),
            pltpu.VMEM_SHARED((16, 16), jnp.int32),
            pltpu.VMEM_SHARED((16, _BUF), jnp.int32),
            pltpu.VMEM_SHARED((16, _BUF), jnp.float32),
            pltpu.VMEM((16, 16), jnp.int32),
            pltpu.VMEM((16,), jnp.int32),
            pltpu.VMEM((16, _BUF), jnp.int32),
            pltpu.VMEM((16, _BUF), jnp.float32),
            pltpu.VMEM((16,), jnp.int32),
            pltpu.VMEM((16,), jnp.int32),
            pltpu.VMEM((16, 16), jnp.float32),
            pltpu.VMEM((16, 16), jnp.int32),
            pltpu.VMEM((96,), jnp.float32),
            pltpu.SemaphoreType.DMA,
            pltpu.SemaphoreType.DMA,
        ],
    )(scores, labels.astype(jnp.int32).reshape(_N // 16, 16),
      boxes.reshape(_N // 4, 16))
    return flat.reshape(_OUT_ROWS, 6)[:300][None]

# --- scband reference (transcript-rebuilt; emitter-appended) ---
"""Pipeline reference for scband-faster-rcnnexport-wrapper-58256936403076 (READ-ONLY COPY).

The authoritative reference and input builder live on the scoring server;
editing this copy changes nothing except your own understanding.
"""

import jax, jax.numpy as jnp
import numpy as np

MAX_DET = 300
SCORE_THRESHOLD = 0.05


def setup_inputs(seed: int = 0) -> dict:
    key = jax.random.key(seed)
    k1, k2, k3 = jax.random.split(key, 3)
    N = 20000
    boxes = jax.random.uniform(k1, (N, 4), dtype=jnp.float32) * 512.0
    scores = jax.random.uniform(k2, (N,), dtype=jnp.float32)
    labels = jax.random.randint(k3, (N,), 0, 91)
    return {"boxes": boxes, "scores": scores, "labels": labels}


def reference(boxes, scores, labels):
    # Faithful translation of FasterRCNNExportWrapper post-processing.
    # The wrapped detector head is replaced by its outputs (boxes, scores, labels)
    # supplied directly as inputs. Steps: score-threshold filter, concat to
    # [N, 6] detections (x1, y1, x2, y2, score, label), pad/truncate to max_det,
    # add leading batch dim.
    keep = scores >= SCORE_THRESHOLD
    # Stable sort moves kept rows to the front while preserving original order
    # (jit-compatible equivalent of boolean-mask compaction).
    order = jnp.argsort(jnp.logical_not(keep).astype(jnp.int32))
    n_keep = jnp.sum(keep.astype(jnp.int32))
    labels_f = labels.astype(boxes.dtype)
    det = jnp.concatenate([boxes, scores[:, None], labels_f[:, None]], axis=1)
    det = det[order]
    # Zero out rows beyond the number of kept detections (== zero padding in torch code).
    valid = (jnp.arange(det.shape[0]) < n_keep)[:, None]
    det = jnp.where(valid, det, jnp.zeros_like(det))
    # Truncate to max_det (N >= max_det here; zero rows above already emulate padding).
    det = det[:MAX_DET]
    return det[None]

if __name__ == "__main__":
    import jax
    _d = setup_inputs()
    print(jax.jit(kernel)(*tuple(_d.values())))

</pallas_src>

<mosaic_0001>
#map = affine_map<(d0, d1) -> (0)>
#map1 = affine_map<(d0, d1) -> (0, 0)>
module attributes {stable_mosaic.version = 14 : i64} {
  func.func @_sc_body(%arg0: i32, %arg1: i32, %arg2: memref<20000xf32, #tpu.memory_space<hbm>>, %arg3: memref<1250x16xi32, #tpu.memory_space<hbm>>, %arg4: memref<5000x16xf32, #tpu.memory_space<hbm>>, %arg5: memref<1824xf32, #tpu.memory_space<hbm>>, %arg6: memref<1280xf32, #tpu.memory_space<vmem>>, %arg7: memref<320xi32, #tpu.memory_space<vmem>>, %arg8: memref<320xf32, #tpu.memory_space<vmem>>, %arg9: memref<16xi32, #tpu.memory_space<vmem>>, %arg10: memref<16x16xi32, #tpu.memory_space<vmem_shared>>, %arg11: memref<16x320xi32, #tpu.memory_space<vmem_shared>>, %arg12: memref<16x320xf32, #tpu.memory_space<vmem_shared>>, %arg13: memref<16x16xi32, #tpu.memory_space<vmem>>, %arg14: memref<16xi32, #tpu.memory_space<vmem>>, %arg15: memref<16x320xi32, #tpu.memory_space<vmem>>, %arg16: memref<16x320xf32, #tpu.memory_space<vmem>>, %arg17: memref<16xi32, #tpu.memory_space<vmem>>, %arg18: memref<16xi32, #tpu.memory_space<vmem>>, %arg19: memref<16x16xf32, #tpu.memory_space<vmem>>, %arg20: memref<16x16xi32, #tpu.memory_space<vmem>>, %arg21: memref<96xf32, #tpu.memory_space<vmem>>, %arg22: memref<!tpu.dma_semaphore, #tpu.memory_space<semaphore_mem>>, %arg23: memref<!tpu.dma_semaphore, #tpu.memory_space<semaphore_mem>>) attributes {dimension_semantics = [#tpu.dimension_semantics<core_parallel>, #tpu.dimension_semantics<subcore_parallel>], iteration_bounds = array<i64: 1, 16>, scalar_prefetch = 0 : i64, scratch_operands = 18 : i64, tpu.core_type = #tpu.core_type<sc_vector_subcore>, window_params = [{transform_indices = #map}, {transform_indices = #map1}, {transform_indices = #map1}, {transform_indices = #map}]} {
    %iota3A = tpu.iota {dimensions = array<i32: 0>} : vector<16xi32>
    %mul3A = arith.constant 1280 : i32
    %mul3A_0 = arith.muli %arg1, %mul3A : i32
    %min3A = arith.constant 18720 : i32
    %min3A_1 = arith.minsi %mul3A_0, %min3A : i32
    "tpu.region"() ({
      %run_scoped3A = tpu.sem_alloc : memref<!tpu.dma_semaphore, #tpu.memory_space<semaphore_mem>>
      %dma_start3A_418 = tpu.memref_slice %arg2[%min3A_1] : memref<20000xf32, #tpu.memory_space<hbm>> -> memref<1280xf32, #tpu.memory_space<hbm>>
      %dma_start3A_419 = tpu.memref_slice %arg2[%min3A_1] : memref<20000xf32, #tpu.memory_space<hbm>> -> memref<1280xf32, #tpu.memory_space<hbm>>
      tpu.enqueue_dma source(%dma_start3A_419 : memref<1280xf32, #tpu.memory_space<hbm>>) target(%arg6 : memref<1280xf32, #tpu.memory_space<vmem>>) target_semaphore(%run_scoped3A : memref<!tpu.dma_semaphore, #tpu.memory_space<semaphore_mem>>)
      %dma_wait3A_420 = tpu.memref_slice %arg2[%min3A_1] : memref<20000xf32, #tpu.memory_space<hbm>> -> memref<1280xf32, #tpu.memory_space<hbm>>
      %dma_wait3A_421 = tpu.memref_slice %arg2[%min3A_1] : memref<20000xf32, #tpu.memory_space<hbm>> -> memref<1280xf32, #tpu.memory_space<hbm>>
      tpu.wait_dma2 semaphore(%run_scoped3A : memref<!tpu.dma_semaphore, #tpu.memory_space<semaphore_mem>>) src(%dma_wait3A_421 : memref<1280xf32, #tpu.memory_space<hbm>>) dst(%arg6 : memref<1280xf32, #tpu.memory_space<vmem>>)
      tpu.yield
    }) : () -> ()
    %broadcast_in_dim3A = arith.constant 0 : i32
    %broadcast_in_dim3A_2 = vector.broadcast %broadcast_in_dim3A : i32 to vector<16xi32>
    %parallel_loop3A = arith.constant 0 : i32
    %parallel_loop3A_3 = arith.constant 80 : i32
    %parallel_loop3A_4 = arith.constant 1 : i32
    %parallel_loop3A_5 = scf.for %parallel_loop3A_418 = %parallel_loop3A to %parallel_loop3A_3 step %parallel_loop3A_4 iter_args(%parallel_loop3A_419 = %broadcast_in_dim3A_2) -> (vector<16xi32>)  : i32 {
      %parallel_loop3A_420 = arith.constant 16 : i32
      %parallel_loop3A_421 = arith.muli %parallel_loop3A_418, %parallel_loop3A_420 : i32
      %parallel_loop3A_422 = arith.index_cast %parallel_loop3A_421 : i32 to index
      %parallel_loop3A_423 = tpu.vector_load %arg6[%parallel_loop3A_422] {strides = array<i32>} : memref<1280xf32, #tpu.memory_space<vmem>>, vector<16xf32>,
      %parallel_loop3A_424 = arith.constant 16 : i32
      %parallel_loop3A_425 = arith.muli %parallel_loop3A_418, %parallel_loop3A_424 : i32
      %parallel_loop3A_426 = arith.addi %min3A_1, %parallel_loop3A_425 : i32
      %parallel_loop3A_427 = vector.broadcast %parallel_loop3A_426 : i32 to vector<16xi32>
      %parallel_loop3A_428 = arith.addi %parallel_loop3A_427, %iota3A : vector<16xi32>
      %parallel_loop3A_429 = arith.constant 5.000000e-02 : f32
      %parallel_loop3A_430 = vector.broadcast %parallel_loop3A_429 : f32 to vector<16xf32>
      %parallel_loop3A_431 = arith.cmpf oge, %parallel_loop3A_423, %parallel_loop3A_430 : vector<16xf32>
      %parallel_loop3A_432 = vector.broadcast %mul3A_0 : i32 to vector<16xi32>
      %parallel_loop3A_433 = arith.cmpi sge, %parallel_loop3A_428, %parallel_loop3A_432 : vector<16xi32>
      %parallel_loop3A_434 = arith.andi %parallel_loop3A_431, %parallel_loop3A_433 : vector<16xi1>
      %parallel_loop3A_435 = tpu.all_reduce %parallel_loop3A_434 {dim = 0 : i64, kind = #tpu.reduction_kind<sum>} : vector<16xi1> -> vector<16xi32>
      %parallel_loop3A_436 = arith.addi %parallel_loop3A_419, %parallel_loop3A_435 : vector<16xi32>
      scf.yield %parallel_loop3A_436 : vector<16xi32>
    } {sc.loop_unroll_factor = 8 : i64, sc.parallel_access}
    %slice3A = vector.extract_strided_slice %parallel_loop3A_5 {offsets = [0], sizes = [1], strides = [1]} : vector<16xi32> to vector<1xi32>
    %squeeze3A = vector.extract %slice3A[0] : i32 from vector<1xi32>
    %while3A = arith.constant 0 : i32
    %while3A_6 = arith.constant 0 : i32
    %while3A_7:2 = scf.while (%while3A_418 = %while3A, %while3A_419 = %while3A_6) : (i32, i32) -> (i32, i32) {
      %lt3A_420 = arith.constant 80 : i32
      %lt3A_421 = arith.cmpi slt, %while3A_418, %lt3A_420 : i32
      %lt3A_422 = arith.constant 304 : i32
      %lt3A_423 = arith.cmpi slt, %while3A_419, %lt3A_422 : i32
      %and3A_424 = arith.andi %lt3A_421, %lt3A_423 : i1
      scf.condition(%and3A_424) %while3A_418, %while3A_419 : i32, i32
    } do {
    ^bb0(%while3A_418: i32, %while3A_419: i32):
      %mul3A_420 = arith.constant 16 : i32
      %mul3A_421 = arith.muli %while3A_418, %mul3A_420 : i32
      %get3A = arith.index_cast %mul3A_421 : i32 to index
      %get3A_422 = tpu.vector_load %arg6[%get3A] {strides = array<i32>} : memref<1280xf32, #tpu.memory_space<vmem>>, vector<16xf32>,
      %mul3A_423 = arith.constant 16 : i32
      %mul3A_424 = arith.muli %while3A_418, %mul3A_423 : i32
      %add3A_425 = arith.addi %min3A_1, %mul3A_424 : i32
      %add3A_426 = vector.broadcast %add3A_425 : i32 to vector<16xi32>
      %add3A_427 = arith.addi %add3A_426, %iota3A : vector<16xi32>
      %ge3A_428 = arith.constant 5.000000e-02 : f32
      %ge3A_429 = vector.broadcast %ge3A_428 : f32 to vector<16xf32>
      %ge3A_430 = arith.cmpf oge, %get3A_422, %ge3A_429 : vector<16xf32>
      %ge3A_431 = vector.broadcast %mul3A_0 : i32 to vector<16xi32>
      %ge3A_432 = arith.cmpi sge, %add3A_427, %ge3A_431 : vector<16xi32>
      %and3A_433 = arith.andi %ge3A_430, %ge3A_432 : vector<16xi1>
      %jit3A_434 = arith.constant 1 : i32
      %jit3A_435 = arith.constant 0 : i32
      %broadcast_in_dim3A_436 = vector.broadcast %jit3A_434 : i32 to vector<16xi32>
      %broadcast_in_dim3A_437 = vector.broadcast %jit3A_435 : i32 to vector<16xi32>
      %select_n3A_438 = arith.select %and3A_433, %broadcast_in_dim3A_436, %broadcast_in_dim3A_437 : vector<16xi1>, vector<16xi32>
      %broadcast_in_dim3A_439 = arith.constant true
      %broadcast_in_dim3A_440 = vector.broadcast %broadcast_in_dim3A_439 : i1 to vector<16xi1>
      %masked_cumsum3A_441 = tpu.scan <sum>, %select_n3A_438 masked %broadcast_in_dim3A_440 : vector<16xi32>, vector<16xi1> -> vector<16xi32>
      %add3A_442 = vector.broadcast %while3A_419 : i32 to vector<16xi32>
      %add3A_443 = arith.addi %add3A_442, %masked_cumsum3A_441 : vector<16xi32>
      %sub3A_444 = arith.constant 1 : i32
      %sub3A_445 = vector.broadcast %sub3A_444 : i32 to vector<16xi32>
      %sub3A_446 = arith.subi %add3A_443, %sub3A_445 : vector<16xi32>
      %min3A_447 = arith.constant 319 : i32
      %min3A_448 = vector.broadcast %min3A_447 : i32 to vector<16xi32>
      %min3A_449 = arith.minsi %sub3A_446, %min3A_448 : vector<16xi32>
      %jit3A_450 = arith.constant 319 : i32
      %broadcast_in_dim3A_451 = vector.broadcast %jit3A_450 : i32 to vector<16xi32>
      %select_n3A_452 = arith.select %and3A_433, %min3A_449, %broadcast_in_dim3A_451 : vector<16xi1>, vector<16xi32>
      tpu.vector_store_idx %arg7[%select_n3A_452], %add3A_427 : memref<320xi32, #tpu.memory_space<vmem>>[vector<16xi32>], vector<16xi32>,
      tpu.vector_store_idx %arg8[%select_n3A_452], %get3A_422 : memref<320xf32, #tpu.memory_space<vmem>>[vector<16xi32>], vector<16xf32>,
      %add3A_453 = arith.constant 1 : i32
      %add3A_454 = arith.addi %while3A_418, %add3A_453 : i32
      %slice3A_455 = vector.extract_strided_slice %masked_cumsum3A_441 {offsets = [15], sizes = [1], strides = [1]} : vector<16xi32> to vector<1xi32>
      %squeeze3A_456 = vector.extract %slice3A_455[0] : i32 from vector<1xi32>
      %add3A_457 = arith.addi %while3A_419, %squeeze3A_456 : i32
      scf.yield %add3A_454, %add3A_457 : i32, i32
    }
    %broadcast_in_dim3A_8 = vector.broadcast %squeeze3A : i32 to vector<16xi32>
    %swap3A = arith.constant 0 : index
    %swap3A_9 = tpu.vector_load %arg9[%swap3A] {strides = array<i32>} : memref<16xi32, #tpu.memory_space<vmem>>, vector<16xi32>,
    tpu.vector_store %arg9[%swap3A], %broadcast_in_dim3A_8 {strides = array<i32>} : memref<16xi32, #tpu.memory_space<vmem>>, vector<16xi32>,
    "tpu.region"() ({
      %run_scoped3A = tpu.sem_alloc : memref<!tpu.dma_semaphore, #tpu.memory_space<semaphore_mem>>
      %dma_start3A_418 = arith.constant 0 : i32
      %dma_start3A_419 = tpu.memref_slice %arg10[%arg1, %dma_start3A_418] : memref<16x16xi32, #tpu.memory_space<vmem_shared>> -> memref<1x16xi32, #tpu.memory_space<vmem_shared>>
      %dma_start3A_420 = tpu.memref_squeeze %dma_start3A_419 : memref<1x16xi32, #tpu.memory_space<vmem_shared>> -> memref<16xi32, #tpu.memory_space<vmem_shared>>
      %dma_start3A_421 = arith.constant 0 : i32
      %dma_start3A_422 = tpu.memref_slice %arg10[%arg1, %dma_start3A_421] : memref<16x16xi32, #tpu.memory_space<vmem_shared>> -> memref<1x16xi32, #tpu.memory_space<vmem_shared>>
      %dma_start3A_423 = tpu.memref_squeeze %dma_start3A_422 : memref<1x16xi32, #tpu.memory_space<vmem_shared>> -> memref<16xi32, #tpu.memory_space<vmem_shared>>
      tpu.enqueue_dma source(%arg9 : memref<16xi32, #tpu.memory_space<vmem>>) target(%dma_start3A_423 : memref<16xi32, #tpu.memory_space<vmem_shared>>) target_semaphore(%run_scoped3A : memref<!tpu.dma_semaphore, #tpu.memory_space<semaphore_mem>>)
      %dma_wait3A_424 = arith.constant 0 : i32
      %dma_wait3A_425 = tpu.memref_slice %arg10[%arg1, %dma_wait3A_424] : memref<16x16xi32, #tpu.memory_space<vmem_shared>> -> memref<1x16xi32, #tpu.memory_space<vmem_shared>>
      %dma_wait3A_426 = tpu.memref_squeeze %dma_wait3A_425 : memref<1x16xi32, #tpu.memory_space<vmem_shared>> -> memref<16xi32, #tpu.memory_space<vmem_shared>>
      %dma_wait3A_427 = arith.constant 0 : i32
      %dma_wait3A_428 = tpu.memref_slice %arg10[%arg1, %dma_wait3A_427] : memref<16x16xi32, #tpu.memory_space<vmem_shared>> -> memref<1x16xi32, #tpu.memory_space<vmem_shared>>
      %dma_wait3A_429 = tpu.memref_squeeze %dma_wait3A_428 : memref<1x16xi32, #tpu.memory_space<vmem_shared>> -> memref<16xi32, #tpu.memory_space<vmem_shared>>
      tpu.wait_dma2 semaphore(%run_scoped3A : memref<!tpu.dma_semaphore, #tpu.memory_space<semaphore_mem>>) src(%arg9 : memref<16xi32, #tpu.memory_space<vmem>>) dst(%dma_wait3A_429 : memref<16xi32, #tpu.memory_space<vmem_shared>>)
      tpu.yield
    }) : () -> ()
    "tpu.region"() ({
      %run_scoped3A = tpu.sem_alloc : memref<!tpu.dma_semaphore, #tpu.memory_space<semaphore_mem>>
      %dma_start3A_418 = arith.constant 0 : i32
      %dma_start3A_419 = tpu.memref_slice %arg11[%arg1, %dma_start3A_418] : memref<16x320xi32, #tpu.memory_space<vmem_shared>> -> memref<1x320xi32, #tpu.memory_space<vmem_shared>>
      %dma_start3A_420 = tpu.memref_squeeze %dma_start3A_419 : memref<1x320xi32, #tpu.memory_space<vmem_shared>> -> memref<320xi32, #tpu.memory_space<vmem_shared>>
      %dma_start3A_421 = arith.constant 0 : i32
      %dma_start3A_422 = tpu.memref_slice %arg11[%arg1, %dma_start3A_421] : memref<16x320xi32, #tpu.memory_space<vmem_shared>> -> memref<1x320xi32, #tpu.memory_space<vmem_shared>>
      %dma_start3A_423 = tpu.memref_squeeze %dma_start3A_422 : memref<1x320xi32, #tpu.memory_space<vmem_shared>> -> memref<320xi32, #tpu.memory_space<vmem_shared>>
      tpu.enqueue_dma source(%arg7 : memref<320xi32, #tpu.memory_space<vmem>>) target(%dma_start3A_423 : memref<320xi32, #tpu.memory_space<vmem_shared>>) target_semaphore(%run_scoped3A : memref<!tpu.dma_semaphore, #tpu.memory_space<semaphore_mem>>)
      %dma_wait3A_424 = arith.constant 0 : i32
      %dma_wait3A_425 = tpu.memref_slice %arg11[%arg1, %dma_wait3A_424] : memref<16x320xi32, #tpu.memory_space<vmem_shared>> -> memref<1x320xi32, #tpu.memory_space<vmem_shared>>
      %dma_wait3A_426 = tpu.memref_squeeze %dma_wait3A_425 : memref<1x320xi32, #tpu.memory_space<vmem_shared>> -> memref<320xi32, #tpu.memory_space<vmem_shared>>
      %dma_wait3A_427 = arith.constant 0 : i32
      %dma_wait3A_428 = tpu.memref_slice %arg11[%arg1, %dma_wait3A_427] : memref<16x320xi32, #tpu.memory_space<vmem_shared>> -> memref<1x320xi32, #tpu.memory_space<vmem_shared>>
      %dma_wait3A_429 = tpu.memref_squeeze %dma_wait3A_428 : memref<1x320xi32, #tpu.memory_space<vmem_shared>> -> memref<320xi32, #tpu.memory_space<vmem_shared>>
      tpu.wait_dma2 semaphore(%run_scoped3A : memref<!tpu.dma_semaphore, #tpu.memory_space<semaphore_mem>>) src(%arg7 : memref<320xi32, #tpu.memory_space<vmem>>) dst(%dma_wait3A_429 : memref<320xi32, #tpu.memory_space<vmem_shared>>)
      tpu.yield
    }) : () -> ()
    "tpu.region"() ({
      %run_scoped3A = tpu.sem_alloc : memref<!tpu.dma_semaphore, #tpu.memory_space<semaphore_mem>>
      %dma_start3A_418 = arith.constant 0 : i32
      %dma_start3A_419 = tpu.memref_slice %arg12[%arg1, %dma_start3A_418] : memref<16x320xf32, #tpu.memory_space<vmem_shared>> -> memref<1x320xf32, #tpu.memory_space<vmem_shared>>
      %dma_start3A_420 = tpu.memref_squeeze %dma_start3A_419 : memref<1x320xf32, #tpu.memory_space<vmem_shared>> -> memref<320xf32, #tpu.memory_space<vmem_shared>>
      %dma_start3A_421 = arith.constant 0 : i32
      %dma_start3A_422 = tpu.memref_slice %arg12[%arg1, %dma_start3A_421] : memref<16x320xf32, #tpu.memory_space<vmem_shared>> -> memref<1x320xf32, #tpu.memory_space<vmem_shared>>
      %dma_start3A_423 = tpu.memref_squeeze %dma_start3A_422 : memref<1x320xf32, #tpu.memory_space<vmem_shared>> -> memref<320xf32, #tpu.memory_space<vmem_shared>>
      tpu.enqueue_dma source(%arg8 : memref<320xf32, #tpu.memory_space<vmem>>) target(%dma_start3A_423 : memref<320xf32, #tpu.memory_space<vmem_shared>>) target_semaphore(%run_scoped3A : memref<!tpu.dma_semaphore, #tpu.memory_space<semaphore_mem>>)
      %dma_wait3A_424 = arith.constant 0 : i32
      %dma_wait3A_425 = tpu.memref_slice %arg12[%arg1, %dma_wait3A_424] : memref<16x320xf32, #tpu.memory_space<vmem_shared>> -> memref<1x320xf32, #tpu.memory_space<vmem_shared>>
      %dma_wait3A_426 = tpu.memref_squeeze %dma_wait3A_425 : memref<1x320xf32, #tpu.memory_space<vmem_shared>> -> memref<320xf32, #tpu.memory_space<vmem_shared>>
      %dma_wait3A_427 = arith.constant 0 : i32
      %dma_wait3A_428 = tpu.memref_slice %arg12[%arg1, %dma_wait3A_427] : memref<16x320xf32, #tpu.memory_space<vmem_shared>> -> memref<1x320xf32, #tpu.memory_space<vmem_shared>>
      %dma_wait3A_429 = tpu.memref_squeeze %dma_wait3A_428 : memref<1x320xf32, #tpu.memory_space<vmem_shared>> -> memref<320xf32, #tpu.memory_space<vmem_shared>>
      tpu.wait_dma2 semaphore(%run_scoped3A : memref<!tpu.dma_semaphore, #tpu.memory_space<semaphore_mem>>) src(%arg8 : memref<320xf32, #tpu.memory_space<vmem>>) dst(%dma_wait3A_429 : memref<320xf32, #tpu.memory_space<vmem_shared>>)
      tpu.yield
    }) : () -> ()
    %barrier3A = arith.constant 0 : index
    tpu.barrier barrier_id(%barrier3A)
    "tpu.region"() ({
      %run_scoped3A = tpu.sem_alloc : memref<!tpu.dma_semaphore, #tpu.memory_space<semaphore_mem>>
      tpu.enqueue_dma source(%arg10 : memref<16x16xi32, #tpu.memory_space<vmem_shared>>) target(%arg13 : memref<16x16xi32, #tpu.memory_space<vmem>>) target_semaphore(%run_scoped3A : memref<!tpu.dma_semaphore, #tpu.memory_space<semaphore_mem>>)
      tpu.wait_dma2 semaphore(%run_scoped3A : memref<!tpu.dma_semaphore, #tpu.memory_space<semaphore_mem>>) src(%arg10 : memref<16x16xi32, #tpu.memory_space<vmem_shared>>) dst(%arg13 : memref<16x16xi32, #tpu.memory_space<vmem>>)
      tpu.yield
    }) : () -> ()
    %mul3A_10 = arith.constant 0 : i32
    %mul3A_11 = vector.broadcast %mul3A_10 : i32 to vector<16xi32>
    %mul3A_12 = arith.muli %iota3A, %mul3A_11 : vector<16xi32>
    %gather3A = tpu.vector_load_idx %arg13[%iota3A, %mul3A_12] : memref<16x16xi32, #tpu.memory_space<vmem>>[vector<16xi32>, vector<16xi32>], vector<16xi32>,
    %broadcast_in_dim3A_13 = arith.constant true
    %broadcast_in_dim3A_14 = vector.broadcast %broadcast_in_dim3A_13 : i1 to vector<16xi1>
    %masked_cumsum3A = tpu.scan <sum>, %gather3A masked %broadcast_in_dim3A_14 : vector<16xi32>, vector<16xi1> -> vector<16xi32>
    %sub3A = arith.subi %masked_cumsum3A, %gather3A : vector<16xi32>
    %slice3A_15 = vector.extract_strided_slice %masked_cumsum3A {offsets = [15], sizes = [1], strides = [1]} : vector<16xi32> to vector<1xi32>
    %squeeze3A_16 = vector.extract %slice3A_15[0] : i32 from vector<1xi32>
    %swap3A_17 = arith.constant 0 : index
    %swap3A_18 = tpu.vector_load %arg14[%swap3A_17] {strides = array<i32>} : memref<16xi32, #tpu.memory_space<vmem>>, vector<16xi32>,
    tpu.vector_store %arg14[%swap3A_17], %sub3A {strides = array<i32>} : memref<16xi32, #tpu.memory_space<vmem>>, vector<16xi32>,
    %slice3A_19 = vector.extract_strided_slice %sub3A {offsets = [0], sizes = [1], strides = [1]} : vector<16xi32> to vector<1xi32>
    %squeeze3A_20 = vector.extract %slice3A_19[0] : i32 from vector<1xi32>
    %slice3A_21 = vector.extract_strided_slice %sub3A {offsets = [1], sizes = [1], strides = [1]} : vector<16xi32> to vector<1xi32>
    %squeeze3A_22 = vector.extract %slice3A_21[0] : i32 from vector<1xi32>
    %slice3A_23 = vector.extract_strided_slice %sub3A {offsets = [2], sizes = [1], strides = [1]} : vector<16xi32> to vector<1xi32>
    %squeeze3A_24 = vector.extract %slice3A_23[0] : i32 from vector<1xi32>
    %slice3A_25 = vector.extract_strided_slice %sub3A {offsets = [3], sizes = [1], strides = [1]} : vector<16xi32> to vector<1xi32>
    %squeeze3A_26 = vector.extract %slice3A_25[0] : i32 from vector<1xi32>
    %slice3A_27 = vector.extract_strided_slice %sub3A {offsets = [4], sizes = [1], strides = [1]} : vector<16xi32> to vector<1xi32>
    %squeeze3A_28 = vector.extract %slice3A_27[0] : i32 from vector<1xi32>
    %slice3A_29 = vector.extract_strided_slice %sub3A {offsets = [5], sizes = [1], strides = [1]} : vector<16xi32> to vector<1xi32>
    %squeeze3A_30 = vector.extract %slice3A_29[0] : i32 from vector<1xi32>
    %slice3A_31 = vector.extract_strided_slice %sub3A {offsets = [6], sizes = [1], strides = [1]} : vector<16xi32> to vector<1xi32>
    %squeeze3A_32 = vector.extract %slice3A_31[0] : i32 from vector<1xi32>
    %slice3A_33 = vector.extract_strided_slice %sub3A {offsets = [7], sizes = [1], strides = [1]} : vector<16xi32> to vector<1xi32>
    %squeeze3A_34 = vector.extract %slice3A_33[0] : i32 from vector<1xi32>
    %slice3A_35 = vector.extract_strided_slice %sub3A {offsets = [8], sizes = [1], strides = [1]} : vector<16xi32> to vector<1xi32>
    %squeeze3A_36 = vector.extract %slice3A_35[0] : i32 from vector<1xi32>
    %slice3A_37 = vector.extract_strided_slice %sub3A {offsets = [9], sizes = [1], strides = [1]} : vector<16xi32> to vector<1xi32>
    %squeeze3A_38 = vector.extract %slice3A_37[0] : i32 from vector<1xi32>
    %slice3A_39 = vector.extract_strided_slice %sub3A {offsets = [10], sizes = [1], strides = [1]} : vector<16xi32> to vector<1xi32>
    %squeeze3A_40 = vector.extract %slice3A_39[0] : i32 from vector<1xi32>
    %slice3A_41 = vector.extract_strided_slice %sub3A {offsets = [11], sizes = [1], strides = [1]} : vector<16xi32> to vector<1xi32>
    %squeeze3A_42 = vector.extract %slice3A_41[0] : i32 from vector<1xi32>
    %slice3A_43 = vector.extract_strided_slice %sub3A {offsets = [12], sizes = [1], strides = [1]} : vector<16xi32> to vector<1xi32>
    %squeeze3A_44 = vector.extract %slice3A_43[0] : i32 from vector<1xi32>
    %slice3A_45 = vector.extract_strided_slice %sub3A {offsets = [13], sizes = [1], strides = [1]} : vector<16xi32> to vector<1xi32>
    %squeeze3A_46 = vector.extract %slice3A_45[0] : i32 from vector<1xi32>
    %slice3A_47 = vector.extract_strided_slice %sub3A {offsets = [14], sizes = [1], strides = [1]} : vector<16xi32> to vector<1xi32>
    %squeeze3A_48 = vector.extract %slice3A_47[0] : i32 from vector<1xi32>
    %slice3A_49 = vector.extract_strided_slice %sub3A {offsets = [15], sizes = [1], strides = [1]} : vector<16xi32> to vector<1xi32>
    %squeeze3A_50 = vector.extract %slice3A_49[0] : i32 from vector<1xi32>
    %slice3A_51 = vector.extract_strided_slice %masked_cumsum3A {offsets = [0], sizes = [1], strides = [1]} : vector<16xi32> to vector<1xi32>
    %squeeze3A_52 = vector.extract %slice3A_51[0] : i32 from vector<1xi32>
    %slice3A_53 = vector.extract_strided_slice %masked_cumsum3A {offsets = [1], sizes = [1], strides = [1]} : vector<16xi32> to vector<1xi32>
    %squeeze3A_54 = vector.extract %slice3A_53[0] : i32 from vector<1xi32>
    %slice3A_55 = vector.extract_strided_slice %masked_cumsum3A {offsets = [2], sizes = [1], strides = [1]} : vector<16xi32> to vector<1xi32>
    %squeeze3A_56 = vector.extract %slice3A_55[0] : i32 from vector<1xi32>
    %slice3A_57 = vector.extract_strided_slice %masked_cumsum3A {offsets = [3], sizes = [1], strides = [1]} : vector<16xi32> to vector<1xi32>
    %squeeze3A_58 = vector.extract %slice3A_57[0] : i32 from vector<1xi32>
    %slice3A_59 = vector.extract_strided_slice %masked_cumsum3A {offsets = [4], sizes = [1], strides = [1]} : vector<16xi32> to vector<1xi32>
    %squeeze3A_60 = vector.extract %slice3A_59[0] : i32 from vector<1xi32>
    %slice3A_61 = vector.extract_strided_slice %masked_cumsum3A {offsets = [5], sizes = [1], strides = [1]} : vector<16xi32> to vector<1xi32>
    %squeeze3A_62 = vector.extract %slice3A_61[0] : i32 from vector<1xi32>
    %slice3A_63 = vector.extract_strided_slice %masked_cumsum3A {offsets = [6], sizes = [1], strides = [1]} : vector<16xi32> to vector<1xi32>
    %squeeze3A_64 = vector.extract %slice3A_63[0] : i32 from vector<1xi32>
    %slice3A_65 = vector.extract_strided_slice %masked_cumsum3A {offsets = [7], sizes = [1], strides = [1]} : vector<16xi32> to vector<1xi32>
    %squeeze3A_66 = vector.extract %slice3A_65[0] : i32 from vector<1xi32>
    %slice3A_67 = vector.extract_strided_slice %masked_cumsum3A {offsets = [8], sizes = [1], strides = [1]} : vector<16xi32> to vector<1xi32>
    %squeeze3A_68 = vector.extract %slice3A_67[0] : i32 from vector<1xi32>
    %slice3A_69 = vector.extract_strided_slice %masked_cumsum3A {offsets = [9], sizes = [1], strides = [1]} : vector<16xi32> to vector<1xi32>
    %squeeze3A_70 = vector.extract %slice3A_69[0] : i32 from vector<1xi32>
    %slice3A_71 = vector.extract_strided_slice %masked_cumsum3A {offsets = [10], sizes = [1], strides = [1]} : vector<16xi32> to vector<1xi32>
    %squeeze3A_72 = vector.extract %slice3A_71[0] : i32 from vector<1xi32>
    %slice3A_73 = vector.extract_strided_slice %masked_cumsum3A {offsets = [11], sizes = [1], strides = [1]} : vector<16xi32> to vector<1xi32>
    %squeeze3A_74 = vector.extract %slice3A_73[0] : i32 from vector<1xi32>
    %slice3A_75 = vector.extract_strided_slice %masked_cumsum3A {offsets = [12], sizes = [1], strides = [1]} : vector<16xi32> to vector<1xi32>
    %squeeze3A_76 = vector.extract %slice3A_75[0] : i32 from vector<1xi32>
    %slice3A_77 = vector.extract_strided_slice %masked_cumsum3A {offsets = [13], sizes = [1], strides = [1]} : vector<16xi32> to vector<1xi32>
    %squeeze3A_78 = vector.extract %slice3A_77[0] : i32 from vector<1xi32>
    %slice3A_79 = vector.extract_strided_slice %masked_cumsum3A {offsets = [14], sizes = [1], strides = [1]} : vector<16xi32> to vector<1xi32>
    %squeeze3A_80 = vector.extract %slice3A_79[0] : i32 from vector<1xi32>
    %slice3A_81 = vector.extract_strided_slice %masked_cumsum3A {offsets = [15], sizes = [1], strides = [1]} : vector<16xi32> to vector<1xi32>
    %squeeze3A_82 = vector.extract %slice3A_81[0] : i32 from vector<1xi32>
    %broadcast_in_dim3A_83 = arith.constant 0.000000e+00 : f32
    %broadcast_in_dim3A_84 = vector.broadcast %broadcast_in_dim3A_83 : f32 to vector<16xf32>
    %mul3A_85 = arith.constant 16 : i32
    %mul3A_86 = arith.muli %arg1, %mul3A_85 : i32
    %add3A = arith.constant 15 : i32
    %add3A_87 = arith.addi %mul3A_86, %add3A : i32
    %le3A = arith.cmpi sle, %squeeze3A_20, %add3A_87 : i32
    %gt3A = arith.cmpi sgt, %squeeze3A_52, %mul3A_86 : i32
    %and3A = arith.andi %le3A, %gt3A : i1
    %convert_element_type3A = arith.extui %and3A : i1 to i32
    %cond3A = arith.constant 0 : i32
    %cond3A_88 = arith.cmpi ne, %convert_element_type3A, %cond3A : i32
    scf.if %cond3A_88 {
      %run_scoped3A = arith.constant 0 : i32
      %run_scoped3A_418 = arith.constant 0 : i32
      "tpu.region"() ({
        %run_scoped3A_421 = tpu.sem_alloc : memref<!tpu.dma_semaphore, #tpu.memory_space<semaphore_mem>>
        %dma_start3A_422 = arith.constant 0 : i32
        %dma_start3A_423 = tpu.memref_slice %arg15[%run_scoped3A_418, %dma_start3A_422] : memref<16x320xi32, #tpu.memory_space<vmem>> -> memref<1x320xi32, #tpu.memory_space<vmem>>
        %dma_start3A_424 = tpu.memref_squeeze %dma_start3A_423 : memref<1x320xi32, #tpu.memory_space<vmem>> -> memref<320xi32, #tpu.memory_space<vmem>>
        %dma_start3A_425 = arith.constant 0 : i32
        %dma_start3A_426 = tpu.memref_slice %arg11[%run_scoped3A, %dma_start3A_425] : memref<16x320xi32, #tpu.memory_space<vmem_shared>> -> memref<1x320xi32, #tpu.memory_space<vmem_shared>>
        %dma_start3A_427 = tpu.memref_squeeze %dma_start3A_426 : memref<1x320xi32, #tpu.memory_space<vmem_shared>> -> memref<320xi32, #tpu.memory_space<vmem_shared>>
        %dma_start3A_428 = arith.constant 0 : i32
        %dma_start3A_429 = tpu.memref_slice %arg15[%run_scoped3A_418, %dma_start3A_428] : memref<16x320xi32, #tpu.memory_space<vmem>> -> memref<1x320xi32, #tpu.memory_space<vmem>>
        %dma_start3A_430 = tpu.memref_squeeze %dma_start3A_429 : memref<1x320xi32, #tpu.memory_space<vmem>> -> memref<320xi32, #tpu.memory_space<vmem>>
        %dma_start3A_431 = arith.constant 0 : i32
        %dma_start3A_432 = tpu.memref_slice %arg11[%run_scoped3A, %dma_start3A_431] : memref<16x320xi32, #tpu.memory_space<vmem_shared>> -> memref<1x320xi32, #tpu.memory_space<vmem_shared>>
        %dma_start3A_433 = tpu.memref_squeeze %dma_start3A_432 : memref<1x320xi32, #tpu.memory_space<vmem_shared>> -> memref<320xi32, #tpu.memory_space<vmem_shared>>
        tpu.enqueue_dma source(%dma_start3A_433 : memref<320xi32, #tpu.memory_space<vmem_shared>>) target(%dma_start3A_430 : memref<320xi32, #tpu.memory_space<vmem>>) target_semaphore(%run_scoped3A_421 : memref<!tpu.dma_semaphore, #tpu.memory_space<semaphore_mem>>)
        %dma_wait3A_434 = arith.constant 0 : i32
        %dma_wait3A_435 = tpu.memref_slice %arg15[%run_scoped3A_418, %dma_wait3A_434] : memref<16x320xi32, #tpu.memory_space<vmem>> -> memref<1x320xi32, #tpu.memory_space<vmem>>
        %dma_wait3A_436 = tpu.memref_squeeze %dma_wait3A_435 : memref<1x320xi32, #tpu.memory_space<vmem>> -> memref<320xi32, #tpu.memory_space<vmem>>
        %dma_wait3A_437 = arith.constant 0 : i32
        %dma_wait3A_438 = tpu.memref_slice %arg11[%run_scoped3A, %dma_wait3A_437] : memref<16x320xi32, #tpu.memory_space<vmem_shared>> -> memref<1x320xi32, #tpu.memory_space<vmem_shared>>
        %dma_wait3A_439 = tpu.memref_squeeze %dma_wait3A_438 : memref<1x320xi32, #tpu.memory_space<vmem_shared>> -> memref<320xi32, #tpu.memory_space<vmem_shared>>
        %dma_wait3A_440 = arith.constant 0 : i32
        %dma_wait3A_441 = tpu.memref_slice %arg15[%run_scoped3A_418, %dma_wait3A_440] : memref<16x320xi32, #tpu.memory_space<vmem>> -> memref<1x320xi32, #tpu.memory_space<vmem>>
        %dma_wait3A_442 = tpu.memref_squeeze %dma_wait3A_441 : memref<1x320xi32, #tpu.memory_space<vmem>> -> memref<320xi32, #tpu.memory_space<vmem>>
        %dma_wait3A_443 = arith.constant 0 : i32
        %dma_wait3A_444 = tpu.memref_slice %arg11[%run_scoped3A, %dma_wait3A_443] : memref<16x320xi32, #tpu.memory_space<vmem_shared>> -> memref<1x320xi32, #tpu.memory_space<vmem_shared>>
        %dma_wait3A_445 = tpu.memref_squeeze %dma_wait3A_444 : memref<1x320xi32, #tpu.memory_space<vmem_shared>> -> memref<320xi32, #tpu.memory_space<vmem_shared>>
        tpu.wait_dma2 semaphore(%run_scoped3A_421 : memref<!tpu.dma_semaphore, #tpu.memory_space<semaphore_mem>>) src(%dma_wait3A_445 : memref<320xi32, #tpu.memory_space<vmem_shared>>) dst(%dma_wait3A_442 : memref<320xi32, #tpu.memory_space<vmem>>)
        tpu.yield
      }) : () -> ()
      %run_scoped3A_419 = arith.constant 0 : i32
      %run_scoped3A_420 = arith.constant 0 : i32
      "tpu.region"() ({
        %run_scoped3A_421 = tpu.sem_alloc : memref<!tpu.dma_semaphore, #tpu.memory_space<semaphore_mem>>
        %dma_start3A_422 = arith.constant 0 : i32
        %dma_start3A_423 = tpu.memref_slice %arg16[%run_scoped3A_420, %dma_start3A_422] : memref<16x320xf32, #tpu.memory_space<vmem>> -> memref<1x320xf32, #tpu.memory_space<vmem>>
        %dma_start3A_424 = tpu.memref_squeeze %dma_start3A_423 : memref<1x320xf32, #tpu.memory_space<vmem>> -> memref<320xf32, #tpu.memory_space<vmem>>
        %dma_start3A_425 = arith.constant 0 : i32
        %dma_start3A_426 = tpu.memref_slice %arg12[%run_scoped3A_419, %dma_start3A_425] : memref<16x320xf32, #tpu.memory_space<vmem_shared>> -> memref<1x320xf32, #tpu.memory_space<vmem_shared>>
        %dma_start3A_427 = tpu.memref_squeeze %dma_start3A_426 : memref<1x320xf32, #tpu.memory_space<vmem_shared>> -> memref<320xf32, #tpu.memory_space<vmem_shared>>
        %dma_start3A_428 = arith.constant 0 : i32
        %dma_start3A_429 = tpu.memref_slice %arg16[%run_scoped3A_420, %dma_start3A_428] : memref<16x320xf32, #tpu.memory_space<vmem>> -> memref<1x320xf32, #tpu.memory_space<vmem>>
        %dma_start3A_430 = tpu.memref_squeeze %dma_start3A_429 : memref<1x320xf32, #tpu.memory_space<vmem>> -> memref<320xf32, #tpu.memory_space<vmem>>
        %dma_start3A_431 = arith.constant 0 : i32
        %dma_start3A_432 = tpu.memref_slice %arg12[%run_scoped3A_419, %dma_start3A_431] : memref<16x320xf32, #tpu.memory_space<vmem_shared>> -> memref<1x320xf32, #tpu.memory_space<vmem_shared>>
        %dma_start3A_433 = tpu.memref_squeeze %dma_start3A_432 : memref<1x320xf32, #tpu.memory_space<vmem_shared>> -> memref<320xf32, #tpu.memory_space<vmem_shared>>
        tpu.enqueue_dma source(%dma_start3A_433 : memref<320xf32, #tpu.memory_space<vmem_shared>>) target(%dma_start3A_430 : memref<320xf32, #tpu.memory_space<vmem>>) target_semaphore(%run_scoped3A_421 : memref<!tpu.dma_semaphore, #tpu.memory_space<semaphore_mem>>)
        %dma_wait3A_434 = arith.constant 0 : i32
        %dma_wait3A_435 = tpu.memref_slice %arg16[%run_scoped3A_420, %dma_wait3A_434] : memref<16x320xf32, #tpu.memory_space<vmem>> -> memref<1x320xf32, #tpu.memory_space<vmem>>
        %dma_wait3A_436 = tpu.memref_squeeze %dma_wait3A_435 : memref<1x320xf32, #tpu.memory_space<vmem>> -> memref<320xf32, #tpu.memory_space<vmem>>
        %dma_wait3A_437 = arith.constant 0 : i32
        %dma_wait3A_438 = tpu.memref_slice %arg12[%run_scoped3A_419, %dma_wait3A_437] : memref<16x320xf32, #tpu.memory_space<vmem_shared>> -> memref<1x320xf32, #tpu.memory_space<vmem_shared>>
        %dma_wait3A_439 = tpu.memref_squeeze %dma_wait3A_438 : memref<1x320xf32, #tpu.memory_space<vmem_shared>> -> memref<320xf32, #tpu.memory_space<vmem_shared>>
        %dma_wait3A_440 = arith.constant 0 : i32
        %dma_wait3A_441 = tpu.memref_slice %arg16[%run_scoped3A_420, %dma_wait3A_440] : memref<16x320xf32, #tpu.memory_space<vmem>> -> memref<1x320xf32, #tpu.memory_space<vmem>>
        %dma_wait3A_442 = tpu.memref_squeeze %dma_wait3A_441 : memref<1x320xf32, #tpu.memory_space<vmem>> -> memref<320xf32, #tpu.memory_space<vmem>>
        %dma_wait3A_443 = arith.constant 0 : i32
        %dma_wait3A_444 = tpu.memref_slice %arg12[%run_scoped3A_419, %dma_wait3A_443] : memref<16x320xf32, #tpu.memory_space<vmem_shared>> -> memref<1x320xf32, #tpu.memory_space<vmem_shared>>
        %dma_wait3A_445 = tpu.memref_squeeze %dma_wait3A_444 : memref<1x320xf32, #tpu.memory_space<vmem_shared>> -> memref<320xf32, #tpu.memory_space<vmem_shared>>
        tpu.wait_dma2 semaphore(%run_scoped3A_421 : memref<!tpu.dma_semaphore, #tpu.memory_space<semaphore_mem>>) src(%dma_wait3A_445 : memref<320xf32, #tpu.memory_space<vmem_shared>>) dst(%dma_wait3A_442 : memref<320xf32, #tpu.memory_space<vmem>>)
        tpu.yield
      }) : () -> ()
    } else {
    }
    %add3A_89 = arith.constant 15 : i32
    %add3A_90 = arith.addi %mul3A_86, %add3A_89 : i32
    %le3A_91 = arith.cmpi sle, %squeeze3A_22, %add3A_90 : i32
    %gt3A_92 = arith.cmpi sgt, %squeeze3A_54, %mul3A_86 : i32
    %and3A_93 = arith.andi %le3A_91, %gt3A_92 : i1
    %convert_element_type3A_94 = arith.extui %and3A_93 : i1 to i32
    %cond3A_95 = arith.constant 0 : i32
    %cond3A_96 = arith.cmpi ne, %convert_element_type3A_94, %cond3A_95 : i32
    scf.if %cond3A_96 {
      %run_scoped3A = arith.constant 1 : i32
      %run_scoped3A_418 = arith.constant 1 : i32
      "tpu.region"() ({
        %run_scoped3A_421 = tpu.sem_alloc : memref<!tpu.dma_semaphore, #tpu.memory_space<semaphore_mem>>
        %dma_start3A_422 = arith.constant 0 : i32
        %dma_start3A_423 = tpu.memref_slice %arg15[%run_scoped3A_418, %dma_start3A_422] : memref<16x320xi32, #tpu.memory_space<vmem>> -> memref<1x320xi32, #tpu.memory_space<vmem>>
        %dma_start3A_424 = tpu.memref_squeeze %dma_start3A_423 : memref<1x320xi32, #tpu.memory_space<vmem>> -> memref<320xi32, #tpu.memory_space<vmem>>
        %dma_start3A_425 = arith.constant 0 : i32
        %dma_start3A_426 = tpu.memref_slice %arg11[%run_scoped3A, %dma_start3A_425] : memref<16x320xi32, #tpu.memory_space<vmem_shared>> -> memref<1x320xi32, #tpu.memory_space<vmem_shared>>
        %dma_start3A_427 = tpu.memref_squeeze %dma_start3A_426 : memref<1x320xi32, #tpu.memory_space<vmem_shared>> -> memref<320xi32, #tpu.memory_space<vmem_shared>>
        %dma_start3A_428 = arith.constant 0 : i32
        %dma_start3A_429 = tpu.memref_slice %arg15[%run_scoped3A_418, %dma_start3A_428] : memref<16x320xi32, #tpu.memory_space<vmem>> -> memref<1x320xi32, #tpu.memory_space<vmem>>
        %dma_start3A_430 = tpu.memref_squeeze %dma_start3A_429 : memref<1x320xi32, #tpu.memory_space<vmem>> -> memref<320xi32, #tpu.memory_space<vmem>>
        %dma_start3A_431 = arith.constant 0 : i32
        %dma_start3A_432 = tpu.memref_slice %arg11[%run_scoped3A, %dma_start3A_431] : memref<16x320xi32, #tpu.memory_space<vmem_shared>> -> memref<1x320xi32, #tpu.memory_space<vmem_shared>>
        %dma_start3A_433 = tpu.memref_squeeze %dma_start3A_432 : memref<1x320xi32, #tpu.memory_space<vmem_shared>> -> memref<320xi32, #tpu.memory_space<vmem_shared>>
        tpu.enqueue_dma source(%dma_start3A_433 : memref<320xi32, #tpu.memory_space<vmem_shared>>) target(%dma_start3A_430 : memref<320xi32, #tpu.memory_space<vmem>>) target_semaphore(%run_scoped3A_421 : memref<!tpu.dma_semaphore, #tpu.memory_space<semaphore_mem>>)
        %dma_wait3A_434 = arith.constant 0 : i32
        %dma_wait3A_435 = tpu.memref_slice %arg15[%run_scoped3A_418, %dma_wait3A_434] : memref<16x320xi32, #tpu.memory_space<vmem>> -> memref<1x320xi32, #tpu.memory_space<vmem>>
        %dma_wait3A_436 = tpu.memref_squeeze %dma_wait3A_435 : memref<1x320xi32, #tpu.memory_space<vmem>> -> memref<320xi32, #tpu.memory_space<vmem>>
        %dma_wait3A_437 = arith.constant 0 : i32
        %dma_wait3A_438 = tpu.memref_slice %arg11[%run_scoped3A, %dma_wait3A_437] : memref<16x320xi32, #tpu.memory_space<vmem_shared>> -> memref<1x320xi32, #tpu.memory_space<vmem_shared>>
        %dma_wait3A_439 = tpu.memref_squeeze %dma_wait3A_438 : memref<1x320xi32, #tpu.memory_space<vmem_shared>> -> memref<320xi32, #tpu.memory_space<vmem_shared>>
        %dma_wait3A_440 = arith.constant 0 : i32
        %dma_wait3A_441 = tpu.memref_slice %arg15[%run_scoped3A_418, %dma_wait3A_440] : memref<16x320xi32, #tpu.memory_space<vmem>> -> memref<1x320xi32, #tpu.memory_space<vmem>>
        %dma_wait3A_442 = tpu.memref_squeeze %dma_wait3A_441 : memref<1x320xi32, #tpu.memory_space<vmem>> -> memref<320xi32, #tpu.memory_space<vmem>>
        %dma_wait3A_443 = arith.constant 0 : i32
        %dma_wait3A_444 = tpu.memref_slice %arg11[%run_scoped3A, %dma_wait3A_443] : memref<16x320xi32, #tpu.memory_space<vmem_shared>> -> memref<1x320xi32, #tpu.memory_space<vmem_shared>>
        %dma_wait3A_445 = tpu.memref_squeeze %dma_wait3A_444 : memref<1x320xi32, #tpu.memory_space<vmem_shared>> -> memref<320xi32, #tpu.memory_space<vmem_shared>>
        tpu.wait_dma2 semaphore(%run_scoped3A_421 : memref<!tpu.dma_semaphore, #tpu.memory_space<semaphore_mem>>) src(%dma_wait3A_445 : memref<320xi32, #tpu.memory_space<vmem_shared>>) dst(%dma_wait3A_442 : memref<320xi32, #tpu.memory_space<vmem>>)
        tpu.yield
      }) : () -> ()
      %run_scoped3A_419 = arith.constant 1 : i32
      %run_scoped3A_420 = arith.constant 1 : i32
      "tpu.region"() ({
        %run_scoped3A_421 = tpu.sem_alloc : memref<!tpu.dma_semaphore, #tpu.memory_space<semaphore_mem>>
        %dma_start3A_422 = arith.constant 0 : i32
        %dma_start3A_423 = tpu.memref_slice %arg16[%run_scoped3A_420, %dma_start3A_422] : memref<16x320xf32, #tpu.memory_space<vmem>> -> memref<1x320xf32, #tpu.memory_space<vmem>>
        %dma_start3A_424 = tpu.memref_squeeze %dma_start3A_423 : memref<1x320xf32, #tpu.memory_space<vmem>> -> memref<320xf32, #tpu.memory_space<vmem>>
        %dma_start3A_425 = arith.constant 0 : i32
        %dma_start3A_426 = tpu.memref_slice %arg12[%run_scoped3A_419, %dma_start3A_425] : memref<16x320xf32, #tpu.memory_space<vmem_shared>> -> memref<1x320xf32, #tpu.memory_space<vmem_shared>>
        %dma_start3A_427 = tpu.memref_squeeze %dma_start3A_426 : memref<1x320xf32, #tpu.memory_space<vmem_shared>> -> memref<320xf32, #tpu.memory_space<vmem_shared>>
        %dma_start3A_428 = arith.constant 0 : i32
        %dma_start3A_429 = tpu.memref_slice %arg16[%run_scoped3A_420, %dma_start3A_428] : memref<16x320xf32, #tpu.memory_space<vmem>> -> memref<1x320xf32, #tpu.memory_space<vmem>>
        %dma_start3A_430 = tpu.memref_squeeze %dma_start3A_429 : memref<1x320xf32, #tpu.memory_space<vmem>> -> memref<320xf32, #tpu.memory_space<vmem>>
        %dma_start3A_431 = arith.constant 0 : i32
        %dma_start3A_432 = tpu.memref_slice %arg12[%run_scoped3A_419, %dma_start3A_431] : memref<16x320xf32, #tpu.memory_space<vmem_shared>> -> memref<1x320xf32, #tpu.memory_space<vmem_shared>>
        %dma_start3A_433 = tpu.memref_squeeze %dma_start3A_432 : memref<1x320xf32, #tpu.memory_space<vmem_shared>> -> memref<320xf32, #tpu.memory_space<vmem_shared>>
        tpu.enqueue_dma source(%dma_start3A_433 : memref<320xf32, #tpu.memory_space<vmem_shared>>) target(%dma_start3A_430 : memref<320xf32, #tpu.memory_space<vmem>>) target_semaphore(%run_scoped3A_421 : memref<!tpu.dma_semaphore, #tpu.memory_space<semaphore_mem>>)
        %dma_wait3A_434 = arith.constant 0 : i32
        %dma_wait3A_435 = tpu.memref_slice %arg16[%run_scoped3A_420, %dma_wait3A_434] : memref<16x320xf32, #tpu.memory_space<vmem>> -> memref<1x320xf32, #tpu.memory_space<vmem>>
        %dma_wait3A_436 = tpu.memref_squeeze %dma_wait3A_435 : memref<1x320xf32, #tpu.memory_space<vmem>> -> memref<320xf32, #tpu.memory_space<vmem>>
        %dma_wait3A_437 = arith.constant 0 : i32
        %dma_wait3A_438 = tpu.memref_slice %arg12[%run_scoped3A_419, %dma_wait3A_437] : memref<16x320xf32, #tpu.memory_space<vmem_shared>> -> memref<1x320xf32, #tpu.memory_space<vmem_shared>>
        %dma_wait3A_439 = tpu.memref_squeeze %dma_wait3A_438 : memref<1x320xf32, #tpu.memory_space<vmem_shared>> -> memref<320xf32, #tpu.memory_space<vmem_shared>>
        %dma_wait3A_440 = arith.constant 0 : i32
        %dma_wait3A_441 = tpu.memref_slice %arg16[%run_scoped3A_420, %dma_wait3A_440] : memref<16x320xf32, #tpu.memory_space<vmem>> -> memref<1x320xf32, #tpu.memory_space<vmem>>
        %dma_wait3A_442 = tpu.memref_squeeze %dma_wait3A_441 : memref<1x320xf32, #tpu.memory_space<vmem>> -> memref<320xf32, #tpu.memory_space<vmem>>
        %dma_wait3A_443 = arith.constant 0 : i32
        %dma_wait3A_444 = tpu.memref_slice %arg12[%run_scoped3A_419, %dma_wait3A_443] : memref<16x320xf32, #tpu.memory_space<vmem_shared>> -> memref<1x320xf32, #tpu.memory_space<vmem_shared>>
        %dma_wait3A_445 = tpu.memref_squeeze %dma_wait3A_444 : memref<1x320xf32, #tpu.memory_space<vmem_shared>> -> memref<320xf32, #tpu.memory_space<vmem_shared>>
        tpu.wait_dma2 semaphore(%run_scoped3A_421 : memref<!tpu.dma_semaphore, #tpu.memory_space<semaphore_mem>>) src(%dma_wait3A_445 : memref<320xf32, #tpu.memory_space<vmem_shared>>) dst(%dma_wait3A_442 : memref<320xf32, #tpu.memory_space<vmem>>)
        tpu.yield
      }) : () -> ()
    } else {
    }
    %add3A_97 = arith.constant 15 : i32
    %add3A_98 = arith.addi %mul3A_86, %add3A_97 : i32
    %le3A_99 = arith.cmpi sle, %squeeze3A_24, %add3A_98 : i32
    %gt3A_100 = arith.cmpi sgt, %squeeze3A_56, %mul3A_86 : i32
    %and3A_101 = arith.andi %le3A_99, %gt3A_100 : i1
    %convert_element_type3A_102 = arith.extui %and3A_101 : i1 to i32
    %cond3A_103 = arith.constant 0 : i32
    %cond3A_104 = arith.cmpi ne, %convert_element_type3A_102, %cond3A_103 : i32
    scf.if %cond3A_104 {
      %run_scoped3A = arith.constant 2 : i32
      %run_scoped3A_418 = arith.constant 2 : i32
      "tpu.region"() ({
        %run_scoped3A_421 = tpu.sem_alloc : memref<!tpu.dma_semaphore, #tpu.memory_space<semaphore_mem>>
        %dma_start3A_422 = arith.constant 0 : i32
        %dma_start3A_423 = tpu.memref_slice %arg15[%run_scoped3A_418, %dma_start3A_422] : memref<16x320xi32, #tpu.memory_space<vmem>> -> memref<1x320xi32, #tpu.memory_space<vmem>>
        %dma_start3A_424 = tpu.memref_squeeze %dma_start3A_423 : memref<1x320xi32, #tpu.memory_space<vmem>> -> memref<320xi32, #tpu.memory_space<vmem>>
        %dma_start3A_425 = arith.constant 0 : i32
        %dma_start3A_426 = tpu.memref_slice %arg11[%run_scoped3A, %dma_start3A_425] : memref<16x320xi32, #tpu.memory_space<vmem_shared>> -> memref<1x320xi32, #tpu.memory_space<vmem_shared>>
        %dma_start3A_427 = tpu.memref_squeeze %dma_start3A_426 : memref<1x320xi32, #tpu.memory_space<vmem_shared>> -> memref<320xi32, #tpu.memory_space<vmem_shared>>
        %dma_start3A_428 = arith.constant 0 : i32
        %dma_start3A_429 = tpu.memref_slice %arg15[%run_scoped3A_418, %dma_start3A_428] : memref<16x320xi32, #tpu.memory_space<vmem>> -> memref<1x320xi32, #tpu.memory_space<vmem>>
        %dma_start3A_430 = tpu.memref_squeeze %dma_start3A_429 : memref<1x320xi32, #tpu.memory_space<vmem>> -> memref<320xi32, #tpu.memory_space<vmem>>
        %dma_start3A_431 = arith.constant 0 : i32
        %dma_start3A_432 = tpu.memref_slice %arg11[%run_scoped3A, %dma_start3A_431] : memref<16x320xi32, #tpu.memory_space<vmem_shared>> -> memref<1x320xi32, #tpu.memory_space<vmem_shared>>
        %dma_start3A_433 = tpu.memref_squeeze %dma_start3A_432 : memref<1x320xi32, #tpu.memory_space<vmem_shared>> -> memref<320xi32, #tpu.memory_space<vmem_shared>>
        tpu.enqueue_dma source(%dma_start3A_433 : memref<320xi32, #tpu.memory_space<vmem_shared>>) target(%dma_start3A_430 : memref<320xi32, #tpu.memory_space<vmem>>) target_semaphore(%run_scoped3A_421 : memref<!tpu.dma_semaphore, #tpu.memory_space<semaphore_mem>>)
        %dma_wait3A_434 = arith.constant 0 : i32
        %dma_wait3A_435 = tpu.memref_slice %arg15[%run_scoped3A_418, %dma_wait3A_434] : memref<16x320xi32, #tpu.memory_space<vmem>> -> memref<1x320xi32, #tpu.memory_space<vmem>>
        %dma_wait3A_436 = tpu.memref_squeeze %dma_wait3A_435 : memref<1x320xi32, #tpu.memory_space<vmem>> -> memref<320xi32, #tpu.memory_space<vmem>>
        %dma_wait3A_437 = arith.constant 0 : i32
        %dma_wait3A_438 = tpu.memref_slice %arg11[%run_scoped3A, %dma_wait3A_437] : memref<16x320xi32, #tpu.memory_space<vmem_shared>> -> memref<1x320xi32, #tpu.memory_space<vmem_shared>>
        %dma_wait3A_439 = tpu.memref_squeeze %dma_wait3A_438 : memref<1x320xi32, #tpu.memory_space<vmem_shared>> -> memref<320xi32, #tpu.memory_space<vmem_shared>>
        %dma_wait3A_440 = arith.constant 0 : i32
        %dma_wait3A_441 = tpu.memref_slice %arg15[%run_scoped3A_418, %dma_wait3A_440] : memref<16x320xi32, #tpu.memory_space<vmem>> -> memref<1x320xi32, #tpu.memory_space<vmem>>
        %dma_wait3A_442 = tpu.memref_squeeze %dma_wait3A_441 : memref<1x320xi32, #tpu.memory_space<vmem>> -> memref<320xi32, #tpu.memory_space<vmem>>
        %dma_wait3A_443 = arith.constant 0 : i32
        %dma_wait3A_444 = tpu.memref_slice %arg11[%run_scoped3A, %dma_wait3A_443] : memref<16x320xi32, #tpu.memory_space<vmem_shared>> -> memref<1x320xi32, #tpu.memory_space<vmem_shared>>
        %dma_wait3A_445 = tpu.memref_squeeze %dma_wait3A_444 : memref<1x320xi32, #tpu.memory_space<vmem_shared>> -> memref<320xi32, #tpu.memory_space<vmem_shared>>
        tpu.wait_dma2 semaphore(%run_scoped3A_421 : memref<!tpu.dma_semaphore, #tpu.memory_space<semaphore_mem>>) src(%dma_wait3A_445 : memref<320xi32, #tpu.memory_space<vmem_shared>>) dst(%dma_wait3A_442 : memref<320xi32, #tpu.memory_space<vmem>>)
        tpu.yield
      }) : () -> ()
      %run_scoped3A_419 = arith.constant 2 : i32
      %run_scoped3A_420 = arith.constant 2 : i32
      "tpu.region"() ({
        %run_scoped3A_421 = tpu.sem_alloc : memref<!tpu.dma_semaphore, #tpu.memory_space<semaphore_mem>>
        %dma_start3A_422 = arith.constant 0 : i32
        %dma_start3A_423 = tpu.memref_slice %arg16[%run_scoped3A_420, %dma_start3A_422] : memref<16x320xf32, #tpu.memory_space<vmem>> -> memref<1x320xf32, #tpu.memory_space<vmem>>
        %dma_start3A_424 = tpu.memref_squeeze %dma_start3A_423 : memref<1x320xf32, #tpu.memory_space<vmem>> -> memref<320xf32, #tpu.memory_space<vmem>>
        %dma_start3A_425 = arith.constant 0 : i32
        %dma_start3A_426 = tpu.memref_slice %arg12[%run_scoped3A_419, %dma_start3A_425] : memref<16x320xf32, #tpu.memory_space<vmem_shared>> -> memref<1x320xf32, #tpu.memory_space<vmem_shared>>
        %dma_start3A_427 = tpu.memref_squeeze %dma_start3A_426 : memref<1x320xf32, #tpu.memory_space<vmem_shared>> -> memref<320xf32, #tpu.memory_space<vmem_shared>>
        %dma_start3A_428 = arith.constant 0 : i32
        %dma_start3A_429 = tpu.memref_slice %arg16[%run_scoped3A_420, %dma_start3A_428] : memref<16x320xf32, #tpu.memory_space<vmem>> -> memref<1x320xf32, #tpu.memory_space<vmem>>
        %dma_start3A_430 = tpu.memref_squeeze %dma_start3A_429 : memref<1x320xf32, #tpu.memory_space<vmem>> -> memref<320xf32, #tpu.memory_space<vmem>>
        %dma_start3A_431 = arith.constant 0 : i32
        %dma_start3A_432 = tpu.memref_slice %arg12[%run_scoped3A_419, %dma_start3A_431] : memref<16x320xf32, #tpu.memory_space<vmem_shared>> -> memref<1x320xf32, #tpu.memory_space<vmem_shared>>
        %dma_start3A_433 = tpu.memref_squeeze %dma_start3A_432 : memref<1x320xf32, #tpu.memory_space<vmem_shared>> -> memref<320xf32, #tpu.memory_space<vmem_shared>>
        tpu.enqueue_dma source(%dma_start3A_433 : memref<320xf32, #tpu.memory_space<vmem_shared>>) target(%dma_start3A_430 : memref<320xf32, #tpu.memory_space<vmem>>) target_semaphore(%run_scoped3A_421 : memref<!tpu.dma_semaphore, #tpu.memory_space<semaphore_mem>>)
        %dma_wait3A_434 = arith.constant 0 : i32
        %dma_wait3A_435 = tpu.memref_slice %arg16[%run_scoped3A_420, %dma_wait3A_434] : memref<16x320xf32, #tpu.memory_space<vmem>> -> memref<1x320xf32, #tpu.memory_space<vmem>>
        %dma_wait3A_436 = tpu.memref_squeeze %dma_wait3A_435 : memref<1x320xf32, #tpu.memory_space<vmem>> -> memref<320xf32, #tpu.memory_space<vmem>>
        %dma_wait3A_437 = arith.constant 0 : i32
        %dma_wait3A_438 = tpu.memref_slice %arg12[%run_scoped3A_419, %dma_wait3A_437] : memref<16x320xf32, #tpu.memory_space<vmem_shared>> -> memref<1x320xf32, #tpu.memory_space<vmem_shared>>
        %dma_wait3A_439 = tpu.memref_squeeze %dma_wait3A_438 : memref<1x320xf32, #tpu.memory_space<vmem_shared>> -> memref<320xf32, #tpu.memory_space<vmem_shared>>
        %dma_wait3A_440 = arith.constant 0 : i32
        %dma_wait3A_441 = tpu.memref_slice %arg16[%run_scoped3A_420, %dma_wait3A_440] : memref<16x320xf32, #tpu.memory_space<vmem>> -> memref<1x320xf32, #tpu.memory_space<vmem>>
        %dma_wait3A_442 = tpu.memref_squeeze %dma_wait3A_441 : memref<1x320xf32, #tpu.memory_space<vmem>> -> memref<320xf32, #tpu.memory_space<vmem>>
        %dma_wait3A_443 = arith.constant 0 : i32
        %dma_wait3A_444 = tpu.memref_slice %arg12[%run_scoped3A_419, %dma_wait3A_443] : memref<16x320xf32, #tpu.memory_space<vmem_shared>> -> memref<1x320xf32, #tpu.memory_space<vmem_shared>>
        %dma_wait3A_445 = tpu.memref_squeeze %dma_wait3A_444 : memref<1x320xf32, #tpu.memory_space<vmem_shared>> -> memref<320xf32, #tpu.memory_space<vmem_shared>>
        tpu.wait_dma2 semaphore(%run_scoped3A_421 : memref<!tpu.dma_semaphore, #tpu.memory_space<semaphore_mem>>) src(%dma_wait3A_445 : memref<320xf32, #tpu.memory_space<vmem_shared>>) dst(%dma_wait3A_442 : memref<320xf32, #tpu.memory_space<vmem>>)
        tpu.yield
      }) : () -> ()
    } else {
    }
    %add3A_105 = arith.constant 15 : i32
    %add3A_106 = arith.addi %mul3A_86, %add3A_105 : i32
    %le3A_107 = arith.cmpi sle, %squeeze3A_26, %add3A_106 : i32
    %gt3A_108 = arith.cmpi sgt, %squeeze3A_58, %mul3A_86 : i32
    %and3A_109 = arith.andi %le3A_107, %gt3A_108 : i1
    %convert_element_type3A_110 = arith.extui %and3A_109 : i1 to i32
    %cond3A_111 = arith.constant 0 : i32
    %cond3A_112 = arith.cmpi ne, %convert_element_type3A_110, %cond3A_111 : i32
    scf.if %cond3A_112 {
      %run_scoped3A = arith.constant 3 : i32
      %run_scoped3A_418 = arith.constant 3 : i32
      "tpu.region"() ({
        %run_scoped3A_421 = tpu.sem_alloc : memref<!tpu.dma_semaphore, #tpu.memory_space<semaphore_mem>>
        %dma_start3A_422 = arith.constant 0 : i32
        %dma_start3A_423 = tpu.memref_slice %arg15[%run_scoped3A_418, %dma_start3A_422] : memref<16x320xi32, #tpu.memory_space<vmem>> -> memref<1x320xi32, #tpu.memory_space<vmem>>
        %dma_start3A_424 = tpu.memref_squeeze %dma_start3A_423 : memref<1x320xi32, #tpu.memory_space<vmem>> -> memref<320xi32, #tpu.memory_space<vmem>>
        %dma_start3A_425 = arith.constant 0 : i32
        %dma_start3A_426 = tpu.memref_slice %arg11[%run_scoped3A, %dma_start3A_425] : memref<16x320xi32, #tpu.memory_space<vmem_shared>> -> memref<1x320xi32, #tpu.memory_space<vmem_shared>>
        %dma_start3A_427 = tpu.memref_squeeze %dma_start3A_426 : memref<1x320xi32, #tpu.memory_space<vmem_shared>> -> memref<320xi32, #tpu.memory_space<vmem_shared>>
        %dma_start3A_428 = arith.constant 0 : i32
        %dma_start3A_429 = tpu.memref_slice %arg15[%run_scoped3A_418, %dma_start3A_428] : memref<16x320xi32, #tpu.memory_space<vmem>> -> memref<1x320xi32, #tpu.memory_space<vmem>>
        %dma_start3A_430 = tpu.memref_squeeze %dma_start3A_429 : memref<1x320xi32, #tpu.memory_space<vmem>> -> memref<320xi32, #tpu.memory_space<vmem>>
        %dma_start3A_431 = arith.constant 0 : i32
        %dma_start3A_432 = tpu.memref_slice %arg11[%run_scoped3A, %dma_start3A_431] : memref<16x320xi32, #tpu.memory_space<vmem_shared>> -> memref<1x320xi32, #tpu.memory_space<vmem_shared>>
        %dma_start3A_433 = tpu.memref_squeeze %dma_start3A_432 : memref<1x320xi32, #tpu.memory_space<vmem_shared>> -> memref<320xi32, #tpu.memory_space<vmem_shared>>
        tpu.enqueue_dma source(%dma_start3A_433 : memref<320xi32, #tpu.memory_space<vmem_shared>>) target(%dma_start3A_430 : memref<320xi32, #tpu.memory_space<vmem>>) target_semaphore(%run_scoped3A_421 : memref<!tpu.dma_semaphore, #tpu.memory_space<semaphore_mem>>)
        %dma_wait3A_434 = arith.constant 0 : i32
        %dma_wait3A_435 = tpu.memref_slice %arg15[%run_scoped3A_418, %dma_wait3A_434] : memref<16x320xi32, #tpu.memory_space<vmem>> -> memref<1x320xi32, #tpu.memory_space<vmem>>
        %dma_wait3A_436 = tpu.memref_squeeze %dma_wait3A_435 : memref<1x320xi32, #tpu.memory_space<vmem>> -> memref<320xi32, #tpu.memory_space<vmem>>
        %dma_wait3A_437 = arith.constant 0 : i32
        %dma_wait3A_438 = tpu.memref_slice %arg11[%run_scoped3A, %dma_wait3A_437] : memref<16x320xi32, #tpu.memory_space<vmem_shared>> -> memref<1x320xi32, #tpu.memory_space<vmem_shared>>
        %dma_wait3A_439 = tpu.memref_squeeze %dma_wait3A_438 : memref<1x320xi32, #tpu.memory_space<vmem_shared>> -> memref<320xi32, #tpu.memory_space<vmem_shared>>
        %dma_wait3A_440 = arith.constant 0 : i32
        %dma_wait3A_441 = tpu.memref_slice %arg15[%run_scoped3A_418, %dma_wait3A_440] : memref<16x320xi32, #tpu.memory_space<vmem>> -> memref<1x320xi32, #tpu.memory_space<vmem>>
        %dma_wait3A_442 = tpu.memref_squeeze %dma_wait3A_441 : memref<1x320xi32, #tpu.memory_space<vmem>> -> memref<320xi32, #tpu.memory_space<vmem>>
        %dma_wait3A_443 = arith.constant 0 : i32
        %dma_wait3A_444 = tpu.memref_slice %arg11[%run_scoped3A, %dma_wait3A_443] : memref<16x320xi32, #tpu.memory_space<vmem_shared>> -> memref<1x320xi32, #tpu.memory_space<vmem_shared>>
        %dma_wait3A_445 = tpu.memref_squeeze %dma_wait3A_444 : memref<1x320xi32, #tpu.memory_space<vmem_shared>> -> memref<320xi32, #tpu.memory_space<vmem_shared>>
        tpu.wait_dma2 semaphore(%run_scoped3A_421 : memref<!tpu.dma_semaphore, #tpu.memory_space<semaphore_mem>>) src(%dma_wait3A_445 : memref<320xi32, #tpu.memory_space<vmem_shared>>) dst(%dma_wait3A_442 : memref<320xi32, #tpu.memory_space<vmem>>)
        tpu.yield
      }) : () -> ()
      %run_scoped3A_419 = arith.constant 3 : i32
      %run_scoped3A_420 = arith.constant 3 : i32
      "tpu.region"() ({
        %run_scoped3A_421 = tpu.sem_alloc : memref<!tpu.dma_semaphore, #tpu.memory_space<semaphore_mem>>
        %dma_start3A_422 = arith.constant 0 : i32
        %dma_start3A_423 = tpu.memref_slice %arg16[%run_scoped3A_420, %dma_start3A_422] : memref<16x320xf32, #tpu.memory_space<vmem>> -> memref<1x320xf32, #tpu.memory_space<vmem>>
        %dma_start3A_424 = tpu.memref_squeeze %dma_start3A_423 : memref<1x320xf32, #tpu.memory_space<vmem>> -> memref<320xf32, #tpu.memory_space<vmem>>
        %dma_start3A_425 = arith.constant 0 : i32
        %dma_start3A_426 = tpu.memref_slice %arg12[%run_scoped3A_419, %dma_start3A_425] : memref<16x320xf32, #tpu.memory_space<vmem_shared>> -> memref<1x320xf32, #tpu.memory_space<vmem_shared>>
        %dma_start3A_427 = tpu.memref_squeeze %dma_start3A_426 : memref<1x320xf32, #tpu.memory_space<vmem_shared>> -> memref<320xf32, #tpu.memory_space<vmem_shared>>
        %dma_start3A_428 = arith.constant 0 : i32
        %dma_start3A_429 = tpu.memref_slice %arg16[%run_scoped3A_420, %dma_start3A_428] : memref<16x320xf32, #tpu.memory_space<vmem>> -> memref<1x320xf32, #tpu.memory_space<vmem>>
        %dma_start3A_430 = tpu.memref_squeeze %dma_start3A_429 : memref<1x320xf32, #tpu.memory_space<vmem>> -> memref<320xf32, #tpu.memory_space<vmem>>
        %dma_start3A_431 = arith.constant 0 : i32
        %dma_start3A_432 = tpu.memref_slice %arg12[%run_scoped3A_419, %dma_start3A_431] : memref<16x320xf32, #tpu.memory_space<vmem_shared>> -> memref<1x320xf32, #tpu.memory_space<vmem_shared>>
        %dma_start3A_433 = tpu.memref_squeeze %dma_start3A_432 : memref<1x320xf32, #tpu.memory_space<vmem_shared>> -> memref<320xf32, #tpu.memory_space<vmem_shared>>
        tpu.enqueue_dma source(%dma_start3A_433 : memref<320xf32, #tpu.memory_space<vmem_shared>>) target(%dma_start3A_430 : memref<320xf32, #tpu.memory_space<vmem>>) target_semaphore(%run_scoped3A_421 : memref<!tpu.dma_semaphore, #tpu.memory_space<semaphore_mem>>)
        %dma_wait3A_434 = arith.constant 0 : i32
        %dma_wait3A_435 = tpu.memref_slice %arg16[%run_scoped3A_420, %dma_wait3A_434] : memref<16x320xf32, #tpu.memory_space<vmem>> -> memref<1x320xf32, #tpu.memory_space<vmem>>
        %dma_wait3A_436 = tpu.memref_squeeze %dma_wait3A_435 : memref<1x320xf32, #tpu.memory_space<vmem>> -> memref<320xf32, #tpu.memory_space<vmem>>
        %dma_wait3A_437 = arith.constant 0 : i32
        %dma_wait3A_438 = tpu.memref_slice %arg12[%run_scoped3A_419, %dma_wait3A_437] : memref<16x320xf32, #tpu.memory_space<vmem_shared>> -> memref<1x320xf32, #tpu.memory_space<vmem_shared>>
        %dma_wait3A_439 = tpu.memref_squeeze %dma_wait3A_438 : memref<1x320xf32, #tpu.memory_space<vmem_shared>> -> memref<320xf32, #tpu.memory_space<vmem_shared>>
        %dma_wait3A_440 = arith.constant 0 : i32
        %dma_wait3A_441 = tpu.memref_slice %arg16[%run_scoped3A_420, %dma_wait3A_440] : memref<16x320xf32, #tpu.memory_space<vmem>> -> memref<1x320xf32, #tpu.memory_space<vmem>>
        %dma_wait3A_442 = tpu.memref_squeeze %dma_wait3A_441 : memref<1x320xf32, #tpu.memory_space<vmem>> -> memref<320xf32, #tpu.memory_space<vmem>>
        %dma_wait3A_443 = arith.constant 0 : i32
        %dma_wait3A_444 = tpu.memref_slice %arg12[%run_scoped3A_419, %dma_wait3A_443] : memref<16x320xf32, #tpu.memory_space<vmem_shared>> -> memref<1x320xf32, #tpu.memory_space<vmem_shared>>
        %dma_wait3A_445 = tpu.memref_squeeze %dma_wait3A_444 : memref<1x320xf32, #tpu.memory_space<vmem_shared>> -> memref<320xf32, #tpu.memory_space<vmem_shared>>
        tpu.wait_dma2 semaphore(%run_scoped3A_421 : memref<!tpu.dma_semaphore, #tpu.memory_space<semaphore_mem>>) src(%dma_wait3A_445 : memref<320xf32, #tpu.memory_space<vmem_shared>>) dst(%dma_wait3A_442 : memref<320xf32, #tpu.memory_space<vmem>>)
        tpu.yield
      }) : () -> ()
    } else {
    }
    %add3A_113 = arith.constant 15 : i32
    %add3A_114 = arith.addi %mul3A_86, %add3A_113 : i32
    %le3A_115 = arith.cmpi sle, %squeeze3A_28, %add3A_114 : i32
    %gt3A_116 = arith.cmpi sgt, %squeeze3A_60, %mul3A_86 : i32
    %and3A_117 = arith.andi %le3A_115, %gt3A_116 : i1
    %convert_element_type3A_118 = arith.extui %and3A_117 : i1 to i32
    %cond3A_119 = arith.constant 0 : i32
    %cond3A_120 = arith.cmpi ne, %convert_element_type3A_118, %cond3A_119 : i32
    scf.if %cond3A_120 {
      %run_scoped3A = arith.constant 4 : i32
      %run_scoped3A_418 = arith.constant 4 : i32
      "tpu.region"() ({
        %run_scoped3A_421 = tpu.sem_alloc : memref<!tpu.dma_semaphore, #tpu.memory_space<semaphore_mem>>
        %dma_start3A_422 = arith.constant 0 : i32
        %dma_start3A_423 = tpu.memref_slice %arg15[%run_scoped3A_418, %dma_start3A_422] : memref<16x320xi32, #tpu.memory_space<vmem>> -> memref<1x320xi32, #tpu.memory_space<vmem>>
        %dma_start3A_424 = tpu.memref_squeeze %dma_start3A_423 : memref<1x320xi32, #tpu.memory_space<vmem>> -> memref<320xi32, #tpu.memory_space<vmem>>
        %dma_start3A_425 = arith.constant 0 : i32
        %dma_start3A_426 = tpu.memref_slice %arg11[%run_scoped3A, %dma_start3A_425] : memref<16x320xi32, #tpu.memory_space<vmem_shared>> -> memref<1x320xi32, #tpu.memory_space<vmem_shared>>
        %dma_start3A_427 = tpu.memref_squeeze %dma_start3A_426 : memref<1x320xi32, #tpu.memory_space<vmem_shared>> -> memref<320xi32, #tpu.memory_space<vmem_shared>>
        %dma_start3A_428 = arith.constant 0 : i32
        %dma_start3A_429 = tpu.memref_slice %arg15[%run_scoped3A_418, %dma_start3A_428] : memref<16x320xi32, #tpu.memory_space<vmem>> -> memref<1x320xi32, #tpu.memory_space<vmem>>
        %dma_start3A_430 = tpu.memref_squeeze %dma_start3A_429 : memref<1x320xi32, #tpu.memory_space<vmem>> -> memref<320xi32, #tpu.memory_space<vmem>>
        %dma_start3A_431 = arith.constant 0 : i32
        %dma_start3A_432 = tpu.memref_slice %arg11[%run_scoped3A, %dma_start3A_431] : memref<16x320xi32, #tpu.memory_space<vmem_shared>> -> memref<1x320xi32, #tpu.memory_space<vmem_shared>>
        %dma_start3A_433 = tpu.memref_squeeze %dma_start3A_432 : memref<1x320xi32, #tpu.memory_space<vmem_shared>> -> memref<320xi32, #tpu.memory_space<vmem_shared>>
        tpu.enqueue_dma source(%dma_start3A_433 : memref<320xi32, #tpu.memory_space<vmem_shared>>) target(%dma_start3A_430 : memref<320xi32, #tpu.memory_space<vmem>>) target_semaphore(%run_scoped3A_421 : memref<!tpu.dma_semaphore, #tpu.memory_space<semaphore_mem>>)
        %dma_wait3A_434 = arith.constant 0 : i32
        %dma_wait3A_435 = tpu.memref_slice %arg15[%run_scoped3A_418, %dma_wait3A_434] : memref<16x320xi32, #tpu.memory_space<vmem>> -> memref<1x320xi32, #tpu.memory_space<vmem>>
        %dma_wait3A_436 = tpu.memref_squeeze %dma_wait3A_435 : memref<1x320xi32, #tpu.memory_space<vmem>> -> memref<320xi32, #tpu.memory_space<vmem>>
        %dma_wait3A_437 = arith.constant 0 : i32
        %dma_wait3A_438 = tpu.memref_slice %arg11[%run_scoped3A, %dma_wait3A_437] : memref<16x320xi32, #tpu.memory_space<vmem_shared>> -> memref<1x320xi32, #tpu.memory_space<vmem_shared>>
        %dma_wait3A_439 = tpu.memref_squeeze %dma_wait3A_438 : memref<1x320xi32, #tpu.memory_space<vmem_shared>> -> memref<320xi32, #tpu.memory_space<vmem_shared>>
        %dma_wait3A_440 = arith.constant 0 : i32
        %dma_wait3A_441 = tpu.memref_slice %arg15[%run_scoped3A_418, %dma_wait3A_440] : memref<16x320xi32, #tpu.memory_space<vmem>> -> memref<1x320xi32, #tpu.memory_space<vmem>>
        %dma_wait3A_442 = tpu.memref_squeeze %dma_wait3A_441 : memref<1x320xi32, #tpu.memory_space<vmem>> -> memref<320xi32, #tpu.memory_space<vmem>>
        %dma_wait3A_443 = arith.constant 0 : i32
        %dma_wait3A_444 = tpu.memref_slice %arg11[%run_scoped3A, %dma_wait3A_443] : memref<16x320xi32, #tpu.memory_space<vmem_shared>> -> memref<1x320xi32, #tpu.memory_space<vmem_shared>>
        %dma_wait3A_445 = tpu.memref_squeeze %dma_wait3A_444 : memref<1x320xi32, #tpu.memory_space<vmem_shared>> -> memref<320xi32, #tpu.memory_space<vmem_shared>>
        tpu.wait_dma2 semaphore(%run_scoped3A_421 : memref<!tpu.dma_semaphore, #tpu.memory_space<semaphore_mem>>) src(%dma_wait3A_445 : memref<320xi32, #tpu.memory_space<vmem_shared>>) dst(%dma_wait3A_442 : memref<320xi32, #tpu.memory_space<vmem>>)
        tpu.yield
      }) : () -> ()
      %run_scoped3A_419 = arith.constant 4 : i32
      %run_scoped3A_420 = arith.constant 4 : i32
      "tpu.region"() ({
        %run_scoped3A_421 = tpu.sem_alloc : memref<!tpu.dma_semaphore, #tpu.memory_space<semaphore_mem>>
        %dma_start3A_422 = arith.constant 0 : i32
        %dma_start3A_423 = tpu.memref_slice %arg16[%run_scoped3A_420, %dma_start3A_422] : memref<16x320xf32, #tpu.memory_space<vmem>> -> memref<1x320xf32, #tpu.memory_space<vmem>>
        %dma_start3A_424 = tpu.memref_squeeze %dma_start3A_423 : memref<1x320xf32, #tpu.memory_space<vmem>> -> memref<320xf32, #tpu.memory_space<vmem>>
        %dma_start3A_425 = arith.constant 0 : i32
        %dma_start3A_426 = tpu.memref_slice %arg12[%run_scoped3A_419, %dma_start3A_425] : memref<16x320xf32, #tpu.memory_space<vmem_shared>> -> memref<1x320xf32, #tpu.memory_space<vmem_shared>>
        %dma_start3A_427 = tpu.memref_squeeze %dma_start3A_426 : memref<1x320xf32, #tpu.memory_space<vmem_shared>> -> memref<320xf32, #tpu.memory_space<vmem_shared>>
        %dma_start3A_428 = arith.constant 0 : i32
        %dma_start3A_429 = tpu.memref_slice %arg16[%run_scoped3A_420, %dma_start3A_428] : memref<16x320xf32, #tpu.memory_space<vmem>> -> memref<1x320xf32, #tpu.memory_space<vmem>>
        %dma_start3A_430 = tpu.memref_squeeze %dma_start3A_429 : memref<1x320xf32, #tpu.memory_space<vmem>> -> memref<320xf32, #tpu.memory_space<vmem>>
        %dma_start3A_431 = arith.constant 0 : i32
        %dma_start3A_432 = tpu.memref_slice %arg12[%run_scoped3A_419, %dma_start3A_431] : memref<16x320xf32, #tpu.memory_space<vmem_shared>> -> memref<1x320xf32, #tpu.memory_space<vmem_shared>>
        %dma_start3A_433 = tpu.memref_squeeze %dma_start3A_432 : memref<1x320xf32, #tpu.memory_space<vmem_shared>> -> memref<320xf32, #tpu.memory_space<vmem_shared>>
        tpu.enqueue_dma source(%dma_start3A_433 : memref<320xf32, #tpu.memory_space<vmem_shared>>) target(%dma_start3A_430 : memref<320xf32, #tpu.memory_space<vmem>>) target_semaphore(%run_scoped3A_421 : memref<!tpu.dma_semaphore, #tpu.memory_space<semaphore_mem>>)
        %dma_wait3A_434 = arith.constant 0 : i32
        %dma_wait3A_435 = tpu.memref_slice %arg16[%run_scoped3A_420, %dma_wait3A_434] : memref<16x320xf32, #tpu.memory_space<vmem>> -> memref<1x320xf32, #tpu.memory_space<vmem>>
        %dma_wait3A_436 = tpu.memref_squeeze %dma_wait3A_435 : memref<1x320xf32, #tpu.memory_space<vmem>> -> memref<320xf32, #tpu.memory_space<vmem>>
        %dma_wait3A_437 = arith.constant 0 : i32
        %dma_wait3A_438 = tpu.memref_slice %arg12[%run_scoped3A_419, %dma_wait3A_437] : memref<16x320xf32, #tpu.memory_space<vmem_shared>> -> memref<1x320xf32, #tpu.memory_space<vmem_shared>>
        %dma_wait3A_439 = tpu.memref_squeeze %dma_wait3A_438 : memref<1x320xf32, #tpu.memory_space<vmem_shared>> -> memref<320xf32, #tpu.memory_space<vmem_shared>>
        %dma_wait3A_440 = arith.constant 0 : i32
        %dma_wait3A_441 = tpu.memref_slice %arg16[%run_scoped3A_420, %dma_wait3A_440] : memref<16x320xf32, #tpu.memory_space<vmem>> -> memref<1x320xf32, #tpu.memory_space<vmem>>
        %dma_wait3A_442 = tpu.memref_squeeze %dma_wait3A_441 : memref<1x320xf32, #tpu.memory_space<vmem>> -> memref<320xf32, #tpu.memory_space<vmem>>
        %dma_wait3A_443 = arith.constant 0 : i32
        %dma_wait3A_444 = tpu.memref_slice %arg12[%run_scoped3A_419, %dma_wait3A_443] : memref<16x320xf32, #tpu.memory_space<vmem_shared>> -> memref<1x320xf32, #tpu.memory_space<vmem_shared>>
        %dma_wait3A_445 = tpu.memref_squeeze %dma_wait3A_444 : memref<1x320xf32, #tpu.memory_space<vmem_shared>> -> memref<320xf32, #tpu.memory_space<vmem_shared>>
        tpu.wait_dma2 semaphore(%run_scoped3A_421 : memref<!tpu.dma_semaphore, #tpu.memory_space<semaphore_mem>>) src(%dma_wait3A_445 : memref<320xf32, #tpu.memory_space<vmem_shared>>) dst(%dma_wait3A_442 : memref<320xf32, #tpu.memory_space<vmem>>)
        tpu.yield
      }) : () -> ()
    } else {
    }
    %add3A_121 = arith.constant 15 : i32
    %add3A_122 = arith.addi %mul3A_86, %add3A_121 : i32
    %le3A_123 = arith.cmpi sle, %squeeze3A_30, %add3A_122 : i32
    %gt3A_124 = arith.cmpi sgt, %squeeze3A_62, %mul3A_86 : i32
    %and3A_125 = arith.andi %le3A_123, %gt3A_124 : i1
    %convert_element_type3A_126 = arith.extui %and3A_125 : i1 to i32
    %cond3A_127 = arith.constant 0 : i32
    %cond3A_128 = arith.cmpi ne, %convert_element_type3A_126, %cond3A_127 : i32
    scf.if %cond3A_128 {
      %run_scoped3A = arith.constant 5 : i32
      %run_scoped3A_418 = arith.constant 5 : i32
      "tpu.region"() ({
        %run_scoped3A_421 = tpu.sem_alloc : memref<!tpu.dma_semaphore, #tpu.memory_space<semaphore_mem>>
        %dma_start3A_422 = arith.constant 0 : i32
        %dma_start3A_423 = tpu.memref_slice %arg15[%run_scoped3A_418, %dma_start3A_422] : memref<16x320xi32, #tpu.memory_space<vmem>> -> memref<1x320xi32, #tpu.memory_space<vmem>>
        %dma_start3A_424 = tpu.memref_squeeze %dma_start3A_423 : memref<1x320xi32, #tpu.memory_space<vmem>> -> memref<320xi32, #tpu.memory_space<vmem>>
        %dma_start3A_425 = arith.constant 0 : i32
        %dma_start3A_426 = tpu.memref_slice %arg11[%run_scoped3A, %dma_start3A_425] : memref<16x320xi32, #tpu.memory_space<vmem_shared>> -> memref<1x320xi32, #tpu.memory_space<vmem_shared>>
        %dma_start3A_427 = tpu.memref_squeeze %dma_start3A_426 : memref<1x320xi32, #tpu.memory_space<vmem_shared>> -> memref<320xi32, #tpu.memory_space<vmem_shared>>
        %dma_start3A_428 = arith.constant 0 : i32
        %dma_start3A_429 = tpu.memref_slice %arg15[%run_scoped3A_418, %dma_start3A_428] : memref<16x320xi32, #tpu.memory_space<vmem>> -> memref<1x320xi32, #tpu.memory_space<vmem>>
        %dma_start3A_430 = tpu.memref_squeeze %dma_start3A_429 : memref<1x320xi32, #tpu.memory_space<vmem>> -> memref<320xi32, #tpu.memory_space<vmem>>
        %dma_start3A_431 = arith.constant 0 : i32
        %dma_start3A_432 = tpu.memref_slice %arg11[%run_scoped3A, %dma_start3A_431] : memref<16x320xi32, #tpu.memory_space<vmem_shared>> -> memref<1x320xi32, #tpu.memory_space<vmem_shared>>
        %dma_start3A_433 = tpu.memref_squeeze %dma_start3A_432 : memref<1x320xi32, #tpu.memory_space<vmem_shared>> -> memref<320xi32, #tpu.memory_space<vmem_shared>>
        tpu.enqueue_dma source(%dma_start3A_433 : memref<320xi32, #tpu.memory_space<vmem_shared>>) target(%dma_start3A_430 : memref<320xi32, #tpu.memory_space<vmem>>) target_semaphore(%run_scoped3A_421 : memref<!tpu.dma_semaphore, #tpu.memory_space<semaphore_mem>>)
        %dma_wait3A_434 = arith.constant 0 : i32
        %dma_wait3A_435 = tpu.memref_slice %arg15[%run_scoped3A_418, %dma_wait3A_434] : memref<16x320xi32, #tpu.memory_space<vmem>> -> memref<1x320xi32, #tpu.memory_space<vmem>>
        %dma_wait3A_436 = tpu.memref_squeeze %dma_wait3A_435 : memref<1x320xi32, #tpu.memory_space<vmem>> -> memref<320xi32, #tpu.memory_space<vmem>>
        %dma_wait3A_437 = arith.constant 0 : i32
        %dma_wait3A_438 = tpu.memref_slice %arg11[%run_scoped3A, %dma_wait3A_437] : memref<16x320xi32, #tpu.memory_space<vmem_shared>> -> memref<1x320xi32, #tpu.memory_space<vmem_shared>>
        %dma_wait3A_439 = tpu.memref_squeeze %dma_wait3A_438 : memref<1x320xi32, #tpu.memory_space<vmem_shared>> -> memref<320xi32, #tpu.memory_space<vmem_shared>>
        %dma_wait3A_440 = arith.constant 0 : i32
        %dma_wait3A_441 = tpu.memref_slice %arg15[%run_scoped3A_418, %dma_wait3A_440] : memref<16x320xi32, #tpu.memory_space<vmem>> -> memref<1x320xi32, #tpu.memory_space<vmem>>
        %dma_wait3A_442 = tpu.memref_squeeze %dma_wait3A_441 : memref<1x320xi32, #tpu.memory_space<vmem>> -> memref<320xi32, #tpu.memory_space<vmem>>
        %dma_wait3A_443 = arith.constant 0 : i32
        %dma_wait3A_444 = tpu.memref_slice %arg11[%run_scoped3A, %dma_wait3A_443] : memref<16x320xi32, #tpu.memory_space<vmem_shared>> -> memref<1x320xi32, #tpu.memory_space<vmem_shared>>
        %dma_wait3A_445 = tpu.memref_squeeze %dma_wait3A_444 : memref<1x320xi32, #tpu.memory_space<vmem_shared>> -> memref<320xi32, #tpu.memory_space<vmem_shared>>
        tpu.wait_dma2 semaphore(%run_scoped3A_421 : memref<!tpu.dma_semaphore, #tpu.memory_space<semaphore_mem>>) src(%dma_wait3A_445 : memref<320xi32, #tpu.memory_space<vmem_shared>>) dst(%dma_wait3A_442 : memref<320xi32, #tpu.memory_space<vmem>>)
        tpu.yield
      }) : () -> ()
      %run_scoped3A_419 = arith.constant 5 : i32
      %run_scoped3A_420 = arith.constant 5 : i32
      "tpu.region"() ({
        %run_scoped3A_421 = tpu.sem_alloc : memref<!tpu.dma_semaphore, #tpu.memory_space<semaphore_mem>>
        %dma_start3A_422 = arith.constant 0 : i32
        %dma_start3A_423 = tpu.memref_slice %arg16[%run_scoped3A_420, %dma_start3A_422] : memref<16x320xf32, #tpu.memory_space<vmem>> -> memref<1x320xf32, #tpu.memory_space<vmem>>
        %dma_start3A_424 = tpu.memref_squeeze %dma_start3A_423 : memref<1x320xf32, #tpu.memory_space<vmem>> -> memref<320xf32, #tpu.memory_space<vmem>>
        %dma_start3A_425 = arith.constant 0 : i32
        %dma_start3A_426 = tpu.memref_slice %arg12[%run_scoped3A_419, %dma_start3A_425] : memref<16x320xf32, #tpu.memory_space<vmem_shared>> -> memref<1x320xf32, #tpu.memory_space<vmem_shared>>
        %dma_start3A_427 = tpu.memref_squeeze %dma_start3A_426 : memref<1x320xf32, #tpu.memory_space<vmem_shared>> -> memref<320xf32, #tpu.memory_space<vmem_shared>>
        %dma_start3A_428 = arith.constant 0 : i32
        %dma_start3A_429 = tpu.memref_slice %arg16[%run_scoped3A_420, %dma_start3A_428] : memref<16x320xf32, #tpu.memory_space<vmem>> -> memref<1x320xf32, #tpu.memory_space<vmem>>
        %dma_start3A_430 = tpu.memref_squeeze %dma_start3A_429 : memref<1x320xf32, #tpu.memory_space<vmem>> -> memref<320xf32, #tpu.memory_space<vmem>>
        %dma_start3A_431 = arith.constant 0 : i32
        %dma_start3A_432 = tpu.memref_slice %arg12[%run_scoped3A_419, %dma_start3A_431] : memref<16x320xf32, #tpu.memory_space<vmem_shared>> -> memref<1x320xf32, #tpu.memory_space<vmem_shared>>
        %dma_start3A_433 = tpu.memref_squeeze %dma_start3A_432 : memref<1x320xf32, #tpu.memory_space<vmem_shared>> -> memref<320xf32, #tpu.memory_space<vmem_shared>>
        tpu.enqueue_dma source(%dma_start3A_433 : memref<320xf32, #tpu.memory_space<vmem_shared>>) target(%dma_start3A_430 : memref<320xf32, #tpu.memory_space<vmem>>) target_semaphore(%run_scoped3A_421 : memref<!tpu.dma_semaphore, #tpu.memory_space<semaphore_mem>>)
        %dma_wait3A_434 = arith.constant 0 : i32
        %dma_wait3A_435 = tpu.memref_slice %arg16[%run_scoped3A_420, %dma_wait3A_434] : memref<16x320xf32, #tpu.memory_space<vmem>> -> memref<1x320xf32, #tpu.memory_space<vmem>>
        %dma_wait3A_436 = tpu.memref_squeeze %dma_wait3A_435 : memref<1x320xf32, #tpu.memory_space<vmem>> -> memref<320xf32, #tpu.memory_space<vmem>>
        %dma_wait3A_437 = arith.constant 0 : i32
        %dma_wait3A_438 = tpu.memref_slice %arg12[%run_scoped3A_419, %dma_wait3A_437] : memref<16x320xf32, #tpu.memory_space<vmem_shared>> -> memref<1x320xf32, #tpu.memory_space<vmem_shared>>
        %dma_wait3A_439 = tpu.memref_squeeze %dma_wait3A_438 : memref<1x320xf32, #tpu.memory_space<vmem_shared>> -> memref<320xf32, #tpu.memory_space<vmem_shared>>
        %dma_wait3A_440 = arith.constant 0 : i32
        %dma_wait3A_441 = tpu.memref_slice %arg16[%run_scoped3A_420, %dma_wait3A_440] : memref<16x320xf32, #tpu.memory_space<vmem>> -> memref<1x320xf32, #tpu.memory_space<vmem>>
        %dma_wait3A_442 = tpu.memref_squeeze %dma_wait3A_441 : memref<1x320xf32, #tpu.memory_space<vmem>> -> memref<320xf32, #tpu.memory_space<vmem>>
        %dma_wait3A_443 = arith.constant 0 : i32
        %dma_wait3A_444 = tpu.memref_slice %arg12[%run_scoped3A_419, %dma_wait3A_443] : memref<16x320xf32, #tpu.memory_space<vmem_shared>> -> memref<1x320xf32, #tpu.memory_space<vmem_shared>>
        %dma_wait3A_445 = tpu.memref_squeeze %dma_wait3A_444 : memref<1x320xf32, #tpu.memory_space<vmem_shared>> -> memref<320xf32, #tpu.memory_space<vmem_shared>>
        tpu.wait_dma2 semaphore(%run_scoped3A_421 : memref<!tpu.dma_semaphore, #tpu.memory_space<semaphore_mem>>) src(%dma_wait3A_445 : memref<320xf32, #tpu.memory_space<vmem_shared>>) dst(%dma_wait3A_442 : memref<320xf32, #tpu.memory_space<vmem>>)
        tpu.yield
      }) : () -> ()
    } else {
    }
    %add3A_129 = arith.constant 15 : i32
    %add3A_130 = arith.addi %mul3A_86, %add3A_129 : i32
    %le3A_131 = arith.cmpi sle, %squeeze3A_32, %add3A_130 : i32
    %gt3A_132 = arith.cmpi sgt, %squeeze3A_64, %mul3A_86 : i32
    %and3A_133 = arith.andi %le3A_131, %gt3A_132 : i1
    %convert_element_type3A_134 = arith.extui %and3A_133 : i1 to i32
    %cond3A_135 = arith.constant 0 : i32
    %cond3A_136 = arith.cmpi ne, %convert_element_type3A_134, %cond3A_135 : i32
    scf.if %cond3A_136 {
      %run_scoped3A = arith.constant 6 : i32
      %run_scoped3A_418 = arith.constant 6 : i32
      "tpu.region"() ({
        %run_scoped3A_421 = tpu.sem_alloc : memref<!tpu.dma_semaphore, #tpu.memory_space<semaphore_mem>>
        %dma_start3A_422 = arith.constant 0 : i32
        %dma_start3A_423 = tpu.memref_slice %arg15[%run_scoped3A_418, %dma_start3A_422] : memref<16x320xi32, #tpu.memory_space<vmem>> -> memref<1x320xi32, #tpu.memory_space<vmem>>
        %dma_start3A_424 = tpu.memref_squeeze %dma_start3A_423 : memref<1x320xi32, #tpu.memory_space<vmem>> -> memref<320xi32, #tpu.memory_space<vmem>>
        %dma_start3A_425 = arith.constant 0 : i32
        %dma_start3A_426 = tpu.memref_slice %arg11[%run_scoped3A, %dma_start3A_425] : memref<16x320xi32, #tpu.memory_space<vmem_shared>> -> memref<1x320xi32, #tpu.memory_space<vmem_shared>>
        %dma_start3A_427 = tpu.memref_squeeze %dma_start3A_426 : memref<1x320xi32, #tpu.memory_space<vmem_shared>> -> memref<320xi32, #tpu.memory_space<vmem_shared>>
        %dma_start3A_428 = arith.constant 0 : i32
        %dma_start3A_429 = tpu.memref_slice %arg15[%run_scoped3A_418, %dma_start3A_428] : memref<16x320xi32, #tpu.memory_space<vmem>> -> memref<1x320xi32, #tpu.memory_space<vmem>>
        %dma_start3A_430 = tpu.memref_squeeze %dma_start3A_429 : memref<1x320xi32, #tpu.memory_space<vmem>> -> memref<320xi32, #tpu.memory_space<vmem>>
        %dma_start3A_431 = arith.constant 0 : i32
        %dma_start3A_432 = tpu.memref_slice %arg11[%run_scoped3A, %dma_start3A_431] : memref<16x320xi32, #tpu.memory_space<vmem_shared>> -> memref<1x320xi32, #tpu.memory_space<vmem_shared>>
        %dma_start3A_433 = tpu.memref_squeeze %dma_start3A_432 : memref<1x320xi32, #tpu.memory_space<vmem_shared>> -> memref<320xi32, #tpu.memory_space<vmem_shared>>
        tpu.enqueue_dma source(%dma_start3A_433 : memref<320xi32, #tpu.memory_space<vmem_shared>>) target(%dma_start3A_430 : memref<320xi32, #tpu.memory_space<vmem>>) target_semaphore(%run_scoped3A_421 : memref<!tpu.dma_semaphore, #tpu.memory_space<semaphore_mem>>)
        %dma_wait3A_434 = arith.constant 0 : i32
        %dma_wait3A_435 = tpu.memref_slice %arg15[%run_scoped3A_418, %dma_wait3A_434] : memref<16x320xi32, #tpu.memory_space<vmem>> -> memref<1x320xi32, #tpu.memory_space<vmem>>
        %dma_wait3A_436 = tpu.memref_squeeze %dma_wait3A_435 : memref<1x320xi32, #tpu.memory_space<vmem>> -> memref<320xi32, #tpu.memory_space<vmem>>
        %dma_wait3A_437 = arith.constant 0 : i32
        %dma_wait3A_438 = tpu.memref_slice %arg11[%run_scoped3A, %dma_wait3A_437] : memref<16x320xi32, #tpu.memory_space<vmem_shared>> -> memref<1x320xi32, #tpu.memory_space<vmem_shared>>
        %dma_wait3A_439 = tpu.memref_squeeze %dma_wait3A_438 : memref<1x320xi32, #tpu.memory_space<vmem_shared>> -> memref<320xi32, #tpu.memory_space<vmem_shared>>
        %dma_wait3A_440 = arith.constant 0 : i32
        %dma_wait3A_441 = tpu.memref_slice %arg15[%run_scoped3A_418, %dma_wait3A_440] : memref<16x320xi32, #tpu.memory_space<vmem>> -> memref<1x320xi32, #tpu.memory_space<vmem>>
        %dma_wait3A_442 = tpu.memref_squeeze %dma_wait3A_441 : memref<1x320xi32, #tpu.memory_space<vmem>> -> memref<320xi32, #tpu.memory_space<vmem>>
        %dma_wait3A_443 = arith.constant 0 : i32
        %dma_wait3A_444 = tpu.memref_slice %arg11[%run_scoped3A, %dma_wait3A_443] : memref<16x320xi32, #tpu.memory_space<vmem_shared>> -> memref<1x320xi32, #tpu.memory_space<vmem_shared>>
        %dma_wait3A_445 = tpu.memref_squeeze %dma_wait3A_444 : memref<1x320xi32, #tpu.memory_space<vmem_shared>> -> memref<320xi32, #tpu.memory_space<vmem_shared>>
        tpu.wait_dma2 semaphore(%run_scoped3A_421 : memref<!tpu.dma_semaphore, #tpu.memory_space<semaphore_mem>>) src(%dma_wait3A_445 : memref<320xi32, #tpu.memory_space<vmem_shared>>) dst(%dma_wait3A_442 : memref<320xi32, #tpu.memory_space<vmem>>)
        tpu.yield
      }) : () -> ()
      %run_scoped3A_419 = arith.constant 6 : i32
      %run_scoped3A_420 = arith.constant 6 : i32
      "tpu.region"() ({
        %run_scoped3A_421 = tpu.sem_alloc : memref<!tpu.dma_semaphore, #tpu.memory_space<semaphore_mem>>
        %dma_start3A_422 = arith.constant 0 : i32
        %dma_start3A_423 = tpu.memref_slice %arg16[%run_scoped3A_420, %dma_start3A_422] : memref<16x320xf32, #tpu.memory_space<vmem>> -> memref<1x320xf32, #tpu.memory_space<vmem>>
        %dma_start3A_424 = tpu.memref_squeeze %dma_start3A_423 : memref<1x320xf32, #tpu.memory_space<vmem>> -> memref<320xf32, #tpu.memory_space<vmem>>
        %dma_start3A_425 = arith.constant 0 : i32
        %dma_start3A_426 = tpu.memref_slice %arg12[%run_scoped3A_419, %dma_start3A_425] : memref<16x320xf32, #tpu.memory_space<vmem_shared>> -> memref<1x320xf32, #tpu.memory_space<vmem_shared>>
        %dma_start3A_427 = tpu.memref_squeeze %dma_start3A_426 : memref<1x320xf32, #tpu.memory_space<vmem_shared>> -> memref<320xf32, #tpu.memory_space<vmem_shared>>
        %dma_start3A_428 = arith.constant 0 : i32
        %dma_start3A_429 = tpu.memref_slice %arg16[%run_scoped3A_420, %dma_start3A_428] : memref<16x320xf32, #tpu.memory_space<vmem>> -> memref<1x320xf32, #tpu.memory_space<vmem>>
        %dma_start3A_430 = tpu.memref_squeeze %dma_start3A_429 : memref<1x320xf32, #tpu.memory_space<vmem>> -> memref<320xf32, #tpu.memory_space<vmem>>
        %dma_start3A_431 = arith.constant 0 : i32
        %dma_start3A_432 = tpu.memref_slice %arg12[%run_scoped3A_419, %dma_start3A_431] : memref<16x320xf32, #tpu.memory_space<vmem_shared>> -> memref<1x320xf32, #tpu.memory_space<vmem_shared>>
        %dma_start3A_433 = tpu.memref_squeeze %dma_start3A_432 : memref<1x320xf32, #tpu.memory_space<vmem_shared>> -> memref<320xf32, #tpu.memory_space<vmem_shared>>
        tpu.enqueue_dma source(%dma_start3A_433 : memref<320xf32, #tpu.memory_space<vmem_shared>>) target(%dma_start3A_430 : memref<320xf32, #tpu.memory_space<vmem>>) target_semaphore(%run_scoped3A_421 : memref<!tpu.dma_semaphore, #tpu.memory_space<semaphore_mem>>)
        %dma_wait3A_434 = arith.constant 0 : i32
        %dma_wait3A_435 = tpu.memref_slice %arg16[%run_scoped3A_420, %dma_wait3A_434] : memref<16x320xf32, #tpu.memory_space<vmem>> -> memref<1x320xf32, #tpu.memory_space<vmem>>
        %dma_wait3A_436 = tpu.memref_squeeze %dma_wait3A_435 : memref<1x320xf32, #tpu.memory_space<vmem>> -> memref<320xf32, #tpu.memory_space<vmem>>
        %dma_wait3A_437 = arith.constant 0 : i32
        %dma_wait3A_438 = tpu.memref_slice %arg12[%run_scoped3A_419, %dma_wait3A_437] : memref<16x320xf32, #tpu.memory_space<vmem_shared>> -> memref<1x320xf32, #tpu.memory_space<vmem_shared>>
        %dma_wait3A_439 = tpu.memref_squeeze %dma_wait3A_438 : memref<1x320xf32, #tpu.memory_space<vmem_shared>> -> memref<320xf32, #tpu.memory_space<vmem_shared>>
        %dma_wait3A_440 = arith.constant 0 : i32
        %dma_wait3A_441 = tpu.memref_slice %arg16[%run_scoped3A_420, %dma_wait3A_440] : memref<16x320xf32, #tpu.memory_space<vmem>> -> memref<1x320xf32, #tpu.memory_space<vmem>>
        %dma_wait3A_442 = tpu.memref_squeeze %dma_wait3A_441 : memref<1x320xf32, #tpu.memory_space<vmem>> -> memref<320xf32, #tpu.memory_space<vmem>>
        %dma_wait3A_443 = arith.constant 0 : i32
        %dma_wait3A_444 = tpu.memref_slice %arg12[%run_scoped3A_419, %dma_wait3A_443] : memref<16x320xf32, #tpu.memory_space<vmem_shared>> -> memref<1x320xf32, #tpu.memory_space<vmem_shared>>
        %dma_wait3A_445 = tpu.memref_squeeze %dma_wait3A_444 : memref<1x320xf32, #tpu.memory_space<vmem_shared>> -> memref<320xf32, #tpu.memory_space<vmem_shared>>
        tpu.wait_dma2 semaphore(%run_scoped3A_421 : memref<!tpu.dma_semaphore, #tpu.memory_space<semaphore_mem>>) src(%dma_wait3A_445 : memref<320xf32, #tpu.memory_space<vmem_shared>>) dst(%dma_wait3A_442 : memref<320xf32, #tpu.memory_space<vmem>>)
        tpu.yield
      }) : () -> ()
    } else {
    }
    %add3A_137 = arith.constant 15 : i32
    %add3A_138 = arith.addi %mul3A_86, %add3A_137 : i32
    %le3A_139 = arith.cmpi sle, %squeeze3A_34, %add3A_138 : i32
    %gt3A_140 = arith.cmpi sgt, %squeeze3A_66, %mul3A_86 : i32
    %and3A_141 = arith.andi %le3A_139, %gt3A_140 : i1
    %convert_element_type3A_142 = arith.extui %and3A_141 : i1 to i32
    %cond3A_143 = arith.constant 0 : i32
    %cond3A_144 = arith.cmpi ne, %convert_element_type3A_142, %cond3A_143 : i32
    scf.if %cond3A_144 {
      %run_scoped3A = arith.constant 7 : i32
      %run_scoped3A_418 = arith.constant 7 : i32
      "tpu.region"() ({
        %run_scoped3A_421 = tpu.sem_alloc : memref<!tpu.dma_semaphore, #tpu.memory_space<semaphore_mem>>
        %dma_start3A_422 = arith.constant 0 : i32
        %dma_start3A_423 = tpu.memref_slice %arg15[%run_scoped3A_418, %dma_start3A_422] : memref<16x320xi32, #tpu.memory_space<vmem>> -> memref<1x320xi32, #tpu.memory_space<vmem>>
        %dma_start3A_424 = tpu.memref_squeeze %dma_start3A_423 : memref<1x320xi32, #tpu.memory_space<vmem>> -> memref<320xi32, #tpu.memory_space<vmem>>
        %dma_start3A_425 = arith.constant 0 : i32
        %dma_start3A_426 = tpu.memref_slice %arg11[%run_scoped3A, %dma_start3A_425] : memref<16x320xi32, #tpu.memory_space<vmem_shared>> -> memref<1x320xi32, #tpu.memory_space<vmem_shared>>
        %dma_start3A_427 = tpu.memref_squeeze %dma_start3A_426 : memref<1x320xi32, #tpu.memory_space<vmem_shared>> -> memref<320xi32, #tpu.memory_space<vmem_shared>>
        %dma_start3A_428 = arith.constant 0 : i32
        %dma_start3A_429 = tpu.memref_slice %arg15[%run_scoped3A_418, %dma_start3A_428] : memref<16x320xi32, #tpu.memory_space<vmem>> -> memref<1x320xi32, #tpu.memory_space<vmem>>
        %dma_start3A_430 = tpu.memref_squeeze %dma_start3A_429 : memref<1x320xi32, #tpu.memory_space<vmem>> -> memref<320xi32, #tpu.memory_space<vmem>>
        %dma_start3A_431 = arith.constant 0 : i32
        %dma_start3A_432 = tpu.memref_slice %arg11[%run_scoped3A, %dma_start3A_431] : memref<16x320xi32, #tpu.memory_space<vmem_shared>> -> memref<1x320xi32, #tpu.memory_space<vmem_shared>>
        %dma_start3A_433 = tpu.memref_squeeze %dma_start3A_432 : memref<1x320xi32, #tpu.memory_space<vmem_shared>> -> memref<320xi32, #tpu.memory_space<vmem_shared>>
        tpu.enqueue_dma source(%dma_start3A_433 : memref<320xi32, #tpu.memory_space<vmem_shared>>) target(%dma_start3A_430 : memref<320xi32, #tpu.memory_space<vmem>>) target_semaphore(%run_scoped3A_421 : memref<!tpu.dma_semaphore, #tpu.memory_space<semaphore_mem>>)
        %dma_wait3A_434 = arith.constant 0 : i32
        %dma_wait3A_435 = tpu.memref_slice %arg15[%run_scoped3A_418, %dma_wait3A_434] : memref<16x320xi32, #tpu.memory_space<vmem>> -> memref<1x320xi32, #tpu.memory_space<vmem>>
        %dma_wait3A_436 = tpu.memref_squeeze %dma_wait3A_435 : memref<1x320xi32, #tpu.memory_space<vmem>> -> memref<320xi32, #tpu.memory_space<vmem>>
        %dma_wait3A_437 = arith.constant 0 : i32
        %dma_wait3A_438 = tpu.memref_slice %arg11[%run_scoped3A, %dma_wait3A_437] : memref<16x320xi32, #tpu.memory_space<vmem_shared>> -> memref<1x320xi32, #tpu.memory_space<vmem_shared>>
        %dma_wait3A_439 = tpu.memref_squeeze %dma_wait3A_438 : memref<1x320xi32, #tpu.memory_space<vmem_shared>> -> memref<320xi32, #tpu.memory_space<vmem_shared>>
        %dma_wait3A_440 = arith.constant 0 : i32
        %dma_wait3A_441 = tpu.memref_slice %arg15[%run_scoped3A_418, %dma_wait3A_440] : memref<16x320xi32, #tpu.memory_space<vmem>> -> memref<1x320xi32, #tpu.memory_space<vmem>>
        %dma_wait3A_442 = tpu.memref_squeeze %dma_wait3A_441 : memref<1x320xi32, #tpu.memory_space<vmem>> -> memref<320xi32, #tpu.memory_space<vmem>>
        %dma_wait3A_443 = arith.constant 0 : i32
        %dma_wait3A_444 = tpu.memref_slice %arg11[%run_scoped3A, %dma_wait3A_443] : memref<16x320xi32, #tpu.memory_space<vmem_shared>> -> memref<1x320xi32, #tpu.memory_space<vmem_shared>>
        %dma_wait3A_445 = tpu.memref_squeeze %dma_wait3A_444 : memref<1x320xi32, #tpu.memory_space<vmem_shared>> -> memref<320xi32, #tpu.memory_space<vmem_shared>>
        tpu.wait_dma2 semaphore(%run_scoped3A_421 : memref<!tpu.dma_semaphore, #tpu.memory_space<semaphore_mem>>) src(%dma_wait3A_445 : memref<320xi32, #tpu.memory_space<vmem_shared>>) dst(%dma_wait3A_442 : memref<320xi32, #tpu.memory_space<vmem>>)
        tpu.yield
      }) : () -> ()
      %run_scoped3A_419 = arith.constant 7 : i32
      %run_scoped3A_420 = arith.constant 7 : i32
      "tpu.region"() ({
        %run_scoped3A_421 = tpu.sem_alloc : memref<!tpu.dma_semaphore, #tpu.memory_space<semaphore_mem>>
        %dma_start3A_422 = arith.constant 0 : i32
        %dma_start3A_423 = tpu.memref_slice %arg16[%run_scoped3A_420, %dma_start3A_422] : memref<16x320xf32, #tpu.memory_space<vmem>> -> memref<1x320xf32, #tpu.memory_space<vmem>>
        %dma_start3A_424 = tpu.memref_squeeze %dma_start3A_423 : memref<1x320xf32, #tpu.memory_space<vmem>> -> memref<320xf32, #tpu.memory_space<vmem>>
        %dma_start3A_425 = arith.constant 0 : i32
        %dma_start3A_426 = tpu.memref_slice %arg12[%run_scoped3A_419, %dma_start3A_425] : memref<16x320xf32, #tpu.memory_space<vmem_shared>> -> memref<1x320xf32, #tpu.memory_space<vmem_shared>>
        %dma_start3A_427 = tpu.memref_squeeze %dma_start3A_426 : memref<1x320xf32, #tpu.memory_space<vmem_shared>> -> memref<320xf32, #tpu.memory_space<vmem_shared>>
        %dma_start3A_428 = arith.constant 0 : i32
        %dma_start3A_429 = tpu.memref_slice %arg16[%run_scoped3A_420, %dma_start3A_428] : memref<16x320xf32, #tpu.memory_space<vmem>> -> memref<1x320xf32, #tpu.memory_space<vmem>>
        %dma_start3A_430 = tpu.memref_squeeze %dma_start3A_429 : memref<1x320xf32, #tpu.memory_space<vmem>> -> memref<320xf32, #tpu.memory_space<vmem>>
        %dma_start3A_431 = arith.constant 0 : i32
        %dma_start3A_432 = tpu.memref_slice %arg12[%run_scoped3A_419, %dma_start3A_431] : memref<16x320xf32, #tpu.memory_space<vmem_shared>> -> memref<1x320xf32, #tpu.memory_space<vmem_shared>>
        %dma_start3A_433 = tpu.memref_squeeze %dma_start3A_432 : memref<1x320xf32, #tpu.memory_space<vmem_shared>> -> memref<320xf32, #tpu.memory_space<vmem_shared>>
        tpu.enqueue_dma source(%dma_start3A_433 : memref<320xf32, #tpu.memory_space<vmem_shared>>) target(%dma_start3A_430 : memref<320xf32, #tpu.memory_space<vmem>>) target_semaphore(%run_scoped3A_421 : memref<!tpu.dma_semaphore, #tpu.memory_space<semaphore_mem>>)
        %dma_wait3A_434 = arith.constant 0 : i32
        %dma_wait3A_435 = tpu.memref_slice %arg16[%run_scoped3A_420, %dma_wait3A_434] : memref<16x320xf32, #tpu.memory_space<vmem>> -> memref<1x320xf32, #tpu.memory_space<vmem>>
        %dma_wait3A_436 = tpu.memref_squeeze %dma_wait3A_435 : memref<1x320xf32, #tpu.memory_space<vmem>> -> memref<320xf32, #tpu.memory_space<vmem>>
        %dma_wait3A_437 = arith.constant 0 : i32
        %dma_wait3A_438 = tpu.memref_slice %arg12[%run_scoped3A_419, %dma_wait3A_437] : memref<16x320xf32, #tpu.memory_space<vmem_shared>> -> memref<1x320xf32, #tpu.memory_space<vmem_shared>>
        %dma_wait3A_439 = tpu.memref_squeeze %dma_wait3A_438 : memref<1x320xf32, #tpu.memory_space<vmem_shared>> -> memref<320xf32, #tpu.memory_space<vmem_shared>>
        %dma_wait3A_440 = arith.constant 0 : i32
        %dma_wait3A_441 = tpu.memref_slice %arg16[%run_scoped3A_420, %dma_wait3A_440] : memref<16x320xf32, #tpu.memory_space<vmem>> -> memref<1x320xf32, #tpu.memory_space<vmem>>
        %dma_wait3A_442 = tpu.memref_squeeze %dma_wait3A_441 : memref<1x320xf32, #tpu.memory_space<vmem>> -> memref<320xf32, #tpu.memory_space<vmem>>
        %dma_wait3A_443 = arith.constant 0 : i32
        %dma_wait3A_444 = tpu.memref_slice %arg12[%run_scoped3A_419, %dma_wait3A_443] : memref<16x320xf32, #tpu.memory_space<vmem_shared>> -> memref<1x320xf32, #tpu.memory_space<vmem_shared>>
        %dma_wait3A_445 = tpu.memref_squeeze %dma_wait3A_444 : memref<1x320xf32, #tpu.memory_space<vmem_shared>> -> memref<320xf32, #tpu.memory_space<vmem_shared>>
        tpu.wait_dma2 semaphore(%run_scoped3A_421 : memref<!tpu.dma_semaphore, #tpu.memory_space<semaphore_mem>>) src(%dma_wait3A_445 : memref<320xf32, #tpu.memory_space<vmem_shared>>) dst(%dma_wait3A_442 : memref<320xf32, #tpu.memory_space<vmem>>)
        tpu.yield
      }) : () -> ()
    } else {
    }
    %add3A_145 = arith.constant 15 : i32
    %add3A_146 = arith.addi %mul3A_86, %add3A_145 : i32
    %le3A_147 = arith.cmpi sle, %squeeze3A_36, %add3A_146 : i32
    %gt3A_148 = arith.cmpi sgt, %squeeze3A_68, %mul3A_86 : i32
    %and3A_149 = arith.andi %le3A_147, %gt3A_148 : i1
    %convert_element_type3A_150 = arith.extui %and3A_149 : i1 to i32
    %cond3A_151 = arith.constant 0 : i32
    %cond3A_152 = arith.cmpi ne, %convert_element_type3A_150, %cond3A_151 : i32
    scf.if %cond3A_152 {
      %run_scoped3A = arith.constant 8 : i32
      %run_scoped3A_418 = arith.constant 8 : i32
      "tpu.region"() ({
        %run_scoped3A_421 = tpu.sem_alloc : memref<!tpu.dma_semaphore, #tpu.memory_space<semaphore_mem>>
        %dma_start3A_422 = arith.constant 0 : i32
        %dma_start3A_423 = tpu.memref_slice %arg15[%run_scoped3A_418, %dma_start3A_422] : memref<16x320xi32, #tpu.memory_space<vmem>> -> memref<1x320xi32, #tpu.memory_space<vmem>>
        %dma_start3A_424 = tpu.memref_squeeze %dma_start3A_423 : memref<1x320xi32, #tpu.memory_space<vmem>> -> memref<320xi32, #tpu.memory_space<vmem>>
        %dma_start3A_425 = arith.constant 0 : i32
        %dma_start3A_426 = tpu.memref_slice %arg11[%run_scoped3A, %dma_start3A_425] : memref<16x320xi32, #tpu.memory_space<vmem_shared>> -> memref<1x320xi32, #tpu.memory_space<vmem_shared>>
        %dma_start3A_427 = tpu.memref_squeeze %dma_start3A_426 : memref<1x320xi32, #tpu.memory_space<vmem_shared>> -> memref<320xi32, #tpu.memory_space<vmem_shared>>
        %dma_start3A_428 = arith.constant 0 : i32
        %dma_start3A_429 = tpu.memref_slice %arg15[%run_scoped3A_418, %dma_start3A_428] : memref<16x320xi32, #tpu.memory_space<vmem>> -> memref<1x320xi32, #tpu.memory_space<vmem>>
        %dma_start3A_430 = tpu.memref_squeeze %dma_start3A_429 : memref<1x320xi32, #tpu.memory_space<vmem>> -> memref<320xi32, #tpu.memory_space<vmem>>
        %dma_start3A_431 = arith.constant 0 : i32
        %dma_start3A_432 = tpu.memref_slice %arg11[%run_scoped3A, %dma_start3A_431] : memref<16x320xi32, #tpu.memory_space<vmem_shared>> -> memref<1x320xi32, #tpu.memory_space<vmem_shared>>
        %dma_start3A_433 = tpu.memref_squeeze %dma_start3A_432 : memref<1x320xi32, #tpu.memory_space<vmem_shared>> -> memref<320xi32, #tpu.memory_space<vmem_shared>>
        tpu.enqueue_dma source(%dma_start3A_433 : memref<320xi32, #tpu.memory_space<vmem_shared>>) target(%dma_start3A_430 : memref<320xi32, #tpu.memory_space<vmem>>) target_semaphore(%run_scoped3A_421 : memref<!tpu.dma_semaphore, #tpu.memory_space<semaphore_mem>>)
        %dma_wait3A_434 = arith.constant 0 : i32
        %dma_wait3A_435 = tpu.memref_slice %arg15[%run_scoped3A_418, %dma_wait3A_434] : memref<16x320xi32, #tpu.memory_space<vmem>> -> memref<1x320xi32, #tpu.memory_space<vmem>>
        %dma_wait3A_436 = tpu.memref_squeeze %dma_wait3A_435 : memref<1x320xi32, #tpu.memory_space<vmem>> -> memref<320xi32, #tpu.memory_space<vmem>>
        %dma_wait3A_437 = arith.constant 0 : i32
        %dma_wait3A_438 = tpu.memref_slice %arg11[%run_scoped3A, %dma_wait3A_437] : memref<16x320xi32, #tpu.memory_space<vmem_shared>> -> memref<1x320xi32, #tpu.memory_space<vmem_shared>>
        %dma_wait3A_439 = tpu.memref_squeeze %dma_wait3A_438 : memref<1x320xi32, #tpu.memory_space<vmem_shared>> -> memref<320xi32, #tpu.memory_space<vmem_shared>>
        %dma_wait3A_440 = arith.constant 0 : i32
        %dma_wait3A_441 = tpu.memref_slice %arg15[%run_scoped3A_418, %dma_wait3A_440] : memref<16x320xi32, #tpu.memory_space<vmem>> -> memref<1x320xi32, #tpu.memory_space<vmem>>
        %dma_wait3A_442 = tpu.memref_squeeze %dma_wait3A_441 : memref<1x320xi32, #tpu.memory_space<vmem>> -> memref<320xi32, #tpu.memory_space<vmem>>
        %dma_wait3A_443 = arith.constant 0 : i32
        %dma_wait3A_444 = tpu.memref_slice %arg11[%run_scoped3A, %dma_wait3A_443] : memref<16x320xi32, #tpu.memory_space<vmem_shared>> -> memref<1x320xi32, #tpu.memory_space<vmem_shared>>
        %dma_wait3A_445 = tpu.memref_squeeze %dma_wait3A_444 : memref<1x320xi32, #tpu.memory_space<vmem_shared>> -> memref<320xi32, #tpu.memory_space<vmem_shared>>
        tpu.wait_dma2 semaphore(%run_scoped3A_421 : memref<!tpu.dma_semaphore, #tpu.memory_space<semaphore_mem>>) src(%dma_wait3A_445 : memref<320xi32, #tpu.memory_space<vmem_shared>>) dst(%dma_wait3A_442 : memref<320xi32, #tpu.memory_space<vmem>>)
        tpu.yield
      }) : () -> ()
      %run_scoped3A_419 = arith.constant 8 : i32
      %run_scoped3A_420 = arith.constant 8 : i32
      "tpu.region"() ({
        %run_scoped3A_421 = tpu.sem_alloc : memref<!tpu.dma_semaphore, #tpu.memory_space<semaphore_mem>>
        %dma_start3A_422 = arith.constant 0 : i32
        %dma_start3A_423 = tpu.memref_slice %arg16[%run_scoped3A_420, %dma_start3A_422] : memref<16x320xf32, #tpu.memory_space<vmem>> -> memref<1x320xf32, #tpu.memory_space<vmem>>
        %dma_start3A_424 = tpu.memref_squeeze %dma_start3A_423 : memref<1x320xf32, #tpu.memory_space<vmem>> -> memref<320xf32, #tpu.memory_space<vmem>>
        %dma_start3A_425 = arith.constant 0 : i32
        %dma_start3A_426 = tpu.memref_slice %arg12[%run_scoped3A_419, %dma_start3A_425] : memref<16x320xf32, #tpu.memory_space<vmem_shared>> -> memref<1x320xf32, #tpu.memory_space<vmem_shared>>
        %dma_start3A_427 = tpu.memref_squeeze %dma_start3A_426 : memref<1x320xf32, #tpu.memory_space<vmem_shared>> -> memref<320xf32, #tpu.memory_space<vmem_shared>>
        %dma_start3A_428 = arith.constant 0 : i32
        %dma_start3A_429 = tpu.memref_slice %arg16[%run_scoped3A_420, %dma_start3A_428] : memref<16x320xf32, #tpu.memory_space<vmem>> -> memref<1x320xf32, #tpu.memory_space<vmem>>
        %dma_start3A_430 = tpu.memref_squeeze %dma_start3A_429 : memref<1x320xf32, #tpu.memory_space<vmem>> -> memref<320xf32, #tpu.memory_space<vmem>>
        %dma_start3A_431 = arith.constant 0 : i32
        %dma_start3A_432 = tpu.memref_slice %arg12[%run_scoped3A_419, %dma_start3A_431] : memref<16x320xf32, #tpu.memory_space<vmem_shared>> -> memref<1x320xf32, #tpu.memory_space<vmem_shared>>
        %dma_start3A_433 = tpu.memref_squeeze %dma_start3A_432 : memref<1x320xf32, #tpu.memory_space<vmem_shared>> -> memref<320xf32, #tpu.memory_space<vmem_shared>>
        tpu.enqueue_dma source(%dma_start3A_433 : memref<320xf32, #tpu.memory_space<vmem_shared>>) target(%dma_start3A_430 : memref<320xf32, #tpu.memory_space<vmem>>) target_semaphore(%run_scoped3A_421 : memref<!tpu.dma_semaphore, #tpu.memory_space<semaphore_mem>>)
        %dma_wait3A_434 = arith.constant 0 : i32
        %dma_wait3A_435 = tpu.memref_slice %arg16[%run_scoped3A_420, %dma_wait3A_434] : memref<16x320xf32, #tpu.memory_space<vmem>> -> memref<1x320xf32, #tpu.memory_space<vmem>>
        %dma_wait3A_436 = tpu.memref_squeeze %dma_wait3A_435 : memref<1x320xf32, #tpu.memory_space<vmem>> -> memref<320xf32, #tpu.memory_space<vmem>>
        %dma_wait3A_437 = arith.constant 0 : i32
        %dma_wait3A_438 = tpu.memref_slice %arg12[%run_scoped3A_419, %dma_wait3A_437] : memref<16x320xf32, #tpu.memory_space<vmem_shared>> -> memref<1x320xf32, #tpu.memory_space<vmem_shared>>
        %dma_wait3A_439 = tpu.memref_squeeze %dma_wait3A_438 : memref<1x320xf32, #tpu.memory_space<vmem_shared>> -> memref<320xf32, #tpu.memory_space<vmem_shared>>
        %dma_wait3A_440 = arith.constant 0 : i32
        %dma_wait3A_441 = tpu.memref_slice %arg16[%run_scoped3A_420, %dma_wait3A_440] : memref<16x320xf32, #tpu.memory_space<vmem>> -> memref<1x320xf32, #tpu.memory_space<vmem>>
        %dma_wait3A_442 = tpu.memref_squeeze %dma_wait3A_441 : memref<1x320xf32, #tpu.memory_space<vmem>> -> memref<320xf32, #tpu.memory_space<vmem>>
        %dma_wait3A_443 = arith.constant 0 : i32
        %dma_wait3A_444 = tpu.memref_slice %arg12[%run_scoped3A_419, %dma_wait3A_443] : memref<16x320xf32, #tpu.memory_space<vmem_shared>> -> memref<1x320xf32, #tpu.memory_space<vmem_shared>>
        %dma_wait3A_445 = tpu.memref_squeeze %dma_wait3A_444 : memref<1x320xf32, #tpu.memory_space<vmem_shared>> -> memref<320xf32, #tpu.memory_space<vmem_shared>>
        tpu.wait_dma2 semaphore(%run_scoped3A_421 : memref<!tpu.dma_semaphore, #tpu.memory_space<semaphore_mem>>) src(%dma_wait3A_445 : memref<320xf32, #tpu.memory_space<vmem_shared>>) dst(%dma_wait3A_442 : memref<320xf32, #tpu.memory_space<vmem>>)
        tpu.yield
      }) : () -> ()
    } else {
    }
    %add3A_153 = arith.constant 15 : i32
    %add3A_154 = arith.addi %mul3A_86, %add3A_153 : i32
    %le3A_155 = arith.cmpi sle, %squeeze3A_38, %add3A_154 : i32
    %gt3A_156 = arith.cmpi sgt, %squeeze3A_70, %mul3A_86 : i32
    %and3A_157 = arith.andi %le3A_155, %gt3A_156 : i1
    %convert_element_type3A_158 = arith.extui %and3A_157 : i1 to i32
    %cond3A_159 = arith.constant 0 : i32
    %cond3A_160 = arith.cmpi ne, %convert_element_type3A_158, %cond3A_159 : i32
    scf.if %cond3A_160 {
      %run_scoped3A = arith.constant 9 : i32
      %run_scoped3A_418 = arith.constant 9 : i32
      "tpu.region"() ({
        %run_scoped3A_421 = tpu.sem_alloc : memref<!tpu.dma_semaphore, #tpu.memory_space<semaphore_mem>>
        %dma_start3A_422 = arith.constant 0 : i32
        %dma_start3A_423 = tpu.memref_slice %arg15[%run_scoped3A_418, %dma_start3A_422] : memref<16x320xi32, #tpu.memory_space<vmem>> -> memref<1x320xi32, #tpu.memory_space<vmem>>
        %dma_start3A_424 = tpu.memref_squeeze %dma_start3A_423 : memref<1x320xi32, #tpu.memory_space<vmem>> -> memref<320xi32, #tpu.memory_space<vmem>>
        %dma_start3A_425 = arith.constant 0 : i32
        %dma_start3A_426 = tpu.memref_slice %arg11[%run_scoped3A, %dma_start3A_425] : memref<16x320xi32, #tpu.memory_space<vmem_shared>> -> memref<1x320xi32, #tpu.memory_space<vmem_shared>>
        %dma_start3A_427 = tpu.memref_squeeze %dma_start3A_426 : memref<1x320xi32, #tpu.memory_space<vmem_shared>> -> memref<320xi32, #tpu.memory_space<vmem_shared>>
        %dma_start3A_428 = arith.constant 0 : i32
        %dma_start3A_429 = tpu.memref_slice %arg15[%run_scoped3A_418, %dma_start3A_428] : memref<16x320xi32, #tpu.memory_space<vmem>> -> memref<1x320xi32, #tpu.memory_space<vmem>>
        %dma_start3A_430 = tpu.memref_squeeze %dma_start3A_429 : memref<1x320xi32, #tpu.memory_space<vmem>> -> memref<320xi32, #tpu.memory_space<vmem>>
        %dma_start3A_431 = arith.constant 0 : i32
        %dma_start3A_432 = tpu.memref_slice %arg11[%run_scoped3A, %dma_start3A_431] : memref<16x320xi32, #tpu.memory_space<vmem_shared>> -> memref<1x320xi32, #tpu.memory_space<vmem_shared>>
        %dma_start3A_433 = tpu.memref_squeeze %dma_start3A_432 : memref<1x320xi32, #tpu.memory_space<vmem_shared>> -> memref<320xi32, #tpu.memory_space<vmem_shared>>
        tpu.enqueue_dma source(%dma_start3A_433 : memref<320xi32, #tpu.memory_space<vmem_shared>>) target(%dma_start3A_430 : memref<320xi32, #tpu.memory_space<vmem>>) target_semaphore(%run_scoped3A_421 : memref<!tpu.dma_semaphore, #tpu.memory_space<semaphore_mem>>)
        %dma_wait3A_434 = arith.constant 0 : i32
        %dma_wait3A_435 = tpu.memref_slice %arg15[%run_scoped3A_418, %dma_wait3A_434] : memref<16x320xi32, #tpu.memory_space<vmem>> -> memref<1x320xi32, #tpu.memory_space<vmem>>
        %dma_wait3A_436 = tpu.memref_squeeze %dma_wait3A_435 : memref<1x320xi32, #tpu.memory_space<vmem>> -> memref<320xi32, #tpu.memory_space<vmem>>
        %dma_wait3A_437 = arith.constant 0 : i32
        %dma_wait3A_438 = tpu.memref_slice %arg11[%run_scoped3A, %dma_wait3A_437] : memref<16x320xi32, #tpu.memory_space<vmem_shared>> -> memref<1x320xi32, #tpu.memory_space<vmem_shared>>
        %dma_wait3A_439 = tpu.memref_squeeze %dma_wait3A_438 : memref<1x320xi32, #tpu.memory_space<vmem_shared>> -> memref<320xi32, #tpu.memory_space<vmem_shared>>
        %dma_wait3A_440 = arith.constant 0 : i32
        %dma_wait3A_441 = tpu.memref_slice %arg15[%run_scoped3A_418, %dma_wait3A_440] : memref<16x320xi32, #tpu.memory_space<vmem>> -> memref<1x320xi32, #tpu.memory_space<vmem>>
        %dma_wait3A_442 = tpu.memref_squeeze %dma_wait3A_441 : memref<1x320xi32, #tpu.memory_space<vmem>> -> memref<320xi32, #tpu.memory_space<vmem>>
        %dma_wait3A_443 = arith.constant 0 : i32
        %dma_wait3A_444 = tpu.memref_slice %arg11[%run_scoped3A, %dma_wait3A_443] : memref<16x320xi32, #tpu.memory_space<vmem_shared>> -> memref<1x320xi32, #tpu.memory_space<vmem_shared>>
        %dma_wait3A_445 = tpu.memref_squeeze %dma_wait3A_444 : memref<1x320xi32, #tpu.memory_space<vmem_shared>> -> memref<320xi32, #tpu.memory_space<vmem_shared>>
        tpu.wait_dma2 semaphore(%run_scoped3A_421 : memref<!tpu.dma_semaphore, #tpu.memory_space<semaphore_mem>>) src(%dma_wait3A_445 : memref<320xi32, #tpu.memory_space<vmem_shared>>) dst(%dma_wait3A_442 : memref<320xi32, #tpu.memory_space<vmem>>)
        tpu.yield
      }) : () -> ()
      %run_scoped3A_419 = arith.constant 9 : i32
      %run_scoped3A_420 = arith.constant 9 : i32
      "tpu.region"() ({
        %run_scoped3A_421 = tpu.sem_alloc : memref<!tpu.dma_semaphore, #tpu.memory_space<semaphore_mem>>
        %dma_start3A_422 = arith.constant 0 : i32
        %dma_start3A_423 = tpu.memref_slice %arg16[%run_scoped3A_420, %dma_start3A_422] : memref<16x320xf32, #tpu.memory_space<vmem>> -> memref<1x320xf32, #tpu.memory_space<vmem>>
        %dma_start3A_424 = tpu.memref_squeeze %dma_start3A_423 : memref<1x320xf32, #tpu.memory_space<vmem>> -> memref<320xf32, #tpu.memory_space<vmem>>
        %dma_start3A_425 = arith.constant 0 : i32
        %dma_start3A_426 = tpu.memref_slice %arg12[%run_scoped3A_419, %dma_start3A_425] : memref<16x320xf32, #tpu.memory_space<vmem_shared>> -> memref<1x320xf32, #tpu.memory_space<vmem_shared>>
        %dma_start3A_427 = tpu.memref_squeeze %dma_start3A_426 : memref<1x320xf32, #tpu.memory_space<vmem_shared>> -> memref<320xf32, #tpu.memory_space<vmem_shared>>
        %dma_start3A_428 = arith.constant 0 : i32
        %dma_start3A_429 = tpu.memref_slice %arg16[%run_scoped3A_420, %dma_start3A_428] : memref<16x320xf32, #tpu.memory_space<vmem>> -> memref<1x320xf32, #tpu.memory_space<vmem>>
        %dma_start3A_430 = tpu.memref_squeeze %dma_start3A_429 : memref<1x320xf32, #tpu.memory_space<vmem>> -> memref<320xf32, #tpu.memory_space<vmem>>
        %dma_start3A_431 = arith.constant 0 : i32
        %dma_start3A_432 = tpu.memref_slice %arg12[%run_scoped3A_419, %dma_start3A_431] : memref<16x320xf32, #tpu.memory_space<vmem_shared>> -> memref<1x320xf32, #tpu.memory_space<vmem_shared>>
        %dma_start3A_433 = tpu.memref_squeeze %dma_start3A_432 : memref<1x320xf32, #tpu.memory_space<vmem_shared>> -> memref<320xf32, #tpu.memory_space<vmem_shared>>
        tpu.enqueue_dma source(%dma_start3A_433 : memref<320xf32, #tpu.memory_space<vmem_shared>>) target(%dma_start3A_430 : memref<320xf32, #tpu.memory_space<vmem>>) target_semaphore(%run_scoped3A_421 : memref<!tpu.dma_semaphore, #tpu.memory_space<semaphore_mem>>)
        %dma_wait3A_434 = arith.constant 0 : i32
        %dma_wait3A_435 = tpu.memref_slice %arg16[%run_scoped3A_420, %dma_wait3A_434] : memref<16x320xf32, #tpu.memory_space<vmem>> -> memref<1x320xf32, #tpu.memory_space<vmem>>
        %dma_wait3A_436 = tpu.memref_squeeze %dma_wait3A_435 : memref<1x320xf32, #tpu.memory_space<vmem>> -> memref<320xf32, #tpu.memory_space<vmem>>
        %dma_wait3A_437 = arith.constant 0 : i32
        %dma_wait3A_438 = tpu.memref_slice %arg12[%run_scoped3A_419, %dma_wait3A_437] : memref<16x320xf32, #tpu.memory_space<vmem_shared>> -> memref<1x320xf32, #tpu.memory_space<vmem_shared>>
        %dma_wait3A_439 = tpu.memref_squeeze %dma_wait3A_438 : memref<1x320xf32, #tpu.memory_space<vmem_shared>> -> memref<320xf32, #tpu.memory_space<vmem_shared>>
        %dma_wait3A_440 = arith.constant 0 : i32
        %dma_wait3A_441 = tpu.memref_slice %arg16[%run_scoped3A_420, %dma_wait3A_440] : memref<16x320xf32, #tpu.memory_space<vmem>> -> memref<1x320xf32, #tpu.memory_space<vmem>>
        %dma_wait3A_442 = tpu.memref_squeeze %dma_wait3A_441 : memref<1x320xf32, #tpu.memory_space<vmem>> -> memref<320xf32, #tpu.memory_space<vmem>>
        %dma_wait3A_443 = arith.constant 0 : i32
        %dma_wait3A_444 = tpu.memref_slice %arg12[%run_scoped3A_419, %dma_wait3A_443] : memref<16x320xf32, #tpu.memory_space<vmem_shared>> -> memref<1x320xf32, #tpu.memory_space<vmem_shared>>
        %dma_wait3A_445 = tpu.memref_squeeze %dma_wait3A_444 : memref<1x320xf32, #tpu.memory_space<vmem_shared>> -> memref<320xf32, #tpu.memory_space<vmem_shared>>
        tpu.wait_dma2 semaphore(%run_scoped3A_421 : memref<!tpu.dma_semaphore, #tpu.memory_space<semaphore_mem>>) src(%dma_wait3A_445 : memref<320xf32, #tpu.memory_space<vmem_shared>>) dst(%dma_wait3A_442 : memref<320xf32, #tpu.memory_space<vmem>>)
        tpu.yield
      }) : () -> ()
    } else {
    }
    %add3A_161 = arith.constant 15 : i32
    %add3A_162 = arith.addi %mul3A_86, %add3A_161 : i32
    %le3A_163 = arith.cmpi sle, %squeeze3A_40, %add3A_162 : i32
    %gt3A_164 = arith.cmpi sgt, %squeeze3A_72, %mul3A_86 : i32
    %and3A_165 = arith.andi %le3A_163, %gt3A_164 : i1
    %convert_element_type3A_166 = arith.extui %and3A_165 : i1 to i32
    %cond3A_167 = arith.constant 0 : i32
    %cond3A_168 = arith.cmpi ne, %convert_element_type3A_166, %cond3A_167 : i32
    scf.if %cond3A_168 {
      %run_scoped3A = arith.constant 10 : i32
      %run_scoped3A_418 = arith.constant 10 : i32
      "tpu.region"() ({
        %run_scoped3A_421 = tpu.sem_alloc : memref<!tpu.dma_semaphore, #tpu.memory_space<semaphore_mem>>
        %dma_start3A_422 = arith.constant 0 : i32
        %dma_start3A_423 = tpu.memref_slice %arg15[%run_scoped3A_418, %dma_start3A_422] : memref<16x320xi32, #tpu.memory_space<vmem>> -> memref<1x320xi32, #tpu.memory_space<vmem>>
        %dma_start3A_424 = tpu.memref_squeeze %dma_start3A_423 : memref<1x320xi32, #tpu.memory_space<vmem>> -> memref<320xi32, #tpu.memory_space<vmem>>
        %dma_start3A_425 = arith.constant 0 : i32
        %dma_start3A_426 = tpu.memref_slice %arg11[%run_scoped3A, %dma_start3A_425] : memref<16x320xi32, #tpu.memory_space<vmem_shared>> -> memref<1x320xi32, #tpu.memory_space<vmem_shared>>
        %dma_start3A_427 = tpu.memref_squeeze %dma_start3A_426 : memref<1x320xi32, #tpu.memory_space<vmem_shared>> -> memref<320xi32, #tpu.memory_space<vmem_shared>>
        %dma_start3A_428 = arith.constant 0 : i32
        %dma_start3A_429 = tpu.memref_slice %arg15[%run_scoped3A_418, %dma_start3A_428] : memref<16x320xi32, #tpu.memory_space<vmem>> -> memref<1x320xi32, #tpu.memory_space<vmem>>
        %dma_start3A_430 = tpu.memref_squeeze %dma_start3A_429 : memref<1x320xi32, #tpu.memory_space<vmem>> -> memref<320xi32, #tpu.memory_space<vmem>>
        %dma_start3A_431 = arith.constant 0 : i32
        %dma_start3A_432 = tpu.memref_slice %arg11[%run_scoped3A, %dma_start3A_431] : memref<16x320xi32, #tpu.memory_space<vmem_shared>> -> memref<1x320xi32, #tpu.memory_space<vmem_shared>>
        %dma_start3A_433 = tpu.memref_squeeze %dma_start3A_432 : memref<1x320xi32, #tpu.memory_space<vmem_shared>> -> memref<320xi32, #tpu.memory_space<vmem_shared>>
        tpu.enqueue_dma source(%dma_start3A_433 : memref<320xi32, #tpu.memory_space<vmem_shared>>) target(%dma_start3A_430 : memref<320xi32, #tpu.memory_space<vmem>>) target_semaphore(%run_scoped3A_421 : memref<!tpu.dma_semaphore, #tpu.memory_space<semaphore_mem>>)
        %dma_wait3A_434 = arith.constant 0 : i32
        %dma_wait3A_435 = tpu.memref_slice %arg15[%run_scoped3A_418, %dma_wait3A_434] : memref<16x320xi32, #tpu.memory_space<vmem>> -> memref<1x320xi32, #tpu.memory_space<vmem>>
        %dma_wait3A_436 = tpu.memref_squeeze %dma_wait3A_435 : memref<1x320xi32, #tpu.memory_space<vmem>> -> memref<320xi32, #tpu.memory_space<vmem>>
        %dma_wait3A_437 = arith.constant 0 : i32
        %dma_wait3A_438 = tpu.memref_slice %arg11[%run_scoped3A, %dma_wait3A_437] : memref<16x320xi32, #tpu.memory_space<vmem_shared>> -> memref<1x320xi32, #tpu.memory_space<vmem_shared>>
        %dma_wait3A_439 = tpu.memref_squeeze %dma_wait3A_438 : memref<1x320xi32, #tpu.memory_space<vmem_shared>> -> memref<320xi32, #tpu.memory_space<vmem_shared>>
        %dma_wait3A_440 = arith.constant 0 : i32
        %dma_wait3A_441 = tpu.memref_slice %arg15[%run_scoped3A_418, %dma_wait3A_440] : memref<16x320xi32, #tpu.memory_space<vmem>> -> memref<1x320xi32, #tpu.memory_space<vmem>>
        %dma_wait3A_442 = tpu.memref_squeeze %dma_wait3A_441 : memref<1x320xi32, #tpu.memory_space<vmem>> -> memref<320xi32, #tpu.memory_space<vmem>>
        %dma_wait3A_443 = arith.constant 0 : i32
        %dma_wait3A_444 = tpu.memref_slice %arg11[%run_scoped3A, %dma_wait3A_443] : memref<16x320xi32, #tpu.memory_space<vmem_shared>> -> memref<1x320xi32, #tpu.memory_space<vmem_shared>>
        %dma_wait3A_445 = tpu.memref_squeeze %dma_wait3A_444 : memref<1x320xi32, #tpu.memory_space<vmem_shared>> -> memref<320xi32, #tpu.memory_space<vmem_shared>>
        tpu.wait_dma2 semaphore(%run_scoped3A_421 : memref<!tpu.dma_semaphore, #tpu.memory_space<semaphore_mem>>) src(%dma_wait3A_445 : memref<320xi32, #tpu.memory_space<vmem_shared>>) dst(%dma_wait3A_442 : memref<320xi32, #tpu.memory_space<vmem>>)
        tpu.yield
      }) : () -> ()
      %run_scoped3A_419 = arith.constant 10 : i32
      %run_scoped3A_420 = arith.constant 10 : i32
      "tpu.region"() ({
        %run_scoped3A_421 = tpu.sem_alloc : memref<!tpu.dma_semaphore, #tpu.memory_space<semaphore_mem>>
        %dma_start3A_422 = arith.constant 0 : i32
        %dma_start3A_423 = tpu.memref_slice %arg16[%run_scoped3A_420, %dma_start3A_422] : memref<16x320xf32, #tpu.memory_space<vmem>> -> memref<1x320xf32, #tpu.memory_space<vmem>>
        %dma_start3A_424 = tpu.memref_squeeze %dma_start3A_423 : memref<1x320xf32, #tpu.memory_space<vmem>> -> memref<320xf32, #tpu.memory_space<vmem>>
        %dma_start3A_425 = arith.constant 0 : i32
        %dma_start3A_426 = tpu.memref_slice %arg12[%run_scoped3A_419, %dma_start3A_425] : memref<16x320xf32, #tpu.memory_space<vmem_shared>> -> memref<1x320xf32, #tpu.memory_space<vmem_shared>>
        %dma_start3A_427 = tpu.memref_squeeze %dma_start3A_426 : memref<1x320xf32, #tpu.memory_space<vmem_shared>> -> memref<320xf32, #tpu.memory_space<vmem_shared>>
        %dma_start3A_428 = arith.constant 0 : i32
        %dma_start3A_429 = tpu.memref_slice %arg16[%run_scoped3A_420, %dma_start3A_428] : memref<16x320xf32, #tpu.memory_space<vmem>> -> memref<1x320xf32, #tpu.memory_space<vmem>>
        %dma_start3A_430 = tpu.memref_squeeze %dma_start3A_429 : memref<1x320xf32, #tpu.memory_space<vmem>> -> memref<320xf32, #tpu.memory_space<vmem>>
        %dma_start3A_431 = arith.constant 0 : i32
        %dma_start3A_432 = tpu.memref_slice %arg12[%run_scoped3A_419, %dma_start3A_431] : memref<16x320xf32, #tpu.memory_space<vmem_shared>> -> memref<1x320xf32, #tpu.memory_space<vmem_shared>>
        %dma_start3A_433 = tpu.memref_squeeze %dma_start3A_432 : memref<1x320xf32, #tpu.memory_space<vmem_shared>> -> memref<320xf32, #tpu.memory_space<vmem_shared>>
        tpu.enqueue_dma source(%dma_start3A_433 : memref<320xf32, #tpu.memory_space<vmem_shared>>) target(%dma_start3A_430 : memref<320xf32, #tpu.memory_space<vmem>>) target_semaphore(%run_scoped3A_421 : memref<!tpu.dma_semaphore, #tpu.memory_space<semaphore_mem>>)
        %dma_wait3A_434 = arith.constant 0 : i32
        %dma_wait3A_435 = tpu.memref_slice %arg16[%run_scoped3A_420, %dma_wait3A_434] : memref<16x320xf32, #tpu.memory_space<vmem>> -> memref<1x320xf32, #tpu.memory_space<vmem>>
        %dma_wait3A_436 = tpu.memref_squeeze %dma_wait3A_435 : memref<1x320xf32, #tpu.memory_space<vmem>> -> memref<320xf32, #tpu.memory_space<vmem>>
        %dma_wait3A_437 = arith.constant 0 : i32
        %dma_wait3A_438 = tpu.memref_slice %arg12[%run_scoped3A_419, %dma_wait3A_437] : memref<16x320xf32, #tpu.memory_space<vmem_shared>> -> memref<1x320xf32, #tpu.memory_space<vmem_shared>>
        %dma_wait3A_439 = tpu.memref_squeeze %dma_wait3A_438 : memref<1x320xf32, #tpu.memory_space<vmem_shared>> -> memref<320xf32, #tpu.memory_space<vmem_shared>>
        %dma_wait3A_440 = arith.constant 0 : i32
        %dma_wait3A_441 = tpu.memref_slice %arg16[%run_scoped3A_420, %dma_wait3A_440] : memref<16x320xf32, #tpu.memory_space<vmem>> -> memref<1x320xf32, #tpu.memory_space<vmem>>
        %dma_wait3A_442 = tpu.memref_squeeze %dma_wait3A_441 : memref<1x320xf32, #tpu.memory_space<vmem>> -> memref<320xf32, #tpu.memory_space<vmem>>
        %dma_wait3A_443 = arith.constant 0 : i32
        %dma_wait3A_444 = tpu.memref_slice %arg12[%run_scoped3A_419, %dma_wait3A_443] : memref<16x320xf32, #tpu.memory_space<vmem_shared>> -> memref<1x320xf32, #tpu.memory_space<vmem_shared>>
        %dma_wait3A_445 = tpu.memref_squeeze %dma_wait3A_444 : memref<1x320xf32, #tpu.memory_space<vmem_shared>> -> memref<320xf32, #tpu.memory_space<vmem_shared>>
        tpu.wait_dma2 semaphore(%run_scoped3A_421 : memref<!tpu.dma_semaphore, #tpu.memory_space<semaphore_mem>>) src(%dma_wait3A_445 : memref<320xf32, #tpu.memory_space<vmem_shared>>) dst(%dma_wait3A_442 : memref<320xf32, #tpu.memory_space<vmem>>)
        tpu.yield
      }) : () -> ()
    } else {
    }
    %add3A_169 = arith.constant 15 : i32
    %add3A_170 = arith.addi %mul3A_86, %add3A_169 : i32
    %le3A_171 = arith.cmpi sle, %squeeze3A_42, %add3A_170 : i32
    %gt3A_172 = arith.cmpi sgt, %squeeze3A_74, %mul3A_86 : i32
    %and3A_173 = arith.andi %le3A_171, %gt3A_172 : i1
    %convert_element_type3A_174 = arith.extui %and3A_173 : i1 to i32
    %cond3A_175 = arith.constant 0 : i32
    %cond3A_176 = arith.cmpi ne, %convert_element_type3A_174, %cond3A_175 : i32
    scf.if %cond3A_176 {
      %run_scoped3A = arith.constant 11 : i32
      %run_scoped3A_418 = arith.constant 11 : i32
      "tpu.region"() ({
        %run_scoped3A_421 = tpu.sem_alloc : memref<!tpu.dma_semaphore, #tpu.memory_space<semaphore_mem>>
        %dma_start3A_422 = arith.constant 0 : i32
        %dma_start3A_423 = tpu.memref_slice %arg15[%run_scoped3A_418, %dma_start3A_422] : memref<16x320xi32, #tpu.memory_space<vmem>> -> memref<1x320xi32, #tpu.memory_space<vmem>>
        %dma_start3A_424 = tpu.memref_squeeze %dma_start3A_423 : memref<1x320xi32, #tpu.memory_space<vmem>> -> memref<320xi32, #tpu.memory_space<vmem>>
        %dma_start3A_425 = arith.constant 0 : i32
        %dma_start3A_426 = tpu.memref_slice %arg11[%run_scoped3A, %dma_start3A_425] : memref<16x320xi32, #tpu.memory_space<vmem_shared>> -> memref<1x320xi32, #tpu.memory_space<vmem_shared>>
        %dma_start3A_427 = tpu.memref_squeeze %dma_start3A_426 : memref<1x320xi32, #tpu.memory_space<vmem_shared>> -> memref<320xi32, #tpu.memory_space<vmem_shared>>
        %dma_start3A_428 = arith.constant 0 : i32
        %dma_start3A_429 = tpu.memref_slice %arg15[%run_scoped3A_418, %dma_start3A_428] : memref<16x320xi32, #tpu.memory_space<vmem>> -> memref<1x320xi32, #tpu.memory_space<vmem>>
        %dma_start3A_430 = tpu.memref_squeeze %dma_start3A_429 : memref<1x320xi32, #tpu.memory_space<vmem>> -> memref<320xi32, #tpu.memory_space<vmem>>
        %dma_start3A_431 = arith.constant 0 : i32
        %dma_start3A_432 = tpu.memref_slice %arg11[%run_scoped3A, %dma_start3A_431] : memref<16x320xi32, #tpu.memory_space<vmem_shared>> -> memref<1x320xi32, #tpu.memory_space<vmem_shared>>
        %dma_start3A_433 = tpu.memref_squeeze %dma_start3A_432 : memref<1x320xi32, #tpu.memory_space<vmem_shared>> -> memref<320xi32, #tpu.memory_space<vmem_shared>>
        tpu.enqueue_dma source(%dma_start3A_433 : memref<320xi32, #tpu.memory_space<vmem_shared>>) target(%dma_start3A_430 : memref<320xi32, #tpu.memory_space<vmem>>) target_semaphore(%run_scoped3A_421 : memref<!tpu.dma_semaphore, #tpu.memory_space<semaphore_mem>>)
        %dma_wait3A_434 = arith.constant 0 : i32
        %dma_wait3A_435 = tpu.memref_slice %arg15[%run_scoped3A_418, %dma_wait3A_434] : memref<16x320xi32, #tpu.memory_space<vmem>> -> memref<1x320xi32, #tpu.memory_space<vmem>>
        %dma_wait3A_436 = tpu.memref_squeeze %dma_wait3A_435 : memref<1x320xi32, #tpu.memory_space<vmem>> -> memref<320xi32, #tpu.memory_space<vmem>>
        %dma_wait3A_437 = arith.constant 0 : i32
        %dma_wait3A_438 = tpu.memref_slice %arg11[%run_scoped3A, %dma_wait3A_437] : memref<16x320xi32, #tpu.memory_space<vmem_shared>> -> memref<1x320xi32, #tpu.memory_space<vmem_shared>>
        %dma_wait3A_439 = tpu.memref_squeeze %dma_wait3A_438 : memref<1x320xi32, #tpu.memory_space<vmem_shared>> -> memref<320xi32, #tpu.memory_space<vmem_shared>>
        %dma_wait3A_440 = arith.constant 0 : i32
        %dma_wait3A_441 = tpu.memref_slice %arg15[%run_scoped3A_418, %dma_wait3A_440] : memref<16x320xi32, #tpu.memory_space<vmem>> -> memref<1x320xi32, #tpu.memory_space<vmem>>
        %dma_wait3A_442 = tpu.memref_squeeze %dma_wait3A_441 : memref<1x320xi32, #tpu.memory_space<vmem>> -> memref<320xi32, #tpu.memory_space<vmem>>
        %dma_wait3A_443 = arith.constant 0 : i32
        %dma_wait3A_444 = tpu.memref_slice %arg11[%run_scoped3A, %dma_wait3A_443] : memref<16x320xi32, #tpu.memory_space<vmem_shared>> -> memref<1x320xi32, #tpu.memory_space<vmem_shared>>
        %dma_wait3A_445 = tpu.memref_squeeze %dma_wait3A_444 : memref<1x320xi32, #tpu.memory_space<vmem_shared>> -> memref<320xi32, #tpu.memory_space<vmem_shared>>
        tpu.wait_dma2 semaphore(%run_scoped3A_421 : memref<!tpu.dma_semaphore, #tpu.memory_space<semaphore_mem>>) src(%dma_wait3A_445 : memref<320xi32, #tpu.memory_space<vmem_shared>>) dst(%dma_wait3A_442 : memref<320xi32, #tpu.memory_space<vmem>>)
        tpu.yield
      }) : () -> ()
      %run_scoped3A_419 = arith.constant 11 : i32
      %run_scoped3A_420 = arith.constant 11 : i32
      "tpu.region"() ({
        %run_scoped3A_421 = tpu.sem_alloc : memref<!tpu.dma_semaphore, #tpu.memory_space<semaphore_mem>>
        %dma_start3A_422 = arith.constant 0 : i32
        %dma_start3A_423 = tpu.memref_slice %arg16[%run_scoped3A_420, %dma_start3A_422] : memref<16x320xf32, #tpu.memory_space<vmem>> -> memref<1x320xf32, #tpu.memory_space<vmem>>
        %dma_start3A_424 = tpu.memref_squeeze %dma_start3A_423 : memref<1x320xf32, #tpu.memory_space<vmem>> -> memref<320xf32, #tpu.memory_space<vmem>>
        %dma_start3A_425 = arith.constant 0 : i32
        %dma_start3A_426 = tpu.memref_slice %arg12[%run_scoped3A_419, %dma_start3A_425] : memref<16x320xf32, #tpu.memory_space<vmem_shared>> -> memref<1x320xf32, #tpu.memory_space<vmem_shared>>
        %dma_start3A_427 = tpu.memref_squeeze %dma_start3A_426 : memref<1x320xf32, #tpu.memory_space<vmem_shared>> -> memref<320xf32, #tpu.memory_space<vmem_shared>>
        %dma_start3A_428 = arith.constant 0 : i32
        %dma_start3A_429 = tpu.memref_slice %arg16[%run_scoped3A_420, %dma_start3A_428] : memref<16x320xf32, #tpu.memory_space<vmem>> -> memref<1x320xf32, #tpu.memory_space<vmem>>
        %dma_start3A_430 = tpu.memref_squeeze %dma_start3A_429 : memref<1x320xf32, #tpu.memory_space<vmem>> -> memref<320xf32, #tpu.memory_space<vmem>>
        %dma_start3A_431 = arith.constant 0 : i32
        %dma_start3A_432 = tpu.memref_slice %arg12[%run_scoped3A_419, %dma_start3A_431] : memref<16x320xf32, #tpu.memory_space<vmem_shared>> -> memref<1x320xf32, #tpu.memory_space<vmem_shared>>
        %dma_start3A_433 = tpu.memref_squeeze %dma_start3A_432 : memref<1x320xf32, #tpu.memory_space<vmem_shared>> -> memref<320xf32, #tpu.memory_space<vmem_shared>>
        tpu.enqueue_dma source(%dma_start3A_433 : memref<320xf32, #tpu.memory_space<vmem_shared>>) target(%dma_start3A_430 : memref<320xf32, #tpu.memory_space<vmem>>) target_semaphore(%run_scoped3A_421 : memref<!tpu.dma_semaphore, #tpu.memory_space<semaphore_mem>>)
        %dma_wait3A_434 = arith.constant 0 : i32
        %dma_wait3A_435 = tpu.memref_slice %arg16[%run_scoped3A_420, %dma_wait3A_434] : memref<16x320xf32, #tpu.memory_space<vmem>> -> memref<1x320xf32, #tpu.memory_space<vmem>>
        %dma_wait3A_436 = tpu.memref_squeeze %dma_wait3A_435 : memref<1x320xf32, #tpu.memory_space<vmem>> -> memref<320xf32, #tpu.memory_space<vmem>>
        %dma_wait3A_437 = arith.constant 0 : i32
        %dma_wait3A_438 = tpu.memref_slice %arg12[%run_scoped3A_419, %dma_wait3A_437] : memref<16x320xf32, #tpu.memory_space<vmem_shared>> -> memref<1x320xf32, #tpu.memory_space<vmem_shared>>
        %dma_wait3A_439 = tpu.memref_squeeze %dma_wait3A_438 : memref<1x320xf32, #tpu.memory_space<vmem_shared>> -> memref<320xf32, #tpu.memory_space<vmem_shared>>
        %dma_wait3A_440 = arith.constant 0 : i32
        %dma_wait3A_441 = tpu.memref_slice %arg16[%run_scoped3A_420, %dma_wait3A_440] : memref<16x320xf32, #tpu.memory_space<vmem>> -> memref<1x320xf32, #tpu.memory_space<vmem>>
        %dma_wait3A_442 = tpu.memref_squeeze %dma_wait3A_441 : memref<1x320xf32, #tpu.memory_space<vmem>> -> memref<320xf32, #tpu.memory_space<vmem>>
        %dma_wait3A_443 = arith.constant 0 : i32
        %dma_wait3A_444 = tpu.memref_slice %arg12[%run_scoped3A_419, %dma_wait3A_443] : memref<16x320xf32, #tpu.memory_space<vmem_shared>> -> memref<1x320xf32, #tpu.memory_space<vmem_shared>>
        %dma_wait3A_445 = tpu.memref_squeeze %dma_wait3A_444 : memref<1x320xf32, #tpu.memory_space<vmem_shared>> -> memref<320xf32, #tpu.memory_space<vmem_shared>>
        tpu.wait_dma2 semaphore(%run_scoped3A_421 : memref<!tpu.dma_semaphore, #tpu.memory_space<semaphore_mem>>) src(%dma_wait3A_445 : memref<320xf32, #tpu.memory_space<vmem_shared>>) dst(%dma_wait3A_442 : memref<320xf32, #tpu.memory_space<vmem>>)
        tpu.yield
      }) : () -> ()
    } else {
    }
    %add3A_177 = arith.constant 15 : i32
    %add3A_178 = arith.addi %mul3A_86, %add3A_177 : i32
    %le3A_179 = arith.cmpi sle, %squeeze3A_44, %add3A_178 : i32
    %gt3A_180 = arith.cmpi sgt, %squeeze3A_76, %mul3A_86 : i32
    %and3A_181 = arith.andi %le3A_179, %gt3A_180 : i1
    %convert_element_type3A_182 = arith.extui %and3A_181 : i1 to i32
    %cond3A_183 = arith.constant 0 : i32
    %cond3A_184 = arith.cmpi ne, %convert_element_type3A_182, %cond3A_183 : i32
    scf.if %cond3A_184 {
      %run_scoped3A = arith.constant 12 : i32
      %run_scoped3A_418 = arith.constant 12 : i32
      "tpu.region"() ({
        %run_scoped3A_421 = tpu.sem_alloc : memref<!tpu.dma_semaphore, #tpu.memory_space<semaphore_mem>>
        %dma_start3A_422 = arith.constant 0 : i32
        %dma_start3A_423 = tpu.memref_slice %arg15[%run_scoped3A_418, %dma_start3A_422] : memref<16x320xi32, #tpu.memory_space<vmem>> -> memref<1x320xi32, #tpu.memory_space<vmem>>
        %dma_start3A_424 = tpu.memref_squeeze %dma_start3A_423 : memref<1x320xi32, #tpu.memory_space<vmem>> -> memref<320xi32, #tpu.memory_space<vmem>>
        %dma_start3A_425 = arith.constant 0 : i32
        %dma_start3A_426 = tpu.memref_slice %arg11[%run_scoped3A, %dma_start3A_425] : memref<16x320xi32, #tpu.memory_space<vmem_shared>> -> memref<1x320xi32, #tpu.memory_space<vmem_shared>>
        %dma_start3A_427 = tpu.memref_squeeze %dma_start3A_426 : memref<1x320xi32, #tpu.memory_space<vmem_shared>> -> memref<320xi32, #tpu.memory_space<vmem_shared>>
        %dma_start3A_428 = arith.constant 0 : i32
        %dma_start3A_429 = tpu.memref_slice %arg15[%run_scoped3A_418, %dma_start3A_428] : memref<16x320xi32, #tpu.memory_space<vmem>> -> memref<1x320xi32, #tpu.memory_space<vmem>>
        %dma_start3A_430 = tpu.memref_squeeze %dma_start3A_429 : memref<1x320xi32, #tpu.memory_space<vmem>> -> memref<320xi32, #tpu.memory_space<vmem>>
        %dma_start3A_431 = arith.constant 0 : i32
        %dma_start3A_432 = tpu.memref_slice %arg11[%run_scoped3A, %dma_start3A_431] : memref<16x320xi32, #tpu.memory_space<vmem_shared>> -> memref<1x320xi32, #tpu.memory_space<vmem_shared>>
        %dma_start3A_433 = tpu.memref_squeeze %dma_start3A_432 : memref<1x320xi32, #tpu.memory_space<vmem_shared>> -> memref<320xi32, #tpu.memory_space<vmem_shared>>
        tpu.enqueue_dma source(%dma_start3A_433 : memref<320xi32, #tpu.memory_space<vmem_shared>>) target(%dma_start3A_430 : memref<320xi32, #tpu.memory_space<vmem>>) target_semaphore(%run_scoped3A_421 : memref<!tpu.dma_semaphore, #tpu.memory_space<semaphore_mem>>)
        %dma_wait3A_434 = arith.constant 0 : i32
        %dma_wait3A_435 = tpu.memref_slice %arg15[%run_scoped3A_418, %dma_wait3A_434] : memref<16x320xi32, #tpu.memory_space<vmem>> -> memref<1x320xi32, #tpu.memory_space<vmem>>
        %dma_wait3A_436 = tpu.memref_squeeze %dma_wait3A_435 : memref<1x320xi32, #tpu.memory_space<vmem>> -> memref<320xi32, #tpu.memory_space<vmem>>
        %dma_wait3A_437 = arith.constant 0 : i32
        %dma_wait3A_438 = tpu.memref_slice %arg11[%run_scoped3A, %dma_wait3A_437] : memref<16x320xi32, #tpu.memory_space<vmem_shared>> -> memref<1x320xi32, #tpu.memory_space<vmem_shared>>
        %dma_wait3A_439 = tpu.memref_squeeze %dma_wait3A_438 : memref<1x320xi32, #tpu.memory_space<vmem_shared>> -> memref<320xi32, #tpu.memory_space<vmem_shared>>
        %dma_wait3A_440 = arith.constant 0 : i32
        %dma_wait3A_441 = tpu.memref_slice %arg15[%run_scoped3A_418, %dma_wait3A_440] : memref<16x320xi32, #tpu.memory_space<vmem>> -> memref<1x320xi32, #tpu.memory_space<vmem>>
        %dma_wait3A_442 = tpu.memref_squeeze %dma_wait3A_441 : memref<1x320xi32, #tpu.memory_space<vmem>> -> memref<320xi32, #tpu.memory_space<vmem>>
        %dma_wait3A_443 = arith.constant 0 : i32
        %dma_wait3A_444 = tpu.memref_slice %arg11[%run_scoped3A, %dma_wait3A_443] : memref<16x320xi32, #tpu.memory_space<vmem_shared>> -> memref<1x320xi32, #tpu.memory_space<vmem_shared>>
        %dma_wait3A_445 = tpu.memref_squeeze %dma_wait3A_444 : memref<1x320xi32, #tpu.memory_space<vmem_shared>> -> memref<320xi32, #tpu.memory_space<vmem_shared>>
        tpu.wait_dma2 semaphore(%run_scoped3A_421 : memref<!tpu.dma_semaphore, #tpu.memory_space<semaphore_mem>>) src(%dma_wait3A_445 : memref<320xi32, #tpu.memory_space<vmem_shared>>) dst(%dma_wait3A_442 : memref<320xi32, #tpu.memory_space<vmem>>)
        tpu.yield
      }) : () -> ()
      %run_scoped3A_419 = arith.constant 12 : i32
      %run_scoped3A_420 = arith.constant 12 : i32
      "tpu.region"() ({
        %run_scoped3A_421 = tpu.sem_alloc : memref<!tpu.dma_semaphore, #tpu.memory_space<semaphore_mem>>
        %dma_start3A_422 = arith.constant 0 : i32
        %dma_start3A_423 = tpu.memref_slice %arg16[%run_scoped3A_420, %dma_start3A_422] : memref<16x320xf32, #tpu.memory_space<vmem>> -> memref<1x320xf32, #tpu.memory_space<vmem>>
        %dma_start3A_424 = tpu.memref_squeeze %dma_start3A_423 : memref<1x320xf32, #tpu.memory_space<vmem>> -> memref<320xf32, #tpu.memory_space<vmem>>
        %dma_start3A_425 = arith.constant 0 : i32
        %dma_start3A_426 = tpu.memref_slice %arg12[%run_scoped3A_419, %dma_start3A_425] : memref<16x320xf32, #tpu.memory_space<vmem_shared>> -> memref<1x320xf32, #tpu.memory_space<vmem_shared>>
        %dma_start3A_427 = tpu.memref_squeeze %dma_start3A_426 : memref<1x320xf32, #tpu.memory_space<vmem_shared>> -> memref<320xf32, #tpu.memory_space<vmem_shared>>
        %dma_start3A_428 = arith.constant 0 : i32
        %dma_start3A_429 = tpu.memref_slice %arg16[%run_scoped3A_420, %dma_start3A_428] : memref<16x320xf32, #tpu.memory_space<vmem>> -> memref<1x320xf32, #tpu.memory_space<vmem>>
        %dma_start3A_430 = tpu.memref_squeeze %dma_start3A_429 : memref<1x320xf32, #tpu.memory_space<vmem>> -> memref<320xf32, #tpu.memory_space<vmem>>
        %dma_start3A_431 = arith.constant 0 : i32
        %dma_start3A_432 = tpu.memref_slice %arg12[%run_scoped3A_419, %dma_start3A_431] : memref<16x320xf32, #tpu.memory_space<vmem_shared>> -> memref<1x320xf32, #tpu.memory_space<vmem_shared>>
        %dma_start3A_433 = tpu.memref_squeeze %dma_start3A_432 : memref<1x320xf32, #tpu.memory_space<vmem_shared>> -> memref<320xf32, #tpu.memory_space<vmem_shared>>
        tpu.enqueue_dma source(%dma_start3A_433 : memref<320xf32, #tpu.memory_space<vmem_shared>>) target(%dma_start3A_430 : memref<320xf32, #tpu.memory_space<vmem>>) target_semaphore(%run_scoped3A_421 : memref<!tpu.dma_semaphore, #tpu.memory_space<semaphore_mem>>)
        %dma_wait3A_434 = arith.constant 0 : i32
        %dma_wait3A_435 = tpu.memref_slice %arg16[%run_scoped3A_420, %dma_wait3A_434] : memref<16x320xf32, #tpu.memory_space<vmem>> -> memref<1x320xf32, #tpu.memory_space<vmem>>
        %dma_wait3A_436 = tpu.memref_squeeze %dma_wait3A_435 : memref<1x320xf32, #tpu.memory_space<vmem>> -> memref<320xf32, #tpu.memory_space<vmem>>
        %dma_wait3A_437 = arith.constant 0 : i32
        %dma_wait3A_438 = tpu.memref_slice %arg12[%run_scoped3A_419, %dma_wait3A_437] : memref<16x320xf32, #tpu.memory_space<vmem_shared>> -> memref<1x320xf32, #tpu.memory_space<vmem_shared>>
        %dma_wait3A_439 = tpu.memref_squeeze %dma_wait3A_438 : memref<1x320xf32, #tpu.memory_space<vmem_shared>> -> memref<320xf32, #tpu.memory_space<vmem_shared>>
        %dma_wait3A_440 = arith.constant 0 : i32
        %dma_wait3A_441 = tpu.memref_slice %arg16[%run_scoped3A_420, %dma_wait3A_440] : memref<16x320xf32, #tpu.memory_space<vmem>> -> memref<1x320xf32, #tpu.memory_space<vmem>>
        %dma_wait3A_442 = tpu.memref_squeeze %dma_wait3A_441 : memref<1x320xf32, #tpu.memory_space<vmem>> -> memref<320xf32, #tpu.memory_space<vmem>>
        %dma_wait3A_443 = arith.constant 0 : i32
        %dma_wait3A_444 = tpu.memref_slice %arg12[%run_scoped3A_419, %dma_wait3A_443] : memref<16x320xf32, #tpu.memory_space<vmem_shared>> -> memref<1x320xf32, #tpu.memory_space<vmem_shared>>
        %dma_wait3A_445 = tpu.memref_squeeze %dma_wait3A_444 : memref<1x320xf32, #tpu.memory_space<vmem_shared>> -> memref<320xf32, #tpu.memory_space<vmem_shared>>
        tpu.wait_dma2 semaphore(%run_scoped3A_421 : memref<!tpu.dma_semaphore, #tpu.memory_space<semaphore_mem>>) src(%dma_wait3A_445 : memref<320xf32, #tpu.memory_space<vmem_shared>>) dst(%dma_wait3A_442 : memref<320xf32, #tpu.memory_space<vmem>>)
        tpu.yield
      }) : () -> ()
    } else {
    }
    %add3A_185 = arith.constant 15 : i32
    %add3A_186 = arith.addi %mul3A_86, %add3A_185 : i32
    %le3A_187 = arith.cmpi sle, %squeeze3A_46, %add3A_186 : i32
    %gt3A_188 = arith.cmpi sgt, %squeeze3A_78, %mul3A_86 : i32
    %and3A_189 = arith.andi %le3A_187, %gt3A_188 : i1
    %convert_element_type3A_190 = arith.extui %and3A_189 : i1 to i32
    %cond3A_191 = arith.constant 0 : i32
    %cond3A_192 = arith.cmpi ne, %convert_element_type3A_190, %cond3A_191 : i32
    scf.if %cond3A_192 {
      %run_scoped3A = arith.constant 13 : i32
      %run_scoped3A_418 = arith.constant 13 : i32
      "tpu.region"() ({
        %run_scoped3A_421 = tpu.sem_alloc : memref<!tpu.dma_semaphore, #tpu.memory_space<semaphore_mem>>
        %dma_start3A_422 = arith.constant 0 : i32
        %dma_start3A_423 = tpu.memref_slice %arg15[%run_scoped3A_418, %dma_start3A_422] : memref<16x320xi32, #tpu.memory_space<vmem>> -> memref<1x320xi32, #tpu.memory_space<vmem>>
        %dma_start3A_424 = tpu.memref_squeeze %dma_start3A_423 : memref<1x320xi32, #tpu.memory_space<vmem>> -> memref<320xi32, #tpu.memory_space<vmem>>
        %dma_start3A_425 = arith.constant 0 : i32
        %dma_start3A_426 = tpu.memref_slice %arg11[%run_scoped3A, %dma_start3A_425] : memref<16x320xi32, #tpu.memory_space<vmem_shared>> -> memref<1x320xi32, #tpu.memory_space<vmem_shared>>
        %dma_start3A_427 = tpu.memref_squeeze %dma_start3A_426 : memref<1x320xi32, #tpu.memory_space<vmem_shared>> -> memref<320xi32, #tpu.memory_space<vmem_shared>>
        %dma_start3A_428 = arith.constant 0 : i32
        %dma_start3A_429 = tpu.memref_slice %arg15[%run_scoped3A_418, %dma_start3A_428] : memref<16x320xi32, #tpu.memory_space<vmem>> -> memref<1x320xi32, #tpu.memory_space<vmem>>
        %dma_start3A_430 = tpu.memref_squeeze %dma_start3A_429 : memref<1x320xi32, #tpu.memory_space<vmem>> -> memref<320xi32, #tpu.memory_space<vmem>>
        %dma_start3A_431 = arith.constant 0 : i32
        %dma_start3A_432 = tpu.memref_slice %arg11[%run_scoped3A, %dma_start3A_431] : memref<16x320xi32, #tpu.memory_space<vmem_shared>> -> memref<1x320xi32, #tpu.memory_space<vmem_shared>>
        %dma_start3A_433 = tpu.memref_squeeze %dma_start3A_432 : memref<1x320xi32, #tpu.memory_space<vmem_shared>> -> memref<320xi32, #tpu.memory_space<vmem_shared>>
        tpu.enqueue_dma source(%dma_start3A_433 : memref<320xi32, #tpu.memory_space<vmem_shared>>) target(%dma_start3A_430 : memref<320xi32, #tpu.memory_space<vmem>>) target_semaphore(%run_scoped3A_421 : memref<!tpu.dma_semaphore, #tpu.memory_space<semaphore_mem>>)
        %dma_wait3A_434 = arith.constant 0 : i32
        %dma_wait3A_435 = tpu.memref_slice %arg15[%run_scoped3A_418, %dma_wait3A_434] : memref<16x320xi32, #tpu.memory_space<vmem>> -> memref<1x320xi32, #tpu.memory_space<vmem>>
        %dma_wait3A_436 = tpu.memref_squeeze %dma_wait3A_435 : memref<1x320xi32, #tpu.memory_space<vmem>> -> memref<320xi32, #tpu.memory_space<vmem>>
        %dma_wait3A_437 = arith.constant 0 : i32
        %dma_wait3A_438 = tpu.memref_slice %arg11[%run_scoped3A, %dma_wait3A_437] : memref<16x320xi32, #tpu.memory_space<vmem_shared>> -> memref<1x320xi32, #tpu.memory_space<vmem_shared>>
        %dma_wait3A_439 = tpu.memref_squeeze %dma_wait3A_438 : memref<1x320xi32, #tpu.memory_space<vmem_shared>> -> memref<320xi32, #tpu.memory_space<vmem_shared>>
        %dma_wait3A_440 = arith.constant 0 : i32
        %dma_wait3A_441 = tpu.memref_slice %arg15[%run_scoped3A_418, %dma_wait3A_440] : memref<16x320xi32, #tpu.memory_space<vmem>> -> memref<1x320xi32, #tpu.memory_space<vmem>>
        %dma_wait3A_442 = tpu.memref_squeeze %dma_wait3A_441 : memref<1x320xi32, #tpu.memory_space<vmem>> -> memref<320xi32, #tpu.memory_space<vmem>>
        %dma_wait3A_443 = arith.constant 0 : i32
        %dma_wait3A_444 = tpu.memref_slice %arg11[%run_scoped3A, %dma_wait3A_443] : memref<16x320xi32, #tpu.memory_space<vmem_shared>> -> memref<1x320xi32, #tpu.memory_space<vmem_shared>>
        %dma_wait3A_445 = tpu.memref_squeeze %dma_wait3A_444 : memref<1x320xi32, #tpu.memory_space<vmem_shared>> -> memref<320xi32, #tpu.memory_space<vmem_shared>>
        tpu.wait_dma2 semaphore(%run_scoped3A_421 : memref<!tpu.dma_semaphore, #tpu.memory_space<semaphore_mem>>) src(%dma_wait3A_445 : memref<320xi32, #tpu.memory_space<vmem_shared>>) dst(%dma_wait3A_442 : memref<320xi32, #tpu.memory_space<vmem>>)
        tpu.yield
      }) : () -> ()
      %run_scoped3A_419 = arith.constant 13 : i32
      %run_scoped3A_420 = arith.constant 13 : i32
      "tpu.region"() ({
        %run_scoped3A_421 = tpu.sem_alloc : memref<!tpu.dma_semaphore, #tpu.memory_space<semaphore_mem>>
        %dma_start3A_422 = arith.constant 0 : i32
        %dma_start3A_423 = tpu.memref_slice %arg16[%run_scoped3A_420, %dma_start3A_422] : memref<16x320xf32, #tpu.memory_space<vmem>> -> memref<1x320xf32, #tpu.memory_space<vmem>>
        %dma_start3A_424 = tpu.memref_squeeze %dma_start3A_423 : memref<1x320xf32, #tpu.memory_space<vmem>> -> memref<320xf32, #tpu.memory_space<vmem>>
        %dma_start3A_425 = arith.constant 0 : i32
        %dma_start3A_426 = tpu.memref_slice %arg12[%run_scoped3A_419, %dma_start3A_425] : memref<16x320xf32, #tpu.memory_space<vmem_shared>> -> memref<1x320xf32, #tpu.memory_space<vmem_shared>>
        %dma_start3A_427 = tpu.memref_squeeze %dma_start3A_426 : memref<1x320xf32, #tpu.memory_space<vmem_shared>> -> memref<320xf32, #tpu.memory_space<vmem_shared>>
        %dma_start3A_428 = arith.constant 0 : i32
        %dma_start3A_429 = tpu.memref_slice %arg16[%run_scoped3A_420, %dma_start3A_428] : memref<16x320xf32, #tpu.memory_space<vmem>> -> memref<1x320xf32, #tpu.memory_space<vmem>>
        %dma_start3A_430 = tpu.memref_squeeze %dma_start3A_429 : memref<1x320xf32, #tpu.memory_space<vmem>> -> memref<320xf32, #tpu.memory_space<vmem>>
        %dma_start3A_431 = arith.constant 0 : i32
        %dma_start3A_432 = tpu.memref_slice %arg12[%run_scoped3A_419, %dma_start3A_431] : memref<16x320xf32, #tpu.memory_space<vmem_shared>> -> memref<1x320xf32, #tpu.memory_space<vmem_shared>>
        %dma_start3A_433 = tpu.memref_squeeze %dma_start3A_432 : memref<1x320xf32, #tpu.memory_space<vmem_shared>> -> memref<320xf32, #tpu.memory_space<vmem_shared>>
        tpu.enqueue_dma source(%dma_start3A_433 : memref<320xf32, #tpu.memory_space<vmem_shared>>) target(%dma_start3A_430 : memref<320xf32, #tpu.memory_space<vmem>>) target_semaphore(%run_scoped3A_421 : memref<!tpu.dma_semaphore, #tpu.memory_space<semaphore_mem>>)
        %dma_wait3A_434 = arith.constant 0 : i32
        %dma_wait3A_435 = tpu.memref_slice %arg16[%run_scoped3A_420, %dma_wait3A_434] : memref<16x320xf32, #tpu.memory_space<vmem>> -> memref<1x320xf32, #tpu.memory_space<vmem>>
        %dma_wait3A_436 = tpu.memref_squeeze %dma_wait3A_435 : memref<1x320xf32, #tpu.memory_space<vmem>> -> memref<320xf32, #tpu.memory_space<vmem>>
        %dma_wait3A_437 = arith.constant 0 : i32
        %dma_wait3A_438 = tpu.memref_slice %arg12[%run_scoped3A_419, %dma_wait3A_437] : memref<16x320xf32, #tpu.memory_space<vmem_shared>> -> memref<1x320xf32, #tpu.memory_space<vmem_shared>>
        %dma_wait3A_439 = tpu.memref_squeeze %dma_wait3A_438 : memref<1x320xf32, #tpu.memory_space<vmem_shared>> -> memref<320xf32, #tpu.memory_space<vmem_shared>>
        %dma_wait3A_440 = arith.constant 0 : i32
        %dma_wait3A_441 = tpu.memref_slice %arg16[%run_scoped3A_420, %dma_wait3A_440] : memref<16x320xf32, #tpu.memory_space<vmem>> -> memref<1x320xf32, #tpu.memory_space<vmem>>
        %dma_wait3A_442 = tpu.memref_squeeze %dma_wait3A_441 : memref<1x320xf32, #tpu.memory_space<vmem>> -> memref<320xf32, #tpu.memory_space<vmem>>
        %dma_wait3A_443 = arith.constant 0 : i32
        %dma_wait3A_444 = tpu.memref_slice %arg12[%run_scoped3A_419, %dma_wait3A_443] : memref<16x320xf32, #tpu.memory_space<vmem_shared>> -> memref<1x320xf32, #tpu.memory_space<vmem_shared>>
        %dma_wait3A_445 = tpu.memref_squeeze %dma_wait3A_444 : memref<1x320xf32, #tpu.memory_space<vmem_shared>> -> memref<320xf32, #tpu.memory_space<vmem_shared>>
        tpu.wait_dma2 semaphore(%run_scoped3A_421 : memref<!tpu.dma_semaphore, #tpu.memory_space<semaphore_mem>>) src(%dma_wait3A_445 : memref<320xf32, #tpu.memory_space<vmem_shared>>) dst(%dma_wait3A_442 : memref<320xf32, #tpu.memory_space<vmem>>)
        tpu.yield
      }) : () -> ()
    } else {
    }
    %add3A_193 = arith.constant 15 : i32
    %add3A_194 = arith.addi %mul3A_86, %add3A_193 : i32
    %le3A_195 = arith.cmpi sle, %squeeze3A_48, %add3A_194 : i32
    %gt3A_196 = arith.cmpi sgt, %squeeze3A_80, %mul3A_86 : i32
    %and3A_197 = arith.andi %le3A_195, %gt3A_196 : i1
    %convert_element_type3A_198 = arith.extui %and3A_197 : i1 to i32
    %cond3A_199 = arith.constant 0 : i32
    %cond3A_200 = arith.cmpi ne, %convert_element_type3A_198, %cond3A_199 : i32
    scf.if %cond3A_200 {
      %run_scoped3A = arith.constant 14 : i32
      %run_scoped3A_418 = arith.constant 14 : i32
      "tpu.region"() ({
        %run_scoped3A_421 = tpu.sem_alloc : memref<!tpu.dma_semaphore, #tpu.memory_space<semaphore_mem>>
        %dma_start3A_422 = arith.constant 0 : i32
        %dma_start3A_423 = tpu.memref_slice %arg15[%run_scoped3A_418, %dma_start3A_422] : memref<16x320xi32, #tpu.memory_space<vmem>> -> memref<1x320xi32, #tpu.memory_space<vmem>>
        %dma_start3A_424 = tpu.memref_squeeze %dma_start3A_423 : memref<1x320xi32, #tpu.memory_space<vmem>> -> memref<320xi32, #tpu.memory_space<vmem>>
        %dma_start3A_425 = arith.constant 0 : i32
        %dma_start3A_426 = tpu.memref_slice %arg11[%run_scoped3A, %dma_start3A_425] : memref<16x320xi32, #tpu.memory_space<vmem_shared>> -> memref<1x320xi32, #tpu.memory_space<vmem_shared>>
        %dma_start3A_427 = tpu.memref_squeeze %dma_start3A_426 : memref<1x320xi32, #tpu.memory_space<vmem_shared>> -> memref<320xi32, #tpu.memory_space<vmem_shared>>
        %dma_start3A_428 = arith.constant 0 : i32
        %dma_start3A_429 = tpu.memref_slice %arg15[%run_scoped3A_418, %dma_start3A_428] : memref<16x320xi32, #tpu.memory_space<vmem>> -> memref<1x320xi32, #tpu.memory_space<vmem>>
        %dma_start3A_430 = tpu.memref_squeeze %dma_start3A_429 : memref<1x320xi32, #tpu.memory_space<vmem>> -> memref<320xi32, #tpu.memory_space<vmem>>
        %dma_start3A_431 = arith.constant 0 : i32
        %dma_start3A_432 = tpu.memref_slice %arg11[%run_scoped3A, %dma_start3A_431] : memref<16x320xi32, #tpu.memory_space<vmem_shared>> -> memref<1x320xi32, #tpu.memory_space<vmem_shared>>
        %dma_start3A_433 = tpu.memref_squeeze %dma_start3A_432 : memref<1x320xi32, #tpu.memory_space<vmem_shared>> -> memref<320xi32, #tpu.memory_space<vmem_shared>>
        tpu.enqueue_dma source(%dma_start3A_433 : memref<320xi32, #tpu.memory_space<vmem_shared>>) target(%dma_start3A_430 : memref<320xi32, #tpu.memory_space<vmem>>) target_semaphore(%run_scoped3A_421 : memref<!tpu.dma_semaphore, #tpu.memory_space<semaphore_mem>>)
        %dma_wait3A_434 = arith.constant 0 : i32
        %dma_wait3A_435 = tpu.memref_slice %arg15[%run_scoped3A_418, %dma_wait3A_434] : memref<16x320xi32, #tpu.memory_space<vmem>> -> memref<1x320xi32, #tpu.memory_space<vmem>>
        %dma_wait3A_436 = tpu.memref_squeeze %dma_wait3A_435 : memref<1x320xi32, #tpu.memory_space<vmem>> -> memref<320xi32, #tpu.memory_space<vmem>>
        %dma_wait3A_437 = arith.constant 0 : i32
        %dma_wait3A_438 = tpu.memref_slice %arg11[%run_scoped3A, %dma_wait3A_437] : memref<16x320xi32, #tpu.memory_space<vmem_shared>> -> memref<1x320xi32, #tpu.memory_space<vmem_shared>>
        %dma_wait3A_439 = tpu.memref_squeeze %dma_wait3A_438 : memref<1x320xi32, #tpu.memory_space<vmem_shared>> -> memref<320xi32, #tpu.memory_space<vmem_shared>>
        %dma_wait3A_440 = arith.constant 0 : i32
        %dma_wait3A_441 = tpu.memref_slice %arg15[%run_scoped3A_418, %dma_wait3A_440] : memref<16x320xi32, #tpu.memory_space<vmem>> -> memref<1x320xi32, #tpu.memory_space<vmem>>
        %dma_wait3A_442 = tpu.memref_squeeze %dma_wait3A_441 : memref<1x320xi32, #tpu.memory_space<vmem>> -> memref<320xi32, #tpu.memory_space<vmem>>
        %dma_wait3A_443 = arith.constant 0 : i32
        %dma_wait3A_444 = tpu.memref_slice %arg11[%run_scoped3A, %dma_wait3A_443] : memref<16x320xi32, #tpu.memory_space<vmem_shared>> -> memref<1x320xi32, #tpu.memory_space<vmem_shared>>
        %dma_wait3A_445 = tpu.memref_squeeze %dma_wait3A_444 : memref<1x320xi32, #tpu.memory_space<vmem_shared>> -> memref<320xi32, #tpu.memory_space<vmem_shared>>
        tpu.wait_dma2 semaphore(%run_scoped3A_421 : memref<!tpu.dma_semaphore, #tpu.memory_space<semaphore_mem>>) src(%dma_wait3A_445 : memref<320xi32, #tpu.memory_space<vmem_shared>>) dst(%dma_wait3A_442 : memref<320xi32, #tpu.memory_space<vmem>>)
        tpu.yield
      }) : () -> ()
      %run_scoped3A_419 = arith.constant 14 : i32
      %run_scoped3A_420 = arith.constant 14 : i32
      "tpu.region"() ({
        %run_scoped3A_421 = tpu.sem_alloc : memref<!tpu.dma_semaphore, #tpu.memory_space<semaphore_mem>>
        %dma_start3A_422 = arith.constant 0 : i32
        %dma_start3A_423 = tpu.memref_slice %arg16[%run_scoped3A_420, %dma_start3A_422] : memref<16x320xf32, #tpu.memory_space<vmem>> -> memref<1x320xf32, #tpu.memory_space<vmem>>
        %dma_start3A_424 = tpu.memref_squeeze %dma_start3A_423 : memref<1x320xf32, #tpu.memory_space<vmem>> -> memref<320xf32, #tpu.memory_space<vmem>>
        %dma_start3A_425 = arith.constant 0 : i32
        %dma_start3A_426 = tpu.memref_slice %arg12[%run_scoped3A_419, %dma_start3A_425] : memref<16x320xf32, #tpu.memory_space<vmem_shared>> -> memref<1x320xf32, #tpu.memory_space<vmem_shared>>
        %dma_start3A_427 = tpu.memref_squeeze %dma_start3A_426 : memref<1x320xf32, #tpu.memory_space<vmem_shared>> -> memref<320xf32, #tpu.memory_space<vmem_shared>>
        %dma_start3A_428 = arith.constant 0 : i32
        %dma_start3A_429 = tpu.memref_slice %arg16[%run_scoped3A_420, %dma_start3A_428] : memref<16x320xf32, #tpu.memory_space<vmem>> -> memref<1x320xf32, #tpu.memory_space<vmem>>
        %dma_start3A_430 = tpu.memref_squeeze %dma_start3A_429 : memref<1x320xf32, #tpu.memory_space<vmem>> -> memref<320xf32, #tpu.memory_space<vmem>>
        %dma_start3A_431 = arith.constant 0 : i32
        %dma_start3A_432 = tpu.memref_slice %arg12[%run_scoped3A_419, %dma_start3A_431] : memref<16x320xf32, #tpu.memory_space<vmem_shared>> -> memref<1x320xf32, #tpu.memory_space<vmem_shared>>
        %dma_start3A_433 = tpu.memref_squeeze %dma_start3A_432 : memref<1x320xf32, #tpu.memory_space<vmem_shared>> -> memref<320xf32, #tpu.memory_space<vmem_shared>>
        tpu.enqueue_dma source(%dma_start3A_433 : memref<320xf32, #tpu.memory_space<vmem_shared>>) target(%dma_start3A_430 : memref<320xf32, #tpu.memory_space<vmem>>) target_semaphore(%run_scoped3A_421 : memref<!tpu.dma_semaphore, #tpu.memory_space<semaphore_mem>>)
        %dma_wait3A_434 = arith.constant 0 : i32
        %dma_wait3A_435 = tpu.memref_slice %arg16[%run_scoped3A_420, %dma_wait3A_434] : memref<16x320xf32, #tpu.memory_space<vmem>> -> memref<1x320xf32, #tpu.memory_space<vmem>>
        %dma_wait3A_436 = tpu.memref_squeeze %dma_wait3A_435 : memref<1x320xf32, #tpu.memory_space<vmem>> -> memref<320xf32, #tpu.memory_space<vmem>>
        %dma_wait3A_437 = arith.constant 0 : i32
        %dma_wait3A_438 = tpu.memref_slice %arg12[%run_scoped3A_419, %dma_wait3A_437] : memref<16x320xf32, #tpu.memory_space<vmem_shared>> -> memref<1x320xf32, #tpu.memory_space<vmem_shared>>
        %dma_wait3A_439 = tpu.memref_squeeze %dma_wait3A_438 : memref<1x320xf32, #tpu.memory_space<vmem_shared>> -> memref<320xf32, #tpu.memory_space<vmem_shared>>
        %dma_wait3A_440 = arith.constant 0 : i32
        %dma_wait3A_441 = tpu.memref_slice %arg16[%run_scoped3A_420, %dma_wait3A_440] : memref<16x320xf32, #tpu.memory_space<vmem>> -> memref<1x320xf32, #tpu.memory_space<vmem>>
        %dma_wait3A_442 = tpu.memref_squeeze %dma_wait3A_441 : memref<1x320xf32, #tpu.memory_space<vmem>> -> memref<320xf32, #tpu.memory_space<vmem>>
        %dma_wait3A_443 = arith.constant 0 : i32
        %dma_wait3A_444 = tpu.memref_slice %arg12[%run_scoped3A_419, %dma_wait3A_443] : memref<16x320xf32, #tpu.memory_space<vmem_shared>> -> memref<1x320xf32, #tpu.memory_space<vmem_shared>>
        %dma_wait3A_445 = tpu.memref_squeeze %dma_wait3A_444 : memref<1x320xf32, #tpu.memory_space<vmem_shared>> -> memref<320xf32, #tpu.memory_space<vmem_shared>>
        tpu.wait_dma2 semaphore(%run_scoped3A_421 : memref<!tpu.dma_semaphore, #tpu.memory_space<semaphore_mem>>) src(%dma_wait3A_445 : memref<320xf32, #tpu.memory_space<vmem_shared>>) dst(%dma_wait3A_442 : memref<320xf32, #tpu.memory_space<vmem>>)
        tpu.yield
      }) : () -> ()
    } else {
    }
    %add3A_201 = arith.constant 15 : i32
    %add3A_202 = arith.addi %mul3A_86, %add3A_201 : i32
    %le3A_203 = arith.cmpi sle, %squeeze3A_50, %add3A_202 : i32
    %gt3A_204 = arith.cmpi sgt, %squeeze3A_82, %mul3A_86 : i32
    %and3A_205 = arith.andi %le3A_203, %gt3A_204 : i1
    %convert_element_type3A_206 = arith.extui %and3A_205 : i1 to i32
    %cond3A_207 = arith.constant 0 : i32
    %cond3A_208 = arith.cmpi ne, %convert_element_type3A_206, %cond3A_207 : i32
    scf.if %cond3A_208 {
      %run_scoped3A = arith.constant 15 : i32
      %run_scoped3A_418 = arith.constant 15 : i32
      "tpu.region"() ({
        %run_scoped3A_421 = tpu.sem_alloc : memref<!tpu.dma_semaphore, #tpu.memory_space<semaphore_mem>>
        %dma_start3A_422 = arith.constant 0 : i32
        %dma_start3A_423 = tpu.memref_slice %arg15[%run_scoped3A_418, %dma_start3A_422] : memref<16x320xi32, #tpu.memory_space<vmem>> -> memref<1x320xi32, #tpu.memory_space<vmem>>
        %dma_start3A_424 = tpu.memref_squeeze %dma_start3A_423 : memref<1x320xi32, #tpu.memory_space<vmem>> -> memref<320xi32, #tpu.memory_space<vmem>>
        %dma_start3A_425 = arith.constant 0 : i32
        %dma_start3A_426 = tpu.memref_slice %arg11[%run_scoped3A, %dma_start3A_425] : memref<16x320xi32, #tpu.memory_space<vmem_shared>> -> memref<1x320xi32, #tpu.memory_space<vmem_shared>>
        %dma_start3A_427 = tpu.memref_squeeze %dma_start3A_426 : memref<1x320xi32, #tpu.memory_space<vmem_shared>> -> memref<320xi32, #tpu.memory_space<vmem_shared>>
        %dma_start3A_428 = arith.constant 0 : i32
        %dma_start3A_429 = tpu.memref_slice %arg15[%run_scoped3A_418, %dma_start3A_428] : memref<16x320xi32, #tpu.memory_space<vmem>> -> memref<1x320xi32, #tpu.memory_space<vmem>>
        %dma_start3A_430 = tpu.memref_squeeze %dma_start3A_429 : memref<1x320xi32, #tpu.memory_space<vmem>> -> memref<320xi32, #tpu.memory_space<vmem>>
        %dma_start3A_431 = arith.constant 0 : i32
        %dma_start3A_432 = tpu.memref_slice %arg11[%run_scoped3A, %dma_start3A_431] : memref<16x320xi32, #tpu.memory_space<vmem_shared>> -> memref<1x320xi32, #tpu.memory_space<vmem_shared>>
        %dma_start3A_433 = tpu.memref_squeeze %dma_start3A_432 : memref<1x320xi32, #tpu.memory_space<vmem_shared>> -> memref<320xi32, #tpu.memory_space<vmem_shared>>
        tpu.enqueue_dma source(%dma_start3A_433 : memref<320xi32, #tpu.memory_space<vmem_shared>>) target(%dma_start3A_430 : memref<320xi32, #tpu.memory_space<vmem>>) target_semaphore(%run_scoped3A_421 : memref<!tpu.dma_semaphore, #tpu.memory_space<semaphore_mem>>)
        %dma_wait3A_434 = arith.constant 0 : i32
        %dma_wait3A_435 = tpu.memref_slice %arg15[%run_scoped3A_418, %dma_wait3A_434] : memref<16x320xi32, #tpu.memory_space<vmem>> -> memref<1x320xi32, #tpu.memory_space<vmem>>
        %dma_wait3A_436 = tpu.memref_squeeze %dma_wait3A_435 : memref<1x320xi32, #tpu.memory_space<vmem>> -> memref<320xi32, #tpu.memory_space<vmem>>
        %dma_wait3A_437 = arith.constant 0 : i32
        %dma_wait3A_438 = tpu.memref_slice %arg11[%run_scoped3A, %dma_wait3A_437] : memref<16x320xi32, #tpu.memory_space<vmem_shared>> -> memref<1x320xi32, #tpu.memory_space<vmem_shared>>
        %dma_wait3A_439 = tpu.memref_squeeze %dma_wait3A_438 : memref<1x320xi32, #tpu.memory_space<vmem_shared>> -> memref<320xi32, #tpu.memory_space<vmem_shared>>
        %dma_wait3A_440 = arith.constant 0 : i32
        %dma_wait3A_441 = tpu.memref_slice %arg15[%run_scoped3A_418, %dma_wait3A_440] : memref<16x320xi32, #tpu.memory_space<vmem>> -> memref<1x320xi32, #tpu.memory_space<vmem>>
        %dma_wait3A_442 = tpu.memref_squeeze %dma_wait3A_441 : memref<1x320xi32, #tpu.memory_space<vmem>> -> memref<320xi32, #tpu.memory_space<vmem>>
        %dma_wait3A_443 = arith.constant 0 : i32
        %dma_wait3A_444 = tpu.memref_slice %arg11[%run_scoped3A, %dma_wait3A_443] : memref<16x320xi32, #tpu.memory_space<vmem_shared>> -> memref<1x320xi32, #tpu.memory_space<vmem_shared>>
        %dma_wait3A_445 = tpu.memref_squeeze %dma_wait3A_444 : memref<1x320xi32, #tpu.memory_space<vmem_shared>> -> memref<320xi32, #tpu.memory_space<vmem_shared>>
        tpu.wait_dma2 semaphore(%run_scoped3A_421 : memref<!tpu.dma_semaphore, #tpu.memory_space<semaphore_mem>>) src(%dma_wait3A_445 : memref<320xi32, #tpu.memory_space<vmem_shared>>) dst(%dma_wait3A_442 : memref<320xi32, #tpu.memory_space<vmem>>)
        tpu.yield
      }) : () -> ()
      %run_scoped3A_419 = arith.constant 15 : i32
      %run_scoped3A_420 = arith.constant 15 : i32
      "tpu.region"() ({
        %run_scoped3A_421 = tpu.sem_alloc : memref<!tpu.dma_semaphore, #tpu.memory_space<semaphore_mem>>
        %dma_start3A_422 = arith.constant 0 : i32
        %dma_start3A_423 = tpu.memref_slice %arg16[%run_scoped3A_420, %dma_start3A_422] : memref<16x320xf32, #tpu.memory_space<vmem>> -> memref<1x320xf32, #tpu.memory_space<vmem>>
        %dma_start3A_424 = tpu.memref_squeeze %dma_start3A_423 : memref<1x320xf32, #tpu.memory_space<vmem>> -> memref<320xf32, #tpu.memory_space<vmem>>
        %dma_start3A_425 = arith.constant 0 : i32
        %dma_start3A_426 = tpu.memref_slice %arg12[%run_scoped3A_419, %dma_start3A_425] : memref<16x320xf32, #tpu.memory_space<vmem_shared>> -> memref<1x320xf32, #tpu.memory_space<vmem_shared>>
        %dma_start3A_427 = tpu.memref_squeeze %dma_start3A_426 : memref<1x320xf32, #tpu.memory_space<vmem_shared>> -> memref<320xf32, #tpu.memory_space<vmem_shared>>
        %dma_start3A_428 = arith.constant 0 : i32
        %dma_start3A_429 = tpu.memref_slice %arg16[%run_scoped3A_420, %dma_start3A_428] : memref<16x320xf32, #tpu.memory_space<vmem>> -> memref<1x320xf32, #tpu.memory_space<vmem>>
        %dma_start3A_430 = tpu.memref_squeeze %dma_start3A_429 : memref<1x320xf32, #tpu.memory_space<vmem>> -> memref<320xf32, #tpu.memory_space<vmem>>
        %dma_start3A_431 = arith.constant 0 : i32
        %dma_start3A_432 = tpu.memref_slice %arg12[%run_scoped3A_419, %dma_start3A_431] : memref<16x320xf32, #tpu.memory_space<vmem_shared>> -> memref<1x320xf32, #tpu.memory_space<vmem_shared>>
        %dma_start3A_433 = tpu.memref_squeeze %dma_start3A_432 : memref<1x320xf32, #tpu.memory_space<vmem_shared>> -> memref<320xf32, #tpu.memory_space<vmem_shared>>
        tpu.enqueue_dma source(%dma_start3A_433 : memref<320xf32, #tpu.memory_space<vmem_shared>>) target(%dma_start3A_430 : memref<320xf32, #tpu.memory_space<vmem>>) target_semaphore(%run_scoped3A_421 : memref<!tpu.dma_semaphore, #tpu.memory_space<semaphore_mem>>)
        %dma_wait3A_434 = arith.constant 0 : i32
        %dma_wait3A_435 = tpu.memref_slice %arg16[%run_scoped3A_420, %dma_wait3A_434] : memref<16x320xf32, #tpu.memory_space<vmem>> -> memref<1x320xf32, #tpu.memory_space<vmem>>
        %dma_wait3A_436 = tpu.memref_squeeze %dma_wait3A_435 : memref<1x320xf32, #tpu.memory_space<vmem>> -> memref<320xf32, #tpu.memory_space<vmem>>
        %dma_wait3A_437 = arith.constant 0 : i32
        %dma_wait3A_438 = tpu.memref_slice %arg12[%run_scoped3A_419, %dma_wait3A_437] : memref<16x320xf32, #tpu.memory_space<vmem_shared>> -> memref<1x320xf32, #tpu.memory_space<vmem_shared>>
        %dma_wait3A_439 = tpu.memref_squeeze %dma_wait3A_438 : memref<1x320xf32, #tpu.memory_space<vmem_shared>> -> memref<320xf32, #tpu.memory_space<vmem_shared>>
        %dma_wait3A_440 = arith.constant 0 : i32
        %dma_wait3A_441 = tpu.memref_slice %arg16[%run_scoped3A_420, %dma_wait3A_440] : memref<16x320xf32, #tpu.memory_space<vmem>> -> memref<1x320xf32, #tpu.memory_space<vmem>>
        %dma_wait3A_442 = tpu.memref_squeeze %dma_wait3A_441 : memref<1x320xf32, #tpu.memory_space<vmem>> -> memref<320xf32, #tpu.memory_space<vmem>>
        %dma_wait3A_443 = arith.constant 0 : i32
        %dma_wait3A_444 = tpu.memref_slice %arg12[%run_scoped3A_419, %dma_wait3A_443] : memref<16x320xf32, #tpu.memory_space<vmem_shared>> -> memref<1x320xf32, #tpu.memory_space<vmem_shared>>
        %dma_wait3A_445 = tpu.memref_squeeze %dma_wait3A_444 : memref<1x320xf32, #tpu.memory_space<vmem_shared>> -> memref<320xf32, #tpu.memory_space<vmem_shared>>
        tpu.wait_dma2 semaphore(%run_scoped3A_421 : memref<!tpu.dma_semaphore, #tpu.memory_space<semaphore_mem>>) src(%dma_wait3A_445 : memref<320xf32, #tpu.memory_space<vmem_shared>>) dst(%dma_wait3A_442 : memref<320xf32, #tpu.memory_space<vmem>>)
        tpu.yield
      }) : () -> ()
    } else {
    }
    %add3A_209 = vector.broadcast %mul3A_86 : i32 to vector<16xi32>
    %add3A_210 = arith.addi %add3A_209, %iota3A : vector<16xi32>
    %broadcast_in_dim3A_211 = arith.constant 0 : i32
    %broadcast_in_dim3A_212 = vector.broadcast %broadcast_in_dim3A_211 : i32 to vector<16xi32>
    %ge3A = vector.broadcast %squeeze3A_22 : i32 to vector<16xi32>
    %ge3A_213 = arith.cmpi sge, %add3A_210, %ge3A : vector<16xi32>
    %jit3A = arith.constant 1 : i32
    %jit3A_214 = arith.constant 0 : i32
    %broadcast_in_dim3A_215 = vector.broadcast %jit3A : i32 to vector<16xi32>
    %broadcast_in_dim3A_216 = vector.broadcast %jit3A_214 : i32 to vector<16xi32>
    %select_n3A = arith.select %ge3A_213, %broadcast_in_dim3A_215, %broadcast_in_dim3A_216 : vector<16xi1>, vector<16xi32>
    %add3A_217 = arith.addi %broadcast_in_dim3A_212, %select_n3A : vector<16xi32>
    %ge3A_218 = vector.broadcast %squeeze3A_24 : i32 to vector<16xi32>
    %ge3A_219 = arith.cmpi sge, %add3A_210, %ge3A_218 : vector<16xi32>
    %jit3A_220 = arith.constant 1 : i32
    %jit3A_221 = arith.constant 0 : i32
    %broadcast_in_dim3A_222 = vector.broadcast %jit3A_220 : i32 to vector<16xi32>
    %broadcast_in_dim3A_223 = vector.broadcast %jit3A_221 : i32 to vector<16xi32>
    %select_n3A_224 = arith.select %ge3A_219, %broadcast_in_dim3A_222, %broadcast_in_dim3A_223 : vector<16xi1>, vector<16xi32>
    %add3A_225 = arith.addi %add3A_217, %select_n3A_224 : vector<16xi32>
    %ge3A_226 = vector.broadcast %squeeze3A_26 : i32 to vector<16xi32>
    %ge3A_227 = arith.cmpi sge, %add3A_210, %ge3A_226 : vector<16xi32>
    %jit3A_228 = arith.constant 1 : i32
    %jit3A_229 = arith.constant 0 : i32
    %broadcast_in_dim3A_230 = vector.broadcast %jit3A_228 : i32 to vector<16xi32>
    %broadcast_in_dim3A_231 = vector.broadcast %jit3A_229 : i32 to vector<16xi32>
    %select_n3A_232 = arith.select %ge3A_227, %broadcast_in_dim3A_230, %broadcast_in_dim3A_231 : vector<16xi1>, vector<16xi32>
    %add3A_233 = arith.addi %add3A_225, %select_n3A_232 : vector<16xi32>
    %ge3A_234 = vector.broadcast %squeeze3A_28 : i32 to vector<16xi32>
    %ge3A_235 = arith.cmpi sge, %add3A_210, %ge3A_234 : vector<16xi32>
    %jit3A_236 = arith.constant 1 : i32
    %jit3A_237 = arith.constant 0 : i32
    %broadcast_in_dim3A_238 = vector.broadcast %jit3A_236 : i32 to vector<16xi32>
    %broadcast_in_dim3A_239 = vector.broadcast %jit3A_237 : i32 to vector<16xi32>
    %select_n3A_240 = arith.select %ge3A_235, %broadcast_in_dim3A_238, %broadcast_in_dim3A_239 : vector<16xi1>, vector<16xi32>
    %add3A_241 = arith.addi %add3A_233, %select_n3A_240 : vector<16xi32>
    %ge3A_242 = vector.broadcast %squeeze3A_30 : i32 to vector<16xi32>
    %ge3A_243 = arith.cmpi sge, %add3A_210, %ge3A_242 : vector<16xi32>
    %jit3A_244 = arith.constant 1 : i32
    %jit3A_245 = arith.constant 0 : i32
    %broadcast_in_dim3A_246 = vector.broadcast %jit3A_244 : i32 to vector<16xi32>
    %broadcast_in_dim3A_247 = vector.broadcast %jit3A_245 : i32 to vector<16xi32>
    %select_n3A_248 = arith.select %ge3A_243, %broadcast_in_dim3A_246, %broadcast_in_dim3A_247 : vector<16xi1>, vector<16xi32>
    %add3A_249 = arith.addi %add3A_241, %select_n3A_248 : vector<16xi32>
    %ge3A_250 = vector.broadcast %squeeze3A_32 : i32 to vector<16xi32>
    %ge3A_251 = arith.cmpi sge, %add3A_210, %ge3A_250 : vector<16xi32>
    %jit3A_252 = arith.constant 1 : i32
    %jit3A_253 = arith.constant 0 : i32
    %broadcast_in_dim3A_254 = vector.broadcast %jit3A_252 : i32 to vector<16xi32>
    %broadcast_in_dim3A_255 = vector.broadcast %jit3A_253 : i32 to vector<16xi32>
    %select_n3A_256 = arith.select %ge3A_251, %broadcast_in_dim3A_254, %broadcast_in_dim3A_255 : vector<16xi1>, vector<16xi32>
    %add3A_257 = arith.addi %add3A_249, %select_n3A_256 : vector<16xi32>
    %ge3A_258 = vector.broadcast %squeeze3A_34 : i32 to vector<16xi32>
    %ge3A_259 = arith.cmpi sge, %add3A_210, %ge3A_258 : vector<16xi32>
    %jit3A_260 = arith.constant 1 : i32
    %jit3A_261 = arith.constant 0 : i32
    %broadcast_in_dim3A_262 = vector.broadcast %jit3A_260 : i32 to vector<16xi32>
    %broadcast_in_dim3A_263 = vector.broadcast %jit3A_261 : i32 to vector<16xi32>
    %select_n3A_264 = arith.select %ge3A_259, %broadcast_in_dim3A_262, %broadcast_in_dim3A_263 : vector<16xi1>, vector<16xi32>
    %add3A_265 = arith.addi %add3A_257, %select_n3A_264 : vector<16xi32>
    %ge3A_266 = vector.broadcast %squeeze3A_36 : i32 to vector<16xi32>
    %ge3A_267 = arith.cmpi sge, %add3A_210, %ge3A_266 : vector<16xi32>
    %jit3A_268 = arith.constant 1 : i32
    %jit3A_269 = arith.constant 0 : i32
    %broadcast_in_dim3A_270 = vector.broadcast %jit3A_268 : i32 to vector<16xi32>
    %broadcast_in_dim3A_271 = vector.broadcast %jit3A_269 : i32 to vector<16xi32>
    %select_n3A_272 = arith.select %ge3A_267, %broadcast_in_dim3A_270, %broadcast_in_dim3A_271 : vector<16xi1>, vector<16xi32>
    %add3A_273 = arith.addi %add3A_265, %select_n3A_272 : vector<16xi32>
    %ge3A_274 = vector.broadcast %squeeze3A_38 : i32 to vector<16xi32>
    %ge3A_275 = arith.cmpi sge, %add3A_210, %ge3A_274 : vector<16xi32>
    %jit3A_276 = arith.constant 1 : i32
    %jit3A_277 = arith.constant 0 : i32
    %broadcast_in_dim3A_278 = vector.broadcast %jit3A_276 : i32 to vector<16xi32>
    %broadcast_in_dim3A_279 = vector.broadcast %jit3A_277 : i32 to vector<16xi32>
    %select_n3A_280 = arith.select %ge3A_275, %broadcast_in_dim3A_278, %broadcast_in_dim3A_279 : vector<16xi1>, vector<16xi32>
    %add3A_281 = arith.addi %add3A_273, %select_n3A_280 : vector<16xi32>
    %ge3A_282 = vector.broadcast %squeeze3A_40 : i32 to vector<16xi32>
    %ge3A_283 = arith.cmpi sge, %add3A_210, %ge3A_282 : vector<16xi32>
    %jit3A_284 = arith.constant 1 : i32
    %jit3A_285 = arith.constant 0 : i32
    %broadcast_in_dim3A_286 = vector.broadcast %jit3A_284 : i32 to vector<16xi32>
    %broadcast_in_dim3A_287 = vector.broadcast %jit3A_285 : i32 to vector<16xi32>
    %select_n3A_288 = arith.select %ge3A_283, %broadcast_in_dim3A_286, %broadcast_in_dim3A_287 : vector<16xi1>, vector<16xi32>
    %add3A_289 = arith.addi %add3A_281, %select_n3A_288 : vector<16xi32>
    %ge3A_290 = vector.broadcast %squeeze3A_42 : i32 to vector<16xi32>
    %ge3A_291 = arith.cmpi sge, %add3A_210, %ge3A_290 : vector<16xi32>
    %jit3A_292 = arith.constant 1 : i32
    %jit3A_293 = arith.constant 0 : i32
    %broadcast_in_dim3A_294 = vector.broadcast %jit3A_292 : i32 to vector<16xi32>
    %broadcast_in_dim3A_295 = vector.broadcast %jit3A_293 : i32 to vector<16xi32>
    %select_n3A_296 = arith.select %ge3A_291, %broadcast_in_dim3A_294, %broadcast_in_dim3A_295 : vector<16xi1>, vector<16xi32>
    %add3A_297 = arith.addi %add3A_289, %select_n3A_296 : vector<16xi32>
    %ge3A_298 = vector.broadcast %squeeze3A_44 : i32 to vector<16xi32>
    %ge3A_299 = arith.cmpi sge, %add3A_210, %ge3A_298 : vector<16xi32>
    %jit3A_300 = arith.constant 1 : i32
    %jit3A_301 = arith.constant 0 : i32
    %broadcast_in_dim3A_302 = vector.broadcast %jit3A_300 : i32 to vector<16xi32>
    %broadcast_in_dim3A_303 = vector.broadcast %jit3A_301 : i32 to vector<16xi32>
    %select_n3A_304 = arith.select %ge3A_299, %broadcast_in_dim3A_302, %broadcast_in_dim3A_303 : vector<16xi1>, vector<16xi32>
    %add3A_305 = arith.addi %add3A_297, %select_n3A_304 : vector<16xi32>
    %ge3A_306 = vector.broadcast %squeeze3A_46 : i32 to vector<16xi32>
    %ge3A_307 = arith.cmpi sge, %add3A_210, %ge3A_306 : vector<16xi32>
    %jit3A_308 = arith.constant 1 : i32
    %jit3A_309 = arith.constant 0 : i32
    %broadcast_in_dim3A_310 = vector.broadcast %jit3A_308 : i32 to vector<16xi32>
    %broadcast_in_dim3A_311 = vector.broadcast %jit3A_309 : i32 to vector<16xi32>
    %select_n3A_312 = arith.select %ge3A_307, %broadcast_in_dim3A_310, %broadcast_in_dim3A_311 : vector<16xi1>, vector<16xi32>
    %add3A_313 = arith.addi %add3A_305, %select_n3A_312 : vector<16xi32>
    %ge3A_314 = vector.broadcast %squeeze3A_48 : i32 to vector<16xi32>
    %ge3A_315 = arith.cmpi sge, %add3A_210, %ge3A_314 : vector<16xi32>
    %jit3A_316 = arith.constant 1 : i32
    %jit3A_317 = arith.constant 0 : i32
    %broadcast_in_dim3A_318 = vector.broadcast %jit3A_316 : i32 to vector<16xi32>
    %broadcast_in_dim3A_319 = vector.broadcast %jit3A_317 : i32 to vector<16xi32>
    %select_n3A_320 = arith.select %ge3A_315, %broadcast_in_dim3A_318, %broadcast_in_dim3A_319 : vector<16xi1>, vector<16xi32>
    %add3A_321 = arith.addi %add3A_313, %select_n3A_320 : vector<16xi32>
    %ge3A_322 = vector.broadcast %squeeze3A_50 : i32 to vector<16xi32>
    %ge3A_323 = arith.cmpi sge, %add3A_210, %ge3A_322 : vector<16xi32>
    %jit3A_324 = arith.constant 1 : i32
    %jit3A_325 = arith.constant 0 : i32
    %broadcast_in_dim3A_326 = vector.broadcast %jit3A_324 : i32 to vector<16xi32>
    %broadcast_in_dim3A_327 = vector.broadcast %jit3A_325 : i32 to vector<16xi32>
    %select_n3A_328 = arith.select %ge3A_323, %broadcast_in_dim3A_326, %broadcast_in_dim3A_327 : vector<16xi1>, vector<16xi32>
    %add3A_329 = arith.addi %add3A_321, %select_n3A_328 : vector<16xi32>
    %gather3A_330 = tpu.vector_load_idx %arg14[%add3A_329] : memref<16xi32, #tpu.memory_space<vmem>>[vector<16xi32>], vector<16xi32>,
    %sub3A_331 = arith.subi %add3A_210, %gather3A_330 : vector<16xi32>
    %lt3A = vector.broadcast %squeeze3A_16 : i32 to vector<16xi32>
    %lt3A_332 = arith.cmpi slt, %add3A_210, %lt3A : vector<16xi32>
    %gather3A_333 = tpu.vector_load_idx %arg15[%add3A_329, %sub3A_331] : memref<16x320xi32, #tpu.memory_space<vmem>>[vector<16xi32>, vector<16xi32>], vector<16xi32>,
    %gather3A_334 = tpu.vector_load_idx %arg16[%add3A_329, %sub3A_331] : memref<16x320xf32, #tpu.memory_space<vmem>>[vector<16xi32>, vector<16xi32>], vector<16xf32>,
    %broadcast_in_dim3A_335 = arith.constant 0 : i32
    %broadcast_in_dim3A_336 = vector.broadcast %broadcast_in_dim3A_335 : i32 to vector<16xi32>
    %select_n3A_337 = arith.select %lt3A_332, %gather3A_333, %broadcast_in_dim3A_336 : vector<16xi1>, vector<16xi32>
    %shift_right_logical3A = arith.constant 2 : i32
    %shift_right_logical3A_338 = vector.broadcast %shift_right_logical3A : i32 to vector<16xi32>
    %shift_right_logical3A_339 = arith.shrui %select_n3A_337, %shift_right_logical3A_338 : vector<16xi32>
    %swap3A_340 = arith.constant 0 : index
    %swap3A_341 = tpu.vector_load %arg17[%swap3A_340] {strides = array<i32>} : memref<16xi32, #tpu.memory_space<vmem>>, vector<16xi32>,
    tpu.vector_store %arg17[%swap3A_340], %shift_right_logical3A_339 {strides = array<i32>} : memref<16xi32, #tpu.memory_space<vmem>>, vector<16xi32>,
    %shift_right_logical3A_342 = arith.constant 4 : i32
    %shift_right_logical3A_343 = vector.broadcast %shift_right_logical3A_342 : i32 to vector<16xi32>
    %shift_right_logical3A_344 = arith.shrui %select_n3A_337, %shift_right_logical3A_343 : vector<16xi32>
    %swap3A_345 = arith.constant 0 : index
    %swap3A_346 = tpu.vector_load %arg18[%swap3A_345] {strides = array<i32>} : memref<16xi32, #tpu.memory_space<vmem>>, vector<16xi32>,
    tpu.vector_store %arg18[%swap3A_345], %shift_right_logical3A_344 {strides = array<i32>} : memref<16xi32, #tpu.memory_space<vmem>>, vector<16xi32>,
    %dma_start3A = arith.constant 0 : i32
    %dma_start3A_347 = arith.constant 0 : i32
    %dma_start3A_348 = tpu.memref_slice %arg4[%dma_start3A, %dma_start3A_347] : memref<5000x16xf32, #tpu.memory_space<hbm>> -> memref<5000x16xf32, #tpu.memory_space<hbm>>
    tpu.enqueue_indirect_dma source(%dma_start3A_348 : memref<5000x16xf32, #tpu.memory_space<hbm>>) target(%arg19 : memref<16x16xf32, #tpu.memory_space<vmem>>) offsets(%arg17 : memref<16xi32, #tpu.memory_space<vmem>>) semaphore(%arg22 : memref<!tpu.dma_semaphore, #tpu.memory_space<semaphore_mem>>)
    %dma_start3A_349 = arith.constant 0 : i32
    %dma_start3A_350 = arith.constant 0 : i32
    %dma_start3A_351 = tpu.memref_slice %arg3[%dma_start3A_349, %dma_start3A_350] : memref<1250x16xi32, #tpu.memory_space<hbm>> -> memref<1250x16xi32, #tpu.memory_space<hbm>>
    tpu.enqueue_indirect_dma source(%dma_start3A_351 : memref<1250x16xi32, #tpu.memory_space<hbm>>) target(%arg20 : memref<16x16xi32, #tpu.memory_space<vmem>>) offsets(%arg18 : memref<16xi32, #tpu.memory_space<vmem>>) semaphore(%arg23 : memref<!tpu.dma_semaphore, #tpu.memory_space<semaphore_mem>>)
    %dma_wait3A = arith.constant 0 : i32
    %dma_wait3A_352 = arith.constant 0 : i32
    %dma_wait3A_353 = tpu.memref_slice %arg4[%dma_wait3A, %dma_wait3A_352] : memref<5000x16xf32, #tpu.memory_space<hbm>> -> memref<5000x16xf32, #tpu.memory_space<hbm>>
    tpu.wait_indirect_dma semaphore(%arg22 : memref<!tpu.dma_semaphore, #tpu.memory_space<semaphore_mem>>) src(%dma_wait3A_353 : memref<5000x16xf32, #tpu.memory_space<hbm>>) dst(%arg19 : memref<16x16xf32, #tpu.memory_space<vmem>>)
    %dma_wait3A_354 = arith.constant 0 : i32
    %dma_wait3A_355 = arith.constant 0 : i32
    %dma_wait3A_356 = tpu.memref_slice %arg3[%dma_wait3A_354, %dma_wait3A_355] : memref<1250x16xi32, #tpu.memory_space<hbm>> -> memref<1250x16xi32, #tpu.memory_space<hbm>>
    tpu.wait_indirect_dma semaphore(%arg23 : memref<!tpu.dma_semaphore, #tpu.memory_space<semaphore_mem>>) src(%dma_wait3A_356 : memref<1250x16xi32, #tpu.memory_space<hbm>>) dst(%arg20 : memref<16x16xi32, #tpu.memory_space<vmem>>)
    %mul3A_357 = arith.constant 6 : i32
    %mul3A_358 = vector.broadcast %mul3A_357 : i32 to vector<16xi32>
    %mul3A_359 = arith.muli %iota3A, %mul3A_358 : vector<16xi32>
    %and3A_360 = arith.constant 3 : i32
    %and3A_361 = vector.broadcast %and3A_360 : i32 to vector<16xi32>
    %and3A_362 = arith.andi %select_n3A_337, %and3A_361 : vector<16xi32>
    %mul3A_363 = arith.constant 4 : i32
    %mul3A_364 = vector.broadcast %mul3A_363 : i32 to vector<16xi32>
    %mul3A_365 = arith.muli %and3A_362, %mul3A_364 : vector<16xi32>
    %add3A_366 = arith.constant 0 : i32
    %add3A_367 = vector.broadcast %add3A_366 : i32 to vector<16xi32>
    %add3A_368 = arith.addi %mul3A_365, %add3A_367 : vector<16xi32>
    %gather3A_369 = tpu.vector_load_idx %arg19[%iota3A, %add3A_368] : memref<16x16xf32, #tpu.memory_space<vmem>>[vector<16xi32>, vector<16xi32>], vector<16xf32>,
    %add3A_370 = arith.constant 0 : i32
    %add3A_371 = vector.broadcast %add3A_370 : i32 to vector<16xi32>
    %add3A_372 = arith.addi %mul3A_359, %add3A_371 : vector<16xi32>
    %select_n3A_373 = arith.select %lt3A_332, %gather3A_369, %broadcast_in_dim3A_84 : vector<16xi1>, vector<16xf32>
    tpu.vector_store_idx %arg21[%add3A_372], %select_n3A_373 : memref<96xf32, #tpu.memory_space<vmem>>[vector<16xi32>], vector<16xf32>,
    %add3A_374 = arith.constant 1 : i32
    %add3A_375 = vector.broadcast %add3A_374 : i32 to vector<16xi32>
    %add3A_376 = arith.addi %mul3A_365, %add3A_375 : vector<16xi32>
    %gather3A_377 = tpu.vector_load_idx %arg19[%iota3A, %add3A_376] : memref<16x16xf32, #tpu.memory_space<vmem>>[vector<16xi32>, vector<16xi32>], vector<16xf32>,
    %add3A_378 = arith.constant 1 : i32
    %add3A_379 = vector.broadcast %add3A_378 : i32 to vector<16xi32>
    %add3A_380 = arith.addi %mul3A_359, %add3A_379 : vector<16xi32>
    %select_n3A_381 = arith.select %lt3A_332, %gather3A_377, %broadcast_in_dim3A_84 : vector<16xi1>, vector<16xf32>
    tpu.vector_store_idx %arg21[%add3A_380], %select_n3A_381 : memref<96xf32, #tpu.memory_space<vmem>>[vector<16xi32>], vector<16xf32>,
    %add3A_382 = arith.constant 2 : i32
    %add3A_383 = vector.broadcast %add3A_382 : i32 to vector<16xi32>
    %add3A_384 = arith.addi %mul3A_365, %add3A_383 : vector<16xi32>
    %gather3A_385 = tpu.vector_load_idx %arg19[%iota3A, %add3A_384] : memref<16x16xf32, #tpu.memory_space<vmem>>[vector<16xi32>, vector<16xi32>], vector<16xf32>,
    %add3A_386 = arith.constant 2 : i32
    %add3A_387 = vector.broadcast %add3A_386 : i32 to vector<16xi32>
    %add3A_388 = arith.addi %mul3A_359, %add3A_387 : vector<16xi32>
    %select_n3A_389 = arith.select %lt3A_332, %gather3A_385, %broadcast_in_dim3A_84 : vector<16xi1>, vector<16xf32>
    tpu.vector_store_idx %arg21[%add3A_388], %select_n3A_389 : memref<96xf32, #tpu.memory_space<vmem>>[vector<16xi32>], vector<16xf32>,
    %add3A_390 = arith.constant 3 : i32
    %add3A_391 = vector.broadcast %add3A_390 : i32 to vector<16xi32>
    %add3A_392 = arith.addi %mul3A_365, %add3A_391 : vector<16xi32>
    %gather3A_393 = tpu.vector_load_idx %arg19[%iota3A, %add3A_392] : memref<16x16xf32, #tpu.memory_space<vmem>>[vector<16xi32>, vector<16xi32>], vector<16xf32>,
    %add3A_394 = arith.constant 3 : i32
    %add3A_395 = vector.broadcast %add3A_394 : i32 to vector<16xi32>
    %add3A_396 = arith.addi %mul3A_359, %add3A_395 : vector<16xi32>
    %select_n3A_397 = arith.select %lt3A_332, %gather3A_393, %broadcast_in_dim3A_84 : vector<16xi1>, vector<16xf32>
    tpu.vector_store_idx %arg21[%add3A_396], %select_n3A_397 : memref<96xf32, #tpu.memory_space<vmem>>[vector<16xi32>], vector<16xf32>,
    %add3A_398 = arith.constant 4 : i32
    %add3A_399 = vector.broadcast %add3A_398 : i32 to vector<16xi32>
    %add3A_400 = arith.addi %mul3A_359, %add3A_399 : vector<16xi32>
    %select_n3A_401 = arith.select %lt3A_332, %gather3A_334, %broadcast_in_dim3A_84 : vector<16xi1>, vector<16xf32>
    tpu.vector_store_idx %arg21[%add3A_400], %select_n3A_401 : memref<96xf32, #tpu.memory_space<vmem>>[vector<16xi32>], vector<16xf32>,
    %and3A_402 = arith.constant 15 : i32
    %and3A_403 = vector.broadcast %and3A_402 : i32 to vector<16xi32>
    %and3A_404 = arith.andi %select_n3A_337, %and3A_403 : vector<16xi32>
    %gather3A_405 = tpu.vector_load_idx %arg20[%iota3A, %and3A_404] : memref<16x16xi32, #tpu.memory_space<vmem>>[vector<16xi32>, vector<16xi32>], vector<16xi32>,
    %add3A_406 = arith.constant 5 : i32
    %add3A_407 = vector.broadcast %add3A_406 : i32 to vector<16xi32>
    %add3A_408 = arith.addi %mul3A_359, %add3A_407 : vector<16xi32>
    %convert_element_type3A_409 = arith.sitofp %gather3A_405 : vector<16xi32> to vector<16xf32>
    %select_n3A_410 = arith.select %lt3A_332, %convert_element_type3A_409, %broadcast_in_dim3A_84 : vector<16xi1>, vector<16xf32>
    tpu.vector_store_idx %arg21[%add3A_408], %select_n3A_410 : memref<96xf32, #tpu.memory_space<vmem>>[vector<16xi32>], vector<16xf32>,
    %mul3A_411 = arith.constant 96 : i32
    %mul3A_412 = arith.muli %arg1, %mul3A_411 : i32
    "tpu.region"() ({
      %run_scoped3A = tpu.sem_alloc : memref<!tpu.dma_semaphore, #tpu.memory_space<semaphore_mem>>
      %dma_start3A_418 = tpu.memref_slice %arg5[%mul3A_412] : memref<1824xf32, #tpu.memory_space<hbm>> -> memref<96xf32, #tpu.memory_space<hbm>>
      %dma_start3A_419 = tpu.memref_slice %arg5[%mul3A_412] : memref<1824xf32, #tpu.memory_space<hbm>> -> memref<96xf32, #tpu.memory_space<hbm>>
      tpu.enqueue_dma source(%arg21 : memref<96xf32, #tpu.memory_space<vmem>>) target(%dma_start3A_419 : memref<96xf32, #tpu.memory_space<hbm>>) target_semaphore(%run_scoped3A : memref<!tpu.dma_semaphore, #tpu.memory_space<semaphore_mem>>)
      %dma_wait3A_420 = tpu.memref_slice %arg5[%mul3A_412] : memref<1824xf32, #tpu.memory_space<hbm>> -> memref<96xf32, #tpu.memory_space<hbm>>
      %dma_wait3A_421 = tpu.memref_slice %arg5[%mul3A_412] : memref<1824xf32, #tpu.memory_space<hbm>> -> memref<96xf32, #tpu.memory_space<hbm>>
      tpu.wait_dma2 semaphore(%run_scoped3A : memref<!tpu.dma_semaphore, #tpu.memory_space<semaphore_mem>>) src(%arg21 : memref<96xf32, #tpu.memory_space<vmem>>) dst(%dma_wait3A_421 : memref<96xf32, #tpu.memory_space<hbm>>)
      tpu.yield
    }) : () -> ()
    %lt3A_413 = arith.constant 3 : i32
    %lt3A_414 = arith.cmpi slt, %arg1, %lt3A_413 : i32
    %convert_element_type3A_415 = arith.extui %lt3A_414 : i1 to i32
    %cond3A_416 = arith.constant 0 : i32
    %cond3A_417 = arith.cmpi ne, %convert_element_type3A_415, %cond3A_416 : i32
    scf.if %cond3A_417 {
      %add3A_418 = arith.constant 16 : i32
      %add3A_419 = arith.addi %arg1, %add3A_418 : i32
      %mul3A_420 = arith.constant 16 : i32
      %mul3A_421 = arith.muli %add3A_419, %mul3A_420 : i32
      %add3A_422 = arith.constant 15 : i32
      %add3A_423 = arith.addi %mul3A_421, %add3A_422 : i32
      %le3A_424 = arith.cmpi sle, %squeeze3A_20, %add3A_423 : i32
      %gt3A_425 = arith.cmpi sgt, %squeeze3A_52, %mul3A_421 : i32
      %and3A_426 = arith.andi %le3A_424, %gt3A_425 : i1
      %convert_element_type3A_427 = arith.extui %and3A_426 : i1 to i32
      %cond3A_428 = arith.constant 0 : i32
      %cond3A_429 = arith.cmpi ne, %convert_element_type3A_427, %cond3A_428 : i32
      scf.if %cond3A_429 {
        %run_scoped3A = arith.constant 0 : i32
        %run_scoped3A_761 = arith.constant 0 : i32
        "tpu.region"() ({
          %run_scoped3A_764 = tpu.sem_alloc : memref<!tpu.dma_semaphore, #tpu.memory_space<semaphore_mem>>
          %dma_start3A_765 = arith.constant 0 : i32
          %dma_start3A_766 = tpu.memref_slice %arg15[%run_scoped3A_761, %dma_start3A_765] : memref<16x320xi32, #tpu.memory_space<vmem>> -> memref<1x320xi32, #tpu.memory_space<vmem>>
          %dma_start3A_767 = tpu.memref_squeeze %dma_start3A_766 : memref<1x320xi32, #tpu.memory_space<vmem>> -> memref<320xi32, #tpu.memory_space<vmem>>
          %dma_start3A_768 = arith.constant 0 : i32
          %dma_start3A_769 = tpu.memref_slice %arg11[%run_scoped3A, %dma_start3A_768] : memref<16x320xi32, #tpu.memory_space<vmem_shared>> -> memref<1x320xi32, #tpu.memory_space<vmem_shared>>
          %dma_start3A_770 = tpu.memref_squeeze %dma_start3A_769 : memref<1x320xi32, #tpu.memory_space<vmem_shared>> -> memref<320xi32, #tpu.memory_space<vmem_shared>>
          %dma_start3A_771 = arith.constant 0 : i32
          %dma_start3A_772 = tpu.memref_slice %arg15[%run_scoped3A_761, %dma_start3A_771] : memref<16x320xi32, #tpu.memory_space<vmem>> -> memref<1x320xi32, #tpu.memory_space<vmem>>
          %dma_start3A_773 = tpu.memref_squeeze %dma_start3A_772 : memref<1x320xi32, #tpu.memory_space<vmem>> -> memref<320xi32, #tpu.memory_space<vmem>>
          %dma_start3A_774 = arith.constant 0 : i32
          %dma_start3A_775 = tpu.memref_slice %arg11[%run_scoped3A, %dma_start3A_774] : memref<16x320xi32, #tpu.memory_space<vmem_shared>> -> memref<1x320xi32, #tpu.memory_space<vmem_shared>>
          %dma_start3A_776 = tpu.memref_squeeze %dma_start3A_775 : memref<1x320xi32, #tpu.memory_space<vmem_shared>> -> memref<320xi32, #tpu.memory_space<vmem_shared>>
          tpu.enqueue_dma source(%dma_start3A_776 : memref<320xi32, #tpu.memory_space<vmem_shared>>) target(%dma_start3A_773 : memref<320xi32, #tpu.memory_space<vmem>>) target_semaphore(%run_scoped3A_764 : memref<!tpu.dma_semaphore, #tpu.memory_space<semaphore_mem>>)
          %dma_wait3A_777 = arith.constant 0 : i32
          %dma_wait3A_778 = tpu.memref_slice %arg15[%run_scoped3A_761, %dma_wait3A_777] : memref<16x320xi32, #tpu.memory_space<vmem>> -> memref<1x320xi32, #tpu.memory_space<vmem>>
          %dma_wait3A_779 = tpu.memref_squeeze %dma_wait3A_778 : memref<1x320xi32, #tpu.memory_space<vmem>> -> memref<320xi32, #tpu.memory_space<vmem>>
          %dma_wait3A_780 = arith.constant 0 : i32
          %dma_wait3A_781 = tpu.memref_slice %arg11[%run_scoped3A, %dma_wait3A_780] : memref<16x320xi32, #tpu.memory_space<vmem_shared>> -> memref<1x320xi32, #tpu.memory_space<vmem_shared>>
          %dma_wait3A_782 = tpu.memref_squeeze %dma_wait3A_781 : memref<1x320xi32, #tpu.memory_space<vmem_shared>> -> memref<320xi32, #tpu.memory_space<vmem_shared>>
          %dma_wait3A_783 = arith.constant 0 : i32
          %dma_wait3A_784 = tpu.memref_slice %arg15[%run_scoped3A_761, %dma_wait3A_783] : memref<16x320xi32, #tpu.memory_space<vmem>> -> memref<1x320xi32, #tpu.memory_space<vmem>>
          %dma_wait3A_785 = tpu.memref_squeeze %dma_wait3A_784 : memref<1x320xi32, #tpu.memory_space<vmem>> -> memref<320xi32, #tpu.memory_space<vmem>>
          %dma_wait3A_786 = arith.constant 0 : i32
          %dma_wait3A_787 = tpu.memref_slice %arg11[%run_scoped3A, %dma_wait3A_786] : memref<16x320xi32, #tpu.memory_space<vmem_shared>> -> memref<1x320xi32, #tpu.memory_space<vmem_shared>>
          %dma_wait3A_788 = tpu.memref_squeeze %dma_wait3A_787 : memref<1x320xi32, #tpu.memory_space<vmem_shared>> -> memref<320xi32, #tpu.memory_space<vmem_shared>>
          tpu.wait_dma2 semaphore(%run_scoped3A_764 : memref<!tpu.dma_semaphore, #tpu.memory_space<semaphore_mem>>) src(%dma_wait3A_788 : memref<320xi32, #tpu.memory_space<vmem_shared>>) dst(%dma_wait3A_785 : memref<320xi32, #tpu.memory_space<vmem>>)
          tpu.yield
        }) : () -> ()
        %run_scoped3A_762 = arith.constant 0 : i32
        %run_scoped3A_763 = arith.constant 0 : i32
        "tpu.region"() ({
          %run_scoped3A_764 = tpu.sem_alloc : memref<!tpu.dma_semaphore, #tpu.memory_space<semaphore_mem>>
          %dma_start3A_765 = arith.constant 0 : i32
          %dma_start3A_766 = tpu.memref_slice %arg16[%run_scoped3A_763, %dma_start3A_765] : memref<16x320xf32, #tpu.memory_space<vmem>> -> memref<1x320xf32, #tpu.memory_space<vmem>>
          %dma_start3A_767 = tpu.memref_squeeze %dma_start3A_766 : memref<1x320xf32, #tpu.memory_space<vmem>> -> memref<320xf32, #tpu.memory_space<vmem>>
          %dma_start3A_768 = arith.constant 0 : i32
          %dma_start3A_769 = tpu.memref_slice %arg12[%run_scoped3A_762, %dma_start3A_768] : memref<16x320xf32, #tpu.memory_space<vmem_shared>> -> memref<1x320xf32, #tpu.memory_space<vmem_shared>>
          %dma_start3A_770 = tpu.memref_squeeze %dma_start3A_769 : memref<1x320xf32, #tpu.memory_space<vmem_shared>> -> memref<320xf32, #tpu.memory_space<vmem_shared>>
          %dma_start3A_771 = arith.constant 0 : i32
          %dma_start3A_772 = tpu.memref_slice %arg16[%run_scoped3A_763, %dma_start3A_771] : memref<16x320xf32, #tpu.memory_space<vmem>> -> memref<1x320xf32, #tpu.memory_space<vmem>>
          %dma_start3A_773 = tpu.memref_squeeze %dma_start3A_772 : memref<1x320xf32, #tpu.memory_space<vmem>> -> memref<320xf32, #tpu.memory_space<vmem>>
          %dma_start3A_774 = arith.constant 0 : i32
          %dma_start3A_775 = tpu.memref_slice %arg12[%run_scoped3A_762, %dma_start3A_774] : memref<16x320xf32, #tpu.memory_space<vmem_shared>> -> memref<1x320xf32, #tpu.memory_space<vmem_shared>>
          %dma_start3A_776 = tpu.memref_squeeze %dma_start3A_775 : memref<1x320xf32, #tpu.memory_space<vmem_shared>> -> memref<320xf32, #tpu.memory_space<vmem_shared>>
          tpu.enqueue_dma source(%dma_start3A_776 : memref<320xf32, #tpu.memory_space<vmem_shared>>) target(%dma_start3A_773 : memref<320xf32, #tpu.memory_space<vmem>>) target_semaphore(%run_scoped3A_764 : memref<!tpu.dma_semaphore, #tpu.memory_space<semaphore_mem>>)
          %dma_wait3A_777 = arith.constant 0 : i32
          %dma_wait3A_778 = tpu.memref_slice %arg16[%run_scoped3A_763, %dma_wait3A_777] : memref<16x320xf32, #tpu.memory_space<vmem>> -> memref<1x320xf32, #tpu.memory_space<vmem>>
          %dma_wait3A_779 = tpu.memref_squeeze %dma_wait3A_778 : memref<1x320xf32, #tpu.memory_space<vmem>> -> memref<320xf32, #tpu.memory_space<vmem>>
          %dma_wait3A_780 = arith.constant 0 : i32
          %dma_wait3A_781 = tpu.memref_slice %arg12[%run_scoped3A_762, %dma_wait3A_780] : memref<16x320xf32, #tpu.memory_space<vmem_shared>> -> memref<1x320xf32, #tpu.memory_space<vmem_shared>>
          %dma_wait3A_782 = tpu.memref_squeeze %dma_wait3A_781 : memref<1x320xf32, #tpu.memory_space<vmem_shared>> -> memref<320xf32, #tpu.memory_space<vmem_shared>>
          %dma_wait3A_783 = arith.constant 0 : i32
          %dma_wait3A_784 = tpu.memref_slice %arg16[%run_scoped3A_763, %dma_wait3A_783] : memref<16x320xf32, #tpu.memory_space<vmem>> -> memref<1x320xf32, #tpu.memory_space<vmem>>
          %dma_wait3A_785 = tpu.memref_squeeze %dma_wait3A_784 : memref<1x320xf32, #tpu.memory_space<vmem>> -> memref<320xf32, #tpu.memory_space<vmem>>
          %dma_wait3A_786 = arith.constant 0 : i32
          %dma_wait3A_787 = tpu.memref_slice %arg12[%run_scoped3A_762, %dma_wait3A_786] : memref<16x320xf32, #tpu.memory_space<vmem_shared>> -> memref<1x320xf32, #tpu.memory_space<vmem_shared>>
          %dma_wait3A_788 = tpu.memref_squeeze %dma_wait3A_787 : memref<1x320xf32, #tpu.memory_space<vmem_shared>> -> memref<320xf32, #tpu.memory_space<vmem_shared>>
          tpu.wait_dma2 semaphore(%run_scoped3A_764 : memref<!tpu.dma_semaphore, #tpu.memory_space<semaphore_mem>>) src(%dma_wait3A_788 : memref<320xf32, #tpu.memory_space<vmem_shared>>) dst(%dma_wait3A_785 : memref<320xf32, #tpu.memory_space<vmem>>)
          tpu.yield
        }) : () -> ()
      } else {
      }
      %add3A_430 = arith.constant 15 : i32
      %add3A_431 = arith.addi %mul3A_421, %add3A_430 : i32
      %le3A_432 = arith.cmpi sle, %squeeze3A_22, %add3A_431 : i32
      %gt3A_433 = arith.cmpi sgt, %squeeze3A_54, %mul3A_421 : i32
      %and3A_434 = arith.andi %le3A_432, %gt3A_433 : i1
      %convert_element_type3A_435 = arith.extui %and3A_434 : i1 to i32
      %cond3A_436 = arith.constant 0 : i32
      %cond3A_437 = arith.cmpi ne, %convert_element_type3A_435, %cond3A_436 : i32
      scf.if %cond3A_437 {
        %run_scoped3A = arith.constant 1 : i32
        %run_scoped3A_761 = arith.constant 1 : i32
        "tpu.region"() ({
          %run_scoped3A_764 = tpu.sem_alloc : memref<!tpu.dma_semaphore, #tpu.memory_space<semaphore_mem>>
          %dma_start3A_765 = arith.constant 0 : i32
          %dma_start3A_766 = tpu.memref_slice %arg15[%run_scoped3A_761, %dma_start3A_765] : memref<16x320xi32, #tpu.memory_space<vmem>> -> memref<1x320xi32, #tpu.memory_space<vmem>>
          %dma_start3A_767 = tpu.memref_squeeze %dma_start3A_766 : memref<1x320xi32, #tpu.memory_space<vmem>> -> memref<320xi32, #tpu.memory_space<vmem>>
          %dma_start3A_768 = arith.constant 0 : i32
          %dma_start3A_769 = tpu.memref_slice %arg11[%run_scoped3A, %dma_start3A_768] : memref<16x320xi32, #tpu.memory_space<vmem_shared>> -> memref<1x320xi32, #tpu.memory_space<vmem_shared>>
          %dma_start3A_770 = tpu.memref_squeeze %dma_start3A_769 : memref<1x320xi32, #tpu.memory_space<vmem_shared>> -> memref<320xi32, #tpu.memory_space<vmem_shared>>
          %dma_start3A_771 = arith.constant 0 : i32
          %dma_start3A_772 = tpu.memref_slice %arg15[%run_scoped3A_761, %dma_start3A_771] : memref<16x320xi32, #tpu.memory_space<vmem>> -> memref<1x320xi32, #tpu.memory_space<vmem>>
          %dma_start3A_773 = tpu.memref_squeeze %dma_start3A_772 : memref<1x320xi32, #tpu.memory_space<vmem>> -> memref<320xi32, #tpu.memory_space<vmem>>
          %dma_start3A_774 = arith.constant 0 : i32
          %dma_start3A_775 = tpu.memref_slice %arg11[%run_scoped3A, %dma_start3A_774] : memref<16x320xi32, #tpu.memory_space<vmem_shared>> -> memref<1x320xi32, #tpu.memory_space<vmem_shared>>
          %dma_start3A_776 = tpu.memref_squeeze %dma_start3A_775 : memref<1x320xi32, #tpu.memory_space<vmem_shared>> -> memref<320xi32, #tpu.memory_space<vmem_shared>>
          tpu.enqueue_dma source(%dma_start3A_776 : memref<320xi32, #tpu.memory_space<vmem_shared>>) target(%dma_start3A_773 : memref<320xi32, #tpu.memory_space<vmem>>) target_semaphore(%run_scoped3A_764 : memref<!tpu.dma_semaphore, #tpu.memory_space<semaphore_mem>>)
          %dma_wait3A_777 = arith.constant 0 : i32
          %dma_wait3A_778 = tpu.memref_slice %arg15[%run_scoped3A_761, %dma_wait3A_777] : memref<16x320xi32, #tpu.memory_space<vmem>> -> memref<1x320xi32, #tpu.memory_space<vmem>>
          %dma_wait3A_779 = tpu.memref_squeeze %dma_wait3A_778 : memref<1x320xi32, #tpu.memory_space<vmem>> -> memref<320xi32, #tpu.memory_space<vmem>>
          %dma_wait3A_780 = arith.constant 0 : i32
          %dma_wait3A_781 = tpu.memref_slice %arg11[%run_scoped3A, %dma_wait3A_780] : memref<16x320xi32, #tpu.memory_space<vmem_shared>> -> memref<1x320xi32, #tpu.memory_space<vmem_shared>>
          %dma_wait3A_782 = tpu.memref_squeeze %dma_wait3A_781 : memref<1x320xi32, #tpu.memory_space<vmem_shared>> -> memref<320xi32, #tpu.memory_space<vmem_shared>>
          %dma_wait3A_783 = arith.constant 0 : i32
          %dma_wait3A_784 = tpu.memref_slice %arg15[%run_scoped3A_761, %dma_wait3A_783] : memref<16x320xi32, #tpu.memory_space<vmem>> -> memref<1x320xi32, #tpu.memory_space<vmem>>
          %dma_wait3A_785 = tpu.memref_squeeze %dma_wait3A_784 : memref<1x320xi32, #tpu.memory_space<vmem>> -> memref<320xi32, #tpu.memory_space<vmem>>
          %dma_wait3A_786 = arith.constant 0 : i32
          %dma_wait3A_787 = tpu.memref_slice %arg11[%run_scoped3A, %dma_wait3A_786] : memref<16x320xi32, #tpu.memory_space<vmem_shared>> -> memref<1x320xi32, #tpu.memory_space<vmem_shared>>
          %dma_wait3A_788 = tpu.memref_squeeze %dma_wait3A_787 : memref<1x320xi32, #tpu.memory_space<vmem_shared>> -> memref<320xi32, #tpu.memory_space<vmem_shared>>
          tpu.wait_dma2 semaphore(%run_scoped3A_764 : memref<!tpu.dma_semaphore, #tpu.memory_space<semaphore_mem>>) src(%dma_wait3A_788 : memref<320xi32, #tpu.memory_space<vmem_shared>>) dst(%dma_wait3A_785 : memref<320xi32, #tpu.memory_space<vmem>>)
          tpu.yield
        }) : () -> ()
        %run_scoped3A_762 = arith.constant 1 : i32
        %run_scoped3A_763 = arith.constant 1 : i32
        "tpu.region"() ({
          %run_scoped3A_764 = tpu.sem_alloc : memref<!tpu.dma_semaphore, #tpu.memory_space<semaphore_mem>>
          %dma_start3A_765 = arith.constant 0 : i32
          %dma_start3A_766 = tpu.memref_slice %arg16[%run_scoped3A_763, %dma_start3A_765] : memref<16x320xf32, #tpu.memory_space<vmem>> -> memref<1x320xf32, #tpu.memory_space<vmem>>
          %dma_start3A_767 = tpu.memref_squeeze %dma_start3A_766 : memref<1x320xf32, #tpu.memory_space<vmem>> -> memref<320xf32, #tpu.memory_space<vmem>>
          %dma_start3A_768 = arith.constant 0 : i32
          %dma_start3A_769 = tpu.memref_slice %arg12[%run_scoped3A_762, %dma_start3A_768] : memref<16x320xf32, #tpu.memory_space<vmem_shared>> -> memref<1x320xf32, #tpu.memory_space<vmem_shared>>
          %dma_start3A_770 = tpu.memref_squeeze %dma_start3A_769 : memref<1x320xf32, #tpu.memory_space<vmem_shared>> -> memref<320xf32, #tpu.memory_space<vmem_shared>>
          %dma_start3A_771 = arith.constant 0 : i32
          %dma_start3A_772 = tpu.memref_slice %arg16[%run_scoped3A_763, %dma_start3A_771] : memref<16x320xf32, #tpu.memory_space<vmem>> -> memref<1x320xf32, #tpu.memory_space<vmem>>
          %dma_start3A_773 = tpu.memref_squeeze %dma_start3A_772 : memref<1x320xf32, #tpu.memory_space<vmem>> -> memref<320xf32, #tpu.memory_space<vmem>>
          %dma_start3A_774 = arith.constant 0 : i32
          %dma_start3A_775 = tpu.memref_slice %arg12[%run_scoped3A_762, %dma_start3A_774] : memref<16x320xf32, #tpu.memory_space<vmem_shared>> -> memref<1x320xf32, #tpu.memory_space<vmem_shared>>
          %dma_start3A_776 = tpu.memref_squeeze %dma_start3A_775 : memref<1x320xf32, #tpu.memory_space<vmem_shared>> -> memref<320xf32, #tpu.memory_space<vmem_shared>>
          tpu.enqueue_dma source(%dma_start3A_776 : memref<320xf32, #tpu.memory_space<vmem_shared>>) target(%dma_start3A_773 : memref<320xf32, #tpu.memory_space<vmem>>) target_semaphore(%run_scoped3A_764 : memref<!tpu.dma_semaphore, #tpu.memory_space<semaphore_mem>>)
          %dma_wait3A_777 = arith.constant 0 : i32
          %dma_wait3A_778 = tpu.memref_slice %arg16[%run_scoped3A_763, %dma_wait3A_777] : memref<16x320xf32, #tpu.memory_space<vmem>> -> memref<1x320xf32, #tpu.memory_space<vmem>>
          %dma_wait3A_779 = tpu.memref_squeeze %dma_wait3A_778 : memref<1x320xf32, #tpu.memory_space<vmem>> -> memref<320xf32, #tpu.memory_space<vmem>>
          %dma_wait3A_780 = arith.constant 0 : i32
          %dma_wait3A_781 = tpu.memref_slice %arg12[%run_scoped3A_762, %dma_wait3A_780] : memref<16x320xf32, #tpu.memory_space<vmem_shared>> -> memref<1x320xf32, #tpu.memory_space<vmem_shared>>
          %dma_wait3A_782 = tpu.memref_squeeze %dma_wait3A_781 : memref<1x320xf32, #tpu.memory_space<vmem_shared>> -> memref<320xf32, #tpu.memory_space<vmem_shared>>
          %dma_wait3A_783 = arith.constant 0 : i32
          %dma_wait3A_784 = tpu.memref_slice %arg16[%run_scoped3A_763, %dma_wait3A_783] : memref<16x320xf32, #tpu.memory_space<vmem>> -> memref<1x320xf32, #tpu.memory_space<vmem>>
          %dma_wait3A_785 = tpu.memref_squeeze %dma_wait3A_784 : memref<1x320xf32, #tpu.memory_space<vmem>> -> memref<320xf32, #tpu.memory_space<vmem>>
          %dma_wait3A_786 = arith.constant 0 : i32
          %dma_wait3A_787 = tpu.memref_slice %arg12[%run_scoped3A_762, %dma_wait3A_786] : memref<16x320xf32, #tpu.memory_space<vmem_shared>> -> memref<1x320xf32, #tpu.memory_space<vmem_shared>>
          %dma_wait3A_788 = tpu.memref_squeeze %dma_wait3A_787 : memref<1x320xf32, #tpu.memory_space<vmem_shared>> -> memref<320xf32, #tpu.memory_space<vmem_shared>>
          tpu.wait_dma2 semaphore(%run_scoped3A_764 : memref<!tpu.dma_semaphore, #tpu.memory_space<semaphore_mem>>) src(%dma_wait3A_788 : memref<320xf32, #tpu.memory_space<vmem_shared>>) dst(%dma_wait3A_785 : memref<320xf32, #tpu.memory_space<vmem>>)
          tpu.yield
        }) : () -> ()
      } else {
      }
      %add3A_438 = arith.constant 15 : i32
      %add3A_439 = arith.addi %mul3A_421, %add3A_438 : i32
      %le3A_440 = arith.cmpi sle, %squeeze3A_24, %add3A_439 : i32
      %gt3A_441 = arith.cmpi sgt, %squeeze3A_56, %mul3A_421 : i32
      %and3A_442 = arith.andi %le3A_440, %gt3A_441 : i1
      %convert_element_type3A_443 = arith.extui %and3A_442 : i1 to i32
      %cond3A_444 = arith.constant 0 : i32
      %cond3A_445 = arith.cmpi ne, %convert_element_type3A_443, %cond3A_444 : i32
      scf.if %cond3A_445 {
        %run_scoped3A = arith.constant 2 : i32
        %run_scoped3A_761 = arith.constant 2 : i32
        "tpu.region"() ({
          %run_scoped3A_764 = tpu.sem_alloc : memref<!tpu.dma_semaphore, #tpu.memory_space<semaphore_mem>>
          %dma_start3A_765 = arith.constant 0 : i32
          %dma_start3A_766 = tpu.memref_slice %arg15[%run_scoped3A_761, %dma_start3A_765] : memref<16x320xi32, #tpu.memory_space<vmem>> -> memref<1x320xi32, #tpu.memory_space<vmem>>
          %dma_start3A_767 = tpu.memref_squeeze %dma_start3A_766 : memref<1x320xi32, #tpu.memory_space<vmem>> -> memref<320xi32, #tpu.memory_space<vmem>>
          %dma_start3A_768 = arith.constant 0 : i32
          %dma_start3A_769 = tpu.memref_slice %arg11[%run_scoped3A, %dma_start3A_768] : memref<16x320xi32, #tpu.memory_space<vmem_shared>> -> memref<1x320xi32, #tpu.memory_space<vmem_shared>>
          %dma_start3A_770 = tpu.memref_squeeze %dma_start3A_769 : memref<1x320xi32, #tpu.memory_space<vmem_shared>> -> memref<320xi32, #tpu.memory_space<vmem_shared>>
          %dma_start3A_771 = arith.constant 0 : i32
          %dma_start3A_772 = tpu.memref_slice %arg15[%run_scoped3A_761, %dma_start3A_771] : memref<16x320xi32, #tpu.memory_space<vmem>> -> memref<1x320xi32, #tpu.memory_space<vmem>>
          %dma_start3A_773 = tpu.memref_squeeze %dma_start3A_772 : memref<1x320xi32, #tpu.memory_space<vmem>> -> memref<320xi32, #tpu.memory_space<vmem>>
          %dma_start3A_774 = arith.constant 0 : i32
          %dma_start3A_775 = tpu.memref_slice %arg11[%run_scoped3A, %dma_start3A_774] : memref<16x320xi32, #tpu.memory_space<vmem_shared>> -> memref<1x320xi32, #tpu.memory_space<vmem_shared>>
          %dma_start3A_776 = tpu.memref_squeeze %dma_start3A_775 : memref<1x320xi32, #tpu.memory_space<vmem_shared>> -> memref<320xi32, #tpu.memory_space<vmem_shared>>
          tpu.enqueue_dma source(%dma_start3A_776 : memref<320xi32, #tpu.memory_space<vmem_shared>>) target(%dma_start3A_773 : memref<320xi32, #tpu.memory_space<vmem>>) target_semaphore(%run_scoped3A_764 : memref<!tpu.dma_semaphore, #tpu.memory_space<semaphore_mem>>)
          %dma_wait3A_777 = arith.constant 0 : i32
          %dma_wait3A_778 = tpu.memref_slice %arg15[%run_scoped3A_761, %dma_wait3A_777] : memref<16x320xi32, #tpu.memory_space<vmem>> -> memref<1x320xi32, #tpu.memory_space<vmem>>
          %dma_wait3A_779 = tpu.memref_squeeze %dma_wait3A_778 : memref<1x320xi32, #tpu.memory_space<vmem>> -> memref<320xi32, #tpu.memory_space<vmem>>
          %dma_wait3A_780 = arith.constant 0 : i32
          %dma_wait3A_781 = tpu.memref_slice %arg11[%run_scoped3A, %dma_wait3A_780] : memref<16x320xi32, #tpu.memory_space<vmem_shared>> -> memref<1x320xi32, #tpu.memory_space<vmem_shared>>
          %dma_wait3A_782 = tpu.memref_squeeze %dma_wait3A_781 : memref<1x320xi32, #tpu.memory_space<vmem_shared>> -> memref<320xi32, #tpu.memory_space<vmem_shared>>
          %dma_wait3A_783 = arith.constant 0 : i32
          %dma_wait3A_784 = tpu.memref_slice %arg15[%run_scoped3A_761, %dma_wait3A_783] : memref<16x320xi32, #tpu.memory_space<vmem>> -> memref<1x320xi32, #tpu.memory_space<vmem>>
          %dma_wait3A_785 = tpu.memref_squeeze %dma_wait3A_784 : memref<1x320xi32, #tpu.memory_space<vmem>> -> memref<320xi32, #tpu.memory_space<vmem>>
          %dma_wait3A_786 = arith.constant 0 : i32
          %dma_wait3A_787 = tpu.memref_slice %arg11[%run_scoped3A, %dma_wait3A_786] : memref<16x320xi32, #tpu.memory_space<vmem_shared>> -> memref<1x320xi32, #tpu.memory_space<vmem_shared>>
          %dma_wait3A_788 = tpu.memref_squeeze %dma_wait3A_787 : memref<1x320xi32, #tpu.memory_space<vmem_shared>> -> memref<320xi32, #tpu.memory_space<vmem_shared>>
          tpu.wait_dma2 semaphore(%run_scoped3A_764 : memref<!tpu.dma_semaphore, #tpu.memory_space<semaphore_mem>>) src(%dma_wait3A_788 : memref<320xi32, #tpu.memory_space<vmem_shared>>) dst(%dma_wait3A_785 : memref<320xi32, #tpu.memory_space<vmem>>)
          tpu.yield
        }) : () -> ()
        %run_scoped3A_762 = arith.constant 2 : i32
        %run_scoped3A_763 = arith.constant 2 : i32
        "tpu.region"() ({
          %run_scoped3A_764 = tpu.sem_alloc : memref<!tpu.dma_semaphore, #tpu.memory_space<semaphore_mem>>
          %dma_start3A_765 = arith.constant 0 : i32
          %dma_start3A_766 = tpu.memref_slice %arg16[%run_scoped3A_763, %dma_start3A_765] : memref<16x320xf32, #tpu.memory_space<vmem>> -> memref<1x320xf32, #tpu.memory_space<vmem>>
          %dma_start3A_767 = tpu.memref_squeeze %dma_start3A_766 : memref<1x320xf32, #tpu.memory_space<vmem>> -> memref<320xf32, #tpu.memory_space<vmem>>
          %dma_start3A_768 = arith.constant 0 : i32
          %dma_start3A_769 = tpu.memref_slice %arg12[%run_scoped3A_762, %dma_start3A_768] : memref<16x320xf32, #tpu.memory_space<vmem_shared>> -> memref<1x320xf32, #tpu.memory_space<vmem_shared>>
          %dma_start3A_770 = tpu.memref_squeeze %dma_start3A_769 : memref<1x320xf32, #tpu.memory_space<vmem_shared>> -> memref<320xf32, #tpu.memory_space<vmem_shared>>
          %dma_start3A_771 = arith.constant 0 : i32
          %dma_start3A_772 = tpu.memref_slice %arg16[%run_scoped3A_763, %dma_start3A_771] : memref<16x320xf32, #tpu.memory_space<vmem>> -> memref<1x320xf32, #tpu.memory_space<vmem>>
          %dma_start3A_773 = tpu.memref_squeeze %dma_start3A_772 : memref<1x320xf32, #tpu.memory_space<vmem>> -> memref<320xf32, #tpu.memory_space<vmem>>
          %dma_start3A_774 = arith.constant 0 : i32
          %dma_start3A_775 = tpu.memref_slice %arg12[%run_scoped3A_762, %dma_start3A_774] : memref<16x320xf32, #tpu.memory_space<vmem_shared>> -> memref<1x320xf32, #tpu.memory_space<vmem_shared>>
          %dma_start3A_776 = tpu.memref_squeeze %dma_start3A_775 : memref<1x320xf32, #tpu.memory_space<vmem_shared>> -> memref<320xf32, #tpu.memory_space<vmem_shared>>
          tpu.enqueue_dma source(%dma_start3A_776 : memref<320xf32, #tpu.memory_space<vmem_shared>>) target(%dma_start3A_773 : memref<320xf32, #tpu.memory_space<vmem>>) target_semaphore(%run_scoped3A_764 : memref<!tpu.dma_semaphore, #tpu.memory_space<semaphore_mem>>)
          %dma_wait3A_777 = arith.constant 0 : i32
          %dma_wait3A_778 = tpu.memref_slice %arg16[%run_scoped3A_763, %dma_wait3A_777] : memref<16x320xf32, #tpu.memory_space<vmem>> -> memref<1x320xf32, #tpu.memory_space<vmem>>
          %dma_wait3A_779 = tpu.memref_squeeze %dma_wait3A_778 : memref<1x320xf32, #tpu.memory_space<vmem>> -> memref<320xf32, #tpu.memory_space<vmem>>
          %dma_wait3A_780 = arith.constant 0 : i32
          %dma_wait3A_781 = tpu.memref_slice %arg12[%run_scoped3A_762, %dma_wait3A_780] : memref<16x320xf32, #tpu.memory_space<vmem_shared>> -> memref<1x320xf32, #tpu.memory_space<vmem_shared>>
          %dma_wait3A_782 = tpu.memref_squeeze %dma_wait3A_781 : memref<1x320xf32, #tpu.memory_space<vmem_shared>> -> memref<320xf32, #tpu.memory_space<vmem_shared>>
          %dma_wait3A_783 = arith.constant 0 : i32
          %dma_wait3A_784 = tpu.memref_slice %arg16[%run_scoped3A_763, %dma_wait3A_783] : memref<16x320xf32, #tpu.memory_space<vmem>> -> memref<1x320xf32, #tpu.memory_space<vmem>>
          %dma_wait3A_785 = tpu.memref_squeeze %dma_wait3A_784 : memref<1x320xf32, #tpu.memory_space<vmem>> -> memref<320xf32, #tpu.memory_space<vmem>>
          %dma_wait3A_786 = arith.constant 0 : i32
          %dma_wait3A_787 = tpu.memref_slice %arg12[%run_scoped3A_762, %dma_wait3A_786] : memref<16x320xf32, #tpu.memory_space<vmem_shared>> -> memref<1x320xf32, #tpu.memory_space<vmem_shared>>
          %dma_wait3A_788 = tpu.memref_squeeze %dma_wait3A_787 : memref<1x320xf32, #tpu.memory_space<vmem_shared>> -> memref<320xf32, #tpu.memory_space<vmem_shared>>
          tpu.wait_dma2 semaphore(%run_scoped3A_764 : memref<!tpu.dma_semaphore, #tpu.memory_space<semaphore_mem>>) src(%dma_wait3A_788 : memref<320xf32, #tpu.memory_space<vmem_shared>>) dst(%dma_wait3A_785 : memref<320xf32, #tpu.memory_space<vmem>>)
          tpu.yield
        }) : () -> ()
      } else {
      }
      %add3A_446 = arith.constant 15 : i32
      %add3A_447 = arith.addi %mul3A_421, %add3A_446 : i32
      %le3A_448 = arith.cmpi sle, %squeeze3A_26, %add3A_447 : i32
      %gt3A_449 = arith.cmpi sgt, %squeeze3A_58, %mul3A_421 : i32
      %and3A_450 = arith.andi %le3A_448, %gt3A_449 : i1
      %convert_element_type3A_451 = arith.extui %and3A_450 : i1 to i32
      %cond3A_452 = arith.constant 0 : i32
      %cond3A_453 = arith.cmpi ne, %convert_element_type3A_451, %cond3A_452 : i32
      scf.if %cond3A_453 {
        %run_scoped3A = arith.constant 3 : i32
        %run_scoped3A_761 = arith.constant 3 : i32
        "tpu.region"() ({
          %run_scoped3A_764 = tpu.sem_alloc : memref<!tpu.dma_semaphore, #tpu.memory_space<semaphore_mem>>
          %dma_start3A_765 = arith.constant 0 : i32
          %dma_start3A_766 = tpu.memref_slice %arg15[%run_scoped3A_761, %dma_start3A_765] : memref<16x320xi32, #tpu.memory_space<vmem>> -> memref<1x320xi32, #tpu.memory_space<vmem>>
          %dma_start3A_767 = tpu.memref_squeeze %dma_start3A_766 : memref<1x320xi32, #tpu.memory_space<vmem>> -> memref<320xi32, #tpu.memory_space<vmem>>
          %dma_start3A_768 = arith.constant 0 : i32
          %dma_start3A_769 = tpu.memref_slice %arg11[%run_scoped3A, %dma_start3A_768] : memref<16x320xi32, #tpu.memory_space<vmem_shared>> -> memref<1x320xi32, #tpu.memory_space<vmem_shared>>
          %dma_start3A_770 = tpu.memref_squeeze %dma_start3A_769 : memref<1x320xi32, #tpu.memory_space<vmem_shared>> -> memref<320xi32, #tpu.memory_space<vmem_shared>>
          %dma_start3A_771 = arith.constant 0 : i32
          %dma_start3A_772 = tpu.memref_slice %arg15[%run_scoped3A_761, %dma_start3A_771] : memref<16x320xi32, #tpu.memory_space<vmem>> -> memref<1x320xi32, #tpu.memory_space<vmem>>
          %dma_start3A_773 = tpu.memref_squeeze %dma_start3A_772 : memref<1x320xi32, #tpu.memory_space<vmem>> -> memref<320xi32, #tpu.memory_space<vmem>>
          %dma_start3A_774 = arith.constant 0 : i32
          %dma_start3A_775 = tpu.memref_slice %arg11[%run_scoped3A, %dma_start3A_774] : memref<16x320xi32, #tpu.memory_space<vmem_shared>> -> memref<1x320xi32, #tpu.memory_space<vmem_shared>>
          %dma_start3A_776 = tpu.memref_squeeze %dma_start3A_775 : memref<1x320xi32, #tpu.memory_space<vmem_shared>> -> memref<320xi32, #tpu.memory_space<vmem_shared>>
          tpu.enqueue_dma source(%dma_start3A_776 : memref<320xi32, #tpu.memory_space<vmem_shared>>) target(%dma_start3A_773 : memref<320xi32, #tpu.memory_space<vmem>>) target_semaphore(%run_scoped3A_764 : memref<!tpu.dma_semaphore, #tpu.memory_space<semaphore_mem>>)
          %dma_wait3A_777 = arith.constant 0 : i32
          %dma_wait3A_778 = tpu.memref_slice %arg15[%run_scoped3A_761, %dma_wait3A_777] : memref<16x320xi32, #tpu.memory_space<vmem>> -> memref<1x320xi32, #tpu.memory_space<vmem>>
          %dma_wait3A_779 = tpu.memref_squeeze %dma_wait3A_778 : memref<1x320xi32, #tpu.memory_space<vmem>> -> memref<320xi32, #tpu.memory_space<vmem>>
          %dma_wait3A_780 = arith.constant 0 : i32
          %dma_wait3A_781 = tpu.memref_slice %arg11[%run_scoped3A, %dma_wait3A_780] : memref<16x320xi32, #tpu.memory_space<vmem_shared>> -> memref<1x320xi32, #tpu.memory_space<vmem_shared>>
          %dma_wait3A_782 = tpu.memref_squeeze %dma_wait3A_781 : memref<1x320xi32, #tpu.memory_space<vmem_shared>> -> memref<320xi32, #tpu.memory_space<vmem_shared>>
          %dma_wait3A_783 = arith.constant 0 : i32
          %dma_wait3A_784 = tpu.memref_slice %arg15[%run_scoped3A_761, %dma_wait3A_783] : memref<16x320xi32, #tpu.memory_space<vmem>> -> memref<1x320xi32, #tpu.memory_space<vmem>>
          %dma_wait3A_785 = tpu.memref_squeeze %dma_wait3A_784 : memref<1x320xi32, #tpu.memory_space<vmem>> -> memref<320xi32, #tpu.memory_space<vmem>>
          %dma_wait3A_786 = arith.constant 0 : i32
          %dma_wait3A_787 = tpu.memref_slice %arg11[%run_scoped3A, %dma_wait3A_786] : memref<16x320xi32, #tpu.memory_space<vmem_shared>> -> memref<1x320xi32, #tpu.memory_space<vmem_shared>>
          %dma_wait3A_788 = tpu.memref_squeeze %dma_wait3A_787 : memref<1x320xi32, #tpu.memory_space<vmem_shared>> -> memref<320xi32, #tpu.memory_space<vmem_shared>>
          tpu.wait_dma2 semaphore(%run_scoped3A_764 : memref<!tpu.dma_semaphore, #tpu.memory_space<semaphore_mem>>) src(%dma_wait3A_788 : memref<320xi32, #tpu.memory_space<vmem_shared>>) dst(%dma_wait3A_785 : memref<320xi32, #tpu.memory_space<vmem>>)
          tpu.yield
        }) : () -> ()
        %run_scoped3A_762 = arith.constant 3 : i32
        %run_scoped3A_763 = arith.constant 3 : i32
        "tpu.region"() ({
          %run_scoped3A_764 = tpu.sem_alloc : memref<!tpu.dma_semaphore, #tpu.memory_space<semaphore_mem>>
          %dma_start3A_765 = arith.constant 0 : i32
          %dma_start3A_766 = tpu.memref_slice %arg16[%run_scoped3A_763, %dma_start3A_765] : memref<16x320xf32, #tpu.memory_space<vmem>> -> memref<1x320xf32, #tpu.memory_space<vmem>>
          %dma_start3A_767 = tpu.memref_squeeze %dma_start3A_766 : memref<1x320xf32, #tpu.memory_space<vmem>> -> memref<320xf32, #tpu.memory_space<vmem>>
          %dma_start3A_768 = arith.constant 0 : i32
          %dma_start3A_769 = tpu.memref_slice %arg12[%run_scoped3A_762, %dma_start3A_768] : memref<16x320xf32, #tpu.memory_space<vmem_shared>> -> memref<1x320xf32, #tpu.memory_space<vmem_shared>>
          %dma_start3A_770 = tpu.memref_squeeze %dma_start3A_769 : memref<1x320xf32, #tpu.memory_space<vmem_shared>> -> memref<320xf32, #tpu.memory_space<vmem_shared>>
          %dma_start3A_771 = arith.constant 0 : i32
          %dma_start3A_772 = tpu.memref_slice %arg16[%run_scoped3A_763, %dma_start3A_771] : memref<16x320xf32, #tpu.memory_space<vmem>> -> memref<1x320xf32, #tpu.memory_space<vmem>>
          %dma_start3A_773 = tpu.memref_squeeze %dma_start3A_772 : memref<1x320xf32, #tpu.memory_space<vmem>> -> memref<320xf32, #tpu.memory_space<vmem>>
          %dma_start3A_774 = arith.constant 0 : i32
          %dma_start3A_775 = tpu.memref_slice %arg12[%run_scoped3A_762, %dma_start3A_774] : memref<16x320xf32, #tpu.memory_space<vmem_shared>> -> memref<1x320xf32, #tpu.memory_space<vmem_shared>>
          %dma_start3A_776 = tpu.memref_squeeze %dma_start3A_775 : memref<1x320xf32, #tpu.memory_space<vmem_shared>> -> memref<320xf32, #tpu.memory_space<vmem_shared>>
          tpu.enqueue_dma source(%dma_start3A_776 : memref<320xf32, #tpu.memory_space<vmem_shared>>) target(%dma_start3A_773 : memref<320xf32, #tpu.memory_space<vmem>>) target_semaphore(%run_scoped3A_764 : memref<!tpu.dma_semaphore, #tpu.memory_space<semaphore_mem>>)
          %dma_wait3A_777 = arith.constant 0 : i32
          %dma_wait3A_778 = tpu.memref_slice %arg16[%run_scoped3A_763, %dma_wait3A_777] : memref<16x320xf32, #tpu.memory_space<vmem>> -> memref<1x320xf32, #tpu.memory_space<vmem>>
          %dma_wait3A_779 = tpu.memref_squeeze %dma_wait3A_778 : memref<1x320xf32, #tpu.memory_space<vmem>> -> memref<320xf32, #tpu.memory_space<vmem>>
          %dma_wait3A_780 = arith.constant 0 : i32
          %dma_wait3A_781 = tpu.memref_slice %arg12[%run_scoped3A_762, %dma_wait3A_780] : memref<16x320xf32, #tpu.memory_space<vmem_shared>> -> memref<1x320xf32, #tpu.memory_space<vmem_shared>>
          %dma_wait3A_782 = tpu.memref_squeeze %dma_wait3A_781 : memref<1x320xf32, #tpu.memory_space<vmem_shared>> -> memref<320xf32, #tpu.memory_space<vmem_shared>>
          %dma_wait3A_783 = arith.constant 0 : i32
          %dma_wait3A_784 = tpu.memref_slice %arg16[%run_scoped3A_763, %dma_wait3A_783] : memref<16x320xf32, #tpu.memory_space<vmem>> -> memref<1x320xf32, #tpu.memory_space<vmem>>
          %dma_wait3A_785 = tpu.memref_squeeze %dma_wait3A_784 : memref<1x320xf32, #tpu.memory_space<vmem>> -> memref<320xf32, #tpu.memory_space<vmem>>
          %dma_wait3A_786 = arith.constant 0 : i32
          %dma_wait3A_787 = tpu.memref_slice %arg12[%run_scoped3A_762, %dma_wait3A_786] : memref<16x320xf32, #tpu.memory_space<vmem_shared>> -> memref<1x320xf32, #tpu.memory_space<vmem_shared>>
          %dma_wait3A_788 = tpu.memref_squeeze %dma_wait3A_787 : memref<1x320xf32, #tpu.memory_space<vmem_shared>> -> memref<320xf32, #tpu.memory_space<vmem_shared>>
          tpu.wait_dma2 semaphore(%run_scoped3A_764 : memref<!tpu.dma_semaphore, #tpu.memory_space<semaphore_mem>>) src(%dma_wait3A_788 : memref<320xf32, #tpu.memory_space<vmem_shared>>) dst(%dma_wait3A_785 : memref<320xf32, #tpu.memory_space<vmem>>)
          tpu.yield
        }) : () -> ()
      } else {
      }
      %add3A_454 = arith.constant 15 : i32
      %add3A_455 = arith.addi %mul3A_421, %add3A_454 : i32
      %le3A_456 = arith.cmpi sle, %squeeze3A_28, %add3A_455 : i32
      %gt3A_457 = arith.cmpi sgt, %squeeze3A_60, %mul3A_421 : i32
      %and3A_458 = arith.andi %le3A_456, %gt3A_457 : i1
      %convert_element_type3A_459 = arith.extui %and3A_458 : i1 to i32
      %cond3A_460 = arith.constant 0 : i32
      %cond3A_461 = arith.cmpi ne, %convert_element_type3A_459, %cond3A_460 : i32
      scf.if %cond3A_461 {
        %run_scoped3A = arith.constant 4 : i32
        %run_scoped3A_761 = arith.constant 4 : i32
        "tpu.region"() ({
          %run_scoped3A_764 = tpu.sem_alloc : memref<!tpu.dma_semaphore, #tpu.memory_space<semaphore_mem>>
          %dma_start3A_765 = arith.constant 0 : i32
          %dma_start3A_766 = tpu.memref_slice %arg15[%run_scoped3A_761, %dma_start3A_765] : memref<16x320xi32, #tpu.memory_space<vmem>> -> memref<1x320xi32, #tpu.memory_space<vmem>>
          %dma_start3A_767 = tpu.memref_squeeze %dma_start3A_766 : memref<1x320xi32, #tpu.memory_space<vmem>> -> memref<320xi32, #tpu.memory_space<vmem>>
          %dma_start3A_768 = arith.constant 0 : i32
          %dma_start3A_769 = tpu.memref_slice %arg11[%run_scoped3A, %dma_start3A_768] : memref<16x320xi32, #tpu.memory_space<vmem_shared>> -> memref<1x320xi32, #tpu.memory_space<vmem_shared>>
          %dma_start3A_770 = tpu.memref_squeeze %dma_start3A_769 : memref<1x320xi32, #tpu.memory_space<vmem_shared>> -> memref<320xi32, #tpu.memory_space<vmem_shared>>
          %dma_start3A_771 = arith.constant 0 : i32
          %dma_start3A_772 = tpu.memref_slice %arg15[%run_scoped3A_761, %dma_start3A_771] : memref<16x320xi32, #tpu.memory_space<vmem>> -> memref<1x320xi32, #tpu.memory_space<vmem>>
          %dma_start3A_773 = tpu.memref_squeeze %dma_start3A_772 : memref<1x320xi32, #tpu.memory_space<vmem>> -> memref<320xi32, #tpu.memory_space<vmem>>
          %dma_start3A_774 = arith.constant 0 : i32
          %dma_start3A_775 = tpu.memref_slice %arg11[%run_scoped3A, %dma_start3A_774] : memref<16x320xi32, #tpu.memory_space<vmem_shared>> -> memref<1x320xi32, #tpu.memory_space<vmem_shared>>
          %dma_start3A_776 = tpu.memref_squeeze %dma_start3A_775 : memref<1x320xi32, #tpu.memory_space<vmem_shared>> -> memref<320xi32, #tpu.memory_space<vmem_shared>>
          tpu.enqueue_dma source(%dma_start3A_776 : memref<320xi32, #tpu.memory_space<vmem_shared>>) target(%dma_start3A_773 : memref<320xi32, #tpu.memory_space<vmem>>) target_semaphore(%run_scoped3A_764 : memref<!tpu.dma_semaphore, #tpu.memory_space<semaphore_mem>>)
          %dma_wait3A_777 = arith.constant 0 : i32
          %dma_wait3A_778 = tpu.memref_slice %arg15[%run_scoped3A_761, %dma_wait3A_777] : memref<16x320xi32, #tpu.memory_space<vmem>> -> memref<1x320xi32, #tpu.memory_space<vmem>>
          %dma_wait3A_779 = tpu.memref_squeeze %dma_wait3A_778 : memref<1x320xi32, #tpu.memory_space<vmem>> -> memref<320xi32, #tpu.memory_space<vmem>>
          %dma_wait3A_780 = arith.constant 0 : i32
          %dma_wait3A_781 = tpu.memref_slice %arg11[%run_scoped3A, %dma_wait3A_780] : memref<16x320xi32, #tpu.memory_space<vmem_shared>> -> memref<1x320xi32, #tpu.memory_space<vmem_shared>>
          %dma_wait3A_782 = tpu.memref_squeeze %dma_wait3A_781 : memref<1x320xi32, #tpu.memory_space<vmem_shared>> -> memref<320xi32, #tpu.memory_space<vmem_shared>>
          %dma_wait3A_783 = arith.constant 0 : i32
          %dma_wait3A_784 = tpu.memref_slice %arg15[%run_scoped3A_761, %dma_wait3A_783] : memref<16x320xi32, #tpu.memory_space<vmem>> -> memref<1x320xi32, #tpu.memory_space<vmem>>
          %dma_wait3A_785 = tpu.memref_squeeze %dma_wait3A_784 : memref<1x320xi32, #tpu.memory_space<vmem>> -> memref<320xi32, #tpu.memory_space<vmem>>
          %dma_wait3A_786 = arith.constant 0 : i32
          %dma_wait3A_787 = tpu.memref_slice %arg11[%run_scoped3A, %dma_wait3A_786] : memref<16x320xi32, #tpu.memory_space<vmem_shared>> -> memref<1x320xi32, #tpu.memory_space<vmem_shared>>
          %dma_wait3A_788 = tpu.memref_squeeze %dma_wait3A_787 : memref<1x320xi32, #tpu.memory_space<vmem_shared>> -> memref<320xi32, #tpu.memory_space<vmem_shared>>
          tpu.wait_dma2 semaphore(%run_scoped3A_764 : memref<!tpu.dma_semaphore, #tpu.memory_space<semaphore_mem>>) src(%dma_wait3A_788 : memref<320xi32, #tpu.memory_space<vmem_shared>>) dst(%dma_wait3A_785 : memref<320xi32, #tpu.memory_space<vmem>>)
          tpu.yield
        }) : () -> ()
        %run_scoped3A_762 = arith.constant 4 : i32
        %run_scoped3A_763 = arith.constant 4 : i32
        "tpu.region"() ({
          %run_scoped3A_764 = tpu.sem_alloc : memref<!tpu.dma_semaphore, #tpu.memory_space<semaphore_mem>>
          %dma_start3A_765 = arith.constant 0 : i32
          %dma_start3A_766 = tpu.memref_slice %arg16[%run_scoped3A_763, %dma_start3A_765] : memref<16x320xf32, #tpu.memory_space<vmem>> -> memref<1x320xf32, #tpu.memory_space<vmem>>
          %dma_start3A_767 = tpu.memref_squeeze %dma_start3A_766 : memref<1x320xf32, #tpu.memory_space<vmem>> -> memref<320xf32, #tpu.memory_space<vmem>>
          %dma_start3A_768 = arith.constant 0 : i32
          %dma_start3A_769 = tpu.memref_slice %arg12[%run_scoped3A_762, %dma_start3A_768] : memref<16x320xf32, #tpu.memory_space<vmem_shared>> -> memref<1x320xf32, #tpu.memory_space<vmem_shared>>
          %dma_start3A_770 = tpu.memref_squeeze %dma_start3A_769 : memref<1x320xf32, #tpu.memory_space<vmem_shared>> -> memref<320xf32, #tpu.memory_space<vmem_shared>>
          %dma_start3A_771 = arith.constant 0 : i32
          %dma_start3A_772 = tpu.memref_slice %arg16[%run_scoped3A_763, %dma_start3A_771] : memref<16x320xf32, #tpu.memory_space<vmem>> -> memref<1x320xf32, #tpu.memory_space<vmem>>
          %dma_start3A_773 = tpu.memref_squeeze %dma_start3A_772 : memref<1x320xf32, #tpu.memory_space<vmem>> -> memref<320xf32, #tpu.memory_space<vmem>>
          %dma_start3A_774 = arith.constant 0 : i32
          %dma_start3A_775 = tpu.memref_slice %arg12[%run_scoped3A_762, %dma_start3A_774] : memref<16x320xf32, #tpu.memory_space<vmem_shared>> -> memref<1x320xf32, #tpu.memory_space<vmem_shared>>
          %dma_start3A_776 = tpu.memref_squeeze %dma_start3A_775 : memref<1x320xf32, #tpu.memory_space<vmem_shared>> -> memref<320xf32, #tpu.memory_space<vmem_shared>>
          tpu.enqueue_dma source(%dma_start3A_776 : memref<320xf32, #tpu.memory_space<vmem_shared>>) target(%dma_start3A_773 : memref<320xf32, #tpu.memory_space<vmem>>) target_semaphore(%run_scoped3A_764 : memref<!tpu.dma_semaphore, #tpu.memory_space<semaphore_mem>>)
          %dma_wait3A_777 = arith.constant 0 : i32
          %dma_wait3A_778 = tpu.memref_slice %arg16[%run_scoped3A_763, %dma_wait3A_777] : memref<16x320xf32, #tpu.memory_space<vmem>> -> memref<1x320xf32, #tpu.memory_space<vmem>>
          %dma_wait3A_779 = tpu.memref_squeeze %dma_wait3A_778 : memref<1x320xf32, #tpu.memory_space<vmem>> -> memref<320xf32, #tpu.memory_space<vmem>>
          %dma_wait3A_780 = arith.constant 0 : i32
          %dma_wait3A_781 = tpu.memref_slice %arg12[%run_scoped3A_762, %dma_wait3A_780] : memref<16x320xf32, #tpu.memory_space<vmem_shared>> -> memref<1x320xf32, #tpu.memory_space<vmem_shared>>
          %dma_wait3A_782 = tpu.memref_squeeze %dma_wait3A_781 : memref<1x320xf32, #tpu.memory_space<vmem_shared>> -> memref<320xf32, #tpu.memory_space<vmem_shared>>
          %dma_wait3A_783 = arith.constant 0 : i32
          %dma_wait3A_784 = tpu.memref_slice %arg16[%run_scoped3A_763, %dma_wait3A_783] : memref<16x320xf32, #tpu.memory_space<vmem>> -> memref<1x320xf32, #tpu.memory_space<vmem>>
          %dma_wait3A_785 = tpu.memref_squeeze %dma_wait3A_784 : memref<1x320xf32, #tpu.memory_space<vmem>> -> memref<320xf32, #tpu.memory_space<vmem>>
          %dma_wait3A_786 = arith.constant 0 : i32
          %dma_wait3A_787 = tpu.memref_slice %arg12[%run_scoped3A_762, %dma_wait3A_786] : memref<16x320xf32, #tpu.memory_space<vmem_shared>> -> memref<1x320xf32, #tpu.memory_space<vmem_shared>>
          %dma_wait3A_788 = tpu.memref_squeeze %dma_wait3A_787 : memref<1x320xf32, #tpu.memory_space<vmem_shared>> -> memref<320xf32, #tpu.memory_space<vmem_shared>>
          tpu.wait_dma2 semaphore(%run_scoped3A_764 : memref<!tpu.dma_semaphore, #tpu.memory_space<semaphore_mem>>) src(%dma_wait3A_788 : memref<320xf32, #tpu.memory_space<vmem_shared>>) dst(%dma_wait3A_785 : memref<320xf32, #tpu.memory_space<vmem>>)
          tpu.yield
        }) : () -> ()
      } else {
      }
      %add3A_462 = arith.constant 15 : i32
      %add3A_463 = arith.addi %mul3A_421, %add3A_462 : i32
      %le3A_464 = arith.cmpi sle, %squeeze3A_30, %add3A_463 : i32
      %gt3A_465 = arith.cmpi sgt, %squeeze3A_62, %mul3A_421 : i32
      %and3A_466 = arith.andi %le3A_464, %gt3A_465 : i1
      %convert_element_type3A_467 = arith.extui %and3A_466 : i1 to i32
      %cond3A_468 = arith.constant 0 : i32
      %cond3A_469 = arith.cmpi ne, %convert_element_type3A_467, %cond3A_468 : i32
      scf.if %cond3A_469 {
        %run_scoped3A = arith.constant 5 : i32
        %run_scoped3A_761 = arith.constant 5 : i32
        "tpu.region"() ({
          %run_scoped3A_764 = tpu.sem_alloc : memref<!tpu.dma_semaphore, #tpu.memory_space<semaphore_mem>>
          %dma_start3A_765 = arith.constant 0 : i32
          %dma_start3A_766 = tpu.memref_slice %arg15[%run_scoped3A_761, %dma_start3A_765] : memref<16x320xi32, #tpu.memory_space<vmem>> -> memref<1x320xi32, #tpu.memory_space<vmem>>
          %dma_start3A_767 = tpu.memref_squeeze %dma_start3A_766 : memref<1x320xi32, #tpu.memory_space<vmem>> -> memref<320xi32, #tpu.memory_space<vmem>>
          %dma_start3A_768 = arith.constant 0 : i32
          %dma_start3A_769 = tpu.memref_slice %arg11[%run_scoped3A, %dma_start3A_768] : memref<16x320xi32, #tpu.memory_space<vmem_shared>> -> memref<1x320xi32, #tpu.memory_space<vmem_shared>>
          %dma_start3A_770 = tpu.memref_squeeze %dma_start3A_769 : memref<1x320xi32, #tpu.memory_space<vmem_shared>> -> memref<320xi32, #tpu.memory_space<vmem_shared>>
          %dma_start3A_771 = arith.constant 0 : i32
          %dma_start3A_772 = tpu.memref_slice %arg15[%run_scoped3A_761, %dma_start3A_771] : memref<16x320xi32, #tpu.memory_space<vmem>> -> memref<1x320xi32, #tpu.memory_space<vmem>>
          %dma_start3A_773 = tpu.memref_squeeze %dma_start3A_772 : memref<1x320xi32, #tpu.memory_space<vmem>> -> memref<320xi32, #tpu.memory_space<vmem>>
          %dma_start3A_774 = arith.constant 0 : i32
          %dma_start3A_775 = tpu.memref_slice %arg11[%run_scoped3A, %dma_start3A_774] : memref<16x320xi32, #tpu.memory_space<vmem_shared>> -> memref<1x320xi32, #tpu.memory_space<vmem_shared>>
          %dma_start3A_776 = tpu.memref_squeeze %dma_start3A_775 : memref<1x320xi32, #tpu.memory_space<vmem_shared>> -> memref<320xi32, #tpu.memory_space<vmem_shared>>
          tpu.enqueue_dma source(%dma_start3A_776 : memref<320xi32, #tpu.memory_space<vmem_shared>>) target(%dma_start3A_773 : memref<320xi32, #tpu.memory_space<vmem>>) target_semaphore(%run_scoped3A_764 : memref<!tpu.dma_semaphore, #tpu.memory_space<semaphore_mem>>)
          %dma_wait3A_777 = arith.constant 0 : i32
          %dma_wait3A_778 = tpu.memref_slice %arg15[%run_scoped3A_761, %dma_wait3A_777] : memref<16x320xi32, #tpu.memory_space<vmem>> -> memref<1x320xi32, #tpu.memory_space<vmem>>
          %dma_wait3A_779 = tpu.memref_squeeze %dma_wait3A_778 : memref<1x320xi32, #tpu.memory_space<vmem>> -> memref<320xi32, #tpu.memory_space<vmem>>
          %dma_wait3A_780 = arith.constant 0 : i32
          %dma_wait3A_781 = tpu.memref_slice %arg11[%run_scoped3A, %dma_wait3A_780] : memref<16x320xi32, #tpu.memory_space<vmem_shared>> -> memref<1x320xi32, #tpu.memory_space<vmem_shared>>
          %dma_wait3A_782 = tpu.memref_squeeze %dma_wait3A_781 : memref<1x320xi32, #tpu.memory_space<vmem_shared>> -> memref<320xi32, #tpu.memory_space<vmem_shared>>
          %dma_wait3A_783 = arith.constant 0 : i32
          %dma_wait3A_784 = tpu.memref_slice %arg15[%run_scoped3A_761, %dma_wait3A_783] : memref<16x320xi32, #tpu.memory_space<vmem>> -> memref<1x320xi32, #tpu.memory_space<vmem>>
          %dma_wait3A_785 = tpu.memref_squeeze %dma_wait3A_784 : memref<1x320xi32, #tpu.memory_space<vmem>> -> memref<320xi32, #tpu.memory_space<vmem>>
          %dma_wait3A_786 = arith.constant 0 : i32
          %dma_wait3A_787 = tpu.memref_slice %arg11[%run_scoped3A, %dma_wait3A_786] : memref<16x320xi32, #tpu.memory_space<vmem_shared>> -> memref<1x320xi32, #tpu.memory_space<vmem_shared>>
          %dma_wait3A_788 = tpu.memref_squeeze %dma_wait3A_787 : memref<1x320xi32, #tpu.memory_space<vmem_shared>> -> memref<320xi32, #tpu.memory_space<vmem_shared>>
          tpu.wait_dma2 semaphore(%run_scoped3A_764 : memref<!tpu.dma_semaphore, #tpu.memory_space<semaphore_mem>>) src(%dma_wait3A_788 : memref<320xi32, #tpu.memory_space<vmem_shared>>) dst(%dma_wait3A_785 : memref<320xi32, #tpu.memory_space<vmem>>)
          tpu.yield
        }) : () -> ()
        %run_scoped3A_762 = arith.constant 5 : i32
        %run_scoped3A_763 = arith.constant 5 : i32
        "tpu.region"() ({
          %run_scoped3A_764 = tpu.sem_alloc : memref<!tpu.dma_semaphore, #tpu.memory_space<semaphore_mem>>
          %dma_start3A_765 = arith.constant 0 : i32
          %dma_start3A_766 = tpu.memref_slice %arg16[%run_scoped3A_763, %dma_start3A_765] : memref<16x320xf32, #tpu.memory_space<vmem>> -> memref<1x320xf32, #tpu.memory_space<vmem>>
          %dma_start3A_767 = tpu.memref_squeeze %dma_start3A_766 : memref<1x320xf32, #tpu.memory_space<vmem>> -> memref<320xf32, #tpu.memory_space<vmem>>
          %dma_start3A_768 = arith.constant 0 : i32
          %dma_start3A_769 = tpu.memref_slice %arg12[%run_scoped3A_762, %dma_start3A_768] : memref<16x320xf32, #tpu.memory_space<vmem_shared>> -> memref<1x320xf32, #tpu.memory_space<vmem_shared>>
          %dma_start3A_770 = tpu.memref_squeeze %dma_start3A_769 : memref<1x320xf32, #tpu.memory_space<vmem_shared>> -> memref<320xf32, #tpu.memory_space<vmem_shared>>
          %dma_start3A_771 = arith.constant 0 : i32
          %dma_start3A_772 = tpu.memref_slice %arg16[%run_scoped3A_763, %dma_start3A_771] : memref<16x320xf32, #tpu.memory_space<vmem>> -> memref<1x320xf32, #tpu.memory_space<vmem>>
          %dma_start3A_773 = tpu.memref_squeeze %dma_start3A_772 : memref<1x320xf32, #tpu.memory_space<vmem>> -> memref<320xf32, #tpu.memory_space<vmem>>
          %dma_start3A_774 = arith.constant 0 : i32
          %dma_start3A_775 = tpu.memref_slice %arg12[%run_scoped3A_762, %dma_start3A_774] : memref<16x320xf32, #tpu.memory_space<vmem_shared>> -> memref<1x320xf32, #tpu.memory_space<vmem_shared>>
          %dma_start3A_776 = tpu.memref_squeeze %dma_start3A_775 : memref<1x320xf32, #tpu.memory_space<vmem_shared>> -> memref<320xf32, #tpu.memory_space<vmem_shared>>
          tpu.enqueue_dma source(%dma_start3A_776 : memref<320xf32, #tpu.memory_space<vmem_shared>>) target(%dma_start3A_773 : memref<320xf32, #tpu.memory_space<vmem>>) target_semaphore(%run_scoped3A_764 : memref<!tpu.dma_semaphore, #tpu.memory_space<semaphore_mem>>)
          %dma_wait3A_777 = arith.constant 0 : i32
          %dma_wait3A_778 = tpu.memref_slice %arg16[%run_scoped3A_763, %dma_wait3A_777] : memref<16x320xf32, #tpu.memory_space<vmem>> -> memref<1x320xf32, #tpu.memory_space<vmem>>
          %dma_wait3A_779 = tpu.memref_squeeze %dma_wait3A_778 : memref<1x320xf32, #tpu.memory_space<vmem>> -> memref<320xf32, #tpu.memory_space<vmem>>
          %dma_wait3A_780 = arith.constant 0 : i32
          %dma_wait3A_781 = tpu.memref_slice %arg12[%run_scoped3A_762, %dma_wait3A_780] : memref<16x320xf32, #tpu.memory_space<vmem_shared>> -> memref<1x320xf32, #tpu.memory_space<vmem_shared>>
          %dma_wait3A_782 = tpu.memref_squeeze %dma_wait3A_781 : memref<1x320xf32, #tpu.memory_space<vmem_shared>> -> memref<320xf32, #tpu.memory_space<vmem_shared>>
          %dma_wait3A_783 = arith.constant 0 : i32
          %dma_wait3A_784 = tpu.memref_slice %arg16[%run_scoped3A_763, %dma_wait3A_783] : memref<16x320xf32, #tpu.memory_space<vmem>> -> memref<1x320xf32, #tpu.memory_space<vmem>>
          %dma_wait3A_785 = tpu.memref_squeeze %dma_wait3A_784 : memref<1x320xf32, #tpu.memory_space<vmem>> -> memref<320xf32, #tpu.memory_space<vmem>>
          %dma_wait3A_786 = arith.constant 0 : i32
          %dma_wait3A_787 = tpu.memref_slice %arg12[%run_scoped3A_762, %dma_wait3A_786] : memref<16x320xf32, #tpu.memory_space<vmem_shared>> -> memref<1x320xf32, #tpu.memory_space<vmem_shared>>
          %dma_wait3A_788 = tpu.memref_squeeze %dma_wait3A_787 : memref<1x320xf32, #tpu.memory_space<vmem_shared>> -> memref<320xf32, #tpu.memory_space<vmem_shared>>
          tpu.wait_dma2 semaphore(%run_scoped3A_764 : memref<!tpu.dma_semaphore, #tpu.memory_space<semaphore_mem>>) src(%dma_wait3A_788 : memref<320xf32, #tpu.memory_space<vmem_shared>>) dst(%dma_wait3A_785 : memref<320xf32, #tpu.memory_space<vmem>>)
          tpu.yield
        }) : () -> ()
      } else {
      }
      %add3A_470 = arith.constant 15 : i32
      %add3A_471 = arith.addi %mul3A_421, %add3A_470 : i32
      %le3A_472 = arith.cmpi sle, %squeeze3A_32, %add3A_471 : i32
      %gt3A_473 = arith.cmpi sgt, %squeeze3A_64, %mul3A_421 : i32
      %and3A_474 = arith.andi %le3A_472, %gt3A_473 : i1
      %convert_element_type3A_475 = arith.extui %and3A_474 : i1 to i32
      %cond3A_476 = arith.constant 0 : i32
      %cond3A_477 = arith.cmpi ne, %convert_element_type3A_475, %cond3A_476 : i32
      scf.if %cond3A_477 {
        %run_scoped3A = arith.constant 6 : i32
        %run_scoped3A_761 = arith.constant 6 : i32
        "tpu.region"() ({
          %run_scoped3A_764 = tpu.sem_alloc : memref<!tpu.dma_semaphore, #tpu.memory_space<semaphore_mem>>
          %dma_start3A_765 = arith.constant 0 : i32
          %dma_start3A_766 = tpu.memref_slice %arg15[%run_scoped3A_761, %dma_start3A_765] : memref<16x320xi32, #tpu.memory_space<vmem>> -> memref<1x320xi32, #tpu.memory_space<vmem>>
          %dma_start3A_767 = tpu.memref_squeeze %dma_start3A_766 : memref<1x320xi32, #tpu.memory_space<vmem>> -> memref<320xi32, #tpu.memory_space<vmem>>
          %dma_start3A_768 = arith.constant 0 : i32
          %dma_start3A_769 = tpu.memref_slice %arg11[%run_scoped3A, %dma_start3A_768] : memref<16x320xi32, #tpu.memory_space<vmem_shared>> -> memref<1x320xi32, #tpu.memory_space<vmem_shared>>
          %dma_start3A_770 = tpu.memref_squeeze %dma_start3A_769 : memref<1x320xi32, #tpu.memory_space<vmem_shared>> -> memref<320xi32, #tpu.memory_space<vmem_shared>>
          %dma_start3A_771 = arith.constant 0 : i32
          %dma_start3A_772 = tpu.memref_slice %arg15[%run_scoped3A_761, %dma_start3A_771] : memref<16x320xi32, #tpu.memory_space<vmem>> -> memref<1x320xi32, #tpu.memory_space<vmem>>
          %dma_start3A_773 = tpu.memref_squeeze %dma_start3A_772 : memref<1x320xi32, #tpu.memory_space<vmem>> -> memref<320xi32, #tpu.memory_space<vmem>>
          %dma_start3A_774 = arith.constant 0 : i32
          %dma_start3A_775 = tpu.memref_slice %arg11[%run_scoped3A, %dma_start3A_774] : memref<16x320xi32, #tpu.memory_space<vmem_shared>> -> memref<1x320xi32, #tpu.memory_space<vmem_shared>>
          %dma_start3A_776 = tpu.memref_squeeze %dma_start3A_775 : memref<1x320xi32, #tpu.memory_space<vmem_shared>> -> memref<320xi32, #tpu.memory_space<vmem_shared>>
          tpu.enqueue_dma source(%dma_start3A_776 : memref<320xi32, #tpu.memory_space<vmem_shared>>) target(%dma_start3A_773 : memref<320xi32, #tpu.memory_space<vmem>>) target_semaphore(%run_scoped3A_764 : memref<!tpu.dma_semaphore, #tpu.memory_space<semaphore_mem>>)
          %dma_wait3A_777 = arith.constant 0 : i32
          %dma_wait3A_778 = tpu.memref_slice %arg15[%run_scoped3A_761, %dma_wait3A_777] : memref<16x320xi32, #tpu.memory_space<vmem>> -> memref<1x320xi32, #tpu.memory_space<vmem>>
          %dma_wait3A_779 = tpu.memref_squeeze %dma_wait3A_778 : memref<1x320xi32, #tpu.memory_space<vmem>> -> memref<320xi32, #tpu.memory_space<vmem>>
          %dma_wait3A_780 = arith.constant 0 : i32
          %dma_wait3A_781 = tpu.memref_slice %arg11[%run_scoped3A, %dma_wait3A_780] : memref<16x320xi32, #tpu.memory_space<vmem_shared>> -> memref<1x320xi32, #tpu.memory_space<vmem_shared>>
          %dma_wait3A_782 = tpu.memref_squeeze %dma_wait3A_781 : memref<1x320xi32, #tpu.memory_space<vmem_shared>> -> memref<320xi32, #tpu.memory_space<vmem_shared>>
          %dma_wait3A_783 = arith.constant 0 : i32
          %dma_wait3A_784 = tpu.memref_slice %arg15[%run_scoped3A_761, %dma_wait3A_783] : memref<16x320xi32, #tpu.memory_space<vmem>> -> memref<1x320xi32, #tpu.memory_space<vmem>>
          %dma_wait3A_785 = tpu.memref_squeeze %dma_wait3A_784 : memref<1x320xi32, #tpu.memory_space<vmem>> -> memref<320xi32, #tpu.memory_space<vmem>>
          %dma_wait3A_786 = arith.constant 0 : i32
          %dma_wait3A_787 = tpu.memref_slice %arg11[%run_scoped3A, %dma_wait3A_786] : memref<16x320xi32, #tpu.memory_space<vmem_shared>> -> memref<1x320xi32, #tpu.memory_space<vmem_shared>>
          %dma_wait3A_788 = tpu.memref_squeeze %dma_wait3A_787 : memref<1x320xi32, #tpu.memory_space<vmem_shared>> -> memref<320xi32, #tpu.memory_space<vmem_shared>>
          tpu.wait_dma2 semaphore(%run_scoped3A_764 : memref<!tpu.dma_semaphore, #tpu.memory_space<semaphore_mem>>) src(%dma_wait3A_788 : memref<320xi32, #tpu.memory_space<vmem_shared>>) dst(%dma_wait3A_785 : memref<320xi32, #tpu.memory_space<vmem>>)
          tpu.yield
        }) : () -> ()
        %run_scoped3A_762 = arith.constant 6 : i32
        %run_scoped3A_763 = arith.constant 6 : i32
        "tpu.region"() ({
          %run_scoped3A_764 = tpu.sem_alloc : memref<!tpu.dma_semaphore, #tpu.memory_space<semaphore_mem>>
          %dma_start3A_765 = arith.constant 0 : i32
          %dma_start3A_766 = tpu.memref_slice %arg16[%run_scoped3A_763, %dma_start3A_765] : memref<16x320xf32, #tpu.memory_space<vmem>> -> memref<1x320xf32, #tpu.memory_space<vmem>>
          %dma_start3A_767 = tpu.memref_squeeze %dma_start3A_766 : memref<1x320xf32, #tpu.memory_space<vmem>> -> memref<320xf32, #tpu.memory_space<vmem>>
          %dma_start3A_768 = arith.constant 0 : i32
          %dma_start3A_769 = tpu.memref_slice %arg12[%run_scoped3A_762, %dma_start3A_768] : memref<16x320xf32, #tpu.memory_space<vmem_shared>> -> memref<1x320xf32, #tpu.memory_space<vmem_shared>>
          %dma_start3A_770 = tpu.memref_squeeze %dma_start3A_769 : memref<1x320xf32, #tpu.memory_space<vmem_shared>> -> memref<320xf32, #tpu.memory_space<vmem_shared>>
          %dma_start3A_771 = arith.constant 0 : i32
          %dma_start3A_772 = tpu.memref_slice %arg16[%run_scoped3A_763, %dma_start3A_771] : memref<16x320xf32, #tpu.memory_space<vmem>> -> memref<1x320xf32, #tpu.memory_space<vmem>>
          %dma_start3A_773 = tpu.memref_squeeze %dma_start3A_772 : memref<1x320xf32, #tpu.memory_space<vmem>> -> memref<320xf32, #tpu.memory_space<vmem>>
          %dma_start3A_774 = arith.constant 0 : i32
          %dma_start3A_775 = tpu.memref_slice %arg12[%run_scoped3A_762, %dma_start3A_774] : memref<16x320xf32, #tpu.memory_space<vmem_shared>> -> memref<1x320xf32, #tpu.memory_space<vmem_shared>>
          %dma_start3A_776 = tpu.memref_squeeze %dma_start3A_775 : memref<1x320xf32, #tpu.memory_space<vmem_shared>> -> memref<320xf32, #tpu.memory_space<vmem_shared>>
          tpu.enqueue_dma source(%dma_start3A_776 : memref<320xf32, #tpu.memory_space<vmem_shared>>) target(%dma_start3A_773 : memref<320xf32, #tpu.memory_space<vmem>>) target_semaphore(%run_scoped3A_764 : memref<!tpu.dma_semaphore, #tpu.memory_space<semaphore_mem>>)
          %dma_wait3A_777 = arith.constant 0 : i32
          %dma_wait3A_778 = tpu.memref_slice %arg16[%run_scoped3A_763, %dma_wait3A_777] : memref<16x320xf32, #tpu.memory_space<vmem>> -> memref<1x320xf32, #tpu.memory_space<vmem>>
          %dma_wait3A_779 = tpu.memref_squeeze %dma_wait3A_778 : memref<1x320xf32, #tpu.memory_space<vmem>> -> memref<320xf32, #tpu.memory_space<vmem>>
          %dma_wait3A_780 = arith.constant 0 : i32
          %dma_wait3A_781 = tpu.memref_slice %arg12[%run_scoped3A_762, %dma_wait3A_780] : memref<16x320xf32, #tpu.memory_space<vmem_shared>> -> memref<1x320xf32, #tpu.memory_space<vmem_shared>>
          %dma_wait3A_782 = tpu.memref_squeeze %dma_wait3A_781 : memref<1x320xf32, #tpu.memory_space<vmem_shared>> -> memref<320xf32, #tpu.memory_space<vmem_shared>>
          %dma_wait3A_783 = arith.constant 0 : i32
          %dma_wait3A_784 = tpu.memref_slice %arg16[%run_scoped3A_763, %dma_wait3A_783] : memref<16x320xf32, #tpu.memory_space<vmem>> -> memref<1x320xf32, #tpu.memory_space<vmem>>
          %dma_wait3A_785 = tpu.memref_squeeze %dma_wait3A_784 : memref<1x320xf32, #tpu.memory_space<vmem>> -> memref<320xf32, #tpu.memory_space<vmem>>
          %dma_wait3A_786 = arith.constant 0 : i32
          %dma_wait3A_787 = tpu.memref_slice %arg12[%run_scoped3A_762, %dma_wait3A_786] : memref<16x320xf32, #tpu.memory_space<vmem_shared>> -> memref<1x320xf32, #tpu.memory_space<vmem_shared>>
          %dma_wait3A_788 = tpu.memref_squeeze %dma_wait3A_787 : memref<1x320xf32, #tpu.memory_space<vmem_shared>> -> memref<320xf32, #tpu.memory_space<vmem_shared>>
          tpu.wait_dma2 semaphore(%run_scoped3A_764 : memref<!tpu.dma_semaphore, #tpu.memory_space<semaphore_mem>>) src(%dma_wait3A_788 : memref<320xf32, #tpu.memory_space<vmem_shared>>) dst(%dma_wait3A_785 : memref<320xf32, #tpu.memory_space<vmem>>)
          tpu.yield
        }) : () -> ()
      } else {
      }
      %add3A_478 = arith.constant 15 : i32
      %add3A_479 = arith.addi %mul3A_421, %add3A_478 : i32
      %le3A_480 = arith.cmpi sle, %squeeze3A_34, %add3A_479 : i32
      %gt3A_481 = arith.cmpi sgt, %squeeze3A_66, %mul3A_421 : i32
      %and3A_482 = arith.andi %le3A_480, %gt3A_481 : i1
      %convert_element_type3A_483 = arith.extui %and3A_482 : i1 to i32
      %cond3A_484 = arith.constant 0 : i32
      %cond3A_485 = arith.cmpi ne, %convert_element_type3A_483, %cond3A_484 : i32
      scf.if %cond3A_485 {
        %run_scoped3A = arith.constant 7 : i32
        %run_scoped3A_761 = arith.constant 7 : i32
        "tpu.region"() ({
          %run_scoped3A_764 = tpu.sem_alloc : memref<!tpu.dma_semaphore, #tpu.memory_space<semaphore_mem>>
          %dma_start3A_765 = arith.constant 0 : i32
          %dma_start3A_766 = tpu.memref_slice %arg15[%run_scoped3A_761, %dma_start3A_765] : memref<16x320xi32, #tpu.memory_space<vmem>> -> memref<1x320xi32, #tpu.memory_space<vmem>>
          %dma_start3A_767 = tpu.memref_squeeze %dma_start3A_766 : memref<1x320xi32, #tpu.memory_space<vmem>> -> memref<320xi32, #tpu.memory_space<vmem>>
          %dma_start3A_768 = arith.constant 0 : i32
          %dma_start3A_769 = tpu.memref_slice %arg11[%run_scoped3A, %dma_start3A_768] : memref<16x320xi32, #tpu.memory_space<vmem_shared>> -> memref<1x320xi32, #tpu.memory_space<vmem_shared>>
          %dma_start3A_770 = tpu.memref_squeeze %dma_start3A_769 : memref<1x320xi32, #tpu.memory_space<vmem_shared>> -> memref<320xi32, #tpu.memory_space<vmem_shared>>
          %dma_start3A_771 = arith.constant 0 : i32
          %dma_start3A_772 = tpu.memref_slice %arg15[%run_scoped3A_761, %dma_start3A_771] : memref<16x320xi32, #tpu.memory_space<vmem>> -> memref<1x320xi32, #tpu.memory_space<vmem>>
          %dma_start3A_773 = tpu.memref_squeeze %dma_start3A_772 : memref<1x320xi32, #tpu.memory_space<vmem>> -> memref<320xi32, #tpu.memory_space<vmem>>
          %dma_start3A_774 = arith.constant 0 : i32
          %dma_start3A_775 = tpu.memref_slice %arg11[%run_scoped3A, %dma_start3A_774] : memref<16x320xi32, #tpu.memory_space<vmem_shared>> -> memref<1x320xi32, #tpu.memory_space<vmem_shared>>
          %dma_start3A_776 = tpu.memref_squeeze %dma_start3A_775 : memref<1x320xi32, #tpu.memory_space<vmem_shared>> -> memref<320xi32, #tpu.memory_space<vmem_shared>>
          tpu.enqueue_dma source(%dma_start3A_776 : memref<320xi32, #tpu.memory_space<vmem_shared>>) target(%dma_start3A_773 : memref<320xi32, #tpu.memory_space<vmem>>) target_semaphore(%run_scoped3A_764 : memref<!tpu.dma_semaphore, #tpu.memory_space<semaphore_mem>>)
          %dma_wait3A_777 = arith.constant 0 : i32
          %dma_wait3A_778 = tpu.memref_slice %arg15[%run_scoped3A_761, %dma_wait3A_777] : memref<16x320xi32, #tpu.memory_space<vmem>> -> memref<1x320xi32, #tpu.memory_space<vmem>>
          %dma_wait3A_779 = tpu.memref_squeeze %dma_wait3A_778 : memref<1x320xi32, #tpu.memory_space<vmem>> -> memref<320xi32, #tpu.memory_space<vmem>>
          %dma_wait3A_780 = arith.constant 0 : i32
          %dma_wait3A_781 = tpu.memref_slice %arg11[%run_scoped3A, %dma_wait3A_780] : memref<16x320xi32, #tpu.memory_space<vmem_shared>> -> memref<1x320xi32, #tpu.memory_space<vmem_shared>>
          %dma_wait3A_782 = tpu.memref_squeeze %dma_wait3A_781 : memref<1x320xi32, #tpu.memory_space<vmem_shared>> -> memref<320xi32, #tpu.memory_space<vmem_shared>>
          %dma_wait3A_783 = arith.constant 0 : i32
          %dma_wait3A_784 = tpu.memref_slice %arg15[%run_scoped3A_761, %dma_wait3A_783] : memref<16x320xi32, #tpu.memory_space<vmem>> -> memref<1x320xi32, #tpu.memory_space<vmem>>
          %dma_wait3A_785 = tpu.memref_squeeze %dma_wait3A_784 : memref<1x320xi32, #tpu.memory_space<vmem>> -> memref<320xi32, #tpu.memory_space<vmem>>
          %dma_wait3A_786 = arith.constant 0 : i32
          %dma_wait3A_787 = tpu.memref_slice %arg11[%run_scoped3A, %dma_wait3A_786] : memref<16x320xi32, #tpu.memory_space<vmem_shared>> -> memref<1x320xi32, #tpu.memory_space<vmem_shared>>
          %dma_wait3A_788 = tpu.memref_squeeze %dma_wait3A_787 : memref<1x320xi32, #tpu.memory_space<vmem_shared>> -> memref<320xi32, #tpu.memory_space<vmem_shared>>
          tpu.wait_dma2 semaphore(%run_scoped3A_764 : memref<!tpu.dma_semaphore, #tpu.memory_space<semaphore_mem>>) src(%dma_wait3A_788 : memref<320xi32, #tpu.memory_space<vmem_shared>>) dst(%dma_wait3A_785 : memref<320xi32, #tpu.memory_space<vmem>>)
          tpu.yield
        }) : () -> ()
        %run_scoped3A_762 = arith.constant 7 : i32
        %run_scoped3A_763 = arith.constant 7 : i32
        "tpu.region"() ({
          %run_scoped3A_764 = tpu.sem_alloc : memref<!tpu.dma_semaphore, #tpu.memory_space<semaphore_mem>>
          %dma_start3A_765 = arith.constant 0 : i32
          %dma_start3A_766 = tpu.memref_slice %arg16[%run_scoped3A_763, %dma_start3A_765] : memref<16x320xf32, #tpu.memory_space<vmem>> -> memref<1x320xf32, #tpu.memory_space<vmem>>
          %dma_start3A_767 = tpu.memref_squeeze %dma_start3A_766 : memref<1x320xf32, #tpu.memory_space<vmem>> -> memref<320xf32, #tpu.memory_space<vmem>>
          %dma_start3A_768 = arith.constant 0 : i32
          %dma_start3A_769 = tpu.memref_slice %arg12[%run_scoped3A_762, %dma_start3A_768] : memref<16x320xf32, #tpu.memory_space<vmem_shared>> -> memref<1x320xf32, #tpu.memory_space<vmem_shared>>
          %dma_start3A_770 = tpu.memref_squeeze %dma_start3A_769 : memref<1x320xf32, #tpu.memory_space<vmem_shared>> -> memref<320xf32, #tpu.memory_space<vmem_shared>>
          %dma_start3A_771 = arith.constant 0 : i32
          %dma_start3A_772 = tpu.memref_slice %arg16[%run_scoped3A_763, %dma_start3A_771] : memref<16x320xf32, #tpu.memory_space<vmem>> -> memref<1x320xf32, #tpu.memory_space<vmem>>
          %dma_start3A_773 = tpu.memref_squeeze %dma_start3A_772 : memref<1x320xf32, #tpu.memory_space<vmem>> -> memref<320xf32, #tpu.memory_space<vmem>>
          %dma_start3A_774 = arith.constant 0 : i32
          %dma_start3A_775 = tpu.memref_slice %arg12[%run_scoped3A_762, %dma_start3A_774] : memref<16x320xf32, #tpu.memory_space<vmem_shared>> -> memref<1x320xf32, #tpu.memory_space<vmem_shared>>
          %dma_start3A_776 = tpu.memref_squeeze %dma_start3A_775 : memref<1x320xf32, #tpu.memory_space<vmem_shared>> -> memref<320xf32, #tpu.memory_space<vmem_shared>>
          tpu.enqueue_dma source(%dma_start3A_776 : memref<320xf32, #tpu.memory_space<vmem_shared>>) target(%dma_start3A_773 : memref<320xf32, #tpu.memory_space<vmem>>) target_semaphore(%run_scoped3A_764 : memref<!tpu.dma_semaphore, #tpu.memory_space<semaphore_mem>>)
          %dma_wait3A_777 = arith.constant 0 : i32
          %dma_wait3A_778 = tpu.memref_slice %arg16[%run_scoped3A_763, %dma_wait3A_777] : memref<16x320xf32, #tpu.memory_space<vmem>> -> memref<1x320xf32, #tpu.memory_space<vmem>>
          %dma_wait3A_779 = tpu.memref_squeeze %dma_wait3A_778 : memref<1x320xf32, #tpu.memory_space<vmem>> -> memref<320xf32, #tpu.memory_space<vmem>>
          %dma_wait3A_780 = arith.constant 0 : i32
          %dma_wait3A_781 = tpu.memref_slice %arg12[%run_scoped3A_762, %dma_wait3A_780] : memref<16x320xf32, #tpu.memory_space<vmem_shared>> -> memref<1x320xf32, #tpu.memory_space<vmem_shared>>
          %dma_wait3A_782 = tpu.memref_squeeze %dma_wait3A_781 : memref<1x320xf32, #tpu.memory_space<vmem_shared>> -> memref<320xf32, #tpu.memory_space<vmem_shared>>
          %dma_wait3A_783 = arith.constant 0 : i32
          %dma_wait3A_784 = tpu.memref_slice %arg16[%run_scoped3A_763, %dma_wait3A_783] : memref<16x320xf32, #tpu.memory_space<vmem>> -> memref<1x320xf32, #tpu.memory_space<vmem>>
          %dma_wait3A_785 = tpu.memref_squeeze %dma_wait3A_784 : memref<1x320xf32, #tpu.memory_space<vmem>> -> memref<320xf32, #tpu.memory_space<vmem>>
          %dma_wait3A_786 = arith.constant 0 : i32
          %dma_wait3A_787 = tpu.memref_slice %arg12[%run_scoped3A_762, %dma_wait3A_786] : memref<16x320xf32, #tpu.memory_space<vmem_shared>> -> memref<1x320xf32, #tpu.memory_space<vmem_shared>>
          %dma_wait3A_788 = tpu.memref_squeeze %dma_wait3A_787 : memref<1x320xf32, #tpu.memory_space<vmem_shared>> -> memref<320xf32, #tpu.memory_space<vmem_shared>>
          tpu.wait_dma2 semaphore(%run_scoped3A_764 : memref<!tpu.dma_semaphore, #tpu.memory_space<semaphore_mem>>) src(%dma_wait3A_788 : memref<320xf32, #tpu.memory_space<vmem_shared>>) dst(%dma_wait3A_785 : memref<320xf32, #tpu.memory_space<vmem>>)
          tpu.yield
        }) : () -> ()
      } else {
      }
      %add3A_486 = arith.constant 15 : i32
      %add3A_487 = arith.addi %mul3A_421, %add3A_486 : i32
      %le3A_488 = arith.cmpi sle, %squeeze3A_36, %add3A_487 : i32
      %gt3A_489 = arith.cmpi sgt, %squeeze3A_68, %mul3A_421 : i32
      %and3A_490 = arith.andi %le3A_488, %gt3A_489 : i1
      %convert_element_type3A_491 = arith.extui %and3A_490 : i1 to i32
      %cond3A_492 = arith.constant 0 : i32
      %cond3A_493 = arith.cmpi ne, %convert_element_type3A_491, %cond3A_492 : i32
      scf.if %cond3A_493 {
        %run_scoped3A = arith.constant 8 : i32
        %run_scoped3A_761 = arith.constant 8 : i32
        "tpu.region"() ({
          %run_scoped3A_764 = tpu.sem_alloc : memref<!tpu.dma_semaphore, #tpu.memory_space<semaphore_mem>>
          %dma_start3A_765 = arith.constant 0 : i32
          %dma_start3A_766 = tpu.memref_slice %arg15[%run_scoped3A_761, %dma_start3A_765] : memref<16x320xi32, #tpu.memory_space<vmem>> -> memref<1x320xi32, #tpu.memory_space<vmem>>
          %dma_start3A_767 = tpu.memref_squeeze %dma_start3A_766 : memref<1x320xi32, #tpu.memory_space<vmem>> -> memref<320xi32, #tpu.memory_space<vmem>>
          %dma_start3A_768 = arith.constant 0 : i32
          %dma_start3A_769 = tpu.memref_slice %arg11[%run_scoped3A, %dma_start3A_768] : memref<16x320xi32, #tpu.memory_space<vmem_shared>> -> memref<1x320xi32, #tpu.memory_space<vmem_shared>>
          %dma_start3A_770 = tpu.memref_squeeze %dma_start3A_769 : memref<1x320xi32, #tpu.memory_space<vmem_shared>> -> memref<320xi32, #tpu.memory_space<vmem_shared>>
          %dma_start3A_771 = arith.constant 0 : i32
          %dma_start3A_772 = tpu.memref_slice %arg15[%run_scoped3A_761, %dma_start3A_771] : memref<16x320xi32, #tpu.memory_space<vmem>> -> memref<1x320xi32, #tpu.memory_space<vmem>>
          %dma_start3A_773 = tpu.memref_squeeze %dma_start3A_772 : memref<1x320xi32, #tpu.memory_space<vmem>> -> memref<320xi32, #tpu.memory_space<vmem>>
          %dma_start3A_774 = arith.constant 0 : i32
          %dma_start3A_775 = tpu.memref_slice %arg11[%run_scoped3A, %dma_start3A_774] : memref<16x320xi32, #tpu.memory_space<vmem_shared>> -> memref<1x320xi32, #tpu.memory_space<vmem_shared>>
          %dma_start3A_776 = tpu.memref_squeeze %dma_start3A_775 : memref<1x320xi32, #tpu.memory_space<vmem_shared>> -> memref<320xi32, #tpu.memory_space<vmem_shared>>
          tpu.enqueue_dma source(%dma_start3A_776 : memref<320xi32, #tpu.memory_space<vmem_shared>>) target(%dma_start3A_773 : memref<320xi32, #tpu.memory_space<vmem>>) target_semaphore(%run_scoped3A_764 : memref<!tpu.dma_semaphore, #tpu.memory_space<semaphore_mem>>)
          %dma_wait3A_777 = arith.constant 0 : i32
          %dma_wait3A_778 = tpu.memref_slice %arg15[%run_scoped3A_761, %dma_wait3A_777] : memref<16x320xi32, #tpu.memory_space<vmem>> -> memref<1x320xi32, #tpu.memory_space<vmem>>
          %dma_wait3A_779 = tpu.memref_squeeze %dma_wait3A_778 : memref<1x320xi32, #tpu.memory_space<vmem>> -> memref<320xi32, #tpu.memory_space<vmem>>
          %dma_wait3A_780 = arith.constant 0 : i32
          %dma_wait3A_781 = tpu.memref_slice %arg11[%run_scoped3A, %dma_wait3A_780] : memref<16x320xi32, #tpu.memory_space<vmem_shared>> -> memref<1x320xi32, #tpu.memory_space<vmem_shared>>
          %dma_wait3A_782 = tpu.memref_squeeze %dma_wait3A_781 : memref<1x320xi32, #tpu.memory_space<vmem_shared>> -> memref<320xi32, #tpu.memory_space<vmem_shared>>
          %dma_wait3A_783 = arith.constant 0 : i32
          %dma_wait3A_784 = tpu.memref_slice %arg15[%run_scoped3A_761, %dma_wait3A_783] : memref<16x320xi32, #tpu.memory_space<vmem>> -> memref<1x320xi32, #tpu.memory_space<vmem>>
          %dma_wait3A_785 = tpu.memref_squeeze %dma_wait3A_784 : memref<1x320xi32, #tpu.memory_space<vmem>> -> memref<320xi32, #tpu.memory_space<vmem>>
          %dma_wait3A_786 = arith.constant 0 : i32
          %dma_wait3A_787 = tpu.memref_slice %arg11[%run_scoped3A, %dma_wait3A_786] : memref<16x320xi32, #tpu.memory_space<vmem_shared>> -> memref<1x320xi32, #tpu.memory_space<vmem_shared>>
          %dma_wait3A_788 = tpu.memref_squeeze %dma_wait3A_787 : memref<1x320xi32, #tpu.memory_space<vmem_shared>> -> memref<320xi32, #tpu.memory_space<vmem_shared>>
          tpu.wait_dma2 semaphore(%run_scoped3A_764 : memref<!tpu.dma_semaphore, #tpu.memory_space<semaphore_mem>>) src(%dma_wait3A_788 : memref<320xi32, #tpu.memory_space<vmem_shared>>) dst(%dma_wait3A_785 : memref<320xi32, #tpu.memory_space<vmem>>)
          tpu.yield
        }) : () -> ()
        %run_scoped3A_762 = arith.constant 8 : i32
        %run_scoped3A_763 = arith.constant 8 : i32
        "tpu.region"() ({
          %run_scoped3A_764 = tpu.sem_alloc : memref<!tpu.dma_semaphore, #tpu.memory_space<semaphore_mem>>
          %dma_start3A_765 = arith.constant 0 : i32
          %dma_start3A_766 = tpu.memref_slice %arg16[%run_scoped3A_763, %dma_start3A_765] : memref<16x320xf32, #tpu.memory_space<vmem>> -> memref<1x320xf32, #tpu.memory_space<vmem>>
          %dma_start3A_767 = tpu.memref_squeeze %dma_start3A_766 : memref<1x320xf32, #tpu.memory_space<vmem>> -> memref<320xf32, #tpu.memory_space<vmem>>
          %dma_start3A_768 = arith.constant 0 : i32
          %dma_start3A_769 = tpu.memref_slice %arg12[%run_scoped3A_762, %dma_start3A_768] : memref<16x320xf32, #tpu.memory_space<vmem_shared>> -> memref<1x320xf32, #tpu.memory_space<vmem_shared>>
          %dma_start3A_770 = tpu.memref_squeeze %dma_start3A_769 : memref<1x320xf32, #tpu.memory_space<vmem_shared>> -> memref<320xf32, #tpu.memory_space<vmem_shared>>
          %dma_start3A_771 = arith.constant 0 : i32
          %dma_start3A_772 = tpu.memref_slice %arg16[%run_scoped3A_763, %dma_start3A_771] : memref<16x320xf32, #tpu.memory_space<vmem>> -> memref<1x320xf32, #tpu.memory_space<vmem>>
          %dma_start3A_773 = tpu.memref_squeeze %dma_start3A_772 : memref<1x320xf32, #tpu.memory_space<vmem>> -> memref<320xf32, #tpu.memory_space<vmem>>
          %dma_start3A_774 = arith.constant 0 : i32
          %dma_start3A_775 = tpu.memref_slice %arg12[%run_scoped3A_762, %dma_start3A_774] : memref<16x320xf32, #tpu.memory_space<vmem_shared>> -> memref<1x320xf32, #tpu.memory_space<vmem_shared>>
          %dma_start3A_776 = tpu.memref_squeeze %dma_start3A_775 : memref<1x320xf32, #tpu.memory_space<vmem_shared>> -> memref<320xf32, #tpu.memory_space<vmem_shared>>
          tpu.enqueue_dma source(%dma_start3A_776 : memref<320xf32, #tpu.memory_space<vmem_shared>>) target(%dma_start3A_773 : memref<320xf32, #tpu.memory_space<vmem>>) target_semaphore(%run_scoped3A_764 : memref<!tpu.dma_semaphore, #tpu.memory_space<semaphore_mem>>)
          %dma_wait3A_777 = arith.constant 0 : i32
          %dma_wait3A_778 = tpu.memref_slice %arg16[%run_scoped3A_763, %dma_wait3A_777] : memref<16x320xf32, #tpu.memory_space<vmem>> -> memref<1x320xf32, #tpu.memory_space<vmem>>
          %dma_wait3A_779 = tpu.memref_squeeze %dma_wait3A_778 : memref<1x320xf32, #tpu.memory_space<vmem>> -> memref<320xf32, #tpu.memory_space<vmem>>
          %dma_wait3A_780 = arith.constant 0 : i32
          %dma_wait3A_781 = tpu.memref_slice %arg12[%run_scoped3A_762, %dma_wait3A_780] : memref<16x320xf32, #tpu.memory_space<vmem_shared>> -> memref<1x320xf32, #tpu.memory_space<vmem_shared>>
          %dma_wait3A_782 = tpu.memref_squeeze %dma_wait3A_781 : memref<1x320xf32, #tpu.memory_space<vmem_shared>> -> memref<320xf32, #tpu.memory_space<vmem_shared>>
          %dma_wait3A_783 = arith.constant 0 : i32
          %dma_wait3A_784 = tpu.memref_slice %arg16[%run_scoped3A_763, %dma_wait3A_783] : memref<16x320xf32, #tpu.memory_space<vmem>> -> memref<1x320xf32, #tpu.memory_space<vmem>>
          %dma_wait3A_785 = tpu.memref_squeeze %dma_wait3A_784 : memref<1x320xf32, #tpu.memory_space<vmem>> -> memref<320xf32, #tpu.memory_space<vmem>>
          %dma_wait3A_786 = arith.constant 0 : i32
          %dma_wait3A_787 = tpu.memref_slice %arg12[%run_scoped3A_762, %dma_wait3A_786] : memref<16x320xf32, #tpu.memory_space<vmem_shared>> -> memref<1x320xf32, #tpu.memory_space<vmem_shared>>
          %dma_wait3A_788 = tpu.memref_squeeze %dma_wait3A_787 : memref<1x320xf32, #tpu.memory_space<vmem_shared>> -> memref<320xf32, #tpu.memory_space<vmem_shared>>
          tpu.wait_dma2 semaphore(%run_scoped3A_764 : memref<!tpu.dma_semaphore, #tpu.memory_space<semaphore_mem>>) src(%dma_wait3A_788 : memref<320xf32, #tpu.memory_space<vmem_shared>>) dst(%dma_wait3A_785 : memref<320xf32, #tpu.memory_space<vmem>>)
          tpu.yield
        }) : () -> ()
      } else {
      }
      %add3A_494 = arith.constant 15 : i32
      %add3A_495 = arith.addi %mul3A_421, %add3A_494 : i32
      %le3A_496 = arith.cmpi sle, %squeeze3A_38, %add3A_495 : i32
      %gt3A_497 = arith.cmpi sgt, %squeeze3A_70, %mul3A_421 : i32
      %and3A_498 = arith.andi %le3A_496, %gt3A_497 : i1
      %convert_element_type3A_499 = arith.extui %and3A_498 : i1 to i32
      %cond3A_500 = arith.constant 0 : i32
      %cond3A_501 = arith.cmpi ne, %convert_element_type3A_499, %cond3A_500 : i32
      scf.if %cond3A_501 {
        %run_scoped3A = arith.constant 9 : i32
        %run_scoped3A_761 = arith.constant 9 : i32
        "tpu.region"() ({
          %run_scoped3A_764 = tpu.sem_alloc : memref<!tpu.dma_semaphore, #tpu.memory_space<semaphore_mem>>
          %dma_start3A_765 = arith.constant 0 : i32
          %dma_start3A_766 = tpu.memref_slice %arg15[%run_scoped3A_761, %dma_start3A_765] : memref<16x320xi32, #tpu.memory_space<vmem>> -> memref<1x320xi32, #tpu.memory_space<vmem>>
          %dma_start3A_767 = tpu.memref_squeeze %dma_start3A_766 : memref<1x320xi32, #tpu.memory_space<vmem>> -> memref<320xi32, #tpu.memory_space<vmem>>
          %dma_start3A_768 = arith.constant 0 : i32
          %dma_start3A_769 = tpu.memref_slice %arg11[%run_scoped3A, %dma_start3A_768] : memref<16x320xi32, #tpu.memory_space<vmem_shared>> -> memref<1x320xi32, #tpu.memory_space<vmem_shared>>
          %dma_start3A_770 = tpu.memref_squeeze %dma_start3A_769 : memref<1x320xi32, #tpu.memory_space<vmem_shared>> -> memref<320xi32, #tpu.memory_space<vmem_shared>>
          %dma_start3A_771 = arith.constant 0 : i32
          %dma_start3A_772 = tpu.memref_slice %arg15[%run_scoped3A_761, %dma_start3A_771] : memref<16x320xi32, #tpu.memory_space<vmem>> -> memref<1x320xi32, #tpu.memory_space<vmem>>
          %dma_start3A_773 = tpu.memref_squeeze %dma_start3A_772 : memref<1x320xi32, #tpu.memory_space<vmem>> -> memref<320xi32, #tpu.memory_space<vmem>>
          %dma_start3A_774 = arith.constant 0 : i32
          %dma_start3A_775 = tpu.memref_slice %arg11[%run_scoped3A, %dma_start3A_774] : memref<16x320xi32, #tpu.memory_space<vmem_shared>> -> memref<1x320xi32, #tpu.memory_space<vmem_shared>>
          %dma_start3A_776 = tpu.memref_squeeze %dma_start3A_775 : memref<1x320xi32, #tpu.memory_space<vmem_shared>> -> memref<320xi32, #tpu.memory_space<vmem_shared>>
          tpu.enqueue_dma source(%dma_start3A_776 : memref<320xi32, #tpu.memory_space<vmem_shared>>) target(%dma_start3A_773 : memref<320xi32, #tpu.memory_space<vmem>>) target_semaphore(%run_scoped3A_764 : memref<!tpu.dma_semaphore, #tpu.memory_space<semaphore_mem>>)
          %dma_wait3A_777 = arith.constant 0 : i32
          %dma_wait3A_778 = tpu.memref_slice %arg15[%run_scoped3A_761, %dma_wait3A_777] : memref<16x320xi32, #tpu.memory_space<vmem>> -> memref<1x320xi32, #tpu.memory_space<vmem>>
          %dma_wait3A_779 = tpu.memref_squeeze %dma_wait3A_778 : memref<1x320xi32, #tpu.memory_space<vmem>> -> memref<320xi32, #tpu.memory_space<vmem>>
          %dma_wait3A_780 = arith.constant 0 : i32
          %dma_wait3A_781 = tpu.memref_slice %arg11[%run_scoped3A, %dma_wait3A_780] : memref<16x320xi32, #tpu.memory_space<vmem_shared>> -> memref<1x320xi32, #tpu.memory_space<vmem_shared>>
          %dma_wait3A_782 = tpu.memref_squeeze %dma_wait3A_781 : memref<1x320xi32, #tpu.memory_space<vmem_shared>> -> memref<320xi32, #tpu.memory_space<vmem_shared>>
          %dma_wait3A_783 = arith.constant 0 : i32
          %dma_wait3A_784 = tpu.memref_slice %arg15[%run_scoped3A_761, %dma_wait3A_783] : memref<16x320xi32, #tpu.memory_space<vmem>> -> memref<1x320xi32, #tpu.memory_space<vmem>>
          %dma_wait3A_785 = tpu.memref_squeeze %dma_wait3A_784 : memref<1x320xi32, #tpu.memory_space<vmem>> -> memref<320xi32, #tpu.memory_space<vmem>>
          %dma_wait3A_786 = arith.constant 0 : i32
          %dma_wait3A_787 = tpu.memref_slice %arg11[%run_scoped3A, %dma_wait3A_786] : memref<16x320xi32, #tpu.memory_space<vmem_shared>> -> memref<1x320xi32, #tpu.memory_space<vmem_shared>>
          %dma_wait3A_788 = tpu.memref_squeeze %dma_wait3A_787 : memref<1x320xi32, #tpu.memory_space<vmem_shared>> -> memref<320xi32, #tpu.memory_space<vmem_shared>>
          tpu.wait_dma2 semaphore(%run_scoped3A_764 : memref<!tpu.dma_semaphore, #tpu.memory_space<semaphore_mem>>) src(%dma_wait3A_788 : memref<320xi32, #tpu.memory_space<vmem_shared>>) dst(%dma_wait3A_785 : memref<320xi32, #tpu.memory_space<vmem>>)
          tpu.yield
        }) : () -> ()
        %run_scoped3A_762 = arith.constant 9 : i32
        %run_scoped3A_763 = arith.constant 9 : i32
        "tpu.region"() ({
          %run_scoped3A_764 = tpu.sem_alloc : memref<!tpu.dma_semaphore, #tpu.memory_space<semaphore_mem>>
          %dma_start3A_765 = arith.constant 0 : i32
          %dma_start3A_766 = tpu.memref_slice %arg16[%run_scoped3A_763, %dma_start3A_765] : memref<16x320xf32, #tpu.memory_space<vmem>> -> memref<1x320xf32, #tpu.memory_space<vmem>>
          %dma_start3A_767 = tpu.memref_squeeze %dma_start3A_766 : memref<1x320xf32, #tpu.memory_space<vmem>> -> memref<320xf32, #tpu.memory_space<vmem>>
          %dma_start3A_768 = arith.constant 0 : i32
          %dma_start3A_769 = tpu.memref_slice %arg12[%run_scoped3A_762, %dma_start3A_768] : memref<16x320xf32, #tpu.memory_space<vmem_shared>> -> memref<1x320xf32, #tpu.memory_space<vmem_shared>>
          %dma_start3A_770 = tpu.memref_squeeze %dma_start3A_769 : memref<1x320xf32, #tpu.memory_space<vmem_shared>> -> memref<320xf32, #tpu.memory_space<vmem_shared>>
          %dma_start3A_771 = arith.constant 0 : i32
          %dma_start3A_772 = tpu.memref_slice %arg16[%run_scoped3A_763, %dma_start3A_771] : memref<16x320xf32, #tpu.memory_space<vmem>> -> memref<1x320xf32, #tpu.memory_space<vmem>>
          %dma_start3A_773 = tpu.memref_squeeze %dma_start3A_772 : memref<1x320xf32, #tpu.memory_space<vmem>> -> memref<320xf32, #tpu.memory_space<vmem>>
          %dma_start3A_774 = arith.constant 0 : i32
          %dma_start3A_775 = tpu.memref_slice %arg12[%run_scoped3A_762, %dma_start3A_774] : memref<16x320xf32, #tpu.memory_space<vmem_shared>> -> memref<1x320xf32, #tpu.memory_space<vmem_shared>>
          %dma_start3A_776 = tpu.memref_squeeze %dma_start3A_775 : memref<1x320xf32, #tpu.memory_space<vmem_shared>> -> memref<320xf32, #tpu.memory_space<vmem_shared>>
          tpu.enqueue_dma source(%dma_start3A_776 : memref<320xf32, #tpu.memory_space<vmem_shared>>) target(%dma_start3A_773 : memref<320xf32, #tpu.memory_space<vmem>>) target_semaphore(%run_scoped3A_764 : memref<!tpu.dma_semaphore, #tpu.memory_space<semaphore_mem>>)
          %dma_wait3A_777 = arith.constant 0 : i32
          %dma_wait3A_778 = tpu.memref_slice %arg16[%run_scoped3A_763, %dma_wait3A_777] : memref<16x320xf32, #tpu.memory_space<vmem>> -> memref<1x320xf32, #tpu.memory_space<vmem>>
          %dma_wait3A_779 = tpu.memref_squeeze %dma_wait3A_778 : memref<1x320xf32, #tpu.memory_space<vmem>> -> memref<320xf32, #tpu.memory_space<vmem>>
          %dma_wait3A_780 = arith.constant 0 : i32
          %dma_wait3A_781 = tpu.memref_slice %arg12[%run_scoped3A_762, %dma_wait3A_780] : memref<16x320xf32, #tpu.memory_space<vmem_shared>> -> memref<1x320xf32, #tpu.memory_space<vmem_shared>>
          %dma_wait3A_782 = tpu.memref_squeeze %dma_wait3A_781 : memref<1x320xf32, #tpu.memory_space<vmem_shared>> -> memref<320xf32, #tpu.memory_space<vmem_shared>>
          %dma_wait3A_783 = arith.constant 0 : i32
          %dma_wait3A_784 = tpu.memref_slice %arg16[%run_scoped3A_763, %dma_wait3A_783] : memref<16x320xf32, #tpu.memory_space<vmem>> -> memref<1x320xf32, #tpu.memory_space<vmem>>
          %dma_wait3A_785 = tpu.memref_squeeze %dma_wait3A_784 : memref<1x320xf32, #tpu.memory_space<vmem>> -> memref<320xf32, #tpu.memory_space<vmem>>
          %dma_wait3A_786 = arith.constant 0 : i32
          %dma_wait3A_787 = tpu.memref_slice %arg12[%run_scoped3A_762, %dma_wait3A_786] : memref<16x320xf32, #tpu.memory_space<vmem_shared>> -> memref<1x320xf32, #tpu.memory_space<vmem_shared>>
          %dma_wait3A_788 = tpu.memref_squeeze %dma_wait3A_787 : memref<1x320xf32, #tpu.memory_space<vmem_shared>> -> memref<320xf32, #tpu.memory_space<vmem_shared>>
          tpu.wait_dma2 semaphore(%run_scoped3A_764 : memref<!tpu.dma_semaphore, #tpu.memory_space<semaphore_mem>>) src(%dma_wait3A_788 : memref<320xf32, #tpu.memory_space<vmem_shared>>) dst(%dma_wait3A_785 : memref<320xf32, #tpu.memory_space<vmem>>)
          tpu.yield
        }) : () -> ()
      } else {
      }
      %add3A_502 = arith.constant 15 : i32
      %add3A_503 = arith.addi %mul3A_421, %add3A_502 : i32
      %le3A_504 = arith.cmpi sle, %squeeze3A_40, %add3A_503 : i32
      %gt3A_505 = arith.cmpi sgt, %squeeze3A_72, %mul3A_421 : i32
      %and3A_506 = arith.andi %le3A_504, %gt3A_505 : i1
      %convert_element_type3A_507 = arith.extui %and3A_506 : i1 to i32
      %cond3A_508 = arith.constant 0 : i32
      %cond3A_509 = arith.cmpi ne, %convert_element_type3A_507, %cond3A_508 : i32
      scf.if %cond3A_509 {
        %run_scoped3A = arith.constant 10 : i32
        %run_scoped3A_761 = arith.constant 10 : i32
        "tpu.region"() ({
          %run_scoped3A_764 = tpu.sem_alloc : memref<!tpu.dma_semaphore, #tpu.memory_space<semaphore_mem>>
          %dma_start3A_765 = arith.constant 0 : i32
          %dma_start3A_766 = tpu.memref_slice %arg15[%run_scoped3A_761, %dma_start3A_765] : memref<16x320xi32, #tpu.memory_space<vmem>> -> memref<1x320xi32, #tpu.memory_space<vmem>>
          %dma_start3A_767 = tpu.memref_squeeze %dma_start3A_766 : memref<1x320xi32, #tpu.memory_space<vmem>> -> memref<320xi32, #tpu.memory_space<vmem>>
          %dma_start3A_768 = arith.constant 0 : i32
          %dma_start3A_769 = tpu.memref_slice %arg11[%run_scoped3A, %dma_start3A_768] : memref<16x320xi32, #tpu.memory_space<vmem_shared>> -> memref<1x320xi32, #tpu.memory_space<vmem_shared>>
          %dma_start3A_770 = tpu.memref_squeeze %dma_start3A_769 : memref<1x320xi32, #tpu.memory_space<vmem_shared>> -> memref<320xi32, #tpu.memory_space<vmem_shared>>
          %dma_start3A_771 = arith.constant 0 : i32
          %dma_start3A_772 = tpu.memref_slice %arg15[%run_scoped3A_761, %dma_start3A_771] : memref<16x320xi32, #tpu.memory_space<vmem>> -> memref<1x320xi32, #tpu.memory_space<vmem>>
          %dma_start3A_773 = tpu.memref_squeeze %dma_start3A_772 : memref<1x320xi32, #tpu.memory_space<vmem>> -> memref<320xi32, #tpu.memory_space<vmem>>
          %dma_start3A_774 = arith.constant 0 : i32
          %dma_start3A_775 = tpu.memref_slice %arg11[%run_scoped3A, %dma_start3A_774] : memref<16x320xi32, #tpu.memory_space<vmem_shared>> -> memref<1x320xi32, #tpu.memory_space<vmem_shared>>
          %dma_start3A_776 = tpu.memref_squeeze %dma_start3A_775 : memref<1x320xi32, #tpu.memory_space<vmem_shared>> -> memref<320xi32, #tpu.memory_space<vmem_shared>>
          tpu.enqueue_dma source(%dma_start3A_776 : memref<320xi32, #tpu.memory_space<vmem_shared>>) target(%dma_start3A_773 : memref<320xi32, #tpu.memory_space<vmem>>) target_semaphore(%run_scoped3A_764 : memref<!tpu.dma_semaphore, #tpu.memory_space<semaphore_mem>>)
          %dma_wait3A_777 = arith.constant 0 : i32
          %dma_wait3A_778 = tpu.memref_slice %arg15[%run_scoped3A_761, %dma_wait3A_777] : memref<16x320xi32, #tpu.memory_space<vmem>> -> memref<1x320xi32, #tpu.memory_space<vmem>>
          %dma_wait3A_779 = tpu.memref_squeeze %dma_wait3A_778 : memref<1x320xi32, #tpu.memory_space<vmem>> -> memref<320xi32, #tpu.memory_space<vmem>>
          %dma_wait3A_780 = arith.constant 0 : i32
          %dma_wait3A_781 = tpu.memref_slice %arg11[%run_scoped3A, %dma_wait3A_780] : memref<16x320xi32, #tpu.memory_space<vmem_shared>> -> memref<1x320xi32, #tpu.memory_space<vmem_shared>>
          %dma_wait3A_782 = tpu.memref_squeeze %dma_wait3A_781 : memref<1x320xi32, #tpu.memory_space<vmem_shared>> -> memref<320xi32, #tpu.memory_space<vmem_shared>>
          %dma_wait3A_783 = arith.constant 0 : i32
          %dma_wait3A_784 = tpu.memref_slice %arg15[%run_scoped3A_761, %dma_wait3A_783] : memref<16x320xi32, #tpu.memory_space<vmem>> -> memref<1x320xi32, #tpu.memory_space<vmem>>
          %dma_wait3A_785 = tpu.memref_squeeze %dma_wait3A_784 : memref<1x320xi32, #tpu.memory_space<vmem>> -> memref<320xi32, #tpu.memory_space<vmem>>
          %dma_wait3A_786 = arith.constant 0 : i32
          %dma_wait3A_787 = tpu.memref_slice %arg11[%run_scoped3A, %dma_wait3A_786] : memref<16x320xi32, #tpu.memory_space<vmem_shared>> -> memref<1x320xi32, #tpu.memory_space<vmem_shared>>
          %dma_wait3A_788 = tpu.memref_squeeze %dma_wait3A_787 : memref<1x320xi32, #tpu.memory_space<vmem_shared>> -> memref<320xi32, #tpu.memory_space<vmem_shared>>
          tpu.wait_dma2 semaphore(%run_scoped3A_764 : memref<!tpu.dma_semaphore, #tpu.memory_space<semaphore_mem>>) src(%dma_wait3A_788 : memref<320xi32, #tpu.memory_space<vmem_shared>>) dst(%dma_wait3A_785 : memref<320xi32, #tpu.memory_space<vmem>>)
          tpu.yield
        }) : () -> ()
        %run_scoped3A_762 = arith.constant 10 : i32
        %run_scoped3A_763 = arith.constant 10 : i32
        "tpu.region"() ({
          %run_scoped3A_764 = tpu.sem_alloc : memref<!tpu.dma_semaphore, #tpu.memory_space<semaphore_mem>>
          %dma_start3A_765 = arith.constant 0 : i32
          %dma_start3A_766 = tpu.memref_slice %arg16[%run_scoped3A_763, %dma_start3A_765] : memref<16x320xf32, #tpu.memory_space<vmem>> -> memref<1x320xf32, #tpu.memory_space<vmem>>
          %dma_start3A_767 = tpu.memref_squeeze %dma_start3A_766 : memref<1x320xf32, #tpu.memory_space<vmem>> -> memref<320xf32, #tpu.memory_space<vmem>>
          %dma_start3A_768 = arith.constant 0 : i32
          %dma_start3A_769 = tpu.memref_slice %arg12[%run_scoped3A_762, %dma_start3A_768] : memref<16x320xf32, #tpu.memory_space<vmem_shared>> -> memref<1x320xf32, #tpu.memory_space<vmem_shared>>
          %dma_start3A_770 = tpu.memref_squeeze %dma_start3A_769 : memref<1x320xf32, #tpu.memory_space<vmem_shared>> -> memref<320xf32, #tpu.memory_space<vmem_shared>>
          %dma_start3A_771 = arith.constant 0 : i32
          %dma_start3A_772 = tpu.memref_slice %arg16[%run_scoped3A_763, %dma_start3A_771] : memref<16x320xf32, #tpu.memory_space<vmem>> -> memref<1x320xf32, #tpu.memory_space<vmem>>
          %dma_start3A_773 = tpu.memref_squeeze %dma_start3A_772 : memref<1x320xf32, #tpu.memory_space<vmem>> -> memref<320xf32, #tpu.memory_space<vmem>>
          %dma_start3A_774 = arith.constant 0 : i32
          %dma_start3A_775 = tpu.memref_slice %arg12[%run_scoped3A_762, %dma_start3A_774] : memref<16x320xf32, #tpu.memory_space<vmem_shared>> -> memref<1x320xf32, #tpu.memory_space<vmem_shared>>
          %dma_start3A_776 = tpu.memref_squeeze %dma_start3A_775 : memref<1x320xf32, #tpu.memory_space<vmem_shared>> -> memref<320xf32, #tpu.memory_space<vmem_shared>>
          tpu.enqueue_dma source(%dma_start3A_776 : memref<320xf32, #tpu.memory_space<vmem_shared>>) target(%dma_start3A_773 : memref<320xf32, #tpu.memory_space<vmem>>) target_semaphore(%run_scoped3A_764 : memref<!tpu.dma_semaphore, #tpu.memory_space<semaphore_mem>>)
          %dma_wait3A_777 = arith.constant 0 : i32
          %dma_wait3A_778 = tpu.memref_slice %arg16[%run_scoped3A_763, %dma_wait3A_777] : memref<16x320xf32, #tpu.memory_space<vmem>> -> memref<1x320xf32, #tpu.memory_space<vmem>>
          %dma_wait3A_779 = tpu.memref_squeeze %dma_wait3A_778 : memref<1x320xf32, #tpu.memory_space<vmem>> -> memref<320xf32, #tpu.memory_space<vmem>>
          %dma_wait3A_780 = arith.constant 0 : i32
          %dma_wait3A_781 = tpu.memref_slice %arg12[%run_scoped3A_762, %dma_wait3A_780] : memref<16x320xf32, #tpu.memory_space<vmem_shared>> -> memref<1x320xf32, #tpu.memory_space<vmem_shared>>
          %dma_wait3A_782 = tpu.memref_squeeze %dma_wait3A_781 : memref<1x320xf32, #tpu.memory_space<vmem_shared>> -> memref<320xf32, #tpu.memory_space<vmem_shared>>
          %dma_wait3A_783 = arith.constant 0 : i32
          %dma_wait3A_784 = tpu.memref_slice %arg16[%run_scoped3A_763, %dma_wait3A_783] : memref<16x320xf32, #tpu.memory_space<vmem>> -> memref<1x320xf32, #tpu.memory_space<vmem>>
          %dma_wait3A_785 = tpu.memref_squeeze %dma_wait3A_784 : memref<1x320xf32, #tpu.memory_space<vmem>> -> memref<320xf32, #tpu.memory_space<vmem>>
          %dma_wait3A_786 = arith.constant 0 : i32
          %dma_wait3A_787 = tpu.memref_slice %arg12[%run_scoped3A_762, %dma_wait3A_786] : memref<16x320xf32, #tpu.memory_space<vmem_shared>> -> memref<1x320xf32, #tpu.memory_space<vmem_shared>>
          %dma_wait3A_788 = tpu.memref_squeeze %dma_wait3A_787 : memref<1x320xf32, #tpu.memory_space<vmem_shared>> -> memref<320xf32, #tpu.memory_space<vmem_shared>>
          tpu.wait_dma2 semaphore(%run_scoped3A_764 : memref<!tpu.dma_semaphore, #tpu.memory_space<semaphore_mem>>) src(%dma_wait3A_788 : memref<320xf32, #tpu.memory_space<vmem_shared>>) dst(%dma_wait3A_785 : memref<320xf32, #tpu.memory_space<vmem>>)
          tpu.yield
        }) : () -> ()
      } else {
      }
      %add3A_510 = arith.constant 15 : i32
      %add3A_511 = arith.addi %mul3A_421, %add3A_510 : i32
      %le3A_512 = arith.cmpi sle, %squeeze3A_42, %add3A_511 : i32
      %gt3A_513 = arith.cmpi sgt, %squeeze3A_74, %mul3A_421 : i32
      %and3A_514 = arith.andi %le3A_512, %gt3A_513 : i1
      %convert_element_type3A_515 = arith.extui %and3A_514 : i1 to i32
      %cond3A_516 = arith.constant 0 : i32
      %cond3A_517 = arith.cmpi ne, %convert_element_type3A_515, %cond3A_516 : i32
      scf.if %cond3A_517 {
        %run_scoped3A = arith.constant 11 : i32
        %run_scoped3A_761 = arith.constant 11 : i32
        "tpu.region"() ({
          %run_scoped3A_764 = tpu.sem_alloc : memref<!tpu.dma_semaphore, #tpu.memory_space<semaphore_mem>>
          %dma_start3A_765 = arith.constant 0 : i32
          %dma_start3A_766 = tpu.memref_slice %arg15[%run_scoped3A_761, %dma_start3A_765] : memref<16x320xi32, #tpu.memory_space<vmem>> -> memref<1x320xi32, #tpu.memory_space<vmem>>
          %dma_start3A_767 = tpu.memref_squeeze %dma_start3A_766 : memref<1x320xi32, #tpu.memory_space<vmem>> -> memref<320xi32, #tpu.memory_space<vmem>>
          %dma_start3A_768 = arith.constant 0 : i32
          %dma_start3A_769 = tpu.memref_slice %arg11[%run_scoped3A, %dma_start3A_768] : memref<16x320xi32, #tpu.memory_space<vmem_shared>> -> memref<1x320xi32, #tpu.memory_space<vmem_shared>>
          %dma_start3A_770 = tpu.memref_squeeze %dma_start3A_769 : memref<1x320xi32, #tpu.memory_space<vmem_shared>> -> memref<320xi32, #tpu.memory_space<vmem_shared>>
          %dma_start3A_771 = arith.constant 0 : i32
          %dma_start3A_772 = tpu.memref_slice %arg15[%run_scoped3A_761, %dma_start3A_771] : memref<16x320xi32, #tpu.memory_space<vmem>> -> memref<1x320xi32, #tpu.memory_space<vmem>>
          %dma_start3A_773 = tpu.memref_squeeze %dma_start3A_772 : memref<1x320xi32, #tpu.memory_space<vmem>> -> memref<320xi32, #tpu.memory_space<vmem>>
          %dma_start3A_774 = arith.constant 0 : i32
          %dma_start3A_775 = tpu.memref_slice %arg11[%run_scoped3A, %dma_start3A_774] : memref<16x320xi32, #tpu.memory_space<vmem_shared>> -> memref<1x320xi32, #tpu.memory_space<vmem_shared>>
          %dma_start3A_776 = tpu.memref_squeeze %dma_start3A_775 : memref<1x320xi32, #tpu.memory_space<vmem_shared>> -> memref<320xi32, #tpu.memory_space<vmem_shared>>
          tpu.enqueue_dma source(%dma_start3A_776 : memref<320xi32, #tpu.memory_space<vmem_shared>>) target(%dma_start3A_773 : memref<320xi32, #tpu.memory_space<vmem>>) target_semaphore(%run_scoped3A_764 : memref<!tpu.dma_semaphore, #tpu.memory_space<semaphore_mem>>)
          %dma_wait3A_777 = arith.constant 0 : i32
          %dma_wait3A_778 = tpu.memref_slice %arg15[%run_scoped3A_761, %dma_wait3A_777] : memref<16x320xi32, #tpu.memory_space<vmem>> -> memref<1x320xi32, #tpu.memory_space<vmem>>
          %dma_wait3A_779 = tpu.memref_squeeze %dma_wait3A_778 : memref<1x320xi32, #tpu.memory_space<vmem>> -> memref<320xi32, #tpu.memory_space<vmem>>
          %dma_wait3A_780 = arith.constant 0 : i32
          %dma_wait3A_781 = tpu.memref_slice %arg11[%run_scoped3A, %dma_wait3A_780] : memref<16x320xi32, #tpu.memory_space<vmem_shared>> -> memref<1x320xi32, #tpu.memory_space<vmem_shared>>
          %dma_wait3A_782 = tpu.memref_squeeze %dma_wait3A_781 : memref<1x320xi32, #tpu.memory_space<vmem_shared>> -> memref<320xi32, #tpu.memory_space<vmem_shared>>
          %dma_wait3A_783 = arith.constant 0 : i32
          %dma_wait3A_784 = tpu.memref_slice %arg15[%run_scoped3A_761, %dma_wait3A_783] : memref<16x320xi32, #tpu.memory_space<vmem>> -> memref<1x320xi32, #tpu.memory_space<vmem>>
          %dma_wait3A_785 = tpu.memref_squeeze %dma_wait3A_784 : memref<1x320xi32, #tpu.memory_space<vmem>> -> memref<320xi32, #tpu.memory_space<vmem>>
          %dma_wait3A_786 = arith.constant 0 : i32
          %dma_wait3A_787 = tpu.memref_slice %arg11[%run_scoped3A, %dma_wait3A_786] : memref<16x320xi32, #tpu.memory_space<vmem_shared>> -> memref<1x320xi32, #tpu.memory_space<vmem_shared>>
          %dma_wait3A_788 = tpu.memref_squeeze %dma_wait3A_787 : memref<1x320xi32, #tpu.memory_space<vmem_shared>> -> memref<320xi32, #tpu.memory_space<vmem_shared>>
          tpu.wait_dma2 semaphore(%run_scoped3A_764 : memref<!tpu.dma_semaphore, #tpu.memory_space<semaphore_mem>>) src(%dma_wait3A_788 : memref<320xi32, #tpu.memory_space<vmem_shared>>) dst(%dma_wait3A_785 : memref<320xi32, #tpu.memory_space<vmem>>)
          tpu.yield
        }) : () -> ()
        %run_scoped3A_762 = arith.constant 11 : i32
        %run_scoped3A_763 = arith.constant 11 : i32
        "tpu.region"() ({
          %run_scoped3A_764 = tpu.sem_alloc : memref<!tpu.dma_semaphore, #tpu.memory_space<semaphore_mem>>
          %dma_start3A_765 = arith.constant 0 : i32
          %dma_start3A_766 = tpu.memref_slice %arg16[%run_scoped3A_763, %dma_start3A_765] : memref<16x320xf32, #tpu.memory_space<vmem>> -> memref<1x320xf32, #tpu.memory_space<vmem>>
          %dma_start3A_767 = tpu.memref_squeeze %dma_start3A_766 : memref<1x320xf32, #tpu.memory_space<vmem>> -> memref<320xf32, #tpu.memory_space<vmem>>
          %dma_start3A_768 = arith.constant 0 : i32
          %dma_start3A_769 = tpu.memref_slice %arg12[%run_scoped3A_762, %dma_start3A_768] : memref<16x320xf32, #tpu.memory_space<vmem_shared>> -> memref<1x320xf32, #tpu.memory_space<vmem_shared>>
          %dma_start3A_770 = tpu.memref_squeeze %dma_start3A_769 : memref<1x320xf32, #tpu.memory_space<vmem_shared>> -> memref<320xf32, #tpu.memory_space<vmem_shared>>
          %dma_start3A_771 = arith.constant 0 : i32
          %dma_start3A_772 = tpu.memref_slice %arg16[%run_scoped3A_763, %dma_start3A_771] : memref<16x320xf32, #tpu.memory_space<vmem>> -> memref<1x320xf32, #tpu.memory_space<vmem>>
          %dma_start3A_773 = tpu.memref_squeeze %dma_start3A_772 : memref<1x320xf32, #tpu.memory_space<vmem>> -> memref<320xf32, #tpu.memory_space<vmem>>
          %dma_start3A_774 = arith.constant 0 : i32
          %dma_start3A_775 = tpu.memref_slice %arg12[%run_scoped3A_762, %dma_start3A_774] : memref<16x320xf32, #tpu.memory_space<vmem_shared>> -> memref<1x320xf32, #tpu.memory_space<vmem_shared>>
          %dma_start3A_776 = tpu.memref_squeeze %dma_start3A_775 : memref<1x320xf32, #tpu.memory_space<vmem_shared>> -> memref<320xf32, #tpu.memory_space<vmem_shared>>
          tpu.enqueue_dma source(%dma_start3A_776 : memref<320xf32, #tpu.memory_space<vmem_shared>>) target(%dma_start3A_773 : memref<320xf32, #tpu.memory_space<vmem>>) target_semaphore(%run_scoped3A_764 : memref<!tpu.dma_semaphore, #tpu.memory_space<semaphore_mem>>)
          %dma_wait3A_777 = arith.constant 0 : i32
          %dma_wait3A_778 = tpu.memref_slice %arg16[%run_scoped3A_763, %dma_wait3A_777] : memref<16x320xf32, #tpu.memory_space<vmem>> -> memref<1x320xf32, #tpu.memory_space<vmem>>
          %dma_wait3A_779 = tpu.memref_squeeze %dma_wait3A_778 : memref<1x320xf32, #tpu.memory_space<vmem>> -> memref<320xf32, #tpu.memory_space<vmem>>
          %dma_wait3A_780 = arith.constant 0 : i32
          %dma_wait3A_781 = tpu.memref_slice %arg12[%run_scoped3A_762, %dma_wait3A_780] : memref<16x320xf32, #tpu.memory_space<vmem_shared>> -> memref<1x320xf32, #tpu.memory_space<vmem_shared>>
          %dma_wait3A_782 = tpu.memref_squeeze %dma_wait3A_781 : memref<1x320xf32, #tpu.memory_space<vmem_shared>> -> memref<320xf32, #tpu.memory_space<vmem_shared>>
          %dma_wait3A_783 = arith.constant 0 : i32
          %dma_wait3A_784 = tpu.memref_slice %arg16[%run_scoped3A_763, %dma_wait3A_783] : memref<16x320xf32, #tpu.memory_space<vmem>> -> memref<1x320xf32, #tpu.memory_space<vmem>>
          %dma_wait3A_785 = tpu.memref_squeeze %dma_wait3A_784 : memref<1x320xf32, #tpu.memory_space<vmem>> -> memref<320xf32, #tpu.memory_space<vmem>>
          %dma_wait3A_786 = arith.constant 0 : i32
          %dma_wait3A_787 = tpu.memref_slice %arg12[%run_scoped3A_762, %dma_wait3A_786] : memref<16x320xf32, #tpu.memory_space<vmem_shared>> -> memref<1x320xf32, #tpu.memory_space<vmem_shared>>
          %dma_wait3A_788 = tpu.memref_squeeze %dma_wait3A_787 : memref<1x320xf32, #tpu.memory_space<vmem_shared>> -> memref<320xf32, #tpu.memory_space<vmem_shared>>
          tpu.wait_dma2 semaphore(%run_scoped3A_764 : memref<!tpu.dma_semaphore, #tpu.memory_space<semaphore_mem>>) src(%dma_wait3A_788 : memref<320xf32, #tpu.memory_space<vmem_shared>>) dst(%dma_wait3A_785 : memref<320xf32, #tpu.memory_space<vmem>>)
          tpu.yield
        }) : () -> ()
      } else {
      }
      %add3A_518 = arith.constant 15 : i32
      %add3A_519 = arith.addi %mul3A_421, %add3A_518 : i32
      %le3A_520 = arith.cmpi sle, %squeeze3A_44, %add3A_519 : i32
      %gt3A_521 = arith.cmpi sgt, %squeeze3A_76, %mul3A_421 : i32
      %and3A_522 = arith.andi %le3A_520, %gt3A_521 : i1
      %convert_element_type3A_523 = arith.extui %and3A_522 : i1 to i32
      %cond3A_524 = arith.constant 0 : i32
      %cond3A_525 = arith.cmpi ne, %convert_element_type3A_523, %cond3A_524 : i32
      scf.if %cond3A_525 {
        %run_scoped3A = arith.constant 12 : i32
        %run_scoped3A_761 = arith.constant 12 : i32
        "tpu.region"() ({
          %run_scoped3A_764 = tpu.sem_alloc : memref<!tpu.dma_semaphore, #tpu.memory_space<semaphore_mem>>
          %dma_start3A_765 = arith.constant 0 : i32
          %dma_start3A_766 = tpu.memref_slice %arg15[%run_scoped3A_761, %dma_start3A_765] : memref<16x320xi32, #tpu.memory_space<vmem>> -> memref<1x320xi32, #tpu.memory_space<vmem>>
          %dma_start3A_767 = tpu.memref_squeeze %dma_start3A_766 : memref<1x320xi32, #tpu.memory_space<vmem>> -> memref<320xi32, #tpu.memory_space<vmem>>
          %dma_start3A_768 = arith.constant 0 : i32
          %dma_start3A_769 = tpu.memref_slice %arg11[%run_scoped3A, %dma_start3A_768] : memref<16x320xi32, #tpu.memory_space<vmem_shared>> -> memref<1x320xi32, #tpu.memory_space<vmem_shared>>
          %dma_start3A_770 = tpu.memref_squeeze %dma_start3A_769 : memref<1x320xi32, #tpu.memory_space<vmem_shared>> -> memref<320xi32, #tpu.memory_space<vmem_shared>>
          %dma_start3A_771 = arith.constant 0 : i32
          %dma_start3A_772 = tpu.memref_slice %arg15[%run_scoped3A_761, %dma_start3A_771] : memref<16x320xi32, #tpu.memory_space<vmem>> -> memref<1x320xi32, #tpu.memory_space<vmem>>
          %dma_start3A_773 = tpu.memref_squeeze %dma_start3A_772 : memref<1x320xi32, #tpu.memory_space<vmem>> -> memref<320xi32, #tpu.memory_space<vmem>>
          %dma_start3A_774 = arith.constant 0 : i32
          %dma_start3A_775 = tpu.memref_slice %arg11[%run_scoped3A, %dma_start3A_774] : memref<16x320xi32, #tpu.memory_space<vmem_shared>> -> memref<1x320xi32, #tpu.memory_space<vmem_shared>>
          %dma_start3A_776 = tpu.memref_squeeze %dma_start3A_775 : memref<1x320xi32, #tpu.memory_space<vmem_shared>> -> memref<320xi32, #tpu.memory_space<vmem_shared>>
          tpu.enqueue_dma source(%dma_start3A_776 : memref<320xi32, #tpu.memory_space<vmem_shared>>) target(%dma_start3A_773 : memref<320xi32, #tpu.memory_space<vmem>>) target_semaphore(%run_scoped3A_764 : memref<!tpu.dma_semaphore, #tpu.memory_space<semaphore_mem>>)
          %dma_wait3A_777 = arith.constant 0 : i32
          %dma_wait3A_778 = tpu.memref_slice %arg15[%run_scoped3A_761, %dma_wait3A_777] : memref<16x320xi32, #tpu.memory_space<vmem>> -> memref<1x320xi32, #tpu.memory_space<vmem>>
          %dma_wait3A_779 = tpu.memref_squeeze %dma_wait3A_778 : memref<1x320xi32, #tpu.memory_space<vmem>> -> memref<320xi32, #tpu.memory_space<vmem>>
          %dma_wait3A_780 = arith.constant 0 : i32
          %dma_wait3A_781 = tpu.memref_slice %arg11[%run_scoped3A, %dma_wait3A_780] : memref<16x320xi32, #tpu.memory_space<vmem_shared>> -> memref<1x320xi32, #tpu.memory_space<vmem_shared>>
          %dma_wait3A_782 = tpu.memref_squeeze %dma_wait3A_781 : memref<1x320xi32, #tpu.memory_space<vmem_shared>> -> memref<320xi32, #tpu.memory_space<vmem_shared>>
          %dma_wait3A_783 = arith.constant 0 : i32
          %dma_wait3A_784 = tpu.memref_slice %arg15[%run_scoped3A_761, %dma_wait3A_783] : memref<16x320xi32, #tpu.memory_space<vmem>> -> memref<1x320xi32, #tpu.memory_space<vmem>>
          %dma_wait3A_785 = tpu.memref_squeeze %dma_wait3A_784 : memref<1x320xi32, #tpu.memory_space<vmem>> -> memref<320xi32, #tpu.memory_space<vmem>>
          %dma_wait3A_786 = arith.constant 0 : i32
          %dma_wait3A_787 = tpu.memref_slice %arg11[%run_scoped3A, %dma_wait3A_786] : memref<16x320xi32, #tpu.memory_space<vmem_shared>> -> memref<1x320xi32, #tpu.memory_space<vmem_shared>>
          %dma_wait3A_788 = tpu.memref_squeeze %dma_wait3A_787 : memref<1x320xi32, #tpu.memory_space<vmem_shared>> -> memref<320xi32, #tpu.memory_space<vmem_shared>>
          tpu.wait_dma2 semaphore(%run_scoped3A_764 : memref<!tpu.dma_semaphore, #tpu.memory_space<semaphore_mem>>) src(%dma_wait3A_788 : memref<320xi32, #tpu.memory_space<vmem_shared>>) dst(%dma_wait3A_785 : memref<320xi32, #tpu.memory_space<vmem>>)
          tpu.yield
        }) : () -> ()
        %run_scoped3A_762 = arith.constant 12 : i32
        %run_scoped3A_763 = arith.constant 12 : i32
        "tpu.region"() ({
          %run_scoped3A_764 = tpu.sem_alloc : memref<!tpu.dma_semaphore, #tpu.memory_space<semaphore_mem>>
          %dma_start3A_765 = arith.constant 0 : i32
          %dma_start3A_766 = tpu.memref_slice %arg16[%run_scoped3A_763, %dma_start3A_765] : memref<16x320xf32, #tpu.memory_space<vmem>> -> memref<1x320xf32, #tpu.memory_space<vmem>>
          %dma_start3A_767 = tpu.memref_squeeze %dma_start3A_766 : memref<1x320xf32, #tpu.memory_space<vmem>> -> memref<320xf32, #tpu.memory_space<vmem>>
          %dma_start3A_768 = arith.constant 0 : i32
          %dma_start3A_769 = tpu.memref_slice %arg12[%run_scoped3A_762, %dma_start3A_768] : memref<16x320xf32, #tpu.memory_space<vmem_shared>> -> memref<1x320xf32, #tpu.memory_space<vmem_shared>>
          %dma_start3A_770 = tpu.memref_squeeze %dma_start3A_769 : memref<1x320xf32, #tpu.memory_space<vmem_shared>> -> memref<320xf32, #tpu.memory_space<vmem_shared>>
          %dma_start3A_771 = arith.constant 0 : i32
          %dma_start3A_772 = tpu.memref_slice %arg16[%run_scoped3A_763, %dma_start3A_771] : memref<16x320xf32, #tpu.memory_space<vmem>> -> memref<1x320xf32, #tpu.memory_space<vmem>>
          %dma_start3A_773 = tpu.memref_squeeze %dma_start3A_772 : memref<1x320xf32, #tpu.memory_space<vmem>> -> memref<320xf32, #tpu.memory_space<vmem>>
          %dma_start3A_774 = arith.constant 0 : i32
          %dma_start3A_775 = tpu.memref_slice %arg12[%run_scoped3A_762, %dma_start3A_774] : memref<16x320xf32, #tpu.memory_space<vmem_shared>> -> memref<1x320xf32, #tpu.memory_space<vmem_shared>>
          %dma_start3A_776 = tpu.memref_squeeze %dma_start3A_775 : memref<1x320xf32, #tpu.memory_space<vmem_shared>> -> memref<320xf32, #tpu.memory_space<vmem_shared>>
          tpu.enqueue_dma source(%dma_start3A_776 : memref<320xf32, #tpu.memory_space<vmem_shared>>) target(%dma_start3A_773 : memref<320xf32, #tpu.memory_space<vmem>>) target_semaphore(%run_scoped3A_764 : memref<!tpu.dma_semaphore, #tpu.memory_space<semaphore_mem>>)
          %dma_wait3A_777 = arith.constant 0 : i32
          %dma_wait3A_778 = tpu.memref_slice %arg16[%run_scoped3A_763, %dma_wait3A_777] : memref<16x320xf32, #tpu.memory_space<vmem>> -> memref<1x320xf32, #tpu.memory_space<vmem>>
          %dma_wait3A_779 = tpu.memref_squeeze %dma_wait3A_778 : memref<1x320xf32, #tpu.memory_space<vmem>> -> memref<320xf32, #tpu.memory_space<vmem>>
          %dma_wait3A_780 = arith.constant 0 : i32
          %dma_wait3A_781 = tpu.memref_slice %arg12[%run_scoped3A_762, %dma_wait3A_780] : memref<16x320xf32, #tpu.memory_space<vmem_shared>> -> memref<1x320xf32, #tpu.memory_space<vmem_shared>>
          %dma_wait3A_782 = tpu.memref_squeeze %dma_wait3A_781 : memref<1x320xf32, #tpu.memory_space<vmem_shared>> -> memref<320xf32, #tpu.memory_space<vmem_shared>>
          %dma_wait3A_783 = arith.constant 0 : i32
          %dma_wait3A_784 = tpu.memref_slice %arg16[%run_scoped3A_763, %dma_wait3A_783] : memref<16x320xf32, #tpu.memory_space<vmem>> -> memref<1x320xf32, #tpu.memory_space<vmem>>
          %dma_wait3A_785 = tpu.memref_squeeze %dma_wait3A_784 : memref<1x320xf32, #tpu.memory_space<vmem>> -> memref<320xf32, #tpu.memory_space<vmem>>
          %dma_wait3A_786 = arith.constant 0 : i32
          %dma_wait3A_787 = tpu.memref_slice %arg12[%run_scoped3A_762, %dma_wait3A_786] : memref<16x320xf32, #tpu.memory_space<vmem_shared>> -> memref<1x320xf32, #tpu.memory_space<vmem_shared>>
          %dma_wait3A_788 = tpu.memref_squeeze %dma_wait3A_787 : memref<1x320xf32, #tpu.memory_space<vmem_shared>> -> memref<320xf32, #tpu.memory_space<vmem_shared>>
          tpu.wait_dma2 semaphore(%run_scoped3A_764 : memref<!tpu.dma_semaphore, #tpu.memory_space<semaphore_mem>>) src(%dma_wait3A_788 : memref<320xf32, #tpu.memory_space<vmem_shared>>) dst(%dma_wait3A_785 : memref<320xf32, #tpu.memory_space<vmem>>)
          tpu.yield
        }) : () -> ()
      } else {
      }
      %add3A_526 = arith.constant 15 : i32
      %add3A_527 = arith.addi %mul3A_421, %add3A_526 : i32
      %le3A_528 = arith.cmpi sle, %squeeze3A_46, %add3A_527 : i32
      %gt3A_529 = arith.cmpi sgt, %squeeze3A_78, %mul3A_421 : i32
      %and3A_530 = arith.andi %le3A_528, %gt3A_529 : i1
      %convert_element_type3A_531 = arith.extui %and3A_530 : i1 to i32
      %cond3A_532 = arith.constant 0 : i32
      %cond3A_533 = arith.cmpi ne, %convert_element_type3A_531, %cond3A_532 : i32
      scf.if %cond3A_533 {
        %run_scoped3A = arith.constant 13 : i32
        %run_scoped3A_761 = arith.constant 13 : i32
        "tpu.region"() ({
          %run_scoped3A_764 = tpu.sem_alloc : memref<!tpu.dma_semaphore, #tpu.memory_space<semaphore_mem>>
          %dma_start3A_765 = arith.constant 0 : i32
          %dma_start3A_766 = tpu.memref_slice %arg15[%run_scoped3A_761, %dma_start3A_765] : memref<16x320xi32, #tpu.memory_space<vmem>> -> memref<1x320xi32, #tpu.memory_space<vmem>>
          %dma_start3A_767 = tpu.memref_squeeze %dma_start3A_766 : memref<1x320xi32, #tpu.memory_space<vmem>> -> memref<320xi32, #tpu.memory_space<vmem>>
          %dma_start3A_768 = arith.constant 0 : i32
          %dma_start3A_769 = tpu.memref_slice %arg11[%run_scoped3A, %dma_start3A_768] : memref<16x320xi32, #tpu.memory_space<vmem_shared>> -> memref<1x320xi32, #tpu.memory_space<vmem_shared>>
          %dma_start3A_770 = tpu.memref_squeeze %dma_start3A_769 : memref<1x320xi32, #tpu.memory_space<vmem_shared>> -> memref<320xi32, #tpu.memory_space<vmem_shared>>
          %dma_start3A_771 = arith.constant 0 : i32
          %dma_start3A_772 = tpu.memref_slice %arg15[%run_scoped3A_761, %dma_start3A_771] : memref<16x320xi32, #tpu.memory_space<vmem>> -> memref<1x320xi32, #tpu.memory_space<vmem>>
          %dma_start3A_773 = tpu.memref_squeeze %dma_start3A_772 : memref<1x320xi32, #tpu.memory_space<vmem>> -> memref<320xi32, #tpu.memory_space<vmem>>
          %dma_start3A_774 = arith.constant 0 : i32
          %dma_start3A_775 = tpu.memref_slice %arg11[%run_scoped3A, %dma_start3A_774] : memref<16x320xi32, #tpu.memory_space<vmem_shared>> -> memref<1x320xi32, #tpu.memory_space<vmem_shared>>
          %dma_start3A_776 = tpu.memref_squeeze %dma_start3A_775 : memref<1x320xi32, #tpu.memory_space<vmem_shared>> -> memref<320xi32, #tpu.memory_space<vmem_shared>>
          tpu.enqueue_dma source(%dma_start3A_776 : memref<320xi32, #tpu.memory_space<vmem_shared>>) target(%dma_start3A_773 : memref<320xi32, #tpu.memory_space<vmem>>) target_semaphore(%run_scoped3A_764 : memref<!tpu.dma_semaphore, #tpu.memory_space<semaphore_mem>>)
          %dma_wait3A_777 = arith.constant 0 : i32
          %dma_wait3A_778 = tpu.memref_slice %arg15[%run_scoped3A_761, %dma_wait3A_777] : memref<16x320xi32, #tpu.memory_space<vmem>> -> memref<1x320xi32, #tpu.memory_space<vmem>>
          %dma_wait3A_779 = tpu.memref_squeeze %dma_wait3A_778 : memref<1x320xi32, #tpu.memory_space<vmem>> -> memref<320xi32, #tpu.memory_space<vmem>>
          %dma_wait3A_780 = arith.constant 0 : i32
          %dma_wait3A_781 = tpu.memref_slice %arg11[%run_scoped3A, %dma_wait3A_780] : memref<16x320xi32, #tpu.memory_space<vmem_shared>> -> memref<1x320xi32, #tpu.memory_space<vmem_shared>>
          %dma_wait3A_782 = tpu.memref_squeeze %dma_wait3A_781 : memref<1x320xi32, #tpu.memory_space<vmem_shared>> -> memref<320xi32, #tpu.memory_space<vmem_shared>>
          %dma_wait3A_783 = arith.constant 0 : i32
          %dma_wait3A_784 = tpu.memref_slice %arg15[%run_scoped3A_761, %dma_wait3A_783] : memref<16x320xi32, #tpu.memory_space<vmem>> -> memref<1x320xi32, #tpu.memory_space<vmem>>
          %dma_wait3A_785 = tpu.memref_squeeze %dma_wait3A_784 : memref<1x320xi32, #tpu.memory_space<vmem>> -> memref<320xi32, #tpu.memory_space<vmem>>
          %dma_wait3A_786 = arith.constant 0 : i32
          %dma_wait3A_787 = tpu.memref_slice %arg11[%run_scoped3A, %dma_wait3A_786] : memref<16x320xi32, #tpu.memory_space<vmem_shared>> -> memref<1x320xi32, #tpu.memory_space<vmem_shared>>
          %dma_wait3A_788 = tpu.memref_squeeze %dma_wait3A_787 : memref<1x320xi32, #tpu.memory_space<vmem_shared>> -> memref<320xi32, #tpu.memory_space<vmem_shared>>
          tpu.wait_dma2 semaphore(%run_scoped3A_764 : memref<!tpu.dma_semaphore, #tpu.memory_space<semaphore_mem>>) src(%dma_wait3A_788 : memref<320xi32, #tpu.memory_space<vmem_shared>>) dst(%dma_wait3A_785 : memref<320xi32, #tpu.memory_space<vmem>>)
          tpu.yield
        }) : () -> ()
        %run_scoped3A_762 = arith.constant 13 : i32
        %run_scoped3A_763 = arith.constant 13 : i32
        "tpu.region"() ({
          %run_scoped3A_764 = tpu.sem_alloc : memref<!tpu.dma_semaphore, #tpu.memory_space<semaphore_mem>>
          %dma_start3A_765 = arith.constant 0 : i32
          %dma_start3A_766 = tpu.memref_slice %arg16[%run_scoped3A_763, %dma_start3A_765] : memref<16x320xf32, #tpu.memory_space<vmem>> -> memref<1x320xf32, #tpu.memory_space<vmem>>
          %dma_start3A_767 = tpu.memref_squeeze %dma_start3A_766 : memref<1x320xf32, #tpu.memory_space<vmem>> -> memref<320xf32, #tpu.memory_space<vmem>>
          %dma_start3A_768 = arith.constant 0 : i32
          %dma_start3A_769 = tpu.memref_slice %arg12[%run_scoped3A_762, %dma_start3A_768] : memref<16x320xf32, #tpu.memory_space<vmem_shared>> -> memref<1x320xf32, #tpu.memory_space<vmem_shared>>
          %dma_start3A_770 = tpu.memref_squeeze %dma_start3A_769 : memref<1x320xf32, #tpu.memory_space<vmem_shared>> -> memref<320xf32, #tpu.memory_space<vmem_shared>>
          %dma_start3A_771 = arith.constant 0 : i32
          %dma_start3A_772 = tpu.memref_slice %arg16[%run_scoped3A_763, %dma_start3A_771] : memref<16x320xf32, #tpu.memory_space<vmem>> -> memref<1x320xf32, #tpu.memory_space<vmem>>
          %dma_start3A_773 = tpu.memref_squeeze %dma_start3A_772 : memref<1x320xf32, #tpu.memory_space<vmem>> -> memref<320xf32, #tpu.memory_space<vmem>>
          %dma_start3A_774 = arith.constant 0 : i32
          %dma_start3A_775 = tpu.memref_slice %arg12[%run_scoped3A_762, %dma_start3A_774] : memref<16x320xf32, #tpu.memory_space<vmem_shared>> -> memref<1x320xf32, #tpu.memory_space<vmem_shared>>
          %dma_start3A_776 = tpu.memref_squeeze %dma_start3A_775 : memref<1x320xf32, #tpu.memory_space<vmem_shared>> -> memref<320xf32, #tpu.memory_space<vmem_shared>>
          tpu.enqueue_dma source(%dma_start3A_776 : memref<320xf32, #tpu.memory_space<vmem_shared>>) target(%dma_start3A_773 : memref<320xf32, #tpu.memory_space<vmem>>) target_semaphore(%run_scoped3A_764 : memref<!tpu.dma_semaphore, #tpu.memory_space<semaphore_mem>>)
          %dma_wait3A_777 = arith.constant 0 : i32
          %dma_wait3A_778 = tpu.memref_slice %arg16[%run_scoped3A_763, %dma_wait3A_777] : memref<16x320xf32, #tpu.memory_space<vmem>> -> memref<1x320xf32, #tpu.memory_space<vmem>>
          %dma_wait3A_779 = tpu.memref_squeeze %dma_wait3A_778 : memref<1x320xf32, #tpu.memory_space<vmem>> -> memref<320xf32, #tpu.memory_space<vmem>>
          %dma_wait3A_780 = arith.constant 0 : i32
          %dma_wait3A_781 = tpu.memref_slice %arg12[%run_scoped3A_762, %dma_wait3A_780] : memref<16x320xf32, #tpu.memory_space<vmem_shared>> -> memref<1x320xf32, #tpu.memory_space<vmem_shared>>
          %dma_wait3A_782 = tpu.memref_squeeze %dma_wait3A_781 : memref<1x320xf32, #tpu.memory_space<vmem_shared>> -> memref<320xf32, #tpu.memory_space<vmem_shared>>
          %dma_wait3A_783 = arith.constant 0 : i32
          %dma_wait3A_784 = tpu.memref_slice %arg16[%run_scoped3A_763, %dma_wait3A_783] : memref<16x320xf32, #tpu.memory_space<vmem>> -> memref<1x320xf32, #tpu.memory_space<vmem>>
          %dma_wait3A_785 = tpu.memref_squeeze %dma_wait3A_784 : memref<1x320xf32, #tpu.memory_space<vmem>> -> memref<320xf32, #tpu.memory_space<vmem>>
          %dma_wait3A_786 = arith.constant 0 : i32
          %dma_wait3A_787 = tpu.memref_slice %arg12[%run_scoped3A_762, %dma_wait3A_786] : memref<16x320xf32, #tpu.memory_space<vmem_shared>> -> memref<1x320xf32, #tpu.memory_space<vmem_shared>>
          %dma_wait3A_788 = tpu.memref_squeeze %dma_wait3A_787 : memref<1x320xf32, #tpu.memory_space<vmem_shared>> -> memref<320xf32, #tpu.memory_space<vmem_shared>>
          tpu.wait_dma2 semaphore(%run_scoped3A_764 : memref<!tpu.dma_semaphore, #tpu.memory_space<semaphore_mem>>) src(%dma_wait3A_788 : memref<320xf32, #tpu.memory_space<vmem_shared>>) dst(%dma_wait3A_785 : memref<320xf32, #tpu.memory_space<vmem>>)
          tpu.yield
        }) : () -> ()
      } else {
      }
      %add3A_534 = arith.constant 15 : i32
      %add3A_535 = arith.addi %mul3A_421, %add3A_534 : i32
      %le3A_536 = arith.cmpi sle, %squeeze3A_48, %add3A_535 : i32
      %gt3A_537 = arith.cmpi sgt, %squeeze3A_80, %mul3A_421 : i32
      %and3A_538 = arith.andi %le3A_536, %gt3A_537 : i1
      %convert_element_type3A_539 = arith.extui %and3A_538 : i1 to i32
      %cond3A_540 = arith.constant 0 : i32
      %cond3A_541 = arith.cmpi ne, %convert_element_type3A_539, %cond3A_540 : i32
      scf.if %cond3A_541 {
        %run_scoped3A = arith.constant 14 : i32
        %run_scoped3A_761 = arith.constant 14 : i32
        "tpu.region"() ({
          %run_scoped3A_764 = tpu.sem_alloc : memref<!tpu.dma_semaphore, #tpu.memory_space<semaphore_mem>>
          %dma_start3A_765 = arith.constant 0 : i32
          %dma_start3A_766 = tpu.memref_slice %arg15[%run_scoped3A_761, %dma_start3A_765] : memref<16x320xi32, #tpu.memory_space<vmem>> -> memref<1x320xi32, #tpu.memory_space<vmem>>
          %dma_start3A_767 = tpu.memref_squeeze %dma_start3A_766 : memref<1x320xi32, #tpu.memory_space<vmem>> -> memref<320xi32, #tpu.memory_space<vmem>>
          %dma_start3A_768 = arith.constant 0 : i32
          %dma_start3A_769 = tpu.memref_slice %arg11[%run_scoped3A, %dma_start3A_768] : memref<16x320xi32, #tpu.memory_space<vmem_shared>> -> memref<1x320xi32, #tpu.memory_space<vmem_shared>>
          %dma_start3A_770 = tpu.memref_squeeze %dma_start3A_769 : memref<1x320xi32, #tpu.memory_space<vmem_shared>> -> memref<320xi32, #tpu.memory_space<vmem_shared>>
          %dma_start3A_771 = arith.constant 0 : i32
          %dma_start3A_772 = tpu.memref_slice %arg15[%run_scoped3A_761, %dma_start3A_771] : memref<16x320xi32, #tpu.memory_space<vmem>> -> memref<1x320xi32, #tpu.memory_space<vmem>>
          %dma_start3A_773 = tpu.memref_squeeze %dma_start3A_772 : memref<1x320xi32, #tpu.memory_space<vmem>> -> memref<320xi32, #tpu.memory_space<vmem>>
          %dma_start3A_774 = arith.constant 0 : i32
          %dma_start3A_775 = tpu.memref_slice %arg11[%run_scoped3A, %dma_start3A_774] : memref<16x320xi32, #tpu.memory_space<vmem_shared>> -> memref<1x320xi32, #tpu.memory_space<vmem_shared>>
          %dma_start3A_776 = tpu.memref_squeeze %dma_start3A_775 : memref<1x320xi32, #tpu.memory_space<vmem_shared>> -> memref<320xi32, #tpu.memory_space<vmem_shared>>
          tpu.enqueue_dma source(%dma_start3A_776 : memref<320xi32, #tpu.memory_space<vmem_shared>>) target(%dma_start3A_773 : memref<320xi32, #tpu.memory_space<vmem>>) target_semaphore(%run_scoped3A_764 : memref<!tpu.dma_semaphore, #tpu.memory_space<semaphore_mem>>)
          %dma_wait3A_777 = arith.constant 0 : i32
          %dma_wait3A_778 = tpu.memref_slice %arg15[%run_scoped3A_761, %dma_wait3A_777] : memref<16x320xi32, #tpu.memory_space<vmem>> -> memref<1x320xi32, #tpu.memory_space<vmem>>
          %dma_wait3A_779 = tpu.memref_squeeze %dma_wait3A_778 : memref<1x320xi32, #tpu.memory_space<vmem>> -> memref<320xi32, #tpu.memory_space<vmem>>
          %dma_wait3A_780 = arith.constant 0 : i32
          %dma_wait3A_781 = tpu.memref_slice %arg11[%run_scoped3A, %dma_wait3A_780] : memref<16x320xi32, #tpu.memory_space<vmem_shared>> -> memref<1x320xi32, #tpu.memory_space<vmem_shared>>
          %dma_wait3A_782 = tpu.memref_squeeze %dma_wait3A_781 : memref<1x320xi32, #tpu.memory_space<vmem_shared>> -> memref<320xi32, #tpu.memory_space<vmem_shared>>
          %dma_wait3A_783 = arith.constant 0 : i32
          %dma_wait3A_784 = tpu.memref_slice %arg15[%run_scoped3A_761, %dma_wait3A_783] : memref<16x320xi32, #tpu.memory_space<vmem>> -> memref<1x320xi32, #tpu.memory_space<vmem>>
          %dma_wait3A_785 = tpu.memref_squeeze %dma_wait3A_784 : memref<1x320xi32, #tpu.memory_space<vmem>> -> memref<320xi32, #tpu.memory_space<vmem>>
          %dma_wait3A_786 = arith.constant 0 : i32
          %dma_wait3A_787 = tpu.memref_slice %arg11[%run_scoped3A, %dma_wait3A_786] : memref<16x320xi32, #tpu.memory_space<vmem_shared>> -> memref<1x320xi32, #tpu.memory_space<vmem_shared>>
          %dma_wait3A_788 = tpu.memref_squeeze %dma_wait3A_787 : memref<1x320xi32, #tpu.memory_space<vmem_shared>> -> memref<320xi32, #tpu.memory_space<vmem_shared>>
          tpu.wait_dma2 semaphore(%run_scoped3A_764 : memref<!tpu.dma_semaphore, #tpu.memory_space<semaphore_mem>>) src(%dma_wait3A_788 : memref<320xi32, #tpu.memory_space<vmem_shared>>) dst(%dma_wait3A_785 : memref<320xi32, #tpu.memory_space<vmem>>)
          tpu.yield
        }) : () -> ()
        %run_scoped3A_762 = arith.constant 14 : i32
        %run_scoped3A_763 = arith.constant 14 : i32
        "tpu.region"() ({
          %run_scoped3A_764 = tpu.sem_alloc : memref<!tpu.dma_semaphore, #tpu.memory_space<semaphore_mem>>
          %dma_start3A_765 = arith.constant 0 : i32
          %dma_start3A_766 = tpu.memref_slice %arg16[%run_scoped3A_763, %dma_start3A_765] : memref<16x320xf32, #tpu.memory_space<vmem>> -> memref<1x320xf32, #tpu.memory_space<vmem>>
          %dma_start3A_767 = tpu.memref_squeeze %dma_start3A_766 : memref<1x320xf32, #tpu.memory_space<vmem>> -> memref<320xf32, #tpu.memory_space<vmem>>
          %dma_start3A_768 = arith.constant 0 : i32
          %dma_start3A_769 = tpu.memref_slice %arg12[%run_scoped3A_762, %dma_start3A_768] : memref<16x320xf32, #tpu.memory_space<vmem_shared>> -> memref<1x320xf32, #tpu.memory_space<vmem_shared>>
          %dma_start3A_770 = tpu.memref_squeeze %dma_start3A_769 : memref<1x320xf32, #tpu.memory_space<vmem_shared>> -> memref<320xf32, #tpu.memory_space<vmem_shared>>
          %dma_start3A_771 = arith.constant 0 : i32
          %dma_start3A_772 = tpu.memref_slice %arg16[%run_scoped3A_763, %dma_start3A_771] : memref<16x320xf32, #tpu.memory_space<vmem>> -> memref<1x320xf32, #tpu.memory_space<vmem>>
          %dma_start3A_773 = tpu.memref_squeeze %dma_start3A_772 : memref<1x320xf32, #tpu.memory_space<vmem>> -> memref<320xf32, #tpu.memory_space<vmem>>
          %dma_start3A_774 = arith.constant 0 : i32
          %dma_start3A_775 = tpu.memref_slice %arg12[%run_scoped3A_762, %dma_start3A_774] : memref<16x320xf32, #tpu.memory_space<vmem_shared>> -> memref<1x320xf32, #tpu.memory_space<vmem_shared>>
          %dma_start3A_776 = tpu.memref_squeeze %dma_start3A_775 : memref<1x320xf32, #tpu.memory_space<vmem_shared>> -> memref<320xf32, #tpu.memory_space<vmem_shared>>
          tpu.enqueue_dma source(%dma_start3A_776 : memref<320xf32, #tpu.memory_space<vmem_shared>>) target(%dma_start3A_773 : memref<320xf32, #tpu.memory_space<vmem>>) target_semaphore(%run_scoped3A_764 : memref<!tpu.dma_semaphore, #tpu.memory_space<semaphore_mem>>)
          %dma_wait3A_777 = arith.constant 0 : i32
          %dma_wait3A_778 = tpu.memref_slice %arg16[%run_scoped3A_763, %dma_wait3A_777] : memref<16x320xf32, #tpu.memory_space<vmem>> -> memref<1x320xf32, #tpu.memory_space<vmem>>
          %dma_wait3A_779 = tpu.memref_squeeze %dma_wait3A_778 : memref<1x320xf32, #tpu.memory_space<vmem>> -> memref<320xf32, #tpu.memory_space<vmem>>
          %dma_wait3A_780 = arith.constant 0 : i32
          %dma_wait3A_781 = tpu.memref_slice %arg12[%run_scoped3A_762, %dma_wait3A_780] : memref<16x320xf32, #tpu.memory_space<vmem_shared>> -> memref<1x320xf32, #tpu.memory_space<vmem_shared>>
          %dma_wait3A_782 = tpu.memref_squeeze %dma_wait3A_781 : memref<1x320xf32, #tpu.memory_space<vmem_shared>> -> memref<320xf32, #tpu.memory_space<vmem_shared>>
          %dma_wait3A_783 = arith.constant 0 : i32
          %dma_wait3A_784 = tpu.memref_slice %arg16[%run_scoped3A_763, %dma_wait3A_783] : memref<16x320xf32, #tpu.memory_space<vmem>> -> memref<1x320xf32, #tpu.memory_space<vmem>>
          %dma_wait3A_785 = tpu.memref_squeeze %dma_wait3A_784 : memref<1x320xf32, #tpu.memory_space<vmem>> -> memref<320xf32, #tpu.memory_space<vmem>>
          %dma_wait3A_786 = arith.constant 0 : i32
          %dma_wait3A_787 = tpu.memref_slice %arg12[%run_scoped3A_762, %dma_wait3A_786] : memref<16x320xf32, #tpu.memory_space<vmem_shared>> -> memref<1x320xf32, #tpu.memory_space<vmem_shared>>
          %dma_wait3A_788 = tpu.memref_squeeze %dma_wait3A_787 : memref<1x320xf32, #tpu.memory_space<vmem_shared>> -> memref<320xf32, #tpu.memory_space<vmem_shared>>
          tpu.wait_dma2 semaphore(%run_scoped3A_764 : memref<!tpu.dma_semaphore, #tpu.memory_space<semaphore_mem>>) src(%dma_wait3A_788 : memref<320xf32, #tpu.memory_space<vmem_shared>>) dst(%dma_wait3A_785 : memref<320xf32, #tpu.memory_space<vmem>>)
          tpu.yield
        }) : () -> ()
      } else {
      }
      %add3A_542 = arith.constant 15 : i32
      %add3A_543 = arith.addi %mul3A_421, %add3A_542 : i32
      %le3A_544 = arith.cmpi sle, %squeeze3A_50, %add3A_543 : i32
      %gt3A_545 = arith.cmpi sgt, %squeeze3A_82, %mul3A_421 : i32
      %and3A_546 = arith.andi %le3A_544, %gt3A_545 : i1
      %convert_element_type3A_547 = arith.extui %and3A_546 : i1 to i32
      %cond3A_548 = arith.constant 0 : i32
      %cond3A_549 = arith.cmpi ne, %convert_element_type3A_547, %cond3A_548 : i32
      scf.if %cond3A_549 {
        %run_scoped3A = arith.constant 15 : i32
        %run_scoped3A_761 = arith.constant 15 : i32
        "tpu.region"() ({
          %run_scoped3A_764 = tpu.sem_alloc : memref<!tpu.dma_semaphore, #tpu.memory_space<semaphore_mem>>
          %dma_start3A_765 = arith.constant 0 : i32
          %dma_start3A_766 = tpu.memref_slice %arg15[%run_scoped3A_761, %dma_start3A_765] : memref<16x320xi32, #tpu.memory_space<vmem>> -> memref<1x320xi32, #tpu.memory_space<vmem>>
          %dma_start3A_767 = tpu.memref_squeeze %dma_start3A_766 : memref<1x320xi32, #tpu.memory_space<vmem>> -> memref<320xi32, #tpu.memory_space<vmem>>
          %dma_start3A_768 = arith.constant 0 : i32
          %dma_start3A_769 = tpu.memref_slice %arg11[%run_scoped3A, %dma_start3A_768] : memref<16x320xi32, #tpu.memory_space<vmem_shared>> -> memref<1x320xi32, #tpu.memory_space<vmem_shared>>
          %dma_start3A_770 = tpu.memref_squeeze %dma_start3A_769 : memref<1x320xi32, #tpu.memory_space<vmem_shared>> -> memref<320xi32, #tpu.memory_space<vmem_shared>>
          %dma_start3A_771 = arith.constant 0 : i32
          %dma_start3A_772 = tpu.memref_slice %arg15[%run_scoped3A_761, %dma_start3A_771] : memref<16x320xi32, #tpu.memory_space<vmem>> -> memref<1x320xi32, #tpu.memory_space<vmem>>
          %dma_start3A_773 = tpu.memref_squeeze %dma_start3A_772 : memref<1x320xi32, #tpu.memory_space<vmem>> -> memref<320xi32, #tpu.memory_space<vmem>>
          %dma_start3A_774 = arith.constant 0 : i32
          %dma_start3A_775 = tpu.memref_slice %arg11[%run_scoped3A, %dma_start3A_774] : memref<16x320xi32, #tpu.memory_space<vmem_shared>> -> memref<1x320xi32, #tpu.memory_space<vmem_shared>>
          %dma_start3A_776 = tpu.memref_squeeze %dma_start3A_775 : memref<1x320xi32, #tpu.memory_space<vmem_shared>> -> memref<320xi32, #tpu.memory_space<vmem_shared>>
          tpu.enqueue_dma source(%dma_start3A_776 : memref<320xi32, #tpu.memory_space<vmem_shared>>) target(%dma_start3A_773 : memref<320xi32, #tpu.memory_space<vmem>>) target_semaphore(%run_scoped3A_764 : memref<!tpu.dma_semaphore, #tpu.memory_space<semaphore_mem>>)
          %dma_wait3A_777 = arith.constant 0 : i32
          %dma_wait3A_778 = tpu.memref_slice %arg15[%run_scoped3A_761, %dma_wait3A_777] : memref<16x320xi32, #tpu.memory_space<vmem>> -> memref<1x320xi32, #tpu.memory_space<vmem>>
          %dma_wait3A_779 = tpu.memref_squeeze %dma_wait3A_778 : memref<1x320xi32, #tpu.memory_space<vmem>> -> memref<320xi32, #tpu.memory_space<vmem>>
          %dma_wait3A_780 = arith.constant 0 : i32
          %dma_wait3A_781 = tpu.memref_slice %arg11[%run_scoped3A, %dma_wait3A_780] : memref<16x320xi32, #tpu.memory_space<vmem_shared>> -> memref<1x320xi32, #tpu.memory_space<vmem_shared>>
          %dma_wait3A_782 = tpu.memref_squeeze %dma_wait3A_781 : memref<1x320xi32, #tpu.memory_space<vmem_shared>> -> memref<320xi32, #tpu.memory_space<vmem_shared>>
          %dma_wait3A_783 = arith.constant 0 : i32
          %dma_wait3A_784 = tpu.memref_slice %arg15[%run_scoped3A_761, %dma_wait3A_783] : memref<16x320xi32, #tpu.memory_space<vmem>> -> memref<1x320xi32, #tpu.memory_space<vmem>>
          %dma_wait3A_785 = tpu.memref_squeeze %dma_wait3A_784 : memref<1x320xi32, #tpu.memory_space<vmem>> -> memref<320xi32, #tpu.memory_space<vmem>>
          %dma_wait3A_786 = arith.constant 0 : i32
          %dma_wait3A_787 = tpu.memref_slice %arg11[%run_scoped3A, %dma_wait3A_786] : memref<16x320xi32, #tpu.memory_space<vmem_shared>> -> memref<1x320xi32, #tpu.memory_space<vmem_shared>>
          %dma_wait3A_788 = tpu.memref_squeeze %dma_wait3A_787 : memref<1x320xi32, #tpu.memory_space<vmem_shared>> -> memref<320xi32, #tpu.memory_space<vmem_shared>>
          tpu.wait_dma2 semaphore(%run_scoped3A_764 : memref<!tpu.dma_semaphore, #tpu.memory_space<semaphore_mem>>) src(%dma_wait3A_788 : memref<320xi32, #tpu.memory_space<vmem_shared>>) dst(%dma_wait3A_785 : memref<320xi32, #tpu.memory_space<vmem>>)
          tpu.yield
        }) : () -> ()
        %run_scoped3A_762 = arith.constant 15 : i32
        %run_scoped3A_763 = arith.constant 15 : i32
        "tpu.region"() ({
          %run_scoped3A_764 = tpu.sem_alloc : memref<!tpu.dma_semaphore, #tpu.memory_space<semaphore_mem>>
          %dma_start3A_765 = arith.constant 0 : i32
          %dma_start3A_766 = tpu.memref_slice %arg16[%run_scoped3A_763, %dma_start3A_765] : memref<16x320xf32, #tpu.memory_space<vmem>> -> memref<1x320xf32, #tpu.memory_space<vmem>>
          %dma_start3A_767 = tpu.memref_squeeze %dma_start3A_766 : memref<1x320xf32, #tpu.memory_space<vmem>> -> memref<320xf32, #tpu.memory_space<vmem>>
          %dma_start3A_768 = arith.constant 0 : i32
          %dma_start3A_769 = tpu.memref_slice %arg12[%run_scoped3A_762, %dma_start3A_768] : memref<16x320xf32, #tpu.memory_space<vmem_shared>> -> memref<1x320xf32, #tpu.memory_space<vmem_shared>>
          %dma_start3A_770 = tpu.memref_squeeze %dma_start3A_769 : memref<1x320xf32, #tpu.memory_space<vmem_shared>> -> memref<320xf32, #tpu.memory_space<vmem_shared>>
          %dma_start3A_771 = arith.constant 0 : i32
          %dma_start3A_772 = tpu.memref_slice %arg16[%run_scoped3A_763, %dma_start3A_771] : memref<16x320xf32, #tpu.memory_space<vmem>> -> memref<1x320xf32, #tpu.memory_space<vmem>>
          %dma_start3A_773 = tpu.memref_squeeze %dma_start3A_772 : memref<1x320xf32, #tpu.memory_space<vmem>> -> memref<320xf32, #tpu.memory_space<vmem>>
          %dma_start3A_774 = arith.constant 0 : i32
          %dma_start3A_775 = tpu.memref_slice %arg12[%run_scoped3A_762, %dma_start3A_774] : memref<16x320xf32, #tpu.memory_space<vmem_shared>> -> memref<1x320xf32, #tpu.memory_space<vmem_shared>>
          %dma_start3A_776 = tpu.memref_squeeze %dma_start3A_775 : memref<1x320xf32, #tpu.memory_space<vmem_shared>> -> memref<320xf32, #tpu.memory_space<vmem_shared>>
          tpu.enqueue_dma source(%dma_start3A_776 : memref<320xf32, #tpu.memory_space<vmem_shared>>) target(%dma_start3A_773 : memref<320xf32, #tpu.memory_space<vmem>>) target_semaphore(%run_scoped3A_764 : memref<!tpu.dma_semaphore, #tpu.memory_space<semaphore_mem>>)
          %dma_wait3A_777 = arith.constant 0 : i32
          %dma_wait3A_778 = tpu.memref_slice %arg16[%run_scoped3A_763, %dma_wait3A_777] : memref<16x320xf32, #tpu.memory_space<vmem>> -> memref<1x320xf32, #tpu.memory_space<vmem>>
          %dma_wait3A_779 = tpu.memref_squeeze %dma_wait3A_778 : memref<1x320xf32, #tpu.memory_space<vmem>> -> memref<320xf32, #tpu.memory_space<vmem>>
          %dma_wait3A_780 = arith.constant 0 : i32
          %dma_wait3A_781 = tpu.memref_slice %arg12[%run_scoped3A_762, %dma_wait3A_780] : memref<16x320xf32, #tpu.memory_space<vmem_shared>> -> memref<1x320xf32, #tpu.memory_space<vmem_shared>>
          %dma_wait3A_782 = tpu.memref_squeeze %dma_wait3A_781 : memref<1x320xf32, #tpu.memory_space<vmem_shared>> -> memref<320xf32, #tpu.memory_space<vmem_shared>>
          %dma_wait3A_783 = arith.constant 0 : i32
          %dma_wait3A_784 = tpu.memref_slice %arg16[%run_scoped3A_763, %dma_wait3A_783] : memref<16x320xf32, #tpu.memory_space<vmem>> -> memref<1x320xf32, #tpu.memory_space<vmem>>
          %dma_wait3A_785 = tpu.memref_squeeze %dma_wait3A_784 : memref<1x320xf32, #tpu.memory_space<vmem>> -> memref<320xf32, #tpu.memory_space<vmem>>
          %dma_wait3A_786 = arith.constant 0 : i32
          %dma_wait3A_787 = tpu.memref_slice %arg12[%run_scoped3A_762, %dma_wait3A_786] : memref<16x320xf32, #tpu.memory_space<vmem_shared>> -> memref<1x320xf32, #tpu.memory_space<vmem_shared>>
          %dma_wait3A_788 = tpu.memref_squeeze %dma_wait3A_787 : memref<1x320xf32, #tpu.memory_space<vmem_shared>> -> memref<320xf32, #tpu.memory_space<vmem_shared>>
          tpu.wait_dma2 semaphore(%run_scoped3A_764 : memref<!tpu.dma_semaphore, #tpu.memory_space<semaphore_mem>>) src(%dma_wait3A_788 : memref<320xf32, #tpu.memory_space<vmem_shared>>) dst(%dma_wait3A_785 : memref<320xf32, #tpu.memory_space<vmem>>)
          tpu.yield
        }) : () -> ()
      } else {
      }
      %add3A_550 = vector.broadcast %mul3A_421 : i32 to vector<16xi32>
      %add3A_551 = arith.addi %add3A_550, %iota3A : vector<16xi32>
      %broadcast_in_dim3A_552 = arith.constant 0 : i32
      %broadcast_in_dim3A_553 = vector.broadcast %broadcast_in_dim3A_552 : i32 to vector<16xi32>
      %ge3A_554 = vector.broadcast %squeeze3A_22 : i32 to vector<16xi32>
      %ge3A_555 = arith.cmpi sge, %add3A_551, %ge3A_554 : vector<16xi32>
      %jit3A_556 = arith.constant 1 : i32
      %jit3A_557 = arith.constant 0 : i32
      %broadcast_in_dim3A_558 = vector.broadcast %jit3A_556 : i32 to vector<16xi32>
      %broadcast_in_dim3A_559 = vector.broadcast %jit3A_557 : i32 to vector<16xi32>
      %select_n3A_560 = arith.select %ge3A_555, %broadcast_in_dim3A_558, %broadcast_in_dim3A_559 : vector<16xi1>, vector<16xi32>
      %add3A_561 = arith.addi %broadcast_in_dim3A_553, %select_n3A_560 : vector<16xi32>
      %ge3A_562 = vector.broadcast %squeeze3A_24 : i32 to vector<16xi32>
      %ge3A_563 = arith.cmpi sge, %add3A_551, %ge3A_562 : vector<16xi32>
      %jit3A_564 = arith.constant 1 : i32
      %jit3A_565 = arith.constant 0 : i32
      %broadcast_in_dim3A_566 = vector.broadcast %jit3A_564 : i32 to vector<16xi32>
      %broadcast_in_dim3A_567 = vector.broadcast %jit3A_565 : i32 to vector<16xi32>
      %select_n3A_568 = arith.select %ge3A_563, %broadcast_in_dim3A_566, %broadcast_in_dim3A_567 : vector<16xi1>, vector<16xi32>
      %add3A_569 = arith.addi %add3A_561, %select_n3A_568 : vector<16xi32>
      %ge3A_570 = vector.broadcast %squeeze3A_26 : i32 to vector<16xi32>
      %ge3A_571 = arith.cmpi sge, %add3A_551, %ge3A_570 : vector<16xi32>
      %jit3A_572 = arith.constant 1 : i32
      %jit3A_573 = arith.constant 0 : i32
      %broadcast_in_dim3A_574 = vector.broadcast %jit3A_572 : i32 to vector<16xi32>
      %broadcast_in_dim3A_575 = vector.broadcast %jit3A_573 : i32 to vector<16xi32>
      %select_n3A_576 = arith.select %ge3A_571, %broadcast_in_dim3A_574, %broadcast_in_dim3A_575 : vector<16xi1>, vector<16xi32>
      %add3A_577 = arith.addi %add3A_569, %select_n3A_576 : vector<16xi32>
      %ge3A_578 = vector.broadcast %squeeze3A_28 : i32 to vector<16xi32>
      %ge3A_579 = arith.cmpi sge, %add3A_551, %ge3A_578 : vector<16xi32>
      %jit3A_580 = arith.constant 1 : i32
      %jit3A_581 = arith.constant 0 : i32
      %broadcast_in_dim3A_582 = vector.broadcast %jit3A_580 : i32 to vector<16xi32>
      %broadcast_in_dim3A_583 = vector.broadcast %jit3A_581 : i32 to vector<16xi32>
      %select_n3A_584 = arith.select %ge3A_579, %broadcast_in_dim3A_582, %broadcast_in_dim3A_583 : vector<16xi1>, vector<16xi32>
      %add3A_585 = arith.addi %add3A_577, %select_n3A_584 : vector<16xi32>
      %ge3A_586 = vector.broadcast %squeeze3A_30 : i32 to vector<16xi32>
      %ge3A_587 = arith.cmpi sge, %add3A_551, %ge3A_586 : vector<16xi32>
      %jit3A_588 = arith.constant 1 : i32
      %jit3A_589 = arith.constant 0 : i32
      %broadcast_in_dim3A_590 = vector.broadcast %jit3A_588 : i32 to vector<16xi32>
      %broadcast_in_dim3A_591 = vector.broadcast %jit3A_589 : i32 to vector<16xi32>
      %select_n3A_592 = arith.select %ge3A_587, %broadcast_in_dim3A_590, %broadcast_in_dim3A_591 : vector<16xi1>, vector<16xi32>
      %add3A_593 = arith.addi %add3A_585, %select_n3A_592 : vector<16xi32>
      %ge3A_594 = vector.broadcast %squeeze3A_32 : i32 to vector<16xi32>
      %ge3A_595 = arith.cmpi sge, %add3A_551, %ge3A_594 : vector<16xi32>
      %jit3A_596 = arith.constant 1 : i32
      %jit3A_597 = arith.constant 0 : i32
      %broadcast_in_dim3A_598 = vector.broadcast %jit3A_596 : i32 to vector<16xi32>
      %broadcast_in_dim3A_599 = vector.broadcast %jit3A_597 : i32 to vector<16xi32>
      %select_n3A_600 = arith.select %ge3A_595, %broadcast_in_dim3A_598, %broadcast_in_dim3A_599 : vector<16xi1>, vector<16xi32>
      %add3A_601 = arith.addi %add3A_593, %select_n3A_600 : vector<16xi32>
      %ge3A_602 = vector.broadcast %squeeze3A_34 : i32 to vector<16xi32>
      %ge3A_603 = arith.cmpi sge, %add3A_551, %ge3A_602 : vector<16xi32>
      %jit3A_604 = arith.constant 1 : i32
      %jit3A_605 = arith.constant 0 : i32
      %broadcast_in_dim3A_606 = vector.broadcast %jit3A_604 : i32 to vector<16xi32>
      %broadcast_in_dim3A_607 = vector.broadcast %jit3A_605 : i32 to vector<16xi32>
      %select_n3A_608 = arith.select %ge3A_603, %broadcast_in_dim3A_606, %broadcast_in_dim3A_607 : vector<16xi1>, vector<16xi32>
      %add3A_609 = arith.addi %add3A_601, %select_n3A_608 : vector<16xi32>
      %ge3A_610 = vector.broadcast %squeeze3A_36 : i32 to vector<16xi32>
      %ge3A_611 = arith.cmpi sge, %add3A_551, %ge3A_610 : vector<16xi32>
      %jit3A_612 = arith.constant 1 : i32
      %jit3A_613 = arith.constant 0 : i32
      %broadcast_in_dim3A_614 = vector.broadcast %jit3A_612 : i32 to vector<16xi32>
      %broadcast_in_dim3A_615 = vector.broadcast %jit3A_613 : i32 to vector<16xi32>
      %select_n3A_616 = arith.select %ge3A_611, %broadcast_in_dim3A_614, %broadcast_in_dim3A_615 : vector<16xi1>, vector<16xi32>
      %add3A_617 = arith.addi %add3A_609, %select_n3A_616 : vector<16xi32>
      %ge3A_618 = vector.broadcast %squeeze3A_38 : i32 to vector<16xi32>
      %ge3A_619 = arith.cmpi sge, %add3A_551, %ge3A_618 : vector<16xi32>
      %jit3A_620 = arith.constant 1 : i32
      %jit3A_621 = arith.constant 0 : i32
      %broadcast_in_dim3A_622 = vector.broadcast %jit3A_620 : i32 to vector<16xi32>
      %broadcast_in_dim3A_623 = vector.broadcast %jit3A_621 : i32 to vector<16xi32>
      %select_n3A_624 = arith.select %ge3A_619, %broadcast_in_dim3A_622, %broadcast_in_dim3A_623 : vector<16xi1>, vector<16xi32>
      %add3A_625 = arith.addi %add3A_617, %select_n3A_624 : vector<16xi32>
      %ge3A_626 = vector.broadcast %squeeze3A_40 : i32 to vector<16xi32>
      %ge3A_627 = arith.cmpi sge, %add3A_551, %ge3A_626 : vector<16xi32>
      %jit3A_628 = arith.constant 1 : i32
      %jit3A_629 = arith.constant 0 : i32
      %broadcast_in_dim3A_630 = vector.broadcast %jit3A_628 : i32 to vector<16xi32>
      %broadcast_in_dim3A_631 = vector.broadcast %jit3A_629 : i32 to vector<16xi32>
      %select_n3A_632 = arith.select %ge3A_627, %broadcast_in_dim3A_630, %broadcast_in_dim3A_631 : vector<16xi1>, vector<16xi32>
      %add3A_633 = arith.addi %add3A_625, %select_n3A_632 : vector<16xi32>
      %ge3A_634 = vector.broadcast %squeeze3A_42 : i32 to vector<16xi32>
      %ge3A_635 = arith.cmpi sge, %add3A_551, %ge3A_634 : vector<16xi32>
      %jit3A_636 = arith.constant 1 : i32
      %jit3A_637 = arith.constant 0 : i32
      %broadcast_in_dim3A_638 = vector.broadcast %jit3A_636 : i32 to vector<16xi32>
      %broadcast_in_dim3A_639 = vector.broadcast %jit3A_637 : i32 to vector<16xi32>
      %select_n3A_640 = arith.select %ge3A_635, %broadcast_in_dim3A_638, %broadcast_in_dim3A_639 : vector<16xi1>, vector<16xi32>
      %add3A_641 = arith.addi %add3A_633, %select_n3A_640 : vector<16xi32>
      %ge3A_642 = vector.broadcast %squeeze3A_44 : i32 to vector<16xi32>
      %ge3A_643 = arith.cmpi sge, %add3A_551, %ge3A_642 : vector<16xi32>
      %jit3A_644 = arith.constant 1 : i32
      %jit3A_645 = arith.constant 0 : i32
      %broadcast_in_dim3A_646 = vector.broadcast %jit3A_644 : i32 to vector<16xi32>
      %broadcast_in_dim3A_647 = vector.broadcast %jit3A_645 : i32 to vector<16xi32>
      %select_n3A_648 = arith.select %ge3A_643, %broadcast_in_dim3A_646, %broadcast_in_dim3A_647 : vector<16xi1>, vector<16xi32>
      %add3A_649 = arith.addi %add3A_641, %select_n3A_648 : vector<16xi32>
      %ge3A_650 = vector.broadcast %squeeze3A_46 : i32 to vector<16xi32>
      %ge3A_651 = arith.cmpi sge, %add3A_551, %ge3A_650 : vector<16xi32>
      %jit3A_652 = arith.constant 1 : i32
      %jit3A_653 = arith.constant 0 : i32
      %broadcast_in_dim3A_654 = vector.broadcast %jit3A_652 : i32 to vector<16xi32>
      %broadcast_in_dim3A_655 = vector.broadcast %jit3A_653 : i32 to vector<16xi32>
      %select_n3A_656 = arith.select %ge3A_651, %broadcast_in_dim3A_654, %broadcast_in_dim3A_655 : vector<16xi1>, vector<16xi32>
      %add3A_657 = arith.addi %add3A_649, %select_n3A_656 : vector<16xi32>
      %ge3A_658 = vector.broadcast %squeeze3A_48 : i32 to vector<16xi32>
      %ge3A_659 = arith.cmpi sge, %add3A_551, %ge3A_658 : vector<16xi32>
      %jit3A_660 = arith.constant 1 : i32
      %jit3A_661 = arith.constant 0 : i32
      %broadcast_in_dim3A_662 = vector.broadcast %jit3A_660 : i32 to vector<16xi32>
      %broadcast_in_dim3A_663 = vector.broadcast %jit3A_661 : i32 to vector<16xi32>
      %select_n3A_664 = arith.select %ge3A_659, %broadcast_in_dim3A_662, %broadcast_in_dim3A_663 : vector<16xi1>, vector<16xi32>
      %add3A_665 = arith.addi %add3A_657, %select_n3A_664 : vector<16xi32>
      %ge3A_666 = vector.broadcast %squeeze3A_50 : i32 to vector<16xi32>
      %ge3A_667 = arith.cmpi sge, %add3A_551, %ge3A_666 : vector<16xi32>
      %jit3A_668 = arith.constant 1 : i32
      %jit3A_669 = arith.constant 0 : i32
      %broadcast_in_dim3A_670 = vector.broadcast %jit3A_668 : i32 to vector<16xi32>
      %broadcast_in_dim3A_671 = vector.broadcast %jit3A_669 : i32 to vector<16xi32>
      %select_n3A_672 = arith.select %ge3A_667, %broadcast_in_dim3A_670, %broadcast_in_dim3A_671 : vector<16xi1>, vector<16xi32>
      %add3A_673 = arith.addi %add3A_665, %select_n3A_672 : vector<16xi32>
      %gather3A_674 = tpu.vector_load_idx %arg14[%add3A_673] : memref<16xi32, #tpu.memory_space<vmem>>[vector<16xi32>], vector<16xi32>,
      %sub3A_675 = arith.subi %add3A_551, %gather3A_674 : vector<16xi32>
      %lt3A_676 = vector.broadcast %squeeze3A_16 : i32 to vector<16xi32>
      %lt3A_677 = arith.cmpi slt, %add3A_551, %lt3A_676 : vector<16xi32>
      %gather3A_678 = tpu.vector_load_idx %arg15[%add3A_673, %sub3A_675] : memref<16x320xi32, #tpu.memory_space<vmem>>[vector<16xi32>, vector<16xi32>], vector<16xi32>,
      %gather3A_679 = tpu.vector_load_idx %arg16[%add3A_673, %sub3A_675] : memref<16x320xf32, #tpu.memory_space<vmem>>[vector<16xi32>, vector<16xi32>], vector<16xf32>,
      %broadcast_in_dim3A_680 = arith.constant 0 : i32
      %broadcast_in_dim3A_681 = vector.broadcast %broadcast_in_dim3A_680 : i32 to vector<16xi32>
      %select_n3A_682 = arith.select %lt3A_677, %gather3A_678, %broadcast_in_dim3A_681 : vector<16xi1>, vector<16xi32>
      %shift_right_logical3A_683 = arith.constant 2 : i32
      %shift_right_logical3A_684 = vector.broadcast %shift_right_logical3A_683 : i32 to vector<16xi32>
      %shift_right_logical3A_685 = arith.shrui %select_n3A_682, %shift_right_logical3A_684 : vector<16xi32>
      %swap3A_686 = arith.constant 0 : index
      %swap3A_687 = tpu.vector_load %arg17[%swap3A_686] {strides = array<i32>} : memref<16xi32, #tpu.memory_space<vmem>>, vector<16xi32>,
      tpu.vector_store %arg17[%swap3A_686], %shift_right_logical3A_685 {strides = array<i32>} : memref<16xi32, #tpu.memory_space<vmem>>, vector<16xi32>,
      %shift_right_logical3A_688 = arith.constant 4 : i32
      %shift_right_logical3A_689 = vector.broadcast %shift_right_logical3A_688 : i32 to vector<16xi32>
      %shift_right_logical3A_690 = arith.shrui %select_n3A_682, %shift_right_logical3A_689 : vector<16xi32>
      %swap3A_691 = arith.constant 0 : index
      %swap3A_692 = tpu.vector_load %arg18[%swap3A_691] {strides = array<i32>} : memref<16xi32, #tpu.memory_space<vmem>>, vector<16xi32>,
      tpu.vector_store %arg18[%swap3A_691], %shift_right_logical3A_690 {strides = array<i32>} : memref<16xi32, #tpu.memory_space<vmem>>, vector<16xi32>,
      %dma_start3A_693 = arith.constant 0 : i32
      %dma_start3A_694 = arith.constant 0 : i32
      %dma_start3A_695 = tpu.memref_slice %arg4[%dma_start3A_693, %dma_start3A_694] : memref<5000x16xf32, #tpu.memory_space<hbm>> -> memref<5000x16xf32, #tpu.memory_space<hbm>>
      tpu.enqueue_indirect_dma source(%dma_start3A_695 : memref<5000x16xf32, #tpu.memory_space<hbm>>) target(%arg19 : memref<16x16xf32, #tpu.memory_space<vmem>>) offsets(%arg17 : memref<16xi32, #tpu.memory_space<vmem>>) semaphore(%arg22 : memref<!tpu.dma_semaphore, #tpu.memory_space<semaphore_mem>>)
      %dma_start3A_696 = arith.constant 0 : i32
      %dma_start3A_697 = arith.constant 0 : i32
      %dma_start3A_698 = tpu.memref_slice %arg3[%dma_start3A_696, %dma_start3A_697] : memref<1250x16xi32, #tpu.memory_space<hbm>> -> memref<1250x16xi32, #tpu.memory_space<hbm>>
      tpu.enqueue_indirect_dma source(%dma_start3A_698 : memref<1250x16xi32, #tpu.memory_space<hbm>>) target(%arg20 : memref<16x16xi32, #tpu.memory_space<vmem>>) offsets(%arg18 : memref<16xi32, #tpu.memory_space<vmem>>) semaphore(%arg23 : memref<!tpu.dma_semaphore, #tpu.memory_space<semaphore_mem>>)
      %dma_wait3A_699 = arith.constant 0 : i32
      %dma_wait3A_700 = arith.constant 0 : i32
      %dma_wait3A_701 = tpu.memref_slice %arg4[%dma_wait3A_699, %dma_wait3A_700] : memref<5000x16xf32, #tpu.memory_space<hbm>> -> memref<5000x16xf32, #tpu.memory_space<hbm>>
      tpu.wait_indirect_dma semaphore(%arg22 : memref<!tpu.dma_semaphore, #tpu.memory_space<semaphore_mem>>) src(%dma_wait3A_701 : memref<5000x16xf32, #tpu.memory_space<hbm>>) dst(%arg19 : memref<16x16xf32, #tpu.memory_space<vmem>>)
      %dma_wait3A_702 = arith.constant 0 : i32
      %dma_wait3A_703 = arith.constant 0 : i32
      %dma_wait3A_704 = tpu.memref_slice %arg3[%dma_wait3A_702, %dma_wait3A_703] : memref<1250x16xi32, #tpu.memory_space<hbm>> -> memref<1250x16xi32, #tpu.memory_space<hbm>>
      tpu.wait_indirect_dma semaphore(%arg23 : memref<!tpu.dma_semaphore, #tpu.memory_space<semaphore_mem>>) src(%dma_wait3A_704 : memref<1250x16xi32, #tpu.memory_space<hbm>>) dst(%arg20 : memref<16x16xi32, #tpu.memory_space<vmem>>)
      %mul3A_705 = arith.constant 6 : i32
      %mul3A_706 = vector.broadcast %mul3A_705 : i32 to vector<16xi32>
      %mul3A_707 = arith.muli %iota3A, %mul3A_706 : vector<16xi32>
      %and3A_708 = arith.constant 3 : i32
      %and3A_709 = vector.broadcast %and3A_708 : i32 to vector<16xi32>
      %and3A_710 = arith.andi %select_n3A_682, %and3A_709 : vector<16xi32>
      %mul3A_711 = arith.constant 4 : i32
      %mul3A_712 = vector.broadcast %mul3A_711 : i32 to vector<16xi32>
      %mul3A_713 = arith.muli %and3A_710, %mul3A_712 : vector<16xi32>
      %add3A_714 = arith.constant 0 : i32
      %add3A_715 = vector.broadcast %add3A_714 : i32 to vector<16xi32>
      %add3A_716 = arith.addi %mul3A_713, %add3A_715 : vector<16xi32>
      %gather3A_717 = tpu.vector_load_idx %arg19[%iota3A, %add3A_716] : memref<16x16xf32, #tpu.memory_space<vmem>>[vector<16xi32>, vector<16xi32>], vector<16xf32>,
      %add3A_718 = arith.constant 0 : i32
      %add3A_719 = vector.broadcast %add3A_718 : i32 to vector<16xi32>
      %add3A_720 = arith.addi %mul3A_707, %add3A_719 : vector<16xi32>
      %select_n3A_721 = arith.select %lt3A_677, %gather3A_717, %broadcast_in_dim3A_84 : vector<16xi1>, vector<16xf32>
      tpu.vector_store_idx %arg21[%add3A_720], %select_n3A_721 : memref<96xf32, #tpu.memory_space<vmem>>[vector<16xi32>], vector<16xf32>,
      %add3A_722 = arith.constant 1 : i32
      %add3A_723 = vector.broadcast %add3A_722 : i32 to vector<16xi32>
      %add3A_724 = arith.addi %mul3A_713, %add3A_723 : vector<16xi32>
      %gather3A_725 = tpu.vector_load_idx %arg19[%iota3A, %add3A_724] : memref<16x16xf32, #tpu.memory_space<vmem>>[vector<16xi32>, vector<16xi32>], vector<16xf32>,
      %add3A_726 = arith.constant 1 : i32
      %add3A_727 = vector.broadcast %add3A_726 : i32 to vector<16xi32>
      %add3A_728 = arith.addi %mul3A_707, %add3A_727 : vector<16xi32>
      %select_n3A_729 = arith.select %lt3A_677, %gather3A_725, %broadcast_in_dim3A_84 : vector<16xi1>, vector<16xf32>
      tpu.vector_store_idx %arg21[%add3A_728], %select_n3A_729 : memref<96xf32, #tpu.memory_space<vmem>>[vector<16xi32>], vector<16xf32>,
      %add3A_730 = arith.constant 2 : i32
      %add3A_731 = vector.broadcast %add3A_730 : i32 to vector<16xi32>
      %add3A_732 = arith.addi %mul3A_713, %add3A_731 : vector<16xi32>
      %gather3A_733 = tpu.vector_load_idx %arg19[%iota3A, %add3A_732] : memref<16x16xf32, #tpu.memory_space<vmem>>[vector<16xi32>, vector<16xi32>], vector<16xf32>,
      %add3A_734 = arith.constant 2 : i32
      %add3A_735 = vector.broadcast %add3A_734 : i32 to vector<16xi32>
      %add3A_736 = arith.addi %mul3A_707, %add3A_735 : vector<16xi32>
      %select_n3A_737 = arith.select %lt3A_677, %gather3A_733, %broadcast_in_dim3A_84 : vector<16xi1>, vector<16xf32>
      tpu.vector_store_idx %arg21[%add3A_736], %select_n3A_737 : memref<96xf32, #tpu.memory_space<vmem>>[vector<16xi32>], vector<16xf32>,
      %add3A_738 = arith.constant 3 : i32
      %add3A_739 = vector.broadcast %add3A_738 : i32 to vector<16xi32>
      %add3A_740 = arith.addi %mul3A_713, %add3A_739 : vector<16xi32>
      %gather3A_741 = tpu.vector_load_idx %arg19[%iota3A, %add3A_740] : memref<16x16xf32, #tpu.memory_space<vmem>>[vector<16xi32>, vector<16xi32>], vector<16xf32>,
      %add3A_742 = arith.constant 3 : i32
      %add3A_743 = vector.broadcast %add3A_742 : i32 to vector<16xi32>
      %add3A_744 = arith.addi %mul3A_707, %add3A_743 : vector<16xi32>
      %select_n3A_745 = arith.select %lt3A_677, %gather3A_741, %broadcast_in_dim3A_84 : vector<16xi1>, vector<16xf32>
      tpu.vector_store_idx %arg21[%add3A_744], %select_n3A_745 : memref<96xf32, #tpu.memory_space<vmem>>[vector<16xi32>], vector<16xf32>,
      %add3A_746 = arith.constant 4 : i32
      %add3A_747 = vector.broadcast %add3A_746 : i32 to vector<16xi32>
      %add3A_748 = arith.addi %mul3A_707, %add3A_747 : vector<16xi32>
      %select_n3A_749 = arith.select %lt3A_677, %gather3A_679, %broadcast_in_dim3A_84 : vector<16xi1>, vector<16xf32>
      tpu.vector_store_idx %arg21[%add3A_748], %select_n3A_749 : memref<96xf32, #tpu.memory_space<vmem>>[vector<16xi32>], vector<16xf32>,
      %and3A_750 = arith.constant 15 : i32
      %and3A_751 = vector.broadcast %and3A_750 : i32 to vector<16xi32>
      %and3A_752 = arith.andi %select_n3A_682, %and3A_751 : vector<16xi32>
      %gather3A_753 = tpu.vector_load_idx %arg20[%iota3A, %and3A_752] : memref<16x16xi32, #tpu.memory_space<vmem>>[vector<16xi32>, vector<16xi32>], vector<16xi32>,
      %add3A_754 = arith.constant 5 : i32
      %add3A_755 = vector.broadcast %add3A_754 : i32 to vector<16xi32>
      %add3A_756 = arith.addi %mul3A_707, %add3A_755 : vector<16xi32>
      %convert_element_type3A_757 = arith.sitofp %gather3A_753 : vector<16xi32> to vector<16xf32>
      %select_n3A_758 = arith.select %lt3A_677, %convert_element_type3A_757, %broadcast_in_dim3A_84 : vector<16xi1>, vector<16xf32>
      tpu.vector_store_idx %arg21[%add3A_756], %select_n3A_758 : memref<96xf32, #tpu.memory_space<vmem>>[vector<16xi32>], vector<16xf32>,
      %mul3A_759 = arith.constant 96 : i32
      %mul3A_760 = arith.muli %add3A_419, %mul3A_759 : i32
      "tpu.region"() ({
        %run_scoped3A = tpu.sem_alloc : memref<!tpu.dma_semaphore, #tpu.memory_space<semaphore_mem>>
        %dma_start3A_761 = tpu.memref_slice %arg5[%mul3A_760] : memref<1824xf32, #tpu.memory_space<hbm>> -> memref<96xf32, #tpu.memory_space<hbm>>
        %dma_start3A_762 = tpu.memref_slice %arg5[%mul3A_760] : memref<1824xf32, #tpu.memory_space<hbm>> -> memref<96xf32, #tpu.memory_space<hbm>>
        tpu.enqueue_dma source(%arg21 : memref<96xf32, #tpu.memory_space<vmem>>) target(%dma_start3A_762 : memref<96xf32, #tpu.memory_space<hbm>>) target_semaphore(%run_scoped3A : memref<!tpu.dma_semaphore, #tpu.memory_space<semaphore_mem>>)
        %dma_wait3A_763 = tpu.memref_slice %arg5[%mul3A_760] : memref<1824xf32, #tpu.memory_space<hbm>> -> memref<96xf32, #tpu.memory_space<hbm>>
        %dma_wait3A_764 = tpu.memref_slice %arg5[%mul3A_760] : memref<1824xf32, #tpu.memory_space<hbm>> -> memref<96xf32, #tpu.memory_space<hbm>>
        tpu.wait_dma2 semaphore(%run_scoped3A : memref<!tpu.dma_semaphore, #tpu.memory_space<semaphore_mem>>) src(%arg21 : memref<96xf32, #tpu.memory_space<vmem>>) dst(%dma_wait3A_764 : memref<96xf32, #tpu.memory_space<hbm>>)
        tpu.yield
      }) : () -> ()
    } else {
    }
    return
  }
}

</mosaic_0001>

<sc_bundles>
// kernel: kernel.3.cloned.1.call-start
scs
__scs_entry_jumppad:
0x0: {  	(pc) =	sbr.rel $0x88, $3  }
0x1: {  	(tag) =	ssettag $0x0;
	lr =	simm.s32 $0x1  }
0x2: {  	[smem:$0x3F9E] =	sst lr;
	_ =	strace $0xD0000000  }
0x3: {  	_ = 	snop  }
0x4: {  	_ = 	snop  }
0x5: {  	_ = 	snop  }
0x6: {  	_ = 	snop  }
0x7: {  	_ = 	snop  }
__scs_overlays_trampoline_lowered:
0x8: {  	[smem:$0x3FAD] =	sst s0  }
0x9: {  	[smem:$0x3FAE] =	sst s1  }
0xa: {  	[smem:$0x3FAF] =	sst s2  }
0xb: {  	[smem:$0x3FB0] =	sst s3  }
0xc: {  	[smem:$0x3FB1] =	sst s4  }
0xd: {  	[smem:$0x3FB2] =	sst s5  }
0xe: {  	[smem:$0x3FB3] =	sst s6  }
0xf: {  	[smem:$0x3FB4] =	sst s7  }
0x10: {  	[smem:$0x3FB5] =	sst s8  }
0x11: {  	[smem:$0x3FB6] =	sst s9;
	s0 =	simm.s32 @!p0 $0x0  }
0x12: {  	s1 =	sld [smem:$0x3F9C];
	s0 =	simm.s32 @p0 $0x1  }
0x13: {  	[smem:$0x3FB7] =	sst s0;
	s0 =	simm.s32 @!p1 $0x0  }
0x14: {  	s2 =	sld [smem:$0x3F9B];
	s0 =	simm.s32 @p1 $0x1  }
0x15: {  	[smem:$0x3FB8] =	sst s0;
	s0 =	simm.s32 @!p2 $0x0  }
0x16: {  	s3 =	sld [smem:$0x3FDB];
	s0 =	simm.s32 @p2 $0x1  }
0x17: {  	s4 =	simm.s32 $0x1BF5;
	[smem:$0x3FBA] =	sst s0  }
0x18: {  	s0 =	sld [smem:$0x3F9D];
	_ =	swait.ge [sflag:s4], $0x0  }
0x19: {  	s7 =	sld [smem:$0x3F9E]  }
0x1a: {  	s8 =	sadd.s32 $0xFFFFE003, lr  }
0x1b: {  	s9 =	sadd.s32 $0xFFFFFEF7, lr;
	s5 =	simm.s32 $0xFFFFFFFF;
	p2 =	slt.u32 s8, $0xFFFFF086  }
0x1c: {  	p1 =	slt.u32 s9, $0xF7A;
	s5 =	simm.s32 @!p2 $0x0  }
0x1d: {  	s5 =	simm.s32 @p1 $0x1;
	p0 =	seq.s32 s7, s2  }
0x1e: {  	s7 =	smul.u32 @!p0 $0xF7A, s2;
	p2 =	seq.s32 @!p0 s5, $0x0  }
0x1f: {  	s9 =	smul.u32 $0xF7A, s1;
	s8 =	simm.s32 @!p0 $0x1BF5;
	p2 =	por !p2, p0  }
0x20: {  	[sflag:s8] =	ssyncset.s32 @!p0 $0xFFFFF086;
	s6 =	sadd.s32 @!p0 s3, s7;
	s7 =	simm.s32 @!p0 $0x108  }
0x21: {  	s3 =	sadd.s32 s3, s9;
	s6 =	sadd.s32 @!p0 $0x88, s6;
	s7 =	simm.s32 @p2 $0x1082  }
0x22: {  	[simem:s7], [sflag:s8] =	dma.local @!p0 [hbm:s6], $0xF7A  }
0x23: {  	s9 =	sor.u32 $0xD0000000, s2;
	s6 =	simm.s32 $0x108;
	_ =	swait.ge @!p0 [sflag:s8], $0x0  }
0x24: {  	s3 =	sadd.s32 $0x88, s3;
	s6 =	simm.s32 @!p1 $0x1082;
	[sflag:s4] =	ssyncset.s32 $0xFFFFF086  }
0x25: {  	[simem:s6], [sflag:s4] =	dma.local [hbm:s3], $0xF7A  }
0x26: {  	[smem:$0x3F9E] =	sst s1;
	(tag) =	ssettag s2;
	_ =	strace s9  }
0x27: {  	s1 =	sld [smem:$0x3FAE]  }
0x28: {  	s2 =	sld [smem:$0x3FAF]  }
0x29: {  	s4 =	sld [smem:$0x3FB1]  }
0x2a: {  	p0 =	seq.s32 s5, $0x0;
	s5 =	sld [smem:$0x3FB2]  }
0x2b: {  	s6 =	sld [smem:$0x3FB3]  }
0x2c: {  	s7 =	sld [smem:$0x3FB4]  }
0x2d: {  	s3 =	simm.s32 $0x108;
	s8 =	sld [smem:$0x3FB5]  }
0x2e: {  	s3 =	simm.s32 @!p0 $0x1082;
	s9 =	sld [smem:$0x3FB6]  }
0x2f: {  	lr =	sadd.s32 s0, s3;
	s0 =	sld [smem:$0x3FAD]  }
0x30: {  	s3 =	sld [smem:$0x3FB0]  }
0x31: {  	[smem:$0x3FB9] =	sst s10  }
0x32: {  	s10 =	sld [smem:$0x3FB7];
	_ =	sdelay $0x3  }
0x33: {  	p0 =	seq.s32 s10, $0x1;
	s10 =	sld [smem:$0x3FB9];
	_ =	sdelay $0x3  }
0x34: {  	[smem:$0x3FB9] =	sst s10  }
0x35: {  	s10 =	sld [smem:$0x3FB8];
	_ =	sdelay $0x3  }
0x36: {  	p1 =	seq.s32 s10, $0x1;
	s10 =	sld [smem:$0x3FB9];
	_ =	sdelay $0x3  }
0x37: {  	[smem:$0x3FB9] =	sst s10  }
0x38: {  	s10 =	sld [smem:$0x3FBA]  }
0x39: {  	_ = 	snop;
	(pc) =	sbr.ind lr, $3  }
0x3a: {  	_ = 	snop  }
0x3b: {  	_ = 	snop  }
0x3c: {  	p2 =	seq.s32 s10, $0x1;
	s10 =	sld [smem:$0x3FB9]  }
0x3d: {  	_ =	shalt  }
0x3e: {  	_ =	shalt  }
0x3f: {  	_ =	shalt  }
0x40: {  	_ =	shalt  }
0x41: {  	_ =	shalt  }
0x42: {  	_ =	shalt  }
0x43: {  	_ =	shalt  }
0x44: {  	_ =	shalt  }
0x45: {  	_ =	shalt  }
0x46: {  	_ =	shalt  }
0x47: {  	_ =	shalt  }
0x48: {  	_ =	shalt  }
0x49: {  	_ =	shalt  }
0x4a: {  	_ =	shalt  }
0x4b: {  	_ =	shalt  }
0x4c: {  	_ =	shalt  }
0x4d: {  	_ =	shalt  }
0x4e: {  	_ =	shalt  }
0x4f: {  	_ =	shalt  }
0x50: {  	_ =	shalt  }
0x51: {  	_ =	shalt  }
0x52: {  	_ =	shalt  }
0x53: {  	_ =	shalt  }
0x54: {  	_ =	shalt  }
0x55: {  	_ =	shalt  }
0x56: {  	_ =	shalt  }
0x57: {  	_ =	shalt  }
0x58: {  	_ =	shalt  }
0x59: {  	_ =	shalt  }
0x5a: {  	_ =	shalt  }
0x5b: {  	_ =	shalt  }
0x5c: {  	_ =	shalt  }
0x5d: {  	_ =	shalt  }
0x5e: {  	_ =	shalt  }
0x5f: {  	_ =	shalt  }
0x60: {  	_ =	shalt  }
0x61: {  	_ =	shalt  }
0x62: {  	_ =	shalt  }
0x63: {  	_ =	shalt  }
0x64: {  	_ =	shalt  }
0x65: {  	_ =	shalt  }
0x66: {  	_ =	shalt  }
0x67: {  	_ =	shalt  }
0x68: {  	_ =	shalt  }
0x69: {  	_ =	shalt  }
0x6a: {  	_ =	shalt  }
0x6b: {  	_ =	shalt  }
0x6c: {  	_ =	shalt  }
0x6d: {  	_ =	shalt  }
0x6e: {  	_ =	shalt  }
0x6f: {  	_ =	shalt  }
0x70: {  	_ =	shalt  }
0x71: {  	_ =	shalt  }
0x72: {  	_ =	shalt  }
0x73: {  	_ =	shalt  }
0x74: {  	_ =	shalt  }
0x75: {  	_ =	shalt  }
0x76: {  	_ =	shalt  }
0x77: {  	_ =	shalt  }
0x78: {  	_ =	shalt  }
0x79: {  	_ =	shalt  }
0x7a: {  	_ =	shalt  }
0x7b: {  	_ =	shalt  }
0x7c: {  	_ =	shalt  }
0x7d: {  	_ =	shalt  }
0x7e: {  	_ =	shalt  }
0x7f: {  	_ =	shalt  }
0x80: {  	_ =	shalt  }
0x81: {  	_ =	shalt  }
0x82: {  	_ =	shalt  }
0x83: {  	_ =	shalt  }
0x84: {  	_ =	shalt  }
0x85: {  	_ =	shalt  }
0x86: {  	_ =	shalt  }
0x87: {  	_ =	shalt  }
.Lfunc_end0:
.L_simem_size_0:
called_computation_lowered:
.L_overlay_start_0:
0x88: {  	s0 =	sld [smem:$0x3FD9]  }
0x89: {  	s1 =	sld [smem:$0x3FFE];
	_ =	sdelay $0x3  }
0x8a: {  	s0 =	sadd.s32 s1, s0  }
0x8b: {  	[smem:$0x3FC5] =	sst s0  }
0x8c: {  	_ = 	snop  }
0x8d: {  	s0 =	sld [smem:$0x3FC8]  }
0x8e: {  	s16 =	sld [smem:$0x3FC7]  }
0x8f: {  	s2 =	sld [smem:$0x3FD0];
	(tm) =	ssettm $0x1  }
0x90: {  	s3 =	sld [smem:$0x3FFB];
	_ =	sdelay $0x3  }
0x91: {  	_ =	strace s3  }
0x92: {  	s3 =	sld [smem:$0x3FFC];
	_ =	sdelay $0x3  }
0x93: {  	_ =	strace s3  }
0x94: {  	s3 =	sld [smem:$0x3FFD];
	_ =	sdelay $0x3  }
0x95: {  	_ =	strace s3  }
0x96: {  	_ =	strace $0x8FFFFFFF  }
0x97: {  	s17 =	sld [smem:$0x3FDB];
	_ =	sdelay $0x1  }
0x98: {  	s4 =	simm.s32 $_scs_section_size  }
0x99: {  	s5 =	simm.s32 $_size__tile_overlayer_lowered;
	s6 =	simm.s32 $_tile_overlayer_lowered  }
0x9a: {  	s20 =	simm.s32 $0x1BFF;
	s19 =	sshll.u32 s6, $0x1;
	s3 =	sadd.s32 s4, s17  }
0x9b: {  	s7 =	simm.s32 $0x0;
	s18 =	sshll.u32 s5, $0x1;
	s5 =	sadd.s32 s19, s3  }
0x9c: {  	[timem:s7], [sflag:s20] =	dma.local [hbm:s5], s18  }
0x9d: {  	_ =	swait.ge [sflag:s20], s18  }
0x9e: {  	s4 =	ssub.s32 $0x0, s18;
	[sflag:s20] =	ssyncset.done $0x0  }
0x9f: {  	[sflag:s20] =	ssyncadd.s32 s4;
	_ =	sdelay $0x1  }
0xa0: {  	s21 =	simm.s32 $0x1B8B  }
0xa1: {  	_ =	swait.ge [sflag:s21], $0x1  }
0xa2: {  	[sflag:s21] =	ssyncset.done $0x0  }
0xa3: {  	s23 =	simm.s32 $0x1B8E;
	s22 =	sld [smem:$0x3FFE];
	[sflag:s21] =	ssyncadd.s32 $0xFFFFFFFF  }
0xa4: {  	s24 =	simm.s32 $execute0_lowered;
	[smem:$0x3FD2] =	sst s23  }
0xa5: {  	s5 =	sshll.u32 s24, $0x1;
	_ =	strace $0x80000046;
	[dreg:$0x1] =	wrdreg $0xFFFFFFFF  }
0xa6: {  	s25 =	simm.s32 $_size_execute0_lowered;
	s3 =	sadd.s32 s3, s5;
	[dreg:$0x0] =	wrdreg $0x0  }
0xa7: {  	s5 =	sshll.u32 s25, $0x1;
	[dreg:$0x2] =	wrdreg s3  }
0xa8: {  	[dreg:$0x3] =	wrdreg s5  }
0xa9: {  	[dreg:$0x4] =	wrdreg $0xC0  }
0xaa: {  	_ =	task [dreg:s7], $0x5FFFF  }
0xab: {  	[dreg:$0x1] =	wrdreg $0xFFFFFFFF  }
0xac: {  	[dreg:$0x0] =	wrdreg $0x60  }
0xad: {  	[dreg:$0x2] =	wrdreg s0  }
0xae: {  	[dreg:$0x3] =	wrdreg s16  }
0xaf: {  	[dreg:$0x4] =	wrdreg s22  }
0xb0: {  	[dreg:$0x5] =	wrdreg s2  }
0xb1: {  	[dreg:$0x6] =	wrdreg $0x7900  }
0xb2: {  	[dreg:$0x7] =	wrdreg $0x7A00  }
0xb3: {  	[dreg:$0x8] =	wrdreg $0x8E00  }
0xb4: {  	[dreg:$0x9] =	wrdreg $0x9  }
0xb5: {  	_ =	task.clear_ibuf [dreg:s7], $0xAFFFF;
	_ =	strace $0x90000046  }
0xb6: {  	s26 =	simm.s32 $0x9;
	_ =	strace $0x80000048  }
0xb7: {  	_ =	swait.ge [sflag:s26], $0x1  }
0xb8: {  	[sflag:s26] =	ssyncadd.s32 $0xFFFFFFFF  }
0xb9: {  	_ =	strace $0x90000048  }
0xba: {  	_ =	sfence  }
0xbb: {  	s28 =	sld [smem:$0x0];
	_ =	sdelay $0x1  }
0xbc: {  	s29 =	srdreg.scid  }
0xbd: {  	s30 =	sshll.u32 s29, $0xD;
	s31 =	sshrl.u32 s29, $0x2  }
0xbe: {  	s1 =	sand.u32 $0x1, s29;
	s2 =	sand.u32 $0x4000, s30;
	s0 =	sadd.s32 s31, s28  }
0xbf: {  	s1 =	sor.u32 s2, s1;
	s0 =	sshll.u32 s0, $0x11  }
0xc0: {  	s0 =	sor.u32 s0, s1  }
0xc1: {  	s0 =	sadd.s32 $0x8F2B, s0  }
0xc2: {  	[sflag:s0] =	ssyncadd.remote.s32 $0x1  }
0xc3: {  	_ =	sfence.sel $0xFFFF  }
0xc4: {  	[dreg:$0x0] =	wrdreg $0xFFFFFFFF;
	(pc) =	sbr.abs _section_cstart, $3  }
0xc5: {  	[dreg:$0x1] =	wrdreg $0xFFFFFFFF  }
0xc6: {  	_ =	task.clear_ibuf [dreg:s7], $0x2FFFF;
	_ =	strace $0x9FFFFFFF  }
0xc7: {  	(tm) =	ssettm $0x7FFFFFFF  }
tec
execute0_lowered:
.L_overlay_start_1:
0x0: {  	(tag) =	ssettag $0x1  }
0x1: {  	s3 =	rddreg [dreg:$0x0]  }
0x2: {  	s4 =	rddreg [dreg:$0x2];
	s1 =	stileid.u32  }
0x3: {  	s0 =	rddreg [dreg:$0x4];
	s5 =	smul.u32 $0x500, s1  }
0x4: {  	s7 =	rddreg [dreg:$0x5]  }
0x5: {  	s14 =	rddreg [dreg:$0x6];
	s2 =	simm.s32 $0x0;
	s1 =	smin.u32 s5, $0x4920  }
0x6: {  	[smem:$0x7FF] =	sst s2;
	s8 =	sshrl.u32 s1, $0x3  }
0x7: {  	s26 =	simm.s32 $0x3;
	_ =	strace $0x80000047;
	s3 =	sadd.s32 s3, s8  }
0x8: {  	[tilespmem:s2], [sflag:$0x3] =	stream.linear.gather [hbm4b:s3+s2], $0x500, $0x38;
	[tilespmem:$0x35B0] =	vst v63  }
0x9: {  	_ =	swait.ge [sflag:s26], $0x500  }
0xa: {  	[sflag:s26] =	ssyncset.done $0x0  }
0xb: {  	s28 =	simm.s32 $0x40;
	[sflag:s26] =	ssyncadd.s32 $0xFFFFFB00  }
0xc: {  	v2 =	vld [tilespmem:s28+$0x30]  }
0xd: {  	s3 =	sadd.s32 $0x70, s1;
	v3 =	vld [tilespmem:s28+$0x20]  }
0xe: {  	v1 =	vlaneseq.u32;
	v5 =	vimm.s32 $0x0;
	s29 =	sadd.s32 $0xFFFFFFF0, s3;
	v4 =	vld [tilespmem:s28+$0x10]  }
0xf: {  	v0 =	vmov s5;
	v6 =	vor.u32 s3, v1;
	s9 =	sadd.s32 $0xFFFFFFD0, s3;
	s10 =	sadd.s32 $0xFFFFFFE0, s3;
	v8 =	vor.u32 s29, v1;
	v7 =	vld [tilespmem:s28+$0x0]  }
0x10: {  	s30 =	sadd.s32 $0xFFFFFFC0, s3;
	s11 =	sadd.s32 $0xFFFFFFA0, s3;
	s12 =	sadd.s32 $0xFFFFFFB0, s3;
	vm0 =	vge.u32 v6, v0;
	v9 =	vor.u32 s9, v1;
	v10 =	vor.u32 s10, v1;
	v6 =	vld [tilespmem:s28+$0xFFFFFFC0]  }
0x11: {  	s31 =	sadd.s32 $0xFFFFFF90, s3;
	v12 =	vor.u32 s11, v1;
	v13 =	vor.u32 s12, v1;
	v14 =	vor.u32 s30, v1;
	v11 =	vld [tilespmem:s28+$0xFFFFFFD0]  }
0x12: {  	v15 =	vor.u32 s31, v1;
	vm4 =	vge.u32 v10, v0;
	vm1 =	vge.u32 v8, v0;
	v16 =	vld [tilespmem:s28+$0xFFFFFFE0]  }
0x13: {  	vm5 =	vge.u32 v13, v0;
	vm6 =	vge.u32 v14, v0;
	vm7 =	vge.u32 v9, v0;
	v63 =	vld [tilespmem:s28+$0xFFFFFFF0]  }
0x14: {  	vm8 =	vge.u32 v15, v0;
	vm9 =	vge.u32 v12, v0;
	vm2 =	vge.f32 v2, $5.000000070e-02  }
0x15: {  	vm10 =	vge.f32 v6, $5.000000070e-02;
	vm11 =	vge.f32 v4, $5.000000070e-02;
	vm3 =	vge.f32 v3, $5.000000070e-02  }
0x16: {  	vm12 =	vge.f32 v7, $5.000000070e-02;
	vm8 =	vmand vm8, vm10;
	vm10 =	vge.f32 v11, $5.000000070e-02  }
0x17: {  	vm14 =	vge.f32 v16, $5.000000070e-02;
	v2 =	vmpcnt.ones.xlane vm8;
	vm13 =	vmand vm9, vm10  }
0x18: {  	vm15 =	vge.f32 v63, $5.000000070e-02;
	vm5 =	vmand vm5, vm14;
	v3 =	vmpcnt.ones.xlane vm13  }
0x19: {  	v4 =	vmpcnt.ones.xlane vm5;
	vm5 =	vmand vm6, vm15;
	v2 =	vadd.s32 v5, v2  }
0x1a: {  	s4 =	sadd.s32 $0x400, s4;
	v3 =	vadd.s32 v3, v2;
	v2 =	vmpcnt.ones.xlane vm5;
	vm5 =	vmand vm7, vm12  }
0x1b: {  	s5 =	simm.s32 $0xC0;
	[dreg:$0x1f] =	wrdreg s4;
	s4 =	simm.s32 $0x0;
	vm4 =	vmand vm4, vm11;
	v4 =	vadd.s32 v4, v3;
	v3 =	vmpcnt.ones.xlane vm5  }
.LBB2_1:
0x1c: {  	v5 =	vld [tilespmem:s5+$0x30];
	v2 =	vadd.s32 v2, v4;
	v4 =	vmpcnt.ones.xlane vm4;
	vm1 =	vmand vm1, vm3  }
0x1d: {  	vm0 =	vmand vm0, vm2;
	s3 =	sadd.s32 $0x80, s3;
	v6 =	vld [tilespmem:s5+$0x20];
	v2 =	vadd.s32 v3, v2;
	v3 =	vmpcnt.ones.xlane vm1  }
0x1e: {  	s8 =	sadd.s32 $0xFFFFFFF0, s3;
	v8 =	vor.u32 s3, v1;
	v7 =	vld [tilespmem:s5+$0x10];
	v2 =	vadd.s32 v4, v2;
	v4 =	vmpcnt.ones.xlane vm0  }
0x1f: {  	s9 =	sadd.s32 $0xFFFFFFC0, s3;
	s10 =	sadd.s32 $0xFFFFFFD0, s3;
	s11 =	sadd.s32 $0xFFFFFFE0, s3;
	v10 =	vor.u32 s8, v1;
	vm0 =	vge.u32 v8, v0;
	v9 =	vld [tilespmem:s5+$0x0];
	v2 =	vadd.s32 v3, v2  }
0x20: {  	s4 =	sadd.s32 $0x8, s4;
	s12 =	sadd.s32 $0xFFFFFFB0, s3;
	s8 =	sadd.s32 $0xFFFFFFA0, s3;
	v8 =	vor.u32 s10, v1;
	v11 =	vor.u32 s11, v1;
	v3 =	vld [tilespmem:s5+$0xFFFFFFC0];
	v2 =	vadd.s32 v4, v2  }
0x21: {  	p0 =	slt.u32 s4, $0x48;
	s10 =	sadd.s32 $0xFFFFFF90, s3;
	v13 =	vor.u32 s12, v1;
	v14 =	vor.u32 s9, v1;
	v12 =	vor.u32 s8, v1;
	v4 =	vld [tilespmem:s5+$0xFFFFFFD0]  }
0x22: {  	v15 =	vor.u32 s10, v1;
	vm4 =	vge.u32 v11, v0;
	vm1 =	vge.u32 v10, v0;
	v16 =	vld [tilespmem:s5+$0xFFFFFFE0]  }
0x23: {  	vm5 =	vge.u32 v13, v0;
	vm6 =	vge.u32 v14, v0;
	vm7 =	vge.u32 v8, v0;
	v10 =	vld [tilespmem:s5+$0xFFFFFFF0]  }
0x24: {  	vm8 =	vge.u32 v15, v0;
	vm9 =	vge.u32 v12, v0;
	vm2 =	vge.f32 v5, $5.000000070e-02  }
0x25: {  	vm3 =	vge.f32 v6, $5.000000070e-02;
	vm11 =	vge.f32 v7, $5.000000070e-02;
	vm10 =	vge.f32 v3, $5.000000070e-02  }
0x26: {  	vm12 =	vge.f32 v9, $5.000000070e-02;
	vm8 =	vmand vm8, vm10;
	vm10 =	vge.f32 v4, $5.000000070e-02  }
.Ltmp0:
0x27: {  	v3 =	vmpcnt.ones.xlane vm8;
	vm8 =	vmand vm9, vm10;
	vm9 =	vge.f32 v16, $5.000000070e-02;
	(pc) =	sbr.rel @p0 .LBB2_1-.Ltmp0, $4  }
0x28: {  	v4 =	vmpcnt.ones.xlane vm8;
	vm5 =	vmand vm5, vm9;
	vm8 =	vge.f32 v10, $5.000000070e-02  }
0x29: {  	v2 =	vadd.s32 v2, v3;
	v3 =	vmpcnt.ones.xlane vm5;
	vm5 =	vmand vm6, vm8  }
0x2a: {  	v4 =	vadd.s32 v4, v2;
	v2 =	vmpcnt.ones.xlane vm5;
	vm5 =	vmand vm7, vm12  }
0x2b: {  	s5 =	sadd.s32 $0x80, s5;
	vm4 =	vmand vm4, vm11;
	v4 =	vadd.s32 v3, v4;
	v3 =	vmpcnt.ones.xlane vm5  }
0x2c: {  	v1 =	vadd.s32 v2, v4;
	v2 =	vmpcnt.ones.xlane vm4;
	vm1 =	vmand vm1, vm3  }
0x2d: {  	vm0 =	vmand vm0, vm2;
	v1 =	vadd.s32 v3, v1;
	v3 =	vmpcnt.ones.xlane vm1  }
0x2e: {  	v1 =	vadd.s32 v2, v1;
	v2 =	vmpcnt.ones.xlane vm0  }
0x2f: {  	s3 =	simm.s32 $0x500;
	v1 =	vadd.s32 v3, v1  }
0x30: {  	s4 =	simm.s32 $0x640;
	s5 =	simm.s32 $0x0;
	s8 =	simm.s32 $0x0;
	v3 =	vimm.s32 $0x0;
	v1 =	vadd.s32 v2, v1;
	v2 =	vlaneseq.u32  }
.LBB2_3:
0x31: {  	v4 =	vld [tilespmem:s5+$0x0];
	_ =	sdelay $0x3  }
0x32: {  	v5 =	vor.u32 s1, v2  }
0x33: {  	vm1 =	vge.u32 v5, v0;
	vm0 =	vge.f32 v4, $5.000000070e-02  }
0x34: {  	vm0 =	vmand vm1, vm0  }
0x35: {  	v6 =	vsel vm0, $0x1, v3  }
0x36: {  	(xrf0) =	vadd.scan.msk.s32 $0xffff, v6;
	_ =	sdelay $0x5  }
0x37: {  	v6, _, _ =	vpop (xrf0)  }
0x38: {  	(v2sf) =	vpush v6, $0xF;
	_ =	sdelay $0x9  }
0x39: {  	v7 =	vmov s8  }
0x3a: {  	v7 =	vadd.s32 $0xFFFFFFFF, v7  }
0x3b: {  	v7 =	vbroadcast v7, $0x0;
	_ =	sdelay $0x1  }
0x3c: {  	v6 =	vadd.s32 v6, v7  }
0x3d: {  	vm15 =	vlt.s32 v6, $0x13F;
	s9 =	spop (v2sf)  }
0x3e: {  	p0 =	sgt.u32 s2, $0x4E;
	v6 =	vnsel vm15, $0x13F, v6;
	s8 =	sadd.s32 s8, s9  }
0x3f: {  	v6 =	vnsel vm0, $0x13F, v6;
	p1 =	slt.s32 @!p0 s8, $0x130  }
0x40: {  	p0 =	por p0, !p1  }
.Ltmp1:
0x41: {  	_ = 	snop;
	(pc) =	sbr.rel @!p0 .LBB2_3-.Ltmp1, $3  }
0x42: {  	_ =	sdelay $0x1  }
0x43: {  	[tilespmem:v6+s3+$0x0] =	vst.idx.msk $0xffff, v5  }
0x44: {  	s2 =	sadd.s32 $0x1, s2;
	s5 =	sadd.s32 $0x10, s5;
	s1 =	sadd.s32 $0x10, s1;
	[tilespmem:v6+s4+$0x0] =	vst.idx.msk $0xffff, v4  }
0x45: {  	v0 =	vbroadcast v1, $0x0;
	s3 =	stileid.u32  }
0x46: {  	s10 =	sshll.u32 s3, $0x4  }
0x47: {  	s2 =	simm.s32 $0x780;
	s4 =	simm.s32 $0x3;
	s1 =	sadd.s32 s10, s0;
	[tilespmem:$0x780] =	vst v0  }
0x48: {  	[spmem:s1] =	stream.linear.scatter [tilespmem:s2], [sflag:$0x3], $0x10, $0x38;
	[tilespmem:$0x35B0] =	vst v63  }
0x49: {  	s5 =	smul.u32 $0x140, s3;
	_ =	swait.ge [sflag:s4], $0x10  }
0x4a: {  	[sflag:s4] =	ssyncset.done $0x0  }
0x4b: {  	s9 =	simm.s32 $0x500;
	s6 =	sadd.s32 s5, s7;
	[sflag:s4] =	ssyncadd.s32 $0xFFFFFFF0  }
0x4c: {  	[spmem:s6] =	stream.linear.scatter [tilespmem:s9], [sflag:$0x3], $0x140, $0x38;
	[tilespmem:$0x35B0] =	vst v63  }
0x4d: {  	_ =	swait.ge [sflag:s4], $0x140  }
0x4e: {  	[sflag:s4] =	ssyncset.done $0x0  }
0x4f: {  	s11 =	simm.s32 $0x640;
	s1 =	sadd.s32 s5, s14;
	[sflag:s4] =	ssyncadd.s32 $0xFFFFFEC0  }
0x50: {  	[spmem:s1] =	stream.linear.scatter [tilespmem:s11], [sflag:$0x3], $0x140, $0x38;
	[tilespmem:$0x35B0] =	vst v63  }
0x51: {  	_ =	swait.ge [sflag:s4], $0x140  }
0x52: {  	v1 =	vlaneseq.u32;
	[sflag:s4] =	ssyncset.done $0x0  }
0x53: {  	v0 =	vmul.u32 $0x10, v1;
	[sflag:s4] =	ssyncadd.s32 $0xFFFFFEC0  }
0x54: {  	s12 =	simm.s32 $0xA20;
	[bflag:$0x0] =	sbarrier.arrive $0xFFFF  }
0x55: {  	[tilespmem:s12], [sflag:$0x3] =	stream.linear.gather [spmem:s0], $0x100, $0x38;
	[tilespmem:$0x35B0] =	vst v63  }
0x56: {  	_ =	swait.ge [sflag:s4], $0x100  }
0x57: {  	[sflag:s4] =	ssyncset.done $0x0  }
0x58: {  	[sflag:s4] =	ssyncadd.s32 $0xFFFFFF00  }
0x59: {  	v2 =	vld.idx.msk [tilespmem:v0+s12+$0x0], $0xffff;
	_ =	sdelay $0x4  }
0x5a: {  	(xrf0) =	vadd.scan.msk.s32 $0xffff, v2;
	_ =	sdelay $0x5  }
0x5b: {  	v3, _, _ =	vpop (xrf0)  }
0x5c: {  	v18 =	vsub.s32 v3, v2;
	(v2sf) =	vpush v3, $0xF  }
0x5d: {  	(v2sf) =	vpush v18, $0x0  }
0x5e: {  	(v2sf) =	vpush v18, $0x1  }
0x5f: {  	(v2sf) =	vpush v18, $0x2  }
0x60: {  	(v2sf) =	vpush v18, $0x3  }
0x61: {  	(v2sf) =	vpush v18, $0x4  }
0x62: {  	(v2sf) =	vpush v18, $0x5  }
0x63: {  	(v2sf) =	vpush v18, $0x6  }
0x64: {  	(v2sf) =	vpush v18, $0x7  }
0x65: {  	(v2sf) =	vpush v18, $0x8  }
0x66: {  	(v2sf) =	vpush v18, $0x9  }
0x67: {  	(v2sf) =	vpush v18, $0xA  }
0x68: {  	(v2sf) =	vpush v18, $0xB  }
0x69: {  	(v2sf) =	vpush v18, $0xC  }
0x6a: {  	(v2sf) =	vpush v18, $0xD  }
0x6b: {  	s13 =	spop (v2sf);
	(v2sf) =	vpush v18, $0xE  }
0x6c: {  	s1 =	spop (v2sf);
	(v2sf) =	vpush v18, $0xF  }
0x6d: {  	s6 =	spop (v2sf);
	(v2sf) =	vpush v3, $0x0  }
0x6e: {  	s19 =	spop (v2sf);
	(v2sf) =	vpush v3, $0x1  }
0x6f: {  	s17 =	spop (v2sf);
	(v2sf) =	vpush v3, $0x2  }
0x70: {  	s30 =	spop (v2sf);
	(v2sf) =	vpush v3, $0x3  }
0x71: {  	s23 =	spop (v2sf);
	(v2sf) =	vpush v3, $0x4  }
0x72: {  	s22 =	spop (v2sf)  }
0x73: {  	(v2sf) =	vpush v3, $0x5;
	s24 =	spop (v2sf)  }
0x74: {  	(v2sf) =	vpush v3, $0x6;
	s26 =	spop (v2sf)  }
0x75: {  	(v2sf) =	vpush v3, $0x7;
	s11 =	spop (v2sf)  }
0x76: {  	[dreg:$0x8] =	wrdreg s13;
	(v2sf) =	vpush v3, $0x8;
	s13 =	spop (v2sf)  }
0x77: {  	(v2sf) =	vpush v3, $0x9;
	s18 =	spop (v2sf)  }
0x78: {  	(v2sf) =	vpush v3, $0xA;
	s21 =	spop (v2sf)  }
0x79: {  	(v2sf) =	vpush v3, $0xB;
	s15 =	spop (v2sf)  }
0x7a: {  	s16 =	spop (v2sf);
	(v2sf) =	vpush v3, $0xC  }
0x7b: {  	s20 =	spop (v2sf);
	(v2sf) =	vpush v3, $0xD  }
0x7c: {  	s8 =	stileid.u32;
	s25 =	spop (v2sf);
	(v2sf) =	vpush v3, $0xE  }
0x7d: {  	s5 =	sshllo.u32 s8, $0x4;
	s0 =	spop (v2sf);
	p0 =	sle.s32 s25, s10  }
0x7e: {  	s3 =	spop (v2sf);
	p1 =	sgt.s32 @!p0 s1, s5  }
0x7f: {  	s8 =	smov.u32 s7;
	s4 =	spop (v2sf);
	p0 =	por p1, p0  }
0x80: {  	[tilespmem:$0xB20] =	vst v18;
	[smem:$0x7EC] =	sst s1;
	s7 =	spop (v2sf);
	s1 =	simm.s32 @!p0 $0xB30  }
0x81: {  	[tilespmem:s1], [sflag:$0x3] =	stream.linear.gather @!p0 [spmem:s8], $0x140, $0x38;
	[tilespmem:$0x35B0] =	vst v63  }
0x82: {  	s9 =	spop (v2sf)  }
0x83: {  	[dreg:$0x9] =	wrdreg s20;
	s20 =	spop (v2sf)  }
0x84: {  	[smem:$0x7EB] =	sst s25;
	s25 =	spop (v2sf)  }
0x85: {  	s28 =	spop (v2sf)  }
0x86: {  	s29 =	spop (v2sf)  }
0x87: {  	s31 =	spop (v2sf)  }
0x88: {  	[dreg:$0xa] =	wrdreg s16;
	s16 =	spop (v2sf)  }
0x89: {  	s12 =	spop (v2sf)  }
0x8a: {  	[dreg:$0xb] =	wrdreg s15;
	s15 =	spop (v2sf)  }
0x8b: {  	s2 =	spop (v2sf)  }
0x8c: {  	s1 =	simm.s32 @!p0 $0x3;
	[dreg:$0xd] =	wrdreg s2  }
0x8d: {  	_ =	swait.ge @!p0 [sflag:s1], $0x140  }
0x8e: {  	p1 =	sle.s32 s0, s10;
	[sflag:s1] =	ssyncset.done @!p0 $0x0  }
0x8f: {  	s2 =	simm.s32 @!p0 $0x1F30;
	[smem:$0x7ED] =	sst s0;
	[sflag:s1] =	ssyncadd.s32 @!p0 $0xFFFFFEC0  }
0x90: {  	[tilespmem:s2], [sflag:$0x3] =	stream.linear.gather @!p0 [spmem:s14], $0x140, $0x38;
	[tilespmem:$0x35B0] =	vst v63  }
0x91: {  	p2 =	sgt.s32 @!p1 s6, s5;
	_ =	swait.ge @!p0 [sflag:s1], $0x140  }
0x92: {  	p1 =	por p2, p1;
	s0 =	sadd.s32 $0x140, s8;
	[sflag:s1] =	ssyncset.done @!p0 $0x0  }
0x93: {  	[smem:$0x7EE] =	sst s6;
	[sflag:s1] =	ssyncadd.s32 @!p0 $0xFFFFFEC0;
	s1 =	simm.s32 @!p1 $0xC70  }
0x94: {  	[tilespmem:s1], [sflag:$0x3] =	stream.linear.gather @!p1 [spmem:s0], $0x140, $0x38;
	[tilespmem:$0x35B0] =	vst v63  }
0x95: {  	[smem:$0x7EF] =	sst s0;
	s1 =	simm.s32 @!p1 $0x3  }
0x96: {  	s0 =	sadd.s32 $0x140, s14;
	_ =	swait.ge @!p1 [sflag:s1], $0x140  }
0x97: {  	s2 =	simm.s32 @!p1 $0x2070;
	[sflag:s1] =	ssyncset.done @!p1 $0x0;
	[smem:$0x7F0] =	sst s0  }
0x98: {  	p0 =	sle.s32 s3, s10;
	[smem:$0x7F1] =	sst s3;
	[sflag:s1] =	ssyncadd.s32 @!p1 $0xFFFFFEC0  }
0x99: {  	[tilespmem:s2], [sflag:$0x3] =	stream.linear.gather @!p1 [spmem:s0], $0x140, $0x38;
	[tilespmem:$0x35B0] =	vst v63  }
0x9a: {  	p2 =	sgt.s32 @!p0 s19, s5;
	_ =	swait.ge @!p1 [sflag:s1], $0x140  }
0x9b: {  	p0 =	por p2, p0;
	s0 =	sadd.s32 $0x280, s8;
	[sflag:s1] =	ssyncset.done @!p1 $0x0  }
0x9c: {  	[smem:$0x7F2] =	sst s19;
	[sflag:s1] =	ssyncadd.s32 @!p1 $0xFFFFFEC0;
	s1 =	simm.s32 @!p0 $0xDB0  }
0x9d: {  	[tilespmem:s1], [sflag:$0x3] =	stream.linear.gather @!p0 [spmem:s0], $0x140, $0x38;
	[tilespmem:$0x35B0] =	vst v63  }
0x9e: {  	[smem:$0x7F3] =	sst s0;
	s1 =	simm.s32 @!p0 $0x3  }
0x9f: {  	s0 =	sadd.s32 $0x280, s14;
	_ =	swait.ge @!p0 [sflag:s1], $0x140  }
0xa0: {  	s2 =	simm.s32 @!p0 $0x21B0;
	[sflag:s1] =	ssyncset.done @!p0 $0x0;
	[smem:$0x7F4] =	sst s0  }
0xa1: {  	p1 =	sle.s32 s4, s10;
	[smem:$0x7F5] =	sst s4;
	[sflag:s1] =	ssyncadd.s32 @!p0 $0xFFFFFEC0  }
0xa2: {  	[tilespmem:s2], [sflag:$0x3] =	stream.linear.gather @!p0 [spmem:s0], $0x140, $0x38;
	[tilespmem:$0x35B0] =	vst v63  }
0xa3: {  	p2 =	sgt.s32 @!p1 s17, s5;
	_ =	swait.ge @!p0 [sflag:s1], $0x140  }
0xa4: {  	p1 =	por p2, p1;
	s0 =	sadd.s32 $0x3C0, s8;
	[sflag:s1] =	ssyncset.done @!p0 $0x0  }
0xa5: {  	[dreg:$0x1e] =	wrdreg s17;
	[sflag:s1] =	ssyncadd.s32 @!p0 $0xFFFFFEC0;
	s1 =	simm.s32 @!p1 $0xEF0  }
0xa6: {  	[tilespmem:s1], [sflag:$0x3] =	stream.linear.gather @!p1 [spmem:s0], $0x140, $0x38;
	[tilespmem:$0x35B0] =	vst v63  }
0xa7: {  	[smem:$0x7F6] =	sst s0;
	s1 =	simm.s32 @!p1 $0x3  }
0xa8: {  	s0 =	sadd.s32 $0x3C0, s14;
	_ =	swait.ge @!p1 [sflag:s1], $0x140  }
0xa9: {  	s2 =	simm.s32 @!p1 $0x22F0;
	[sflag:s1] =	ssyncset.done @!p1 $0x0;
	[smem:$0x7F7] =	sst s0  }
0xaa: {  	p0 =	sle.s32 s7, s10;
	[smem:$0x7F8] =	sst s7;
	[sflag:s1] =	ssyncadd.s32 @!p1 $0xFFFFFEC0  }
0xab: {  	[tilespmem:s2], [sflag:$0x3] =	stream.linear.gather @!p1 [spmem:s0], $0x140, $0x38;
	[tilespmem:$0x35B0] =	vst v63  }
0xac: {  	p2 =	sgt.s32 @!p0 s30, s5;
	_ =	swait.ge @!p1 [sflag:s1], $0x140  }
0xad: {  	p0 =	por p2, p0;
	s0 =	sadd.s32 $0x500, s8;
	[sflag:s1] =	ssyncset.done @!p1 $0x0  }
0xae: {  	[dreg:$0x1c] =	wrdreg s30;
	[sflag:s1] =	ssyncadd.s32 @!p1 $0xFFFFFEC0;
	s1 =	simm.s32 @!p0 $0x1030  }
0xaf: {  	[tilespmem:s1], [sflag:$0x3] =	stream.linear.gather @!p0 [spmem:s0], $0x140, $0x38;
	[tilespmem:$0x35B0] =	vst v63  }
0xb0: {  	[smem:$0x7F9] =	sst s0;
	s1 =	simm.s32 @!p0 $0x3  }
0xb1: {  	s0 =	sadd.s32 $0x500, s14;
	_ =	swait.ge @!p0 [sflag:s1], $0x140  }
0xb2: {  	s2 =	simm.s32 @!p0 $0x2430;
	[sflag:s1] =	ssyncset.done @!p0 $0x0;
	[smem:$0x7FA] =	sst s0  }
0xb3: {  	p1 =	sle.s32 s9, s10;
	[smem:$0x7FB] =	sst s9;
	[sflag:s1] =	ssyncadd.s32 @!p0 $0xFFFFFEC0  }
0xb4: {  	[tilespmem:s2], [sflag:$0x3] =	stream.linear.gather @!p0 [spmem:s0], $0x140, $0x38;
	[tilespmem:$0x35B0] =	vst v63  }
0xb5: {  	p2 =	sgt.s32 @!p1 s23, s5;
	_ =	swait.ge @!p0 [sflag:s1], $0x140  }
0xb6: {  	p1 =	por p2, p1;
	s0 =	sadd.s32 $0x640, s8;
	[sflag:s1] =	ssyncset.done @!p0 $0x0  }
0xb7: {  	[dreg:$0x1a] =	wrdreg s23;
	[sflag:s1] =	ssyncadd.s32 @!p0 $0xFFFFFEC0;
	s1 =	simm.s32 @!p1 $0x1170  }
0xb8: {  	[tilespmem:s1], [sflag:$0x3] =	stream.linear.gather @!p1 [spmem:s0], $0x140, $0x38;
	[tilespmem:$0x35B0] =	vst v63  }
0xb9: {  	[smem:$0x7FC] =	sst s0;
	s1 =	simm.s32 @!p1 $0x3  }
0xba: {  	s2 =	simm.s32 @!p1 $0x2570;
	_ =	swait.ge @!p1 [sflag:s1], $0x140  }
0xbb: {  	s0 =	sadd.s32 $0x640, s14;
	[dreg:$0x1d] =	wrdreg s20;
	[sflag:s1] =	ssyncset.done @!p1 $0x0  }
0xbc: {  	p0 =	sle.s32 s20, s10;
	[smem:$0x7FD] =	sst s0;
	[sflag:s1] =	ssyncadd.s32 @!p1 $0xFFFFFEC0  }
0xbd: {  	[tilespmem:s2], [sflag:$0x3] =	stream.linear.gather @!p1 [spmem:s0], $0x140, $0x38;
	[tilespmem:$0x35B0] =	vst v63  }
0xbe: {  	p2 =	sgt.s32 @!p0 s22, s5;
	_ =	swait.ge @!p1 [sflag:s1], $0x140  }
0xbf: {  	p0 =	por p2, p0;
	[dreg:$0x18] =	wrdreg s22;
	[sflag:s1] =	ssyncset.done @!p1 $0x0  }
0xc0: {  	s22 =	sadd.s32 $0x780, s8;
	[sflag:s1] =	ssyncadd.s32 @!p1 $0xFFFFFEC0;
	s1 =	simm.s32 @!p0 $0x12B0  }
0xc1: {  	[tilespmem:s1], [sflag:$0x3] =	stream.linear.gather @!p0 [spmem:s22], $0x140, $0x38;
	[tilespmem:$0x35B0] =	vst v63  }
0xc2: {  	s1 =	simm.s32 @!p0 $0x3  }
0xc3: {  	_ =	swait.ge @!p0 [sflag:s1], $0x140  }
0xc4: {  	s23 =	sadd.s32 $0x780, s14;
	s2 =	simm.s32 @!p0 $0x26B0;
	[sflag:s1] =	ssyncset.done @!p0 $0x0  }
0xc5: {  	p1 =	sle.s32 s25, s10;
	[dreg:$0x1b] =	wrdreg s25;
	[sflag:s1] =	ssyncadd.s32 @!p0 $0xFFFFFEC0  }
0xc6: {  	[tilespmem:s2], [sflag:$0x3] =	stream.linear.gather @!p0 [spmem:s23], $0x140, $0x38;
	[tilespmem:$0x35B0] =	vst v63  }
0xc7: {  	p2 =	sgt.s32 @!p1 s24, s5;
	_ =	swait.ge @!p0 [sflag:s1], $0x140  }
0xc8: {  	p1 =	por p2, p1;
	[dreg:$0x16] =	wrdreg s24;
	[sflag:s1] =	ssyncset.done @!p0 $0x0  }
0xc9: {  	s24 =	sadd.s32 $0x8C0, s8;
	[sflag:s1] =	ssyncadd.s32 @!p0 $0xFFFFFEC0;
	s1 =	simm.s32 @!p1 $0x13F0  }
0xca: {  	[tilespmem:s1], [sflag:$0x3] =	stream.linear.gather @!p1 [spmem:s24], $0x140, $0x38;
	[tilespmem:$0x35B0] =	vst v63  }
0xcb: {  	s1 =	simm.s32 @!p1 $0x3  }
0xcc: {  	_ =	swait.ge @!p1 [sflag:s1], $0x140  }
0xcd: {  	s25 =	sadd.s32 $0x8C0, s14;
	s2 =	simm.s32 @!p1 $0x27F0;
	[sflag:s1] =	ssyncset.done @!p1 $0x0  }
0xce: {  	p0 =	sle.s32 s28, s10;
	[dreg:$0x19] =	wrdreg s28;
	[sflag:s1] =	ssyncadd.s32 @!p1 $0xFFFFFEC0  }
0xcf: {  	[tilespmem:s2], [sflag:$0x3] =	stream.linear.gather @!p1 [spmem:s25], $0x140, $0x38;
	[tilespmem:$0x35B0] =	vst v63  }
0xd0: {  	p2 =	sgt.s32 @!p0 s26, s5;
	_ =	swait.ge @!p1 [sflag:s1], $0x140  }
0xd1: {  	p0 =	por p2, p0;
	[dreg:$0x14] =	wrdreg s26;
	[sflag:s1] =	ssyncset.done @!p1 $0x0  }
0xd2: {  	s26 =	sadd.s32 $0xA00, s8;
	[sflag:s1] =	ssyncadd.s32 @!p1 $0xFFFFFEC0;
	s1 =	simm.s32 @!p0 $0x1530  }
0xd3: {  	[tilespmem:s1], [sflag:$0x3] =	stream.linear.gather @!p0 [spmem:s26], $0x140, $0x38;
	[tilespmem:$0x35B0] =	vst v63  }
0xd4: {  	s1 =	simm.s32 @!p0 $0x3  }
0xd5: {  	_ =	swait.ge @!p0 [sflag:s1], $0x140  }
0xd6: {  	s28 =	sadd.s32 $0xA00, s14;
	s2 =	simm.s32 @!p0 $0x2930;
	[sflag:s1] =	ssyncset.done @!p0 $0x0  }
0xd7: {  	p1 =	sle.s32 s29, s10;
	[dreg:$0x17] =	wrdreg s29;
	[sflag:s1] =	ssyncadd.s32 @!p0 $0xFFFFFEC0  }
0xd8: {  	[tilespmem:s2], [sflag:$0x3] =	stream.linear.gather @!p0 [spmem:s28], $0x140, $0x38;
	[tilespmem:$0x35B0] =	vst v63  }
0xd9: {  	p2 =	sgt.s32 @!p1 s11, s5;
	_ =	swait.ge @!p0 [sflag:s1], $0x140  }
0xda: {  	p1 =	por p2, p1;
	[sflag:s1] =	ssyncset.done @!p0 $0x0  }
0xdb: {  	s29 =	sadd.s32 $0xB40, s8;
	[sflag:s1] =	ssyncadd.s32 @!p0 $0xFFFFFEC0;
	s1 =	simm.s32 @!p1 $0x1670  }
0xdc: {  	[tilespmem:s1], [sflag:$0x3] =	stream.linear.gather @!p1 [spmem:s29], $0x140, $0x38;
	[tilespmem:$0x35B0] =	vst v63  }
0xdd: {  	[dreg:$0x12] =	wrdreg s11;
	s1 =	simm.s32 @!p1 $0x3  }
0xde: {  	s30 =	sadd.s32 $0xB40, s14;
	_ =	swait.ge @!p1 [sflag:s1], $0x140  }
0xdf: {  	s2 =	simm.s32 @!p1 $0x2A70;
	p0 =	sle.s32 s31, s10;
	[sflag:s1] =	ssyncset.done @!p1 $0x0  }
0xe0: {  	p2 =	sgt.s32 @!p0 s13, s5;
	[dreg:$0x15] =	wrdreg s31;
	[sflag:s1] =	ssyncadd.s32 @!p1 $0xFFFFFEC0  }
0xe1: {  	[tilespmem:s2], [sflag:$0x3] =	stream.linear.gather @!p1 [spmem:s30], $0x140, $0x38;
	[tilespmem:$0x35B0] =	vst v63  }
0xe2: {  	p0 =	por p2, p0;
	_ =	swait.ge @!p1 [sflag:s1], $0x140  }
0xe3: {  	s31 =	sadd.s32 $0xC80, s8;
	s2 =	simm.s32 @!p0 $0x3;
	[sflag:s1] =	ssyncset.done @!p1 $0x0  }
0xe4: {  	[dreg:$0x10] =	wrdreg s13;
	[sflag:s1] =	ssyncadd.s32 @!p1 $0xFFFFFEC0;
	s1 =	simm.s32 @!p0 $0x17B0  }
0xe5: {  	[tilespmem:s1], [sflag:$0x3] =	stream.linear.gather @!p0 [spmem:s31], $0x140, $0x38;
	[tilespmem:$0x35B0] =	vst v63  }
0xe6: {  	s3 =	simm.s32 @!p0 $0x2BB0;
	_ =	swait.ge @!p0 [sflag:s2], $0x140  }
0xe7: {  	p1 =	sle.s32 s16, s10;
	s1 =	sadd.s32 $0xC80, s14;
	[sflag:s2] =	ssyncset.done @!p0 $0x0  }
0xe8: {  	p2 =	sgt.s32 @!p1 s18, s5;
	[dreg:$0x13] =	wrdreg s16;
	[sflag:s2] =	ssyncadd.s32 @!p0 $0xFFFFFEC0  }
0xe9: {  	[tilespmem:s3], [sflag:$0x3] =	stream.linear.gather @!p0 [spmem:s1], $0x140, $0x38;
	[tilespmem:$0x35B0] =	vst v63  }
0xea: {  	p1 =	por p2, p1;
	_ =	swait.ge @!p0 [sflag:s2], $0x140  }
0xeb: {  	s4 =	simm.s32 @!p1 $0x3;
	s3 =	simm.s32 @!p1 $0x18F0;
	[sflag:s2] =	ssyncset.done @!p0 $0x0  }
0xec: {  	[dreg:$0xe] =	wrdreg s18;
	[sflag:s2] =	ssyncadd.s32 @!p0 $0xFFFFFEC0;
	s2 =	sadd.s32 $0xDC0, s8  }
0xed: {  	[tilespmem:s3], [sflag:$0x3] =	stream.linear.gather @!p1 [spmem:s2], $0x140, $0x38;
	[tilespmem:$0x35B0] =	vst v63  }
0xee: {  	s7 =	smov.u32 s8;
	s8 =	simm.s32 @!p1 $0x2CF0;
	_ =	swait.ge @!p1 [sflag:s4], $0x140  }
0xef: {  	p0 =	sle.s32 s12, s10;
	s3 =	sadd.s32 $0xDC0, s14;
	[sflag:s4] =	ssyncset.done @!p1 $0x0  }
0xf0: {  	p2 =	sgt.s32 @!p0 s21, s5;
	[dreg:$0x11] =	wrdreg s12;
	[sflag:s4] =	ssyncadd.s32 @!p1 $0xFFFFFEC0  }
0xf1: {  	[tilespmem:s8], [sflag:$0x3] =	stream.linear.gather @!p1 [spmem:s3], $0x140, $0x38;
	[tilespmem:$0x35B0] =	vst v63  }
0xf2: {  	p0 =	por p2, p0;
	_ =	swait.ge @!p1 [sflag:s4], $0x140  }
0xf3: {  	s9 =	simm.s32 @!p0 $0x3;
	s8 =	simm.s32 @!p0 $0x1A30;
	[sflag:s4] =	ssyncset.done @!p1 $0x0  }
0xf4: {  	[dreg:$0xc] =	wrdreg s21;
	[sflag:s4] =	ssyncadd.s32 @!p1 $0xFFFFFEC0;
	s4 =	sadd.s32 $0xF00, s7  }
0xf5: {  	[tilespmem:s8], [sflag:$0x3] =	stream.linear.gather @!p0 [spmem:s4], $0x140, $0x38;
	[tilespmem:$0x35B0] =	vst v63  }
0xf6: {  	_ =	swait.ge @!p0 [sflag:s9], $0x140  }
0xf7: {  	s11 =	simm.s32 @!p0 $0x2E30;
	[sflag:s9] =	ssyncset.done @!p0 $0x0  }
0xf8: {  	s8 =	sadd.s32 $0xF00, s14;
	[dreg:$0xf] =	wrdreg s15;
	[sflag:s9] =	ssyncadd.s32 @!p0 $0xFFFFFEC0  }
0xf9: {  	[tilespmem:s11], [sflag:$0x3] =	stream.linear.gather @!p0 [spmem:s8], $0x140, $0x38;
	[tilespmem:$0x35B0] =	vst v63  }
0xfa: {  	_ =	swait.ge @!p0 [sflag:s9], $0x140  }
0xfb: {  	p1 =	sle.s32 s15, s10;
	s0 =	rddreg [dreg:$0xb]  }
0xfc: {  	[sflag:s9] =	ssyncset.done @!p0 $0x0;
	p2 =	sgt.s32 @!p1 s0, s5  }
0xfd: {  	[sflag:s9] =	ssyncadd.s32 @!p0 $0xFFFFFEC0;
	p1 =	por p2, p1  }
0xfe: {  	s9 =	sadd.s32 $0x1040, s7;
	s11 =	simm.s32 @!p1 $0x1B70;
	s12 =	simm.s32 @!p1 $0x3  }
0xff: {  	v4 =	vbroadcast v18, $0x1;
	v5 =	vbroadcast v18, $0x2;
	[tilespmem:s11], [sflag:$0x3] =	stream.linear.gather @!p1 [spmem:s9], $0x140, $0x38;
	[tilespmem:$0x35B0] =	vst v63  }
0x100: {  	v19 =	vor.u32 s10, v1;
	v2 =	vimm.s32 $0x0;
	v6 =	vbroadcast v18, $0x3;
	_ =	swait.ge @!p1 [sflag:s12], $0x140  }
0x101: {  	v7 =	vbroadcast v18, $0x4;
	vm0 =	vge.s32 v19, v4;
	vm13 =	vge.s32 v19, v5;
	[sflag:s12] =	ssyncset.done @!p1 $0x0  }
0x102: {  	vm14 =	vge.s32 v19, v6;
	v8 =	vsel vm0, $0x1, v2;
	v9 =	vsel vm13, $0x1, v2;
	s13 =	simm.s32 @!p1 $0x2F70;
	s11 =	sadd.s32 $0x1040, s14;
	[sflag:s12] =	ssyncadd.s32 @!p1 $0xFFFFFEC0  }
0x103: {  	vm15 =	vge.s32 v19, v7;
	v9 =	vadd.s32 v9, v8;
	v8 =	vbroadcast v18, $0x5;
	[tilespmem:s13], [sflag:$0x3] =	stream.linear.gather @!p1 [spmem:s11], $0x140, $0x38;
	[tilespmem:$0x35B0] =	vst v63  }
0x104: {  	v10 =	vsel vm14, $0x1, v2;
	v11 =	vsel vm15, $0x1, v2;
	s20 =	rddreg [dreg:$0xd];
	_ =	swait.ge @!p1 [sflag:s12], $0x140  }
0x105: {  	v9 =	vadd.s32 v10, v9;
	v10 =	vbroadcast v18, $0x6;
	vm4 =	vge.s32 v19, v8;
	p0 =	sle.s32 s20, s10;
	s0 =	rddreg [dreg:$0xa]  }
0x106: {  	v11 =	vadd.s32 v11, v9;
	v9 =	vbroadcast v18, $0x7;
	v12 =	vsel vm4, $0x1, v2;
	[sflag:s12] =	ssyncset.done @!p1 $0x0;
	p2 =	sgt.s32 @!p0 s0, s5  }
0x107: {  	vm5 =	vge.s32 v19, v10;
	v12 =	vadd.s32 v12, v11;
	s6 =	smov.u32 s14;
	[sflag:s12] =	ssyncadd.s32 @!p1 $0xFFFFFEC0;
	p0 =	por p2, p0  }
0x108: {  	v13 =	vsel vm5, $0x1, v2;
	vm6 =	vge.s32 v19, v9;
	v11 =	vbroadcast v18, $0x8;
	s12 =	sadd.s32 $0x1180, s7;
	s13 =	simm.s32 @!p0 $0x1CB0;
	s14 =	simm.s32 @!p0 $0x3  }
0x109: {  	v13 =	vadd.s32 v13, v12;
	v14 =	vsel vm6, $0x1, v2;
	v12 =	vbroadcast v18, $0x9;
	[tilespmem:s13], [sflag:$0x3] =	stream.linear.gather @!p0 [spmem:s12], $0x140, $0x38;
	[tilespmem:$0x35B0] =	vst v63  }
0x10a: {  	v14 =	vadd.s32 v14, v13;
	vm7 =	vge.s32 v19, v11;
	s15 =	simm.s32 @!p0 $0x30B0;
	_ =	swait.ge @!p0 [sflag:s14], $0x140  }
0x10b: {  	v13 =	vbroadcast v18, $0xA;
	v15 =	vsel vm7, $0x1, v2;
	vm8 =	vge.s32 v19, v12;
	s13 =	sadd.s32 $0x1180, s6;
	[sflag:s14] =	ssyncset.done @!p0 $0x0;
	s21 =	rddreg [dreg:$0x8]  }
0x10c: {  	v15 =	vadd.s32 v15, v14;
	v16 =	vsel vm8, $0x1, v2;
	v14 =	vbroadcast v18, $0xB;
	s0 =	rddreg [dreg:$0x9];
	[sflag:s14] =	ssyncadd.s32 @!p0 $0xFFFFFEC0;
	p1 =	sle.s32 s21, s10  }
0x10d: {  	vm9 =	vge.s32 v19, v13;
	v16 =	vadd.s32 v16, v15;
	[tilespmem:s15], [sflag:$0x3] =	stream.linear.gather @!p0 [spmem:s13], $0x140, $0x38;
	[tilespmem:$0x35B0] =	vst v63  }
0x10e: {  	v17 =	vsel vm9, $0x1, v2;
	v15 =	vbroadcast v18, $0xC;
	vm10 =	vge.s32 v19, v14;
	p2 =	sgt.s32 @!p1 s0, s5;
	_ =	swait.ge @!p0 [sflag:s14], $0x140  }
0x10f: {  	v17 =	vadd.s32 v17, v16;
	v16 =	vbroadcast v18, $0xD;
	v20 =	vsel vm10, $0x1, v2;
	p1 =	por p2, p1;
	[sflag:s14] =	ssyncset.done @!p0 $0x0  }
0x110: {  	vm11 =	vge.s32 v19, v15;
	v20 =	vadd.s32 v20, v17;
	v17 =	vbroadcast v18, $0xE;
	s0 =	simm.s32 @!p1 $0x1DF0;
	[sflag:s14] =	ssyncadd.s32 @!p0 $0xFFFFFEC0;
	s14 =	sadd.s32 $0x12C0, s7  }
0x111: {  	v21 =	vsel vm11, $0x1, v2;
	vm12 =	vge.s32 v19, v16;
	v18 =	vbroadcast v18, $0xF;
	[tilespmem:s0], [sflag:$0x3] =	stream.linear.gather @!p1 [spmem:s14], $0x140, $0x38;
	[tilespmem:$0x35B0] =	vst v63  }
0x112: {  	v20 =	vadd.s32 v21, v20;
	v21 =	vsel vm12, $0x1, v2;
	vm13 =	vge.s32 v19, v17;
	s0 =	simm.s32 @!p1 $0x3  }
0x113: {  	v20 =	vadd.s32 v21, v20;
	vm14 =	vge.s32 v19, v18;
	v21 =	vsel vm13, $0x1, v2;
	_ =	swait.ge @!p1 [sflag:s0], $0x140  }
0x114: {  	v20 =	vadd.s32 v21, v20;
	v21 =	vsel vm14, $0x1, v2;
	[sflag:s0] =	ssyncset.done @!p1 $0x0  }
0x115: {  	v20 =	vadd.s32 v21, v20;
	s15 =	sadd.s32 $0x12C0, s6;
	s10 =	simm.s32 @!p1 $0x31F0;
	[sflag:s0] =	ssyncadd.s32 @!p1 $0xFFFFFEC0  }
0x116: {  	[tilespmem:s10], [sflag:$0x3] =	stream.linear.gather @!p1 [spmem:s15], $0x140, $0x38;
	[tilespmem:$0x35B0] =	vst v63  }
0x117: {  	_ =	swait.ge @!p1 [sflag:s0], $0x140  }
0x118: {  	[sflag:s0] =	ssyncset.done @!p1 $0x0  }
0x119: {  	s10 =	simm.s32 $0xB20;
	[sflag:s0] =	ssyncadd.s32 @!p1 $0xFFFFFEC0  }
0x11a: {  	v21 =	vld.idx.msk [tilespmem:v20+s10+$0x0], $0xffff;
	_ =	sdelay $0x4  }
0x11b: {  	v20 =	vmul.u32 $0x140, v20;
	v21 =	vsub.s32 v19, v21  }
0x11c: {  	v22 =	vand.u32 $0xFFFFFFF8, v21  }
0x11d: {  	v21 =	vand.u32 $0x7, v21;
	v20 =	vadd.s32 v20, v22  }
0x11e: {  	v20 =	vor.u32 v21, v20;
	_ =	sdelay $0x3  }
0x11f: {  	s16 =	simm.s32 $0xB30  }
0x120: {  	v21 =	vld.idx.msk [tilespmem:v20+s16+$0x0], $0xffff;
	_ =	sdelay $0x1  }
0x121: {  	v3 =	vbroadcast v3, $0xF;
	_ =	sdelay $0x1  }
0x122: {  	vm15 =	vlt.s32 v19, v3  }
0x123: {  	v26 =	vnsel vm15, $0x0, v21  }
0x124: {  	s17 =	simm.s32 $0x1F30;
	v19 =	vshrl.u32 v26, $0x2  }
0x125: {  	s19 =	simm.s32 $0x3450;
	s18 =	simm.s32 $0x10;
	v28 =	vld.idx.msk [tilespmem:v20+s17+$0x0], $0xffff;
	[tilespmem:$0x3330] =	vst v19;
	v19 =	vshrl.u32 v26, $0x4  }
0x126: {  	s20 =	simm.s32 $0x3330;
	s21 =	rddreg [dreg:$0x1f];
	s10 =	simm.s32 $0x3350;
	[tilespmem:$0x3340] =	vst v19  }
0x127: {  	[tilespmem:s10], [sflag:$0x1] =	stream.indirect.gather [hbm4b:s21+s18], $0x10, s20, s18, $0xb8;
	[tilespmem:$0x35B0] =	vst v63  }
0x128: {  	s17 =	simm.s32 $0x3340;
	s16 =	simm.s32 $0x1;
	s20 =	rddreg [dreg:$0x1]  }
0x129: {  	v19 =	vshll.u32 v26, $0x2;
	[tilespmem:s19], [sflag:$0x2] =	stream.indirect.gather [hbm4b:s20+s18], $0x10, s17, s18, $0xb8;
	[tilespmem:$0x35B0] =	vst v63  }
0x12a: {  	v23 =	vand.u32 $0xC, v19;
	_ =	swait.ge [sflag:s16], $0x100  }
0x12b: {  	v19 =	vor.u32 v0, v23;
	[sflag:s16] =	ssyncset.done $0x0  }
0x12c: {  	s17 =	simm.s32 $0x2;
	[sflag:s16] =	ssyncadd.s32 $0xFFFFFF00  }
0x12d: {  	_ =	swait.ge [sflag:s17], $0x100  }
0x12e: {  	[sflag:s17] =	ssyncset.done $0x0  }
0x12f: {  	[sflag:s17] =	ssyncadd.s32 $0xFFFFFF00  }
0x130: {  	v21 =	vld.idx.msk [tilespmem:v19+s10+$0x0], $0xffff;
	v19 =	vmul.u32 $0x6, v1  }
0x131: {  	v20 =	vor.u32 $0x1, v0  }
0x132: {  	v22 =	vor.u32 v20, v23;
	_ =	sdelay $0x2  }
0x133: {  	s0 =	simm.s32 $0x3550;
	v21 =	vnsel vm15, $0x0, v21  }
0x134: {  	[tilespmem:v19+s0+$0x0] =	vst.idx.msk $0xffff, v21  }
0x135: {  	v22 =	vld.idx.msk [tilespmem:v22+s10+$0x0], $0xffff  }
0x136: {  	v24 =	vor.u32 $0x2, v0;
	v21 =	vor.u32 $0x1, v19  }
0x137: {  	v25 =	vor.u32 v24, v23;
	_ =	sdelay $0x2  }
0x138: {  	v22 =	vnsel vm15, $0x0, v22  }
0x139: {  	[tilespmem:v21+s0+$0x0] =	vst.idx.msk $0xffff, v22  }
0x13a: {  	v25 =	vld.idx.msk [tilespmem:v25+s10+$0x0], $0xffff  }
0x13b: {  	v27 =	vor.u32 $0x3, v0;
	v22 =	vadd.s32 $0x2, v19  }
0x13c: {  	v23 =	vor.u32 v27, v23;
	_ =	sdelay $0x2  }
0x13d: {  	v25 =	vnsel vm15, $0x0, v25  }
0x13e: {  	[tilespmem:v22+s0+$0x0] =	vst.idx.msk $0xffff, v25  }
0x13f: {  	v29 =	vld.idx.msk [tilespmem:v23+s10+$0x0], $0xffff  }
0x140: {  	v25 =	vadd.s32 $0x3, v19  }
0x141: {  	v26 =	vand.u32 $0xF, v26;
	v23 =	vadd.s32 $0x4, v19  }
0x142: {  	v26 =	vor.u32 v0, v26;
	_ =	sdelay $0x1  }
0x143: {  	v29 =	vnsel vm15, $0x0, v29  }
0x144: {  	v28 =	vnsel vm15, $0x0, v28;
	[tilespmem:v25+s0+$0x0] =	vst.idx.msk $0xffff, v29  }
0x145: {  	[tilespmem:v23+s0+$0x0] =	vst.idx.msk $0xffff, v28  }
0x146: {  	v28 =	vld.idx.msk [tilespmem:v26+s19+$0x0], $0xffff;
	_ =	sdelay $0x2  }
0x147: {  	v26 =	vadd.s32 $0x5, v19;
	_ =	sdelay $0x1  }
0x148: {  	s19 =	stileid.u32;
	v28 =	vcvt.s32.f32 v28  }
0x149: {  	s21 =	smul.u32 $0xC, s19  }
0x14a: {  	s20 =	simm.s32 $0x0;
	s5 =	rddreg [dreg:$0x3];
	p0 =	sgt.u32 s19, $0x2;
	v28 =	vnsel vm15, $0x0, v28  }
.Ltmp2:
0x14b: {  	s18 =	sadd.s32 s5, s21;
	s21 =	simm.s32 $0x3;
	[tilespmem:v26+s0+$0x0] =	vst.idx.msk $0xffff, v28;
	(pc) =	sbr.rel @p0 .LBB2_6-.Ltmp2, $4  }
0x14c: {  	[hbm4b:s18+s20] =	stream.linear.scatter [tilespmem:s0], [sflag:$0x3], $0x60, $0x38;
	[tilespmem:$0x35B0] =	vst v63  }
0x14d: {  	_ =	swait.ge [sflag:s21], $0x60  }
0x14e: {  	[sflag:s21] =	ssyncset.done $0x0  }
0x14f: {  	s5 =	stileid.u32;
	[sflag:s21] =	ssyncadd.s32 $0xFFFFFFA0  }
0x150: {  	[smem:$0x7EA] =	sst s30;
	s30 =	smov.u32 s29  }
0x151: {  	s29 =	smov.u32 s28;
	s28 =	smov.u32 s26;
	s26 =	smov.u32 s25  }
0x152: {  	s25 =	smov.u32 s24;
	s24 =	smov.u32 s23;
	s20 =	sld [smem:$0x7EB]  }
0x153: {  	s23 =	smov.u32 s22;
	s22 =	sor.u32 $0x10, s5;
	s5 =	sld [smem:$0x7EC]  }
0x154: {  	s19 =	sshll.u32 s22, $0x4  }
0x155: {  	s18 =	sshllo.u32 s22, $0x4;
	p0 =	sle.s32 s20, s19  }
0x156: {  	p1 =	sgt.s32 @!p0 s5, s18  }
0x157: {  	p0 =	por p1, p0  }
0x158: {  	s20 =	simm.s32 @!p0 $0xB30  }
0x159: {  	[tilespmem:s20], [sflag:$0x3] =	stream.linear.gather @!p0 [spmem:s7], $0x140, $0x38;
	[tilespmem:$0x35B0] =	vst v63  }
0x15a: {  	s7 =	simm.s32 @!p0 $0x3  }
0x15b: {  	_ =	swait.ge @!p0 [sflag:s7], $0x140  }
0x15c: {  	[sflag:s7] =	ssyncset.done @!p0 $0x0  }
0x15d: {  	s20 =	simm.s32 @!p0 $0x1F30;
	[sflag:s7] =	ssyncadd.s32 @!p0 $0xFFFFFEC0  }
0x15e: {  	[tilespmem:s20], [sflag:$0x3] =	stream.linear.gather @!p0 [spmem:s6], $0x140, $0x38;
	[tilespmem:$0x35B0] =	vst v63  }
0x15f: {  	s6 =	sld [smem:$0x7ED]  }
0x160: {  	s5 =	sld [smem:$0x7EE];
	_ =	sdelay $0x1  }
0x161: {  	_ =	swait.ge @!p0 [sflag:s7], $0x140;
	p1 =	sle.s32 s6, s19  }
0x162: {  	p2 =	sgt.s32 @!p1 s5, s18;
	s5 =	sld [smem:$0x7EF]  }
0x163: {  	[sflag:s7] =	ssyncset.done @!p0 $0x0;
	p1 =	por p2, p1  }
0x164: {  	[sflag:s7] =	ssyncadd.s32 @!p0 $0xFFFFFEC0;
	s6 =	simm.s32 @!p1 $0xC70  }
0x165: {  	[tilespmem:s6], [sflag:$0x3] =	stream.linear.gather @!p1 [spmem:s5], $0x140, $0x38;
	[tilespmem:$0x35B0] =	vst v63  }
0x166: {  	s6 =	simm.s32 @!p1 $0x3  }
0x167: {  	_ =	swait.ge @!p1 [sflag:s6], $0x140  }
0x168: {  	s5 =	sld [smem:$0x7F0]  }
0x169: {  	[sflag:s6] =	ssyncset.done @!p1 $0x0  }
0x16a: {  	s7 =	simm.s32 @!p1 $0x2070;
	s20 =	sld [smem:$0x7F1];
	[sflag:s6] =	ssyncadd.s32 @!p1 $0xFFFFFEC0  }
0x16b: {  	[tilespmem:s7], [sflag:$0x3] =	stream.linear.gather @!p1 [spmem:s5], $0x140, $0x38;
	[tilespmem:$0x35B0] =	vst v63  }
0x16c: {  	s5 =	sld [smem:$0x7F2];
	_ =	sdelay $0x1  }
0x16d: {  	p0 =	sle.s32 s20, s19;
	_ =	swait.ge @!p1 [sflag:s6], $0x140  }
0x16e: {  	p2 =	sgt.s32 @!p0 s5, s18;
	s5 =	sld [smem:$0x7F3]  }
0x16f: {  	[sflag:s6] =	ssyncset.done @!p1 $0x0;
	p0 =	por p2, p0  }
0x170: {  	[sflag:s6] =	ssyncadd.s32 @!p1 $0xFFFFFEC0;
	s6 =	simm.s32 @!p0 $0xDB0  }
0x171: {  	[tilespmem:s6], [sflag:$0x3] =	stream.linear.gather @!p0 [spmem:s5], $0x140, $0x38;
	[tilespmem:$0x35B0] =	vst v63  }
0x172: {  	s6 =	simm.s32 @!p0 $0x3  }
0x173: {  	_ =	swait.ge @!p0 [sflag:s6], $0x140  }
0x174: {  	s5 =	sld [smem:$0x7F4]  }
0x175: {  	[sflag:s6] =	ssyncset.done @!p0 $0x0  }
0x176: {  	s7 =	simm.s32 @!p0 $0x21B0;
	[sflag:s6] =	ssyncadd.s32 @!p0 $0xFFFFFEC0  }
0x177: {  	[tilespmem:s7], [sflag:$0x3] =	stream.linear.gather @!p0 [spmem:s5], $0x140, $0x38;
	[tilespmem:$0x35B0] =	vst v63  }
0x178: {  	s7 =	sld [smem:$0x7F5];
	_ =	sdelay $0x2  }
0x179: {  	p1 =	sle.s32 s7, s19;
	s7 =	rddreg [dreg:$0x1e];
	_ =	swait.ge @!p0 [sflag:s6], $0x140  }
0x17a: {  	p2 =	sgt.s32 @!p1 s7, s18;
	s5 =	sld [smem:$0x7F6]  }
0x17b: {  	[sflag:s6] =	ssyncset.done @!p0 $0x0;
	p1 =	por p2, p1  }
0x17c: {  	[sflag:s6] =	ssyncadd.s32 @!p0 $0xFFFFFEC0;
	s6 =	simm.s32 @!p1 $0xEF0  }
0x17d: {  	[tilespmem:s6], [sflag:$0x3] =	stream.linear.gather @!p1 [spmem:s5], $0x140, $0x38;
	[tilespmem:$0x35B0] =	vst v63  }
0x17e: {  	s6 =	simm.s32 @!p1 $0x3  }
0x17f: {  	_ =	swait.ge @!p1 [sflag:s6], $0x140  }
0x180: {  	s5 =	sld [smem:$0x7F7]  }
0x181: {  	[sflag:s6] =	ssyncset.done @!p1 $0x0;
	s20 =	sld [smem:$0x7F8]  }
0x182: {  	s7 =	simm.s32 @!p1 $0x22F0;
	[sflag:s6] =	ssyncadd.s32 @!p1 $0xFFFFFEC0  }
0x183: {  	[tilespmem:s7], [sflag:$0x3] =	stream.linear.gather @!p1 [spmem:s5], $0x140, $0x38;
	[tilespmem:$0x35B0] =	vst v63  }
0x184: {  	p0 =	sle.s32 s20, s19;
	s7 =	rddreg [dreg:$0x1c];
	_ =	swait.ge @!p1 [sflag:s6], $0x140  }
0x185: {  	p2 =	sgt.s32 @!p0 s7, s18;
	s5 =	sld [smem:$0x7F9]  }
0x186: {  	[sflag:s6] =	ssyncset.done @!p1 $0x0;
	p0 =	por p2, p0  }
0x187: {  	[sflag:s6] =	ssyncadd.s32 @!p1 $0xFFFFFEC0;
	s6 =	simm.s32 @!p0 $0x1030  }
0x188: {  	[tilespmem:s6], [sflag:$0x3] =	stream.linear.gather @!p0 [spmem:s5], $0x140, $0x38;
	[tilespmem:$0x35B0] =	vst v63  }
0x189: {  	s6 =	simm.s32 @!p0 $0x3  }
0x18a: {  	_ =	swait.ge @!p0 [sflag:s6], $0x140  }
0x18b: {  	s5 =	sld [smem:$0x7FA]  }
0x18c: {  	[sflag:s6] =	ssyncset.done @!p0 $0x0  }
0x18d: {  	s7 =	simm.s32 @!p0 $0x2430;
	[sflag:s6] =	ssyncadd.s32 @!p0 $0xFFFFFEC0  }
0x18e: {  	[tilespmem:s7], [sflag:$0x3] =	stream.linear.gather @!p0 [spmem:s5], $0x140, $0x38;
	[tilespmem:$0x35B0] =	vst v63  }
0x18f: {  	s7 =	sld [smem:$0x7FB];
	_ =	sdelay $0x2  }
0x190: {  	p1 =	sle.s32 s7, s19;
	s7 =	rddreg [dreg:$0x1a];
	_ =	swait.ge @!p0 [sflag:s6], $0x140  }
0x191: {  	p2 =	sgt.s32 @!p1 s7, s18;
	s5 =	sld [smem:$0x7FC]  }
0x192: {  	[sflag:s6] =	ssyncset.done @!p0 $0x0;
	p1 =	por p2, p1  }
0x193: {  	[sflag:s6] =	ssyncadd.s32 @!p0 $0xFFFFFEC0;
	s6 =	simm.s32 @!p1 $0x1170  }
0x194: {  	[tilespmem:s6], [sflag:$0x3] =	stream.linear.gather @!p1 [spmem:s5], $0x140, $0x38;
	[tilespmem:$0x35B0] =	vst v63  }
0x195: {  	s6 =	simm.s32 @!p1 $0x3  }
0x196: {  	_ =	swait.ge @!p1 [sflag:s6], $0x140  }
0x197: {  	s5 =	sld [smem:$0x7FD]  }
0x198: {  	[sflag:s6] =	ssyncset.done @!p1 $0x0  }
0x199: {  	s7 =	simm.s32 @!p1 $0x2570;
	s20 =	rddreg [dreg:$0x1d];
	[sflag:s6] =	ssyncadd.s32 @!p1 $0xFFFFFEC0  }
0x19a: {  	[tilespmem:s7], [sflag:$0x3] =	stream.linear.gather @!p1 [spmem:s5], $0x140, $0x38;
	[tilespmem:$0x35B0] =	vst v63  }
0x19b: {  	p0 =	sle.s32 s20, s19;
	s7 =	rddreg [dreg:$0x18]  }
0x19c: {  	p2 =	sgt.s32 @!p0 s7, s18;
	_ =	swait.ge @!p1 [sflag:s6], $0x140  }
0x19d: {  	[sflag:s6] =	ssyncset.done @!p1 $0x0;
	p0 =	por p2, p0  }
0x19e: {  	[sflag:s6] =	ssyncadd.s32 @!p1 $0xFFFFFEC0;
	s6 =	simm.s32 @!p0 $0x12B0  }
0x19f: {  	[tilespmem:s6], [sflag:$0x3] =	stream.linear.gather @!p0 [spmem:s23], $0x140, $0x38;
	[tilespmem:$0x35B0] =	vst v63  }
0x1a0: {  	s6 =	simm.s32 @!p0 $0x3  }
0x1a1: {  	_ =	swait.ge @!p0 [sflag:s6], $0x140  }
0x1a2: {  	[sflag:s6] =	ssyncset.done @!p0 $0x0  }
0x1a3: {  	s7 =	simm.s32 @!p0 $0x26B0;
	[sflag:s6] =	ssyncadd.s32 @!p0 $0xFFFFFEC0  }
0x1a4: {  	[tilespmem:s7], [sflag:$0x3] =	stream.linear.gather @!p0 [spmem:s24], $0x140, $0x38;
	[tilespmem:$0x35B0] =	vst v63  }
0x1a5: {  	s24 =	rddreg [dreg:$0x1b]  }
0x1a6: {  	s7 =	rddreg [dreg:$0x16];
	p1 =	sle.s32 s24, s19  }
0x1a7: {  	_ =	swait.ge @!p0 [sflag:s6], $0x140;
	p2 =	sgt.s32 @!p1 s7, s18  }
0x1a8: {  	[sflag:s6] =	ssyncset.done @!p0 $0x0;
	p1 =	por p2, p1  }
0x1a9: {  	[sflag:s6] =	ssyncadd.s32 @!p0 $0xFFFFFEC0;
	s6 =	simm.s32 @!p1 $0x13F0  }
0x1aa: {  	[tilespmem:s6], [sflag:$0x3] =	stream.linear.gather @!p1 [spmem:s25], $0x140, $0x38;
	[tilespmem:$0x35B0] =	vst v63  }
0x1ab: {  	s6 =	simm.s32 @!p1 $0x3  }
0x1ac: {  	_ =	swait.ge @!p1 [sflag:s6], $0x140  }
0x1ad: {  	[sflag:s6] =	ssyncset.done @!p1 $0x0  }
0x1ae: {  	s7 =	simm.s32 @!p1 $0x27F0;
	[sflag:s6] =	ssyncadd.s32 @!p1 $0xFFFFFEC0  }
0x1af: {  	[tilespmem:s7], [sflag:$0x3] =	stream.linear.gather @!p1 [spmem:s26], $0x140, $0x38;
	[tilespmem:$0x35B0] =	vst v63  }
0x1b0: {  	s26 =	rddreg [dreg:$0x19]  }
0x1b1: {  	s7 =	rddreg [dreg:$0x14];
	p0 =	sle.s32 s26, s19  }
0x1b2: {  	_ =	swait.ge @!p1 [sflag:s6], $0x140;
	p2 =	sgt.s32 @!p0 s7, s18  }
0x1b3: {  	[sflag:s6] =	ssyncset.done @!p1 $0x0;
	p0 =	por p2, p0  }
0x1b4: {  	[sflag:s6] =	ssyncadd.s32 @!p1 $0xFFFFFEC0;
	s6 =	simm.s32 @!p0 $0x1530  }
0x1b5: {  	[tilespmem:s6], [sflag:$0x3] =	stream.linear.gather @!p0 [spmem:s28], $0x140, $0x38;
	[tilespmem:$0x35B0] =	vst v63  }
0x1b6: {  	s6 =	simm.s32 @!p0 $0x3  }
0x1b7: {  	_ =	swait.ge @!p0 [sflag:s6], $0x140  }
0x1b8: {  	[sflag:s6] =	ssyncset.done @!p0 $0x0  }
0x1b9: {  	s7 =	simm.s32 @!p0 $0x2930;
	[sflag:s6] =	ssyncadd.s32 @!p0 $0xFFFFFEC0  }
0x1ba: {  	[tilespmem:s7], [sflag:$0x3] =	stream.linear.gather @!p0 [spmem:s29], $0x140, $0x38;
	[tilespmem:$0x35B0] =	vst v63  }
0x1bb: {  	s29 =	rddreg [dreg:$0x17]  }
0x1bc: {  	s7 =	rddreg [dreg:$0x12];
	p1 =	sle.s32 s29, s19  }
0x1bd: {  	_ =	swait.ge @!p0 [sflag:s6], $0x140;
	p2 =	sgt.s32 @!p1 s7, s18  }
0x1be: {  	[sflag:s6] =	ssyncset.done @!p0 $0x0;
	p1 =	por p2, p1  }
0x1bf: {  	[sflag:s6] =	ssyncadd.s32 @!p0 $0xFFFFFEC0;
	s6 =	simm.s32 @!p1 $0x1670  }
0x1c0: {  	[tilespmem:s6], [sflag:$0x3] =	stream.linear.gather @!p1 [spmem:s30], $0x140, $0x38;
	[tilespmem:$0x35B0] =	vst v63  }
0x1c1: {  	s6 =	simm.s32 @!p1 $0x3  }
0x1c2: {  	_ =	swait.ge @!p1 [sflag:s6], $0x140  }
0x1c3: {  	s5 =	sld [smem:$0x7EA]  }
0x1c4: {  	[sflag:s6] =	ssyncset.done @!p1 $0x0  }
0x1c5: {  	s7 =	simm.s32 @!p1 $0x2A70;
	s30 =	rddreg [dreg:$0x15];
	[sflag:s6] =	ssyncadd.s32 @!p1 $0xFFFFFEC0  }
0x1c6: {  	[tilespmem:s7], [sflag:$0x3] =	stream.linear.gather @!p1 [spmem:s5], $0x140, $0x38;
	[tilespmem:$0x35B0] =	vst v63  }
0x1c7: {  	p0 =	sle.s32 s30, s19;
	s7 =	rddreg [dreg:$0x10]  }
0x1c8: {  	p2 =	sgt.s32 @!p0 s7, s18;
	_ =	swait.ge @!p1 [sflag:s6], $0x140  }
0x1c9: {  	[sflag:s6] =	ssyncset.done @!p1 $0x0;
	p0 =	por p2, p0  }
0x1ca: {  	[sflag:s6] =	ssyncadd.s32 @!p1 $0xFFFFFEC0;
	s6 =	simm.s32 @!p0 $0x17B0  }
0x1cb: {  	[tilespmem:s6], [sflag:$0x3] =	stream.linear.gather @!p0 [spmem:s31], $0x140, $0x38;
	[tilespmem:$0x35B0] =	vst v63  }
0x1cc: {  	s6 =	simm.s32 @!p0 $0x3  }
0x1cd: {  	_ =	swait.ge @!p0 [sflag:s6], $0x140  }
0x1ce: {  	[sflag:s6] =	ssyncset.done @!p0 $0x0  }
0x1cf: {  	s7 =	simm.s32 @!p0 $0x2BB0;
	s5 =	rddreg [dreg:$0x13];
	[sflag:s6] =	ssyncadd.s32 @!p0 $0xFFFFFEC0  }
0x1d0: {  	[tilespmem:s7], [sflag:$0x3] =	stream.linear.gather @!p0 [spmem:s1], $0x140, $0x38;
	[tilespmem:$0x35B0] =	vst v63  }
0x1d1: {  	p1 =	sle.s32 s5, s19;
	s1 =	rddreg [dreg:$0xe]  }
0x1d2: {  	p2 =	sgt.s32 @!p1 s1, s18;
	_ =	swait.ge @!p0 [sflag:s6], $0x140  }
0x1d3: {  	[sflag:s6] =	ssyncset.done @!p0 $0x0;
	p1 =	por p2, p1  }
0x1d4: {  	[sflag:s6] =	ssyncadd.s32 @!p0 $0xFFFFFEC0;
	s1 =	simm.s32 @!p1 $0x18F0  }
0x1d5: {  	[tilespmem:s1], [sflag:$0x3] =	stream.linear.gather @!p1 [spmem:s2], $0x140, $0x38;
	[tilespmem:$0x35B0] =	vst v63  }
0x1d6: {  	s1 =	simm.s32 @!p1 $0x3  }
0x1d7: {  	_ =	swait.ge @!p1 [sflag:s1], $0x140  }
0x1d8: {  	[sflag:s1] =	ssyncset.done @!p1 $0x0  }
0x1d9: {  	s2 =	simm.s32 @!p1 $0x2CF0;
	s7 =	rddreg [dreg:$0x11];
	[sflag:s1] =	ssyncadd.s32 @!p1 $0xFFFFFEC0  }
0x1da: {  	[tilespmem:s2], [sflag:$0x3] =	stream.linear.gather @!p1 [spmem:s3], $0x140, $0x38;
	[tilespmem:$0x35B0] =	vst v63  }
0x1db: {  	p0 =	sle.s32 s7, s19;
	s2 =	rddreg [dreg:$0xc]  }
0x1dc: {  	p2 =	sgt.s32 @!p0 s2, s18;
	_ =	swait.ge @!p1 [sflag:s1], $0x140  }
0x1dd: {  	[sflag:s1] =	ssyncset.done @!p1 $0x0;
	p0 =	por p2, p0  }
0x1de: {  	[sflag:s1] =	ssyncadd.s32 @!p1 $0xFFFFFEC0;
	s1 =	simm.s32 @!p0 $0x1A30  }
0x1df: {  	[tilespmem:s1], [sflag:$0x3] =	stream.linear.gather @!p0 [spmem:s4], $0x140, $0x38;
	[tilespmem:$0x35B0] =	vst v63  }
0x1e0: {  	s1 =	simm.s32 @!p0 $0x3  }
0x1e1: {  	_ =	swait.ge @!p0 [sflag:s1], $0x140  }
0x1e2: {  	[sflag:s1] =	ssyncset.done @!p0 $0x0  }
0x1e3: {  	s2 =	simm.s32 @!p0 $0x2E30;
	[sflag:s1] =	ssyncadd.s32 @!p0 $0xFFFFFEC0  }
0x1e4: {  	[tilespmem:s2], [sflag:$0x3] =	stream.linear.gather @!p0 [spmem:s8], $0x140, $0x38;
	[tilespmem:$0x35B0] =	vst v63  }
0x1e5: {  	s8 =	rddreg [dreg:$0xf]  }
0x1e6: {  	s2 =	rddreg [dreg:$0xb];
	p1 =	sle.s32 s8, s19  }
0x1e7: {  	_ =	swait.ge @!p0 [sflag:s1], $0x140;
	p2 =	sgt.s32 @!p1 s2, s18  }
0x1e8: {  	[sflag:s1] =	ssyncset.done @!p0 $0x0;
	p1 =	por p2, p1  }
0x1e9: {  	[sflag:s1] =	ssyncadd.s32 @!p0 $0xFFFFFEC0;
	s1 =	simm.s32 @!p1 $0x1B70  }
0x1ea: {  	[tilespmem:s1], [sflag:$0x3] =	stream.linear.gather @!p1 [spmem:s9], $0x140, $0x38;
	[tilespmem:$0x35B0] =	vst v63  }
0x1eb: {  	s1 =	simm.s32 @!p1 $0x3  }
0x1ec: {  	_ =	swait.ge @!p1 [sflag:s1], $0x140  }
0x1ed: {  	[sflag:s1] =	ssyncset.done @!p1 $0x0  }
0x1ee: {  	s2 =	simm.s32 @!p1 $0x2F70;
	[sflag:s1] =	ssyncadd.s32 @!p1 $0xFFFFFEC0  }
0x1ef: {  	[tilespmem:s2], [sflag:$0x3] =	stream.linear.gather @!p1 [spmem:s11], $0x140, $0x38;
	[tilespmem:$0x35B0] =	vst v63  }
0x1f0: {  	s11 =	rddreg [dreg:$0xd]  }
0x1f1: {  	s2 =	rddreg [dreg:$0xa];
	p0 =	sle.s32 s11, s19  }
0x1f2: {  	_ =	swait.ge @!p1 [sflag:s1], $0x140;
	p2 =	sgt.s32 @!p0 s2, s18  }
0x1f3: {  	[sflag:s1] =	ssyncset.done @!p1 $0x0;
	p0 =	por p2, p0  }
0x1f4: {  	v1 =	vor.u32 s19, v1;
	[sflag:s1] =	ssyncadd.s32 @!p1 $0xFFFFFEC0;
	s1 =	simm.s32 @!p0 $0x1CB0  }
0x1f5: {  	vm0 =	vge.s32 v1, v4;
	vm1 =	vge.s32 v1, v5;
	[tilespmem:s1], [sflag:$0x3] =	stream.linear.gather @!p0 [spmem:s12], $0x140, $0x38;
	[tilespmem:$0x35B0] =	vst v63  }
0x1f6: {  	vm14 =	vge.s32 v1, v6;
	v4 =	vsel vm0, $0x1, v2;
	v5 =	vsel vm1, $0x1, v2;
	s1 =	simm.s32 @!p0 $0x3  }
0x1f7: {  	vm15 =	vge.s32 v1, v7;
	v41 =	vsel vm14, $0x1, v2;
	v4 =	vadd.s32 v5, v4;
	_ =	swait.ge @!p0 [sflag:s1], $0x140  }
0x1f8: {  	vm4 =	vge.s32 v1, v8;
	v42 =	vsel vm15, $0x1, v2;
	v4 =	vadd.s32 v41, v4;
	[sflag:s1] =	ssyncset.done @!p0 $0x0  }
0x1f9: {  	vm5 =	vge.s32 v1, v10;
	v43 =	vsel vm4, $0x1, v2;
	v4 =	vadd.s32 v42, v4;
	s2 =	simm.s32 @!p0 $0x30B0;
	[sflag:s1] =	ssyncadd.s32 @!p0 $0xFFFFFEC0  }
0x1fa: {  	vm6 =	vge.s32 v1, v9;
	v44 =	vsel vm5, $0x1, v2;
	v4 =	vadd.s32 v43, v4;
	[tilespmem:s2], [sflag:$0x3] =	stream.linear.gather @!p0 [spmem:s13], $0x140, $0x38;
	[tilespmem:$0x35B0] =	vst v63  }
0x1fb: {  	vm7 =	vge.s32 v1, v11;
	v45 =	vsel vm6, $0x1, v2;
	v4 =	vadd.s32 v44, v4;
	s13 =	rddreg [dreg:$0x8]  }
0x1fc: {  	vm8 =	vge.s32 v1, v12;
	v46 =	vsel vm7, $0x1, v2;
	v4 =	vadd.s32 v45, v4;
	s2 =	rddreg [dreg:$0x9];
	p1 =	sle.s32 s13, s19  }
0x1fd: {  	vm9 =	vge.s32 v1, v13;
	v47 =	vsel vm8, $0x1, v2;
	v4 =	vadd.s32 v46, v4;
	_ =	swait.ge @!p0 [sflag:s1], $0x140;
	p2 =	sgt.s32 @!p1 s2, s18  }
0x1fe: {  	vm10 =	vge.s32 v1, v14;
	v48 =	vsel vm9, $0x1, v2;
	v4 =	vadd.s32 v47, v4;
	[sflag:s1] =	ssyncset.done @!p0 $0x0;
	p1 =	por p2, p1  }
0x1ff: {  	vm11 =	vge.s32 v1, v15;
	v49 =	vsel vm10, $0x1, v2;
	v4 =	vadd.s32 v48, v4;
	[sflag:s1] =	ssyncadd.s32 @!p0 $0xFFFFFEC0;
	s1 =	simm.s32 @!p1 $0x1DF0  }
0x200: {  	vm12 =	vge.s32 v1, v16;
	v50 =	vsel vm11, $0x1, v2;
	v4 =	vadd.s32 v49, v4;
	[tilespmem:s1], [sflag:$0x3] =	stream.linear.gather @!p1 [spmem:s14], $0x140, $0x38;
	[tilespmem:$0x35B0] =	vst v63  }
0x201: {  	vm13 =	vge.s32 v1, v17;
	v51 =	vsel vm12, $0x1, v2;
	v4 =	vadd.s32 v50, v4;
	s1 =	simm.s32 @!p1 $0x3  }
0x202: {  	v52 =	vsel vm13, $0x1, v2;
	vm14 =	vge.s32 v1, v18;
	v4 =	vadd.s32 v51, v4;
	_ =	swait.ge @!p1 [sflag:s1], $0x140  }
0x203: {  	v53 =	vsel vm14, $0x1, v2;
	v4 =	vadd.s32 v52, v4;
	[sflag:s1] =	ssyncset.done @!p1 $0x0  }
0x204: {  	v2 =	vadd.s32 v53, v4;
	s2 =	simm.s32 @!p1 $0x31F0;
	[sflag:s1] =	ssyncadd.s32 @!p1 $0xFFFFFEC0  }
0x205: {  	[tilespmem:s2], [sflag:$0x3] =	stream.linear.gather @!p1 [spmem:s15], $0x140, $0x38;
	[tilespmem:$0x35B0] =	vst v63  }
0x206: {  	_ =	swait.ge @!p1 [sflag:s1], $0x140  }
0x207: {  	[sflag:s1] =	ssyncset.done @!p1 $0x0  }
0x208: {  	s15 =	simm.s32 $0xB20;
	[sflag:s1] =	ssyncadd.s32 @!p1 $0xFFFFFEC0  }
0x209: {  	v4 =	vld.idx.msk [tilespmem:v2+s15+$0x0], $0xffff;
	_ =	sdelay $0x4  }
0x20a: {  	v2 =	vmul.u32 $0x140, v2;
	v4 =	vsub.s32 v1, v4  }
0x20b: {  	v54 =	vand.u32 $0xFFFFFFF8, v4  }
0x20c: {  	v4 =	vand.u32 $0x7, v4;
	v2 =	vadd.s32 v2, v54  }
0x20d: {  	v2 =	vor.u32 v4, v2;
	_ =	sdelay $0x3  }
0x20e: {  	s18 =	simm.s32 $0xB30  }
0x20f: {  	v4 =	vld.idx.msk [tilespmem:v2+s18+$0x0], $0xffff;
	_ =	sdelay $0x3  }
0x210: {  	vm15 =	vlt.s32 v1, v3  }
0x211: {  	v1 =	vnsel vm15, $0x0, v4  }
0x212: {  	s19 =	simm.s32 $0x1F30;
	v55 =	vshrl.u32 v1, $0x2  }
0x213: {  	v2 =	vld.idx.msk [tilespmem:v2+s19+$0x0], $0xffff;
	v56 =	vshrl.u32 v1, $0x4;
	[tilespmem:$0x3330] =	vst v55  }
0x214: {  	s23 =	simm.s32 $0x10;
	s24 =	simm.s32 $0x3330;
	s20 =	rddreg [dreg:$0x1f];
	[tilespmem:$0x3340] =	vst v56  }
0x215: {  	[tilespmem:s10], [sflag:$0x1] =	stream.indirect.gather [hbm4b:s20+s23], $0x10, s24, s23, $0xb8;
	[tilespmem:$0x35B0] =	vst v63  }
0x216: {  	s25 =	simm.s32 $0x3450;
	s26 =	simm.s32 $0x3340;
	s28 =	rddreg [dreg:$0x1]  }
0x217: {  	v57 =	vshll.u32 v1, $0x2;
	[tilespmem:s25], [sflag:$0x2] =	stream.indirect.gather [hbm4b:s28+s23], $0x10, s26, s23, $0xb8;
	[tilespmem:$0x35B0] =	vst v63  }
0x218: {  	v3 =	vand.u32 $0xC, v57;
	_ =	swait.ge [sflag:s16], $0x100  }
0x219: {  	v58 =	vor.u32 v0, v3;
	[sflag:s16] =	ssyncset.done $0x0  }
0x21a: {  	[sflag:s16] =	ssyncadd.s32 $0xFFFFFF00  }
0x21b: {  	_ =	swait.ge [sflag:s17], $0x100  }
0x21c: {  	[sflag:s17] =	ssyncset.done $0x0  }
0x21d: {  	[sflag:s17] =	ssyncadd.s32 $0xFFFFFF00  }
0x21e: {  	v4 =	vld.idx.msk [tilespmem:v58+s10+$0x0], $0xffff;
	_ =	sdelay $0x1  }
0x21f: {  	v59 =	vor.u32 v20, v3;
	_ =	sdelay $0x2  }
0x220: {  	v4 =	vnsel vm15, $0x0, v4  }
0x221: {  	[tilespmem:v19+s0+$0x0] =	vst.idx.msk $0xffff, v4  }
0x222: {  	v4 =	vld.idx.msk [tilespmem:v59+s10+$0x0], $0xffff;
	_ =	sdelay $0x1  }
0x223: {  	v60 =	vor.u32 v24, v3;
	_ =	sdelay $0x2  }
0x224: {  	v4 =	vnsel vm15, $0x0, v4  }
0x225: {  	[tilespmem:v21+s0+$0x0] =	vst.idx.msk $0xffff, v4  }
0x226: {  	v4 =	vld.idx.msk [tilespmem:v60+s10+$0x0], $0xffff;
	_ =	sdelay $0x1  }
0x227: {  	v3 =	vor.u32 v27, v3;
	_ =	sdelay $0x2  }
0x228: {  	v4 =	vnsel vm15, $0x0, v4  }
0x229: {  	[tilespmem:v22+s0+$0x0] =	vst.idx.msk $0xffff, v4  }
0x22a: {  	v3 =	vld.idx.msk [tilespmem:v3+s10+$0x0], $0xffff;
	_ =	sdelay $0x1  }
0x22b: {  	v1 =	vand.u32 $0xF, v1  }
0x22c: {  	v61 =	vor.u32 v0, v1;
	_ =	sdelay $0x1  }
0x22d: {  	v62 =	vnsel vm15, $0x0, v3  }
0x22e: {  	v63 =	vnsel vm15, $0x0, v2;
	[tilespmem:v25+s0+$0x0] =	vst.idx.msk $0xffff, v62  }
0x22f: {  	[tilespmem:v23+s0+$0x0] =	vst.idx.msk $0xffff, v63  }
0x230: {  	v0 =	vld.idx.msk [tilespmem:v61+s25+$0x0], $0xffff;
	_ =	sdelay $0x4  }
0x231: {  	v0 =	vcvt.s32.f32 v0  }
0x232: {  	s29 =	smul.u32 $0xC, s22  }
0x233: {  	s30 =	rddreg [dreg:$0x3];
	v0 =	vnsel vm15, $0x0, v0  }
0x234: {  	s31 =	simm.s32 $0x0;
	s1 =	sadd.s32 s30, s29;
	[tilespmem:v26+s0+$0x0] =	vst.idx.msk $0xffff, v0  }
0x235: {  	[hbm4b:s1+s31] =	stream.linear.scatter [tilespmem:s0], [sflag:$0x3], $0x60, $0x38;
	[tilespmem:$0x35B0] =	vst v63  }
0x236: {  	_ =	swait.ge [sflag:s21], $0x60  }
0x237: {  	[sflag:s21] =	ssyncset.done $0x0  }
0x238: {  	s5 =	stileid.u32;
	[sflag:s21] =	ssyncadd.s32 $0xFFFFFFA0  }
.LBB2_6:
0x239: {  	_ =	sfence.sel $0x180000  }
0x23a: {  	[bflag:$0x0] =	sbarrier.arrive $0xFFFF  }
0x23b: {  	_ =	strace $0x90000047  }
0x23c: {  	[bflag:$0x2] =	sbarrier.arrive $0xFFFF  }
0x23d: {  	p0 =	sne.s32 s5, $0x0;
	s0 =	rddreg [dreg:$0x7]  }
0x23e: {  	s0 =	sadd.s32 @!p0 $0x100000, s0  }
0x23f: {  	[sflag:s0] =	ssyncadd.tile.s32 @!p0 $0x1;
	_ =	shalt  }
.Lfunc_end2:
_tile_overlayer_lowered:
.L_overlay_start_2:
0x240: {  	(tag) =	ssettag $0x2  }
0x241: {  	s0 =	rddreg [dreg:$0x0];
	s2 =	stileid.u32  }
0x242: {  	s1 =	rddreg [dreg:$0x1];
	p0 =	sne.s32 s2, $0x0  }
0x243: {  	s3 =	rddreg [dreg:$0x2];
	[bflag:$0x3] =	sbarrier.arrive $0xFFFF;
	s2 =	simm.s32 @!p0 $0x1C03  }
0x244: {  	[timem:s3], [sflag:s2] =	dma.local @!p0 [hbm:s0], s1  }
0x245: {  	s0 =	simm.s32 @!p0 $0x3  }
0x246: {  	_ =	swait.ge @!p0 [sflag:s0], s1  }
0x247: {  	s1 =	ssub.s32 @!p0 $0x0, s1;
	[sflag:s0] =	ssyncset.done @!p0 $0x0  }
0x248: {  	[sflag:s0] =	ssyncadd.s32 @!p0 s1  }
0x249: {  	[bflag:$0x3] =	sbarrier.arrive $0xFFFF  }
0x24a: {  	_ =	shalt  }

</sc_bundles>
